<compile_context>
chip_gen: v7x
topology: tpu7x:2x2x1
jax: 0.10.2.dev20260603
libtpu: 0.0.44.dev20260713+nightly
codegen_flags: <defaults>
</compile_context>

<pallas_src>
import jax
import jax.numpy as jnp
from jax import lax
from jax.experimental import pallas as pl
from jax.experimental.pallas import tpu as pltpu
from jax.experimental.pallas import tpu_sc as plsc

N = 10000
D = 128
E = 320000
NUM_RELS = 200

NC = 2
NS = 16
NW = NC * NS
K = 64
CHUNKS = -(-E // (NW * K))
CP = CHUNKS + 2
EPAD = NW * K * CP
AGG_ROWS = 10016
ZROWS = AGG_ROWS // NS
OROWS = N // NS
WCPAD = 256
RB = 2000



def _tc_dense_body(h_ref, pf_ref, tdf_ref, pb_ref, tdb_ref, lw_ref, b0_ref,
                   b1_ref, twf_ref, twb_ref, bias_ref,
                   hb01_ref, dense_ref):
  hblk = h_ref[...]
  hb01_ref[:, :D] = jnp.dot(hblk, b0_ref[...],
                            preferred_element_type=jnp.float32)
  hb01_ref[:, D:] = jnp.dot(hblk, b1_ref[...],
                            preferred_element_type=jnp.float32)
  adj_f = pf_ref[...] * jnp.exp(-tdf_ref[...] * 0.1)
  adj_b = pb_ref[...] * jnp.exp(-tdb_ref[...] * 0.1)
  dense_ref[...] = (
      jnp.dot(hblk, lw_ref[...], preferred_element_type=jnp.float32)
      + jnp.dot(adj_f, twf_ref[...], preferred_element_type=jnp.float32)
      + jnp.dot(adj_b, twb_ref[...], preferred_element_type=jnp.float32)
      + bias_ref[...])


def _tc_dense(h, pf, tdf, pb, tdb, lw, b0, b1, twf, twb, bias2d):
  nblk = N // RB
  row = pl.BlockSpec((RB, D), lambda i: (i, 0))
  col1 = pl.BlockSpec((RB, 1), lambda i: (i, 0))
  wspec = pl.BlockSpec((D, D), lambda i: (0, 0))
  bspec = pl.BlockSpec((1, D), lambda i: (0, 0))
  return pl.pallas_call(
      _tc_dense_body,
      grid=(nblk,),
      in_specs=[row, row, col1, row, col1, wspec, wspec, wspec, wspec, wspec,
                bspec],
      out_specs=[pl.BlockSpec((RB, 2 * D), lambda i: (i, 0)), row],
      out_shape=[jax.ShapeDtypeStruct((N, 2 * D), jnp.float32),
                 jax.ShapeDtypeStruct((N, D), jnp.float32)],
  )(h, pf, tdf, pb, tdb, lw, b0, b1, twf, twb, bias2d)




def _sc_edge_body(hb01_hbm, wc0_hbm, wc1_hbm, se_hbm, dst_hbm,
                  out_hbm, se_v, dst_v, wc0_v, wc1_v, dummy_v, rows01_v,
                  msg_v, agg_sh, sem_idx, sem_g, sem_s):
  c = lax.axis_index("c")
  s = lax.axis_index("s")
  wid = s * NC + c

  pltpu.sync_copy(wc0_hbm, wc0_v)
  pltpu.sync_copy(wc1_hbm, wc1_v)

  def zero_row(i, carry):
    for j in range(D // 16):
      msg_v[i, pl.ds(j * 16, 16)] = jnp.zeros((16,), jnp.float32)
    return carry

  lax.fori_loop(0, K, zero_row, 0)
  for j in range(K // 16):
    dummy_v[pl.ds(j * 16, 16)] = jnp.full((16,), N, jnp.int32)

  zbase = s * ZROWS
  zoff = 0
  while zoff < ZROWS:
    nz = min(K, ZROWS - zoff)
    pltpu.sync_copy(msg_v.at[pl.ds(0, nz)],
                    agg_sh.at[pl.ds(zbase + zoff, nz)])
    zoff += nz
  plsc.subcore_barrier()

  my_se = se_hbm.at[wid]
  my_dst = dst_hbm.at[wid]

  def issue_idx(g, p3):
    pltpu.async_copy(my_se.at[g], se_v.at[p3], sem_idx)
    pltpu.async_copy(my_dst.at[g], dst_v.at[p3], sem_idx)

  def wait_idx(g, p3):
    pltpu.make_async_copy(my_se.at[g], se_v.at[p3], sem_idx).wait()
    pltpu.make_async_copy(my_dst.at[g], dst_v.at[p3], sem_idx).wait()

  def issue_gathers(p3, p2):
    src_ref = se_v.at[p3, pl.ds(0, K)]
    pltpu.async_copy(hb01_hbm.at[src_ref], rows01_v.at[p2], sem_g)

  def wait_gathers(p3, p2):
    src_ref = se_v.at[p3, pl.ds(0, K)]
    pltpu.make_async_copy(hb01_hbm.at[src_ref], rows01_v.at[p2], sem_g).wait()

  def wait_scatter():
    pltpu.make_async_copy(msg_v, agg_sh.at[dummy_v], sem_s).wait()

  pltpu.async_copy(msg_v, agg_sh.at[dummy_v], sem_s, add=True)
  issue_idx(0, 0)
  issue_idx(1, 1)
  wait_idx(0, 0)
  issue_gathers(0, 0)

  def chunk_body(g, carry):
    p2 = lax.rem(g, 2)
    p3 = lax.rem(g, 3)
    p2n = lax.rem(g + 1, 2)
    p3n = lax.rem(g + 1, 3)

    wait_idx(g + 1, p3n)
    issue_gathers(p3n, p2n)
    issue_idx(g + 2, lax.rem(g + 2, 3))
    wait_gathers(p3, p2)
    wait_scatter()

    def group_body(gg, icarry):
      gbase = gg * 16
      et_g = se_v[p3, pl.ds(K + gbase, 16)]
      c0g = plsc.load_gather(wc0_v, [et_g])
      c1g = plsc.load_gather(wc1_v, [et_g])
      for e0 in range(0, 16, 2):
        cs = [(jnp.full((16,), c0g[e0 + q], jnp.float32),
               jnp.full((16,), c1g[e0 + q], jnp.float32)) for q in range(2)]
        res = []
        for j in range(D // 16):
          sl = pl.ds(j * 16, 16)
          sl1 = pl.ds(D + j * 16, 16)
          for q in range(2):
            i = gbase + e0 + q
            res.append(rows01_v[p2, i, sl] * cs[q][0]
                       + rows01_v[p2, i, sl1] * cs[q][1])
        for j in range(D // 16):
          sl = pl.ds(j * 16, 16)
          for q in range(2):
            msg_v[gbase + e0 + q, sl] = res[2 * j + q]
      return icarry

    lax.fori_loop(0, K // 16, group_body, 0)
    pltpu.async_copy(msg_v, agg_sh.at[dst_v.at[p3]], sem_s, add=True)
    return carry

  lax.fori_loop(0, CHUNKS, chunk_body, 0)

  wait_scatter()
  wait_gathers(CHUNKS % 3, CHUNKS % 2)
  wait_idx(CHUNKS + 1, (CHUNKS + 1) % 3)
  plsc.subcore_barrier()

  obase = s * OROWS
  ooff = 0
  while ooff < OROWS:
    no = min(K, OROWS - ooff)
    pltpu.sync_copy(agg_sh.at[pl.ds(obase + ooff, no)],
                    msg_v.at[pl.ds(0, no)])
    pltpu.sync_copy(msg_v.at[pl.ds(0, no)],
                    out_hbm.at[c].at[pl.ds(obase + ooff, no)])
    ooff += no


_sc_edge = pl.kernel(
    _sc_edge_body,
    out_type=jax.ShapeDtypeStruct((NC, N, D), jnp.float32),
    mesh=plsc.VectorSubcoreMesh(core_axis_name="c", subcore_axis_name="s"),
    scratch_types=[
        pltpu.VMEM((3, 2 * K), jnp.int32),
        pltpu.VMEM((3, K), jnp.int32),
        pltpu.VMEM((WCPAD,), jnp.float32),
        pltpu.VMEM((WCPAD,), jnp.float32),
        pltpu.VMEM((K,), jnp.int32),
        pltpu.VMEM((2, K, 2 * D), jnp.float32),
        pltpu.VMEM((K, D), jnp.float32),
        pltpu.VMEM_SHARED((AGG_ROWS, D), jnp.float32),
        pltpu.SemaphoreType.DMA,
        pltpu.SemaphoreType.DMA,
        pltpu.SemaphoreType.DMA,
    ],
    compiler_params=pltpu.CompilerParams(use_tc_tiling_on_sc=False,
                                         needs_layout_passes=False),
)




def _tc_final_body(p_ref, dense_ref, out_ref):
  out_ref[...] = jnp.maximum(p_ref[0] + p_ref[1] + dense_ref[...], 0.0)


def _tc_final(partials, dense):
  nblk = N // RB
  return pl.pallas_call(
      _tc_final_body,
      grid=(nblk,),
      in_specs=[
          pl.BlockSpec((NC, RB, D), lambda i: (0, i, 0)),
          pl.BlockSpec((RB, D), lambda i: (i, 0)),
      ],
      out_specs=pl.BlockSpec((RB, D), lambda i: (i, 0)),
      out_shape=jax.ShapeDtypeStruct((N, D), jnp.float32),
  )(partials, dense)




def kernel(h, edge_index, edge_type, prev_graph_embeds_forward,
           time_diff_tensor_forward, prev_graph_embeds_backward,
           time_diff_tensor_backward, loop_weight, w_comp, bases,
           time_weight_forward, time_weight_backward, h_bias):
  hb01, dense = _tc_dense(
      h, prev_graph_embeds_forward, time_diff_tensor_forward,
      prev_graph_embeds_backward, time_diff_tensor_backward,
      loop_weight, bases[0], bases[1], time_weight_forward,
      time_weight_backward, h_bias.reshape(1, D))

  pad = NW * K * CHUNKS - E
  src_p = jnp.concatenate([edge_index[0], jnp.zeros((pad,), jnp.int32)])
  dst_p = jnp.concatenate([edge_index[1], jnp.full((pad,), N, jnp.int32)])
  et_p = jnp.concatenate([edge_type, jnp.zeros((pad,), jnp.int32)])
  zpad = jnp.zeros((NW, CP - CHUNKS, K), jnp.int32)
  src_c = jnp.concatenate([src_p.reshape(NW, CHUNKS, K), zpad], axis=1)
  dst_c = jnp.concatenate([dst_p.reshape(NW, CHUNKS, K), zpad + N], axis=1)
  et_c = jnp.concatenate([et_p.reshape(NW, CHUNKS, K), zpad], axis=1)
  se_pk = jnp.concatenate(
      [src_c.reshape(NW, CP, 1, K), et_c.reshape(NW, CP, 1, K)],
      axis=2).reshape(NW, CP, 2 * K)
  dst_pk = dst_c
  wcz = jnp.zeros((WCPAD - NUM_RELS,), jnp.float32)
  wc0 = jnp.concatenate([w_comp[:, 0], wcz])
  wc1 = jnp.concatenate([w_comp[:, 1], wcz])

  partials = _sc_edge(hb01, wc0, wc1, se_pk, dst_pk)
  return _tc_final(partials, dense)

# --- scband reference (transcript-rebuilt; emitter-appended) ---
"""Pipeline reference for scband-bi-rrgcn-26568667693631 (READ-ONLY COPY).

The authoritative reference and input builder live on the scoring server;
editing this copy changes nothing except your own understanding.
"""

import jax, jax.numpy as jnp
import numpy as np

N = 10000
E = 320000
D_IN = 128
D_OUT = 128
NUM_RELS = 200
NUM_BASES = 2
INV_TEMP = 0.1


def setup_inputs(seed: int = 0) -> dict:
    key = jax.random.key(seed)
    ks = jax.random.split(key, 13)
    h = jax.random.normal(ks[0], (N, D_IN), dtype=jnp.float32)
    edge_index = jax.random.randint(ks[1], (2, E), 0, N, dtype=jnp.int32)
    edge_type = jax.random.randint(ks[2], (E,), 0, NUM_RELS, dtype=jnp.int32)
    prev_graph_embeds_forward = jax.random.normal(ks[3], (N, D_IN), dtype=jnp.float32)
    time_diff_tensor_forward = jax.random.uniform(ks[4], (N, 1), dtype=jnp.float32)
    prev_graph_embeds_backward = jax.random.normal(ks[5], (N, D_IN), dtype=jnp.float32)
    time_diff_tensor_backward = jax.random.uniform(ks[6], (N, 1), dtype=jnp.float32)
    # learned parameters
    loop_weight = jax.random.normal(ks[7], (D_IN, D_OUT), dtype=jnp.float32) * 0.05
    w_comp = jax.random.normal(ks[8], (NUM_RELS, NUM_BASES), dtype=jnp.float32) * 0.5
    bases = jax.random.normal(ks[9], (NUM_BASES, D_IN, D_OUT), dtype=jnp.float32) * 0.05
    time_weight_forward = jax.random.normal(ks[10], (D_IN, D_OUT), dtype=jnp.float32) * 0.05
    time_weight_backward = jax.random.normal(ks[11], (D_IN, D_OUT), dtype=jnp.float32) * 0.05
    h_bias = jnp.zeros((D_OUT,), dtype=jnp.float32)
    return {
        'h': h,
        'edge_index': edge_index,
        'edge_type': edge_type,
        'prev_graph_embeds_forward': prev_graph_embeds_forward,
        'time_diff_tensor_forward': time_diff_tensor_forward,
        'prev_graph_embeds_backward': prev_graph_embeds_backward,
        'time_diff_tensor_backward': time_diff_tensor_backward,
        'loop_weight': loop_weight,
        'w_comp': w_comp,
        'bases': bases,
        'time_weight_forward': time_weight_forward,
        'time_weight_backward': time_weight_backward,
        'h_bias': h_bias,
    }


def reference(h, edge_index, edge_type, prev_graph_embeds_forward, time_diff_tensor_forward,
              prev_graph_embeds_backward, time_diff_tensor_backward,
              loop_weight, w_comp, bases, time_weight_forward, time_weight_backward, h_bias):
    src = edge_index[0]
    dst = edge_index[1]
    n_nodes = h.shape[0]
    d_out = loop_weight.shape[1]

    # self-loop message (dropout is identity at eval / p=0.0)
    loop_message = h @ loop_weight

    # RGCN propagate with basis decomposition: per-edge message
    #   msg_e = sum_b w_comp[etype_e, b] * (h[src_e] @ bases[b])
    h_src = jnp.take(h, src, axis=0)                 # gather  [E, D_IN]
    coef = jnp.take(w_comp, edge_type, axis=0)       # gather  [E, NUM_BASES]
    msg = jnp.zeros((h_src.shape[0], d_out), dtype=h.dtype)
    for b in range(bases.shape[0]):
        msg = msg + coef[:, b:b + 1] * (h_src @ bases[b])

    # scatter-add aggregation at destination nodes
    agg = jnp.zeros((n_nodes, d_out), dtype=h.dtype).at[dst].add(msg)

    # temporal decay of previous graph embeddings (non-learnable lambda branch)
    adj_f = prev_graph_embeds_forward * jnp.exp(-time_diff_tensor_forward * INV_TEMP)
    adj_b = prev_graph_embeds_backward * jnp.exp(-time_diff_tensor_backward * INV_TEMP)

    node_repr = agg
    node_repr = node_repr + adj_f @ time_weight_forward
    node_repr = node_repr + adj_b @ time_weight_backward
    node_repr = node_repr + h_bias          # bias=True
    node_repr = node_repr + loop_message    # self_loop=True
    node_repr = jax.nn.relu(node_repr)      # activation='relu'
    return node_repr

if __name__ == "__main__":
    import jax
    _d = setup_inputs()
    print(jax.jit(kernel)(*tuple(_d.values())))

</pallas_src>

<mosaic_0001>
#map = affine_map<(d0, d1) -> (0, 0)>
#map1 = affine_map<(d0, d1) -> (0)>
#map2 = affine_map<(d0, d1) -> (0, 0, 0)>
module attributes {stable_mosaic.version = 14 : i64} {
  func.func @_sc_edge_body(%arg0: i32, %arg1: i32, %arg2: memref<10000x256xf32, #tpu.memory_space<hbm>>, %arg3: memref<256xf32, #tpu.memory_space<hbm>>, %arg4: memref<256xf32, #tpu.memory_space<hbm>>, %arg5: memref<32x159x128xi32, #tpu.memory_space<hbm>>, %arg6: memref<32x159x64xi32, #tpu.memory_space<hbm>>, %arg7: memref<2x10000x128xf32, #tpu.memory_space<hbm>>, %arg8: memref<3x128xi32, #tpu.memory_space<vmem>>, %arg9: memref<3x64xi32, #tpu.memory_space<vmem>>, %arg10: memref<256xf32, #tpu.memory_space<vmem>>, %arg11: memref<256xf32, #tpu.memory_space<vmem>>, %arg12: memref<64xi32, #tpu.memory_space<vmem>>, %arg13: memref<2x64x256xf32, #tpu.memory_space<vmem>>, %arg14: memref<64x128xf32, #tpu.memory_space<vmem>>, %arg15: memref<10016x128xf32, #tpu.memory_space<vmem_shared>>, %arg16: memref<!tpu.dma_semaphore, #tpu.memory_space<semaphore_mem>>, %arg17: memref<!tpu.dma_semaphore, #tpu.memory_space<semaphore_mem>>, %arg18: memref<!tpu.dma_semaphore, #tpu.memory_space<semaphore_mem>>) attributes {dimension_semantics = [#tpu.dimension_semantics<core_parallel>, #tpu.dimension_semantics<subcore_parallel>], iteration_bounds = array<i64: 2, 16>, scalar_prefetch = 0 : i64, scratch_operands = 11 : i64, tpu.core_type = #tpu.core_type<sc_vector_subcore>, window_params = [{transform_indices = #map}, {transform_indices = #map1}, {transform_indices = #map1}, {transform_indices = #map2}, {transform_indices = #map2}, {transform_indices = #map2}]} {
    %mul3A = arith.constant 2 : i32
    %mul3A_0 = arith.muli %arg1, %mul3A : i32
    %add3A = arith.addi %mul3A_0, %arg0 : i32
    "tpu.region"() ({
      %run_scoped3A = tpu.sem_alloc : memref<!tpu.dma_semaphore, #tpu.memory_space<semaphore_mem>>
      tpu.enqueue_dma source(%arg3 : memref<256xf32, #tpu.memory_space<hbm>>) target(%arg10 : memref<256xf32, #tpu.memory_space<vmem>>) target_semaphore(%run_scoped3A : memref<!tpu.dma_semaphore, #tpu.memory_space<semaphore_mem>>)
      tpu.wait_dma2 semaphore(%run_scoped3A : memref<!tpu.dma_semaphore, #tpu.memory_space<semaphore_mem>>) src(%arg3 : memref<256xf32, #tpu.memory_space<hbm>>) dst(%arg10 : memref<256xf32, #tpu.memory_space<vmem>>)
      tpu.yield
    }) : () -> ()
    "tpu.region"() ({
      %run_scoped3A = tpu.sem_alloc : memref<!tpu.dma_semaphore, #tpu.memory_space<semaphore_mem>>
      tpu.enqueue_dma source(%arg4 : memref<256xf32, #tpu.memory_space<hbm>>) target(%arg11 : memref<256xf32, #tpu.memory_space<vmem>>) target_semaphore(%run_scoped3A : memref<!tpu.dma_semaphore, #tpu.memory_space<semaphore_mem>>)
      tpu.wait_dma2 semaphore(%run_scoped3A : memref<!tpu.dma_semaphore, #tpu.memory_space<semaphore_mem>>) src(%arg4 : memref<256xf32, #tpu.memory_space<hbm>>) dst(%arg11 : memref<256xf32, #tpu.memory_space<vmem>>)
      tpu.yield
    }) : () -> ()
    %scan3A = arith.constant 0 : i32
    %scan3A_1 = arith.constant 0 : i32
    %scan3A_2 = arith.constant 64 : i32
    %scan3A_3 = arith.addi %scan3A_1, %scan3A_2 : i32
    %scan3A_4 = arith.constant 1 : i32
    scf.for %scan3A_295 = %scan3A_1 to %scan3A_3 step %scan3A_4  : i32 {
      %broadcast_in_dim3A_296 = arith.constant 0.000000e+00 : f32
      %broadcast_in_dim3A_297 = vector.broadcast %broadcast_in_dim3A_296 : f32 to vector<16xf32>
      %swap3A_298 = arith.index_cast %scan3A_295 : i32 to index
      %swap3A_299 = arith.constant 0 : index
      %swap3A_300 = tpu.vector_load %arg14[%swap3A_298, %swap3A_299] {strides = array<i32>} : memref<64x128xf32, #tpu.memory_space<vmem>>, vector<16xf32>,
      tpu.vector_store %arg14[%swap3A_298, %swap3A_299], %broadcast_in_dim3A_297 {strides = array<i32>} : memref<64x128xf32, #tpu.memory_space<vmem>>, vector<16xf32>,
      %broadcast_in_dim3A_301 = arith.constant 0.000000e+00 : f32
      %broadcast_in_dim3A_302 = vector.broadcast %broadcast_in_dim3A_301 : f32 to vector<16xf32>
      %swap3A_303 = arith.index_cast %scan3A_295 : i32 to index
      %swap3A_304 = arith.constant 16 : index
      %swap3A_305 = tpu.vector_load %arg14[%swap3A_303, %swap3A_304] {strides = array<i32>} : memref<64x128xf32, #tpu.memory_space<vmem>>, vector<16xf32>,
      tpu.vector_store %arg14[%swap3A_303, %swap3A_304], %broadcast_in_dim3A_302 {strides = array<i32>} : memref<64x128xf32, #tpu.memory_space<vmem>>, vector<16xf32>,
      %broadcast_in_dim3A_306 = arith.constant 0.000000e+00 : f32
      %broadcast_in_dim3A_307 = vector.broadcast %broadcast_in_dim3A_306 : f32 to vector<16xf32>
      %swap3A_308 = arith.index_cast %scan3A_295 : i32 to index
      %swap3A_309 = arith.constant 32 : index
      %swap3A_310 = tpu.vector_load %arg14[%swap3A_308, %swap3A_309] {strides = array<i32>} : memref<64x128xf32, #tpu.memory_space<vmem>>, vector<16xf32>,
      tpu.vector_store %arg14[%swap3A_308, %swap3A_309], %broadcast_in_dim3A_307 {strides = array<i32>} : memref<64x128xf32, #tpu.memory_space<vmem>>, vector<16xf32>,
      %broadcast_in_dim3A_311 = arith.constant 0.000000e+00 : f32
      %broadcast_in_dim3A_312 = vector.broadcast %broadcast_in_dim3A_311 : f32 to vector<16xf32>
      %swap3A_313 = arith.index_cast %scan3A_295 : i32 to index
      %swap3A_314 = arith.constant 48 : index
      %swap3A_315 = tpu.vector_load %arg14[%swap3A_313, %swap3A_314] {strides = array<i32>} : memref<64x128xf32, #tpu.memory_space<vmem>>, vector<16xf32>,
      tpu.vector_store %arg14[%swap3A_313, %swap3A_314], %broadcast_in_dim3A_312 {strides = array<i32>} : memref<64x128xf32, #tpu.memory_space<vmem>>, vector<16xf32>,
      %broadcast_in_dim3A_316 = arith.constant 0.000000e+00 : f32
      %broadcast_in_dim3A_317 = vector.broadcast %broadcast_in_dim3A_316 : f32 to vector<16xf32>
      %swap3A_318 = arith.index_cast %scan3A_295 : i32 to index
      %swap3A_319 = arith.constant 64 : index
      %swap3A_320 = tpu.vector_load %arg14[%swap3A_318, %swap3A_319] {strides = array<i32>} : memref<64x128xf32, #tpu.memory_space<vmem>>, vector<16xf32>,
      tpu.vector_store %arg14[%swap3A_318, %swap3A_319], %broadcast_in_dim3A_317 {strides = array<i32>} : memref<64x128xf32, #tpu.memory_space<vmem>>, vector<16xf32>,
      %broadcast_in_dim3A_321 = arith.constant 0.000000e+00 : f32
      %broadcast_in_dim3A_322 = vector.broadcast %broadcast_in_dim3A_321 : f32 to vector<16xf32>
      %swap3A_323 = arith.index_cast %scan3A_295 : i32 to index
      %swap3A_324 = arith.constant 80 : index
      %swap3A_325 = tpu.vector_load %arg14[%swap3A_323, %swap3A_324] {strides = array<i32>} : memref<64x128xf32, #tpu.memory_space<vmem>>, vector<16xf32>,
      tpu.vector_store %arg14[%swap3A_323, %swap3A_324], %broadcast_in_dim3A_322 {strides = array<i32>} : memref<64x128xf32, #tpu.memory_space<vmem>>, vector<16xf32>,
      %broadcast_in_dim3A_326 = arith.constant 0.000000e+00 : f32
      %broadcast_in_dim3A_327 = vector.broadcast %broadcast_in_dim3A_326 : f32 to vector<16xf32>
      %swap3A_328 = arith.index_cast %scan3A_295 : i32 to index
      %swap3A_329 = arith.constant 96 : index
      %swap3A_330 = tpu.vector_load %arg14[%swap3A_328, %swap3A_329] {strides = array<i32>} : memref<64x128xf32, #tpu.memory_space<vmem>>, vector<16xf32>,
      tpu.vector_store %arg14[%swap3A_328, %swap3A_329], %broadcast_in_dim3A_327 {strides = array<i32>} : memref<64x128xf32, #tpu.memory_space<vmem>>, vector<16xf32>,
      %broadcast_in_dim3A_331 = arith.constant 0.000000e+00 : f32
      %broadcast_in_dim3A_332 = vector.broadcast %broadcast_in_dim3A_331 : f32 to vector<16xf32>
      %swap3A_333 = arith.index_cast %scan3A_295 : i32 to index
      %swap3A_334 = arith.constant 112 : index
      %swap3A_335 = tpu.vector_load %arg14[%swap3A_333, %swap3A_334] {strides = array<i32>} : memref<64x128xf32, #tpu.memory_space<vmem>>, vector<16xf32>,
      tpu.vector_store %arg14[%swap3A_333, %swap3A_334], %broadcast_in_dim3A_332 {strides = array<i32>} : memref<64x128xf32, #tpu.memory_space<vmem>>, vector<16xf32>,
    }
    %scan3A_5 = arith.constant 64 : i32
    %broadcast_in_dim3A = arith.constant 10000 : i32
    %broadcast_in_dim3A_6 = vector.broadcast %broadcast_in_dim3A : i32 to vector<16xi32>
    %swap3A = arith.constant 0 : index
    %swap3A_7 = tpu.vector_load %arg12[%swap3A] {strides = array<i32>} : memref<64xi32, #tpu.memory_space<vmem>>, vector<16xi32>,
    tpu.vector_store %arg12[%swap3A], %broadcast_in_dim3A_6 {strides = array<i32>} : memref<64xi32, #tpu.memory_space<vmem>>, vector<16xi32>,
    %broadcast_in_dim3A_8 = arith.constant 10000 : i32
    %broadcast_in_dim3A_9 = vector.broadcast %broadcast_in_dim3A_8 : i32 to vector<16xi32>
    %swap3A_10 = arith.constant 16 : index
    %swap3A_11 = tpu.vector_load %arg12[%swap3A_10] {strides = array<i32>} : memref<64xi32, #tpu.memory_space<vmem>>, vector<16xi32>,
    tpu.vector_store %arg12[%swap3A_10], %broadcast_in_dim3A_9 {strides = array<i32>} : memref<64xi32, #tpu.memory_space<vmem>>, vector<16xi32>,
    %broadcast_in_dim3A_12 = arith.constant 10000 : i32
    %broadcast_in_dim3A_13 = vector.broadcast %broadcast_in_dim3A_12 : i32 to vector<16xi32>
    %swap3A_14 = arith.constant 32 : index
    %swap3A_15 = tpu.vector_load %arg12[%swap3A_14] {strides = array<i32>} : memref<64xi32, #tpu.memory_space<vmem>>, vector<16xi32>,
    tpu.vector_store %arg12[%swap3A_14], %broadcast_in_dim3A_13 {strides = array<i32>} : memref<64xi32, #tpu.memory_space<vmem>>, vector<16xi32>,
    %broadcast_in_dim3A_16 = arith.constant 10000 : i32
    %broadcast_in_dim3A_17 = vector.broadcast %broadcast_in_dim3A_16 : i32 to vector<16xi32>
    %swap3A_18 = arith.constant 48 : index
    %swap3A_19 = tpu.vector_load %arg12[%swap3A_18] {strides = array<i32>} : memref<64xi32, #tpu.memory_space<vmem>>, vector<16xi32>,
    tpu.vector_store %arg12[%swap3A_18], %broadcast_in_dim3A_17 {strides = array<i32>} : memref<64xi32, #tpu.memory_space<vmem>>, vector<16xi32>,
    %mul3A_20 = arith.constant 626 : i32
    %mul3A_21 = arith.muli %arg1, %mul3A_20 : i32
    %add3A_22 = arith.constant 0 : i32
    %add3A_23 = arith.addi %mul3A_21, %add3A_22 : i32
    "tpu.region"() ({
      %run_scoped3A = tpu.sem_alloc : memref<!tpu.dma_semaphore, #tpu.memory_space<semaphore_mem>>
      %dma_start3A_295 = arith.constant 0 : i32
      %dma_start3A_296 = arith.constant 0 : i32
      %dma_start3A_297 = tpu.memref_slice %arg14[%dma_start3A_295, %dma_start3A_296] : memref<64x128xf32, #tpu.memory_space<vmem>> -> memref<64x128xf32, #tpu.memory_space<vmem>>
      %dma_start3A_298 = arith.constant 0 : i32
      %dma_start3A_299 = tpu.memref_slice %arg15[%add3A_23, %dma_start3A_298] : memref<10016x128xf32, #tpu.memory_space<vmem_shared>> -> memref<64x128xf32, #tpu.memory_space<vmem_shared>>
      %dma_start3A_300 = arith.constant 0 : i32
      %dma_start3A_301 = tpu.memref_slice %arg15[%add3A_23, %dma_start3A_300] : memref<10016x128xf32, #tpu.memory_space<vmem_shared>> -> memref<64x128xf32, #tpu.memory_space<vmem_shared>>
      %dma_start3A_302 = arith.constant 0 : i32
      %dma_start3A_303 = arith.constant 0 : i32
      %dma_start3A_304 = tpu.memref_slice %arg14[%dma_start3A_302, %dma_start3A_303] : memref<64x128xf32, #tpu.memory_space<vmem>> -> memref<64x128xf32, #tpu.memory_space<vmem>>
      tpu.enqueue_dma source(%dma_start3A_304 : memref<64x128xf32, #tpu.memory_space<vmem>>) target(%dma_start3A_301 : memref<64x128xf32, #tpu.memory_space<vmem_shared>>) target_semaphore(%run_scoped3A : memref<!tpu.dma_semaphore, #tpu.memory_space<semaphore_mem>>)
      %dma_wait3A_305 = arith.constant 0 : i32
      %dma_wait3A_306 = arith.constant 0 : i32
      %dma_wait3A_307 = tpu.memref_slice %arg14[%dma_wait3A_305, %dma_wait3A_306] : memref<64x128xf32, #tpu.memory_space<vmem>> -> memref<64x128xf32, #tpu.memory_space<vmem>>
      %dma_wait3A_308 = arith.constant 0 : i32
      %dma_wait3A_309 = tpu.memref_slice %arg15[%add3A_23, %dma_wait3A_308] : memref<10016x128xf32, #tpu.memory_space<vmem_shared>> -> memref<64x128xf32, #tpu.memory_space<vmem_shared>>
      %dma_wait3A_310 = arith.constant 0 : i32
      %dma_wait3A_311 = tpu.memref_slice %arg15[%add3A_23, %dma_wait3A_310] : memref<10016x128xf32, #tpu.memory_space<vmem_shared>> -> memref<64x128xf32, #tpu.memory_space<vmem_shared>>
      %dma_wait3A_312 = arith.constant 0 : i32
      %dma_wait3A_313 = arith.constant 0 : i32
      %dma_wait3A_314 = tpu.memref_slice %arg14[%dma_wait3A_312, %dma_wait3A_313] : memref<64x128xf32, #tpu.memory_space<vmem>> -> memref<64x128xf32, #tpu.memory_space<vmem>>
      tpu.wait_dma2 semaphore(%run_scoped3A : memref<!tpu.dma_semaphore, #tpu.memory_space<semaphore_mem>>) src(%dma_wait3A_314 : memref<64x128xf32, #tpu.memory_space<vmem>>) dst(%dma_wait3A_311 : memref<64x128xf32, #tpu.memory_space<vmem_shared>>)
      tpu.yield
    }) : () -> ()
    %add3A_24 = arith.constant 64 : i32
    %add3A_25 = arith.addi %mul3A_21, %add3A_24 : i32
    "tpu.region"() ({
      %run_scoped3A = tpu.sem_alloc : memref<!tpu.dma_semaphore, #tpu.memory_space<semaphore_mem>>
      %dma_start3A_295 = arith.constant 0 : i32
      %dma_start3A_296 = arith.constant 0 : i32
      %dma_start3A_297 = tpu.memref_slice %arg14[%dma_start3A_295, %dma_start3A_296] : memref<64x128xf32, #tpu.memory_space<vmem>> -> memref<64x128xf32, #tpu.memory_space<vmem>>
      %dma_start3A_298 = arith.constant 0 : i32
      %dma_start3A_299 = tpu.memref_slice %arg15[%add3A_25, %dma_start3A_298] : memref<10016x128xf32, #tpu.memory_space<vmem_shared>> -> memref<64x128xf32, #tpu.memory_space<vmem_shared>>
      %dma_start3A_300 = arith.constant 0 : i32
      %dma_start3A_301 = tpu.memref_slice %arg15[%add3A_25, %dma_start3A_300] : memref<10016x128xf32, #tpu.memory_space<vmem_shared>> -> memref<64x128xf32, #tpu.memory_space<vmem_shared>>
      %dma_start3A_302 = arith.constant 0 : i32
      %dma_start3A_303 = arith.constant 0 : i32
      %dma_start3A_304 = tpu.memref_slice %arg14[%dma_start3A_302, %dma_start3A_303] : memref<64x128xf32, #tpu.memory_space<vmem>> -> memref<64x128xf32, #tpu.memory_space<vmem>>
      tpu.enqueue_dma source(%dma_start3A_304 : memref<64x128xf32, #tpu.memory_space<vmem>>) target(%dma_start3A_301 : memref<64x128xf32, #tpu.memory_space<vmem_shared>>) target_semaphore(%run_scoped3A : memref<!tpu.dma_semaphore, #tpu.memory_space<semaphore_mem>>)
      %dma_wait3A_305 = arith.constant 0 : i32
      %dma_wait3A_306 = arith.constant 0 : i32
      %dma_wait3A_307 = tpu.memref_slice %arg14[%dma_wait3A_305, %dma_wait3A_306] : memref<64x128xf32, #tpu.memory_space<vmem>> -> memref<64x128xf32, #tpu.memory_space<vmem>>
      %dma_wait3A_308 = arith.constant 0 : i32
      %dma_wait3A_309 = tpu.memref_slice %arg15[%add3A_25, %dma_wait3A_308] : memref<10016x128xf32, #tpu.memory_space<vmem_shared>> -> memref<64x128xf32, #tpu.memory_space<vmem_shared>>
      %dma_wait3A_310 = arith.constant 0 : i32
      %dma_wait3A_311 = tpu.memref_slice %arg15[%add3A_25, %dma_wait3A_310] : memref<10016x128xf32, #tpu.memory_space<vmem_shared>> -> memref<64x128xf32, #tpu.memory_space<vmem_shared>>
      %dma_wait3A_312 = arith.constant 0 : i32
      %dma_wait3A_313 = arith.constant 0 : i32
      %dma_wait3A_314 = tpu.memref_slice %arg14[%dma_wait3A_312, %dma_wait3A_313] : memref<64x128xf32, #tpu.memory_space<vmem>> -> memref<64x128xf32, #tpu.memory_space<vmem>>
      tpu.wait_dma2 semaphore(%run_scoped3A : memref<!tpu.dma_semaphore, #tpu.memory_space<semaphore_mem>>) src(%dma_wait3A_314 : memref<64x128xf32, #tpu.memory_space<vmem>>) dst(%dma_wait3A_311 : memref<64x128xf32, #tpu.memory_space<vmem_shared>>)
      tpu.yield
    }) : () -> ()
    %add3A_26 = arith.constant 128 : i32
    %add3A_27 = arith.addi %mul3A_21, %add3A_26 : i32
    "tpu.region"() ({
      %run_scoped3A = tpu.sem_alloc : memref<!tpu.dma_semaphore, #tpu.memory_space<semaphore_mem>>
      %dma_start3A_295 = arith.constant 0 : i32
      %dma_start3A_296 = arith.constant 0 : i32
      %dma_start3A_297 = tpu.memref_slice %arg14[%dma_start3A_295, %dma_start3A_296] : memref<64x128xf32, #tpu.memory_space<vmem>> -> memref<64x128xf32, #tpu.memory_space<vmem>>
      %dma_start3A_298 = arith.constant 0 : i32
      %dma_start3A_299 = tpu.memref_slice %arg15[%add3A_27, %dma_start3A_298] : memref<10016x128xf32, #tpu.memory_space<vmem_shared>> -> memref<64x128xf32, #tpu.memory_space<vmem_shared>>
      %dma_start3A_300 = arith.constant 0 : i32
      %dma_start3A_301 = tpu.memref_slice %arg15[%add3A_27, %dma_start3A_300] : memref<10016x128xf32, #tpu.memory_space<vmem_shared>> -> memref<64x128xf32, #tpu.memory_space<vmem_shared>>
      %dma_start3A_302 = arith.constant 0 : i32
      %dma_start3A_303 = arith.constant 0 : i32
      %dma_start3A_304 = tpu.memref_slice %arg14[%dma_start3A_302, %dma_start3A_303] : memref<64x128xf32, #tpu.memory_space<vmem>> -> memref<64x128xf32, #tpu.memory_space<vmem>>
      tpu.enqueue_dma source(%dma_start3A_304 : memref<64x128xf32, #tpu.memory_space<vmem>>) target(%dma_start3A_301 : memref<64x128xf32, #tpu.memory_space<vmem_shared>>) target_semaphore(%run_scoped3A : memref<!tpu.dma_semaphore, #tpu.memory_space<semaphore_mem>>)
      %dma_wait3A_305 = arith.constant 0 : i32
      %dma_wait3A_306 = arith.constant 0 : i32
      %dma_wait3A_307 = tpu.memref_slice %arg14[%dma_wait3A_305, %dma_wait3A_306] : memref<64x128xf32, #tpu.memory_space<vmem>> -> memref<64x128xf32, #tpu.memory_space<vmem>>
      %dma_wait3A_308 = arith.constant 0 : i32
      %dma_wait3A_309 = tpu.memref_slice %arg15[%add3A_27, %dma_wait3A_308] : memref<10016x128xf32, #tpu.memory_space<vmem_shared>> -> memref<64x128xf32, #tpu.memory_space<vmem_shared>>
      %dma_wait3A_310 = arith.constant 0 : i32
      %dma_wait3A_311 = tpu.memref_slice %arg15[%add3A_27, %dma_wait3A_310] : memref<10016x128xf32, #tpu.memory_space<vmem_shared>> -> memref<64x128xf32, #tpu.memory_space<vmem_shared>>
      %dma_wait3A_312 = arith.constant 0 : i32
      %dma_wait3A_313 = arith.constant 0 : i32
      %dma_wait3A_314 = tpu.memref_slice %arg14[%dma_wait3A_312, %dma_wait3A_313] : memref<64x128xf32, #tpu.memory_space<vmem>> -> memref<64x128xf32, #tpu.memory_space<vmem>>
      tpu.wait_dma2 semaphore(%run_scoped3A : memref<!tpu.dma_semaphore, #tpu.memory_space<semaphore_mem>>) src(%dma_wait3A_314 : memref<64x128xf32, #tpu.memory_space<vmem>>) dst(%dma_wait3A_311 : memref<64x128xf32, #tpu.memory_space<vmem_shared>>)
      tpu.yield
    }) : () -> ()
    %add3A_28 = arith.constant 192 : i32
    %add3A_29 = arith.addi %mul3A_21, %add3A_28 : i32
    "tpu.region"() ({
      %run_scoped3A = tpu.sem_alloc : memref<!tpu.dma_semaphore, #tpu.memory_space<semaphore_mem>>
      %dma_start3A_295 = arith.constant 0 : i32
      %dma_start3A_296 = arith.constant 0 : i32
      %dma_start3A_297 = tpu.memref_slice %arg14[%dma_start3A_295, %dma_start3A_296] : memref<64x128xf32, #tpu.memory_space<vmem>> -> memref<64x128xf32, #tpu.memory_space<vmem>>
      %dma_start3A_298 = arith.constant 0 : i32
      %dma_start3A_299 = tpu.memref_slice %arg15[%add3A_29, %dma_start3A_298] : memref<10016x128xf32, #tpu.memory_space<vmem_shared>> -> memref<64x128xf32, #tpu.memory_space<vmem_shared>>
      %dma_start3A_300 = arith.constant 0 : i32
      %dma_start3A_301 = tpu.memref_slice %arg15[%add3A_29, %dma_start3A_300] : memref<10016x128xf32, #tpu.memory_space<vmem_shared>> -> memref<64x128xf32, #tpu.memory_space<vmem_shared>>
      %dma_start3A_302 = arith.constant 0 : i32
      %dma_start3A_303 = arith.constant 0 : i32
      %dma_start3A_304 = tpu.memref_slice %arg14[%dma_start3A_302, %dma_start3A_303] : memref<64x128xf32, #tpu.memory_space<vmem>> -> memref<64x128xf32, #tpu.memory_space<vmem>>
      tpu.enqueue_dma source(%dma_start3A_304 : memref<64x128xf32, #tpu.memory_space<vmem>>) target(%dma_start3A_301 : memref<64x128xf32, #tpu.memory_space<vmem_shared>>) target_semaphore(%run_scoped3A : memref<!tpu.dma_semaphore, #tpu.memory_space<semaphore_mem>>)
      %dma_wait3A_305 = arith.constant 0 : i32
      %dma_wait3A_306 = arith.constant 0 : i32
      %dma_wait3A_307 = tpu.memref_slice %arg14[%dma_wait3A_305, %dma_wait3A_306] : memref<64x128xf32, #tpu.memory_space<vmem>> -> memref<64x128xf32, #tpu.memory_space<vmem>>
      %dma_wait3A_308 = arith.constant 0 : i32
      %dma_wait3A_309 = tpu.memref_slice %arg15[%add3A_29, %dma_wait3A_308] : memref<10016x128xf32, #tpu.memory_space<vmem_shared>> -> memref<64x128xf32, #tpu.memory_space<vmem_shared>>
      %dma_wait3A_310 = arith.constant 0 : i32
      %dma_wait3A_311 = tpu.memref_slice %arg15[%add3A_29, %dma_wait3A_310] : memref<10016x128xf32, #tpu.memory_space<vmem_shared>> -> memref<64x128xf32, #tpu.memory_space<vmem_shared>>
      %dma_wait3A_312 = arith.constant 0 : i32
      %dma_wait3A_313 = arith.constant 0 : i32
      %dma_wait3A_314 = tpu.memref_slice %arg14[%dma_wait3A_312, %dma_wait3A_313] : memref<64x128xf32, #tpu.memory_space<vmem>> -> memref<64x128xf32, #tpu.memory_space<vmem>>
      tpu.wait_dma2 semaphore(%run_scoped3A : memref<!tpu.dma_semaphore, #tpu.memory_space<semaphore_mem>>) src(%dma_wait3A_314 : memref<64x128xf32, #tpu.memory_space<vmem>>) dst(%dma_wait3A_311 : memref<64x128xf32, #tpu.memory_space<vmem_shared>>)
      tpu.yield
    }) : () -> ()
    %add3A_30 = arith.constant 256 : i32
    %add3A_31 = arith.addi %mul3A_21, %add3A_30 : i32
    "tpu.region"() ({
      %run_scoped3A = tpu.sem_alloc : memref<!tpu.dma_semaphore, #tpu.memory_space<semaphore_mem>>
      %dma_start3A_295 = arith.constant 0 : i32
      %dma_start3A_296 = arith.constant 0 : i32
      %dma_start3A_297 = tpu.memref_slice %arg14[%dma_start3A_295, %dma_start3A_296] : memref<64x128xf32, #tpu.memory_space<vmem>> -> memref<64x128xf32, #tpu.memory_space<vmem>>
      %dma_start3A_298 = arith.constant 0 : i32
      %dma_start3A_299 = tpu.memref_slice %arg15[%add3A_31, %dma_start3A_298] : memref<10016x128xf32, #tpu.memory_space<vmem_shared>> -> memref<64x128xf32, #tpu.memory_space<vmem_shared>>
      %dma_start3A_300 = arith.constant 0 : i32
      %dma_start3A_301 = tpu.memref_slice %arg15[%add3A_31, %dma_start3A_300] : memref<10016x128xf32, #tpu.memory_space<vmem_shared>> -> memref<64x128xf32, #tpu.memory_space<vmem_shared>>
      %dma_start3A_302 = arith.constant 0 : i32
      %dma_start3A_303 = arith.constant 0 : i32
      %dma_start3A_304 = tpu.memref_slice %arg14[%dma_start3A_302, %dma_start3A_303] : memref<64x128xf32, #tpu.memory_space<vmem>> -> memref<64x128xf32, #tpu.memory_space<vmem>>
      tpu.enqueue_dma source(%dma_start3A_304 : memref<64x128xf32, #tpu.memory_space<vmem>>) target(%dma_start3A_301 : memref<64x128xf32, #tpu.memory_space<vmem_shared>>) target_semaphore(%run_scoped3A : memref<!tpu.dma_semaphore, #tpu.memory_space<semaphore_mem>>)
      %dma_wait3A_305 = arith.constant 0 : i32
      %dma_wait3A_306 = arith.constant 0 : i32
      %dma_wait3A_307 = tpu.memref_slice %arg14[%dma_wait3A_305, %dma_wait3A_306] : memref<64x128xf32, #tpu.memory_space<vmem>> -> memref<64x128xf32, #tpu.memory_space<vmem>>
      %dma_wait3A_308 = arith.constant 0 : i32
      %dma_wait3A_309 = tpu.memref_slice %arg15[%add3A_31, %dma_wait3A_308] : memref<10016x128xf32, #tpu.memory_space<vmem_shared>> -> memref<64x128xf32, #tpu.memory_space<vmem_shared>>
      %dma_wait3A_310 = arith.constant 0 : i32
      %dma_wait3A_311 = tpu.memref_slice %arg15[%add3A_31, %dma_wait3A_310] : memref<10016x128xf32, #tpu.memory_space<vmem_shared>> -> memref<64x128xf32, #tpu.memory_space<vmem_shared>>
      %dma_wait3A_312 = arith.constant 0 : i32
      %dma_wait3A_313 = arith.constant 0 : i32
      %dma_wait3A_314 = tpu.memref_slice %arg14[%dma_wait3A_312, %dma_wait3A_313] : memref<64x128xf32, #tpu.memory_space<vmem>> -> memref<64x128xf32, #tpu.memory_space<vmem>>
      tpu.wait_dma2 semaphore(%run_scoped3A : memref<!tpu.dma_semaphore, #tpu.memory_space<semaphore_mem>>) src(%dma_wait3A_314 : memref<64x128xf32, #tpu.memory_space<vmem>>) dst(%dma_wait3A_311 : memref<64x128xf32, #tpu.memory_space<vmem_shared>>)
      tpu.yield
    }) : () -> ()
    %add3A_32 = arith.constant 320 : i32
    %add3A_33 = arith.addi %mul3A_21, %add3A_32 : i32
    "tpu.region"() ({
      %run_scoped3A = tpu.sem_alloc : memref<!tpu.dma_semaphore, #tpu.memory_space<semaphore_mem>>
      %dma_start3A_295 = arith.constant 0 : i32
      %dma_start3A_296 = arith.constant 0 : i32
      %dma_start3A_297 = tpu.memref_slice %arg14[%dma_start3A_295, %dma_start3A_296] : memref<64x128xf32, #tpu.memory_space<vmem>> -> memref<64x128xf32, #tpu.memory_space<vmem>>
      %dma_start3A_298 = arith.constant 0 : i32
      %dma_start3A_299 = tpu.memref_slice %arg15[%add3A_33, %dma_start3A_298] : memref<10016x128xf32, #tpu.memory_space<vmem_shared>> -> memref<64x128xf32, #tpu.memory_space<vmem_shared>>
      %dma_start3A_300 = arith.constant 0 : i32
      %dma_start3A_301 = tpu.memref_slice %arg15[%add3A_33, %dma_start3A_300] : memref<10016x128xf32, #tpu.memory_space<vmem_shared>> -> memref<64x128xf32, #tpu.memory_space<vmem_shared>>
      %dma_start3A_302 = arith.constant 0 : i32
      %dma_start3A_303 = arith.constant 0 : i32
      %dma_start3A_304 = tpu.memref_slice %arg14[%dma_start3A_302, %dma_start3A_303] : memref<64x128xf32, #tpu.memory_space<vmem>> -> memref<64x128xf32, #tpu.memory_space<vmem>>
      tpu.enqueue_dma source(%dma_start3A_304 : memref<64x128xf32, #tpu.memory_space<vmem>>) target(%dma_start3A_301 : memref<64x128xf32, #tpu.memory_space<vmem_shared>>) target_semaphore(%run_scoped3A : memref<!tpu.dma_semaphore, #tpu.memory_space<semaphore_mem>>)
      %dma_wait3A_305 = arith.constant 0 : i32
      %dma_wait3A_306 = arith.constant 0 : i32
      %dma_wait3A_307 = tpu.memref_slice %arg14[%dma_wait3A_305, %dma_wait3A_306] : memref<64x128xf32, #tpu.memory_space<vmem>> -> memref<64x128xf32, #tpu.memory_space<vmem>>
      %dma_wait3A_308 = arith.constant 0 : i32
      %dma_wait3A_309 = tpu.memref_slice %arg15[%add3A_33, %dma_wait3A_308] : memref<10016x128xf32, #tpu.memory_space<vmem_shared>> -> memref<64x128xf32, #tpu.memory_space<vmem_shared>>
      %dma_wait3A_310 = arith.constant 0 : i32
      %dma_wait3A_311 = tpu.memref_slice %arg15[%add3A_33, %dma_wait3A_310] : memref<10016x128xf32, #tpu.memory_space<vmem_shared>> -> memref<64x128xf32, #tpu.memory_space<vmem_shared>>
      %dma_wait3A_312 = arith.constant 0 : i32
      %dma_wait3A_313 = arith.constant 0 : i32
      %dma_wait3A_314 = tpu.memref_slice %arg14[%dma_wait3A_312, %dma_wait3A_313] : memref<64x128xf32, #tpu.memory_space<vmem>> -> memref<64x128xf32, #tpu.memory_space<vmem>>
      tpu.wait_dma2 semaphore(%run_scoped3A : memref<!tpu.dma_semaphore, #tpu.memory_space<semaphore_mem>>) src(%dma_wait3A_314 : memref<64x128xf32, #tpu.memory_space<vmem>>) dst(%dma_wait3A_311 : memref<64x128xf32, #tpu.memory_space<vmem_shared>>)
      tpu.yield
    }) : () -> ()
    %add3A_34 = arith.constant 384 : i32
    %add3A_35 = arith.addi %mul3A_21, %add3A_34 : i32
    "tpu.region"() ({
      %run_scoped3A = tpu.sem_alloc : memref<!tpu.dma_semaphore, #tpu.memory_space<semaphore_mem>>
      %dma_start3A_295 = arith.constant 0 : i32
      %dma_start3A_296 = arith.constant 0 : i32
      %dma_start3A_297 = tpu.memref_slice %arg14[%dma_start3A_295, %dma_start3A_296] : memref<64x128xf32, #tpu.memory_space<vmem>> -> memref<64x128xf32, #tpu.memory_space<vmem>>
      %dma_start3A_298 = arith.constant 0 : i32
      %dma_start3A_299 = tpu.memref_slice %arg15[%add3A_35, %dma_start3A_298] : memref<10016x128xf32, #tpu.memory_space<vmem_shared>> -> memref<64x128xf32, #tpu.memory_space<vmem_shared>>
      %dma_start3A_300 = arith.constant 0 : i32
      %dma_start3A_301 = tpu.memref_slice %arg15[%add3A_35, %dma_start3A_300] : memref<10016x128xf32, #tpu.memory_space<vmem_shared>> -> memref<64x128xf32, #tpu.memory_space<vmem_shared>>
      %dma_start3A_302 = arith.constant 0 : i32
      %dma_start3A_303 = arith.constant 0 : i32
      %dma_start3A_304 = tpu.memref_slice %arg14[%dma_start3A_302, %dma_start3A_303] : memref<64x128xf32, #tpu.memory_space<vmem>> -> memref<64x128xf32, #tpu.memory_space<vmem>>
      tpu.enqueue_dma source(%dma_start3A_304 : memref<64x128xf32, #tpu.memory_space<vmem>>) target(%dma_start3A_301 : memref<64x128xf32, #tpu.memory_space<vmem_shared>>) target_semaphore(%run_scoped3A : memref<!tpu.dma_semaphore, #tpu.memory_space<semaphore_mem>>)
      %dma_wait3A_305 = arith.constant 0 : i32
      %dma_wait3A_306 = arith.constant 0 : i32
      %dma_wait3A_307 = tpu.memref_slice %arg14[%dma_wait3A_305, %dma_wait3A_306] : memref<64x128xf32, #tpu.memory_space<vmem>> -> memref<64x128xf32, #tpu.memory_space<vmem>>
      %dma_wait3A_308 = arith.constant 0 : i32
      %dma_wait3A_309 = tpu.memref_slice %arg15[%add3A_35, %dma_wait3A_308] : memref<10016x128xf32, #tpu.memory_space<vmem_shared>> -> memref<64x128xf32, #tpu.memory_space<vmem_shared>>
      %dma_wait3A_310 = arith.constant 0 : i32
      %dma_wait3A_311 = tpu.memref_slice %arg15[%add3A_35, %dma_wait3A_310] : memref<10016x128xf32, #tpu.memory_space<vmem_shared>> -> memref<64x128xf32, #tpu.memory_space<vmem_shared>>
      %dma_wait3A_312 = arith.constant 0 : i32
      %dma_wait3A_313 = arith.constant 0 : i32
      %dma_wait3A_314 = tpu.memref_slice %arg14[%dma_wait3A_312, %dma_wait3A_313] : memref<64x128xf32, #tpu.memory_space<vmem>> -> memref<64x128xf32, #tpu.memory_space<vmem>>
      tpu.wait_dma2 semaphore(%run_scoped3A : memref<!tpu.dma_semaphore, #tpu.memory_space<semaphore_mem>>) src(%dma_wait3A_314 : memref<64x128xf32, #tpu.memory_space<vmem>>) dst(%dma_wait3A_311 : memref<64x128xf32, #tpu.memory_space<vmem_shared>>)
      tpu.yield
    }) : () -> ()
    %add3A_36 = arith.constant 448 : i32
    %add3A_37 = arith.addi %mul3A_21, %add3A_36 : i32
    "tpu.region"() ({
      %run_scoped3A = tpu.sem_alloc : memref<!tpu.dma_semaphore, #tpu.memory_space<semaphore_mem>>
      %dma_start3A_295 = arith.constant 0 : i32
      %dma_start3A_296 = arith.constant 0 : i32
      %dma_start3A_297 = tpu.memref_slice %arg14[%dma_start3A_295, %dma_start3A_296] : memref<64x128xf32, #tpu.memory_space<vmem>> -> memref<64x128xf32, #tpu.memory_space<vmem>>
      %dma_start3A_298 = arith.constant 0 : i32
      %dma_start3A_299 = tpu.memref_slice %arg15[%add3A_37, %dma_start3A_298] : memref<10016x128xf32, #tpu.memory_space<vmem_shared>> -> memref<64x128xf32, #tpu.memory_space<vmem_shared>>
      %dma_start3A_300 = arith.constant 0 : i32
      %dma_start3A_301 = tpu.memref_slice %arg15[%add3A_37, %dma_start3A_300] : memref<10016x128xf32, #tpu.memory_space<vmem_shared>> -> memref<64x128xf32, #tpu.memory_space<vmem_shared>>
      %dma_start3A_302 = arith.constant 0 : i32
      %dma_start3A_303 = arith.constant 0 : i32
      %dma_start3A_304 = tpu.memref_slice %arg14[%dma_start3A_302, %dma_start3A_303] : memref<64x128xf32, #tpu.memory_space<vmem>> -> memref<64x128xf32, #tpu.memory_space<vmem>>
      tpu.enqueue_dma source(%dma_start3A_304 : memref<64x128xf32, #tpu.memory_space<vmem>>) target(%dma_start3A_301 : memref<64x128xf32, #tpu.memory_space<vmem_shared>>) target_semaphore(%run_scoped3A : memref<!tpu.dma_semaphore, #tpu.memory_space<semaphore_mem>>)
      %dma_wait3A_305 = arith.constant 0 : i32
      %dma_wait3A_306 = arith.constant 0 : i32
      %dma_wait3A_307 = tpu.memref_slice %arg14[%dma_wait3A_305, %dma_wait3A_306] : memref<64x128xf32, #tpu.memory_space<vmem>> -> memref<64x128xf32, #tpu.memory_space<vmem>>
      %dma_wait3A_308 = arith.constant 0 : i32
      %dma_wait3A_309 = tpu.memref_slice %arg15[%add3A_37, %dma_wait3A_308] : memref<10016x128xf32, #tpu.memory_space<vmem_shared>> -> memref<64x128xf32, #tpu.memory_space<vmem_shared>>
      %dma_wait3A_310 = arith.constant 0 : i32
      %dma_wait3A_311 = tpu.memref_slice %arg15[%add3A_37, %dma_wait3A_310] : memref<10016x128xf32, #tpu.memory_space<vmem_shared>> -> memref<64x128xf32, #tpu.memory_space<vmem_shared>>
      %dma_wait3A_312 = arith.constant 0 : i32
      %dma_wait3A_313 = arith.constant 0 : i32
      %dma_wait3A_314 = tpu.memref_slice %arg14[%dma_wait3A_312, %dma_wait3A_313] : memref<64x128xf32, #tpu.memory_space<vmem>> -> memref<64x128xf32, #tpu.memory_space<vmem>>
      tpu.wait_dma2 semaphore(%run_scoped3A : memref<!tpu.dma_semaphore, #tpu.memory_space<semaphore_mem>>) src(%dma_wait3A_314 : memref<64x128xf32, #tpu.memory_space<vmem>>) dst(%dma_wait3A_311 : memref<64x128xf32, #tpu.memory_space<vmem_shared>>)
      tpu.yield
    }) : () -> ()
    %add3A_38 = arith.constant 512 : i32
    %add3A_39 = arith.addi %mul3A_21, %add3A_38 : i32
    "tpu.region"() ({
      %run_scoped3A = tpu.sem_alloc : memref<!tpu.dma_semaphore, #tpu.memory_space<semaphore_mem>>
      %dma_start3A_295 = arith.constant 0 : i32
      %dma_start3A_296 = arith.constant 0 : i32
      %dma_start3A_297 = tpu.memref_slice %arg14[%dma_start3A_295, %dma_start3A_296] : memref<64x128xf32, #tpu.memory_space<vmem>> -> memref<64x128xf32, #tpu.memory_space<vmem>>
      %dma_start3A_298 = arith.constant 0 : i32
      %dma_start3A_299 = tpu.memref_slice %arg15[%add3A_39, %dma_start3A_298] : memref<10016x128xf32, #tpu.memory_space<vmem_shared>> -> memref<64x128xf32, #tpu.memory_space<vmem_shared>>
      %dma_start3A_300 = arith.constant 0 : i32
      %dma_start3A_301 = tpu.memref_slice %arg15[%add3A_39, %dma_start3A_300] : memref<10016x128xf32, #tpu.memory_space<vmem_shared>> -> memref<64x128xf32, #tpu.memory_space<vmem_shared>>
      %dma_start3A_302 = arith.constant 0 : i32
      %dma_start3A_303 = arith.constant 0 : i32
      %dma_start3A_304 = tpu.memref_slice %arg14[%dma_start3A_302, %dma_start3A_303] : memref<64x128xf32, #tpu.memory_space<vmem>> -> memref<64x128xf32, #tpu.memory_space<vmem>>
      tpu.enqueue_dma source(%dma_start3A_304 : memref<64x128xf32, #tpu.memory_space<vmem>>) target(%dma_start3A_301 : memref<64x128xf32, #tpu.memory_space<vmem_shared>>) target_semaphore(%run_scoped3A : memref<!tpu.dma_semaphore, #tpu.memory_space<semaphore_mem>>)
      %dma_wait3A_305 = arith.constant 0 : i32
      %dma_wait3A_306 = arith.constant 0 : i32
      %dma_wait3A_307 = tpu.memref_slice %arg14[%dma_wait3A_305, %dma_wait3A_306] : memref<64x128xf32, #tpu.memory_space<vmem>> -> memref<64x128xf32, #tpu.memory_space<vmem>>
      %dma_wait3A_308 = arith.constant 0 : i32
      %dma_wait3A_309 = tpu.memref_slice %arg15[%add3A_39, %dma_wait3A_308] : memref<10016x128xf32, #tpu.memory_space<vmem_shared>> -> memref<64x128xf32, #tpu.memory_space<vmem_shared>>
      %dma_wait3A_310 = arith.constant 0 : i32
      %dma_wait3A_311 = tpu.memref_slice %arg15[%add3A_39, %dma_wait3A_310] : memref<10016x128xf32, #tpu.memory_space<vmem_shared>> -> memref<64x128xf32, #tpu.memory_space<vmem_shared>>
      %dma_wait3A_312 = arith.constant 0 : i32
      %dma_wait3A_313 = arith.constant 0 : i32
      %dma_wait3A_314 = tpu.memref_slice %arg14[%dma_wait3A_312, %dma_wait3A_313] : memref<64x128xf32, #tpu.memory_space<vmem>> -> memref<64x128xf32, #tpu.memory_space<vmem>>
      tpu.wait_dma2 semaphore(%run_scoped3A : memref<!tpu.dma_semaphore, #tpu.memory_space<semaphore_mem>>) src(%dma_wait3A_314 : memref<64x128xf32, #tpu.memory_space<vmem>>) dst(%dma_wait3A_311 : memref<64x128xf32, #tpu.memory_space<vmem_shared>>)
      tpu.yield
    }) : () -> ()
    %add3A_40 = arith.constant 576 : i32
    %add3A_41 = arith.addi %mul3A_21, %add3A_40 : i32
    "tpu.region"() ({
      %run_scoped3A = tpu.sem_alloc : memref<!tpu.dma_semaphore, #tpu.memory_space<semaphore_mem>>
      %dma_start3A_295 = arith.constant 0 : i32
      %dma_start3A_296 = arith.constant 0 : i32
      %dma_start3A_297 = tpu.memref_slice %arg14[%dma_start3A_295, %dma_start3A_296] : memref<64x128xf32, #tpu.memory_space<vmem>> -> memref<50x128xf32, #tpu.memory_space<vmem>>
      %dma_start3A_298 = arith.constant 0 : i32
      %dma_start3A_299 = tpu.memref_slice %arg15[%add3A_41, %dma_start3A_298] : memref<10016x128xf32, #tpu.memory_space<vmem_shared>> -> memref<50x128xf32, #tpu.memory_space<vmem_shared>>
      %dma_start3A_300 = arith.constant 0 : i32
      %dma_start3A_301 = tpu.memref_slice %arg15[%add3A_41, %dma_start3A_300] : memref<10016x128xf32, #tpu.memory_space<vmem_shared>> -> memref<50x128xf32, #tpu.memory_space<vmem_shared>>
      %dma_start3A_302 = arith.constant 0 : i32
      %dma_start3A_303 = arith.constant 0 : i32
      %dma_start3A_304 = tpu.memref_slice %arg14[%dma_start3A_302, %dma_start3A_303] : memref<64x128xf32, #tpu.memory_space<vmem>> -> memref<50x128xf32, #tpu.memory_space<vmem>>
      tpu.enqueue_dma source(%dma_start3A_304 : memref<50x128xf32, #tpu.memory_space<vmem>>) target(%dma_start3A_301 : memref<50x128xf32, #tpu.memory_space<vmem_shared>>) target_semaphore(%run_scoped3A : memref<!tpu.dma_semaphore, #tpu.memory_space<semaphore_mem>>)
      %dma_wait3A_305 = arith.constant 0 : i32
      %dma_wait3A_306 = arith.constant 0 : i32
      %dma_wait3A_307 = tpu.memref_slice %arg14[%dma_wait3A_305, %dma_wait3A_306] : memref<64x128xf32, #tpu.memory_space<vmem>> -> memref<50x128xf32, #tpu.memory_space<vmem>>
      %dma_wait3A_308 = arith.constant 0 : i32
      %dma_wait3A_309 = tpu.memref_slice %arg15[%add3A_41, %dma_wait3A_308] : memref<10016x128xf32, #tpu.memory_space<vmem_shared>> -> memref<50x128xf32, #tpu.memory_space<vmem_shared>>
      %dma_wait3A_310 = arith.constant 0 : i32
      %dma_wait3A_311 = tpu.memref_slice %arg15[%add3A_41, %dma_wait3A_310] : memref<10016x128xf32, #tpu.memory_space<vmem_shared>> -> memref<50x128xf32, #tpu.memory_space<vmem_shared>>
      %dma_wait3A_312 = arith.constant 0 : i32
      %dma_wait3A_313 = arith.constant 0 : i32
      %dma_wait3A_314 = tpu.memref_slice %arg14[%dma_wait3A_312, %dma_wait3A_313] : memref<64x128xf32, #tpu.memory_space<vmem>> -> memref<50x128xf32, #tpu.memory_space<vmem>>
      tpu.wait_dma2 semaphore(%run_scoped3A : memref<!tpu.dma_semaphore, #tpu.memory_space<semaphore_mem>>) src(%dma_wait3A_314 : memref<50x128xf32, #tpu.memory_space<vmem>>) dst(%dma_wait3A_311 : memref<50x128xf32, #tpu.memory_space<vmem_shared>>)
      tpu.yield
    }) : () -> ()
    %barrier3A = arith.constant 0 : index
    tpu.barrier barrier_id(%barrier3A)
    %dma_start3A = arith.constant 0 : i32
    %dma_start3A_42 = arith.constant 0 : i32
    %dma_start3A_43 = tpu.memref_slice %arg15[%dma_start3A, %dma_start3A_42] : memref<10016x128xf32, #tpu.memory_space<vmem_shared>> -> memref<10016x128xf32, #tpu.memory_space<vmem_shared>>
    tpu.enqueue_indirect_dma source(%arg14 : memref<64x128xf32, #tpu.memory_space<vmem>>) target(%dma_start3A_43 : memref<10016x128xf32, #tpu.memory_space<vmem_shared>>) offsets(%arg12 : memref<64xi32, #tpu.memory_space<vmem>>) semaphore(%arg18 : memref<!tpu.dma_semaphore, #tpu.memory_space<semaphore_mem>>) {add = true}
    %dma_start3A_44 = arith.constant 0 : i32
    %dma_start3A_45 = arith.constant 0 : i32
    %dma_start3A_46 = arith.constant 0 : i32
    %dma_start3A_47 = tpu.memref_slice %arg8[%dma_start3A_45, %dma_start3A_46] : memref<3x128xi32, #tpu.memory_space<vmem>> -> memref<1x128xi32, #tpu.memory_space<vmem>>
    %dma_start3A_48 = tpu.memref_squeeze %dma_start3A_47 : memref<1x128xi32, #tpu.memory_space<vmem>> -> memref<128xi32, #tpu.memory_space<vmem>>
    %dma_start3A_49 = arith.constant 0 : i32
    %dma_start3A_50 = arith.constant 0 : i32
    %dma_start3A_51 = tpu.memref_slice %arg5[%add3A, %dma_start3A_49, %dma_start3A_50] : memref<32x159x128xi32, #tpu.memory_space<hbm>> -> memref<1x159x128xi32, #tpu.memory_space<hbm>>
    %dma_start3A_52 = tpu.memref_squeeze %dma_start3A_51 : memref<1x159x128xi32, #tpu.memory_space<hbm>> -> memref<159x128xi32, #tpu.memory_space<hbm>>
    %dma_start3A_53 = arith.constant 0 : i32
    %dma_start3A_54 = tpu.memref_slice %dma_start3A_52[%dma_start3A_44, %dma_start3A_53] : memref<159x128xi32, #tpu.memory_space<hbm>> -> memref<1x128xi32, #tpu.memory_space<hbm>>
    %dma_start3A_55 = tpu.memref_squeeze %dma_start3A_54 : memref<1x128xi32, #tpu.memory_space<hbm>> -> memref<128xi32, #tpu.memory_space<hbm>>
    %dma_start3A_56 = arith.constant 0 : i32
    %dma_start3A_57 = tpu.memref_slice %arg8[%dma_start3A_45, %dma_start3A_56] : memref<3x128xi32, #tpu.memory_space<vmem>> -> memref<1x128xi32, #tpu.memory_space<vmem>>
    %dma_start3A_58 = tpu.memref_squeeze %dma_start3A_57 : memref<1x128xi32, #tpu.memory_space<vmem>> -> memref<128xi32, #tpu.memory_space<vmem>>
    %dma_start3A_59 = arith.constant 0 : i32
    %dma_start3A_60 = arith.constant 0 : i32
    %dma_start3A_61 = tpu.memref_slice %arg5[%add3A, %dma_start3A_59, %dma_start3A_60] : memref<32x159x128xi32, #tpu.memory_space<hbm>> -> memref<1x159x128xi32, #tpu.memory_space<hbm>>
    %dma_start3A_62 = tpu.memref_squeeze %dma_start3A_61 : memref<1x159x128xi32, #tpu.memory_space<hbm>> -> memref<159x128xi32, #tpu.memory_space<hbm>>
    %dma_start3A_63 = arith.constant 0 : i32
    %dma_start3A_64 = tpu.memref_slice %dma_start3A_62[%dma_start3A_44, %dma_start3A_63] : memref<159x128xi32, #tpu.memory_space<hbm>> -> memref<1x128xi32, #tpu.memory_space<hbm>>
    %dma_start3A_65 = tpu.memref_squeeze %dma_start3A_64 : memref<1x128xi32, #tpu.memory_space<hbm>> -> memref<128xi32, #tpu.memory_space<hbm>>
    tpu.enqueue_dma source(%dma_start3A_65 : memref<128xi32, #tpu.memory_space<hbm>>) target(%dma_start3A_58 : memref<128xi32, #tpu.memory_space<vmem>>) target_semaphore(%arg16 : memref<!tpu.dma_semaphore, #tpu.memory_space<semaphore_mem>>)
    %dma_start3A_66 = arith.constant 0 : i32
    %dma_start3A_67 = arith.constant 0 : i32
    %dma_start3A_68 = arith.constant 0 : i32
    %dma_start3A_69 = tpu.memref_slice %arg9[%dma_start3A_67, %dma_start3A_68] : memref<3x64xi32, #tpu.memory_space<vmem>> -> memref<1x64xi32, #tpu.memory_space<vmem>>
    %dma_start3A_70 = tpu.memref_squeeze %dma_start3A_69 : memref<1x64xi32, #tpu.memory_space<vmem>> -> memref<64xi32, #tpu.memory_space<vmem>>
    %dma_start3A_71 = arith.constant 0 : i32
    %dma_start3A_72 = arith.constant 0 : i32
    %dma_start3A_73 = tpu.memref_slice %arg6[%add3A, %dma_start3A_71, %dma_start3A_72] : memref<32x159x64xi32, #tpu.memory_space<hbm>> -> memref<1x159x64xi32, #tpu.memory_space<hbm>>
    %dma_start3A_74 = tpu.memref_squeeze %dma_start3A_73 : memref<1x159x64xi32, #tpu.memory_space<hbm>> -> memref<159x64xi32, #tpu.memory_space<hbm>>
    %dma_start3A_75 = arith.constant 0 : i32
    %dma_start3A_76 = tpu.memref_slice %dma_start3A_74[%dma_start3A_66, %dma_start3A_75] : memref<159x64xi32, #tpu.memory_space<hbm>> -> memref<1x64xi32, #tpu.memory_space<hbm>>
    %dma_start3A_77 = tpu.memref_squeeze %dma_start3A_76 : memref<1x64xi32, #tpu.memory_space<hbm>> -> memref<64xi32, #tpu.memory_space<hbm>>
    %dma_start3A_78 = arith.constant 0 : i32
    %dma_start3A_79 = tpu.memref_slice %arg9[%dma_start3A_67, %dma_start3A_78] : memref<3x64xi32, #tpu.memory_space<vmem>> -> memref<1x64xi32, #tpu.memory_space<vmem>>
    %dma_start3A_80 = tpu.memref_squeeze %dma_start3A_79 : memref<1x64xi32, #tpu.memory_space<vmem>> -> memref<64xi32, #tpu.memory_space<vmem>>
    %dma_start3A_81 = arith.constant 0 : i32
    %dma_start3A_82 = arith.constant 0 : i32
    %dma_start3A_83 = tpu.memref_slice %arg6[%add3A, %dma_start3A_81, %dma_start3A_82] : memref<32x159x64xi32, #tpu.memory_space<hbm>> -> memref<1x159x64xi32, #tpu.memory_space<hbm>>
    %dma_start3A_84 = tpu.memref_squeeze %dma_start3A_83 : memref<1x159x64xi32, #tpu.memory_space<hbm>> -> memref<159x64xi32, #tpu.memory_space<hbm>>
    %dma_start3A_85 = arith.constant 0 : i32
    %dma_start3A_86 = tpu.memref_slice %dma_start3A_84[%dma_start3A_66, %dma_start3A_85] : memref<159x64xi32, #tpu.memory_space<hbm>> -> memref<1x64xi32, #tpu.memory_space<hbm>>
    %dma_start3A_87 = tpu.memref_squeeze %dma_start3A_86 : memref<1x64xi32, #tpu.memory_space<hbm>> -> memref<64xi32, #tpu.memory_space<hbm>>
    tpu.enqueue_dma source(%dma_start3A_87 : memref<64xi32, #tpu.memory_space<hbm>>) target(%dma_start3A_80 : memref<64xi32, #tpu.memory_space<vmem>>) target_semaphore(%arg16 : memref<!tpu.dma_semaphore, #tpu.memory_space<semaphore_mem>>)
    %dma_start3A_88 = arith.constant 1 : i32
    %dma_start3A_89 = arith.constant 1 : i32
    %dma_start3A_90 = arith.constant 0 : i32
    %dma_start3A_91 = tpu.memref_slice %arg8[%dma_start3A_89, %dma_start3A_90] : memref<3x128xi32, #tpu.memory_space<vmem>> -> memref<1x128xi32, #tpu.memory_space<vmem>>
    %dma_start3A_92 = tpu.memref_squeeze %dma_start3A_91 : memref<1x128xi32, #tpu.memory_space<vmem>> -> memref<128xi32, #tpu.memory_space<vmem>>
    %dma_start3A_93 = arith.constant 0 : i32
    %dma_start3A_94 = arith.constant 0 : i32
    %dma_start3A_95 = tpu.memref_slice %arg5[%add3A, %dma_start3A_93, %dma_start3A_94] : memref<32x159x128xi32, #tpu.memory_space<hbm>> -> memref<1x159x128xi32, #tpu.memory_space<hbm>>
    %dma_start3A_96 = tpu.memref_squeeze %dma_start3A_95 : memref<1x159x128xi32, #tpu.memory_space<hbm>> -> memref<159x128xi32, #tpu.memory_space<hbm>>
    %dma_start3A_97 = arith.constant 0 : i32
    %dma_start3A_98 = tpu.memref_slice %dma_start3A_96[%dma_start3A_88, %dma_start3A_97] : memref<159x128xi32, #tpu.memory_space<hbm>> -> memref<1x128xi32, #tpu.memory_space<hbm>>
    %dma_start3A_99 = tpu.memref_squeeze %dma_start3A_98 : memref<1x128xi32, #tpu.memory_space<hbm>> -> memref<128xi32, #tpu.memory_space<hbm>>
    %dma_start3A_100 = arith.constant 0 : i32
    %dma_start3A_101 = tpu.memref_slice %arg8[%dma_start3A_89, %dma_start3A_100] : memref<3x128xi32, #tpu.memory_space<vmem>> -> memref<1x128xi32, #tpu.memory_space<vmem>>
    %dma_start3A_102 = tpu.memref_squeeze %dma_start3A_101 : memref<1x128xi32, #tpu.memory_space<vmem>> -> memref<128xi32, #tpu.memory_space<vmem>>
    %dma_start3A_103 = arith.constant 0 : i32
    %dma_start3A_104 = arith.constant 0 : i32
    %dma_start3A_105 = tpu.memref_slice %arg5[%add3A, %dma_start3A_103, %dma_start3A_104] : memref<32x159x128xi32, #tpu.memory_space<hbm>> -> memref<1x159x128xi32, #tpu.memory_space<hbm>>
    %dma_start3A_106 = tpu.memref_squeeze %dma_start3A_105 : memref<1x159x128xi32, #tpu.memory_space<hbm>> -> memref<159x128xi32, #tpu.memory_space<hbm>>
    %dma_start3A_107 = arith.constant 0 : i32
    %dma_start3A_108 = tpu.memref_slice %dma_start3A_106[%dma_start3A_88, %dma_start3A_107] : memref<159x128xi32, #tpu.memory_space<hbm>> -> memref<1x128xi32, #tpu.memory_space<hbm>>
    %dma_start3A_109 = tpu.memref_squeeze %dma_start3A_108 : memref<1x128xi32, #tpu.memory_space<hbm>> -> memref<128xi32, #tpu.memory_space<hbm>>
    tpu.enqueue_dma source(%dma_start3A_109 : memref<128xi32, #tpu.memory_space<hbm>>) target(%dma_start3A_102 : memref<128xi32, #tpu.memory_space<vmem>>) target_semaphore(%arg16 : memref<!tpu.dma_semaphore, #tpu.memory_space<semaphore_mem>>)
    %dma_start3A_110 = arith.constant 1 : i32
    %dma_start3A_111 = arith.constant 1 : i32
    %dma_start3A_112 = arith.constant 0 : i32
    %dma_start3A_113 = tpu.memref_slice %arg9[%dma_start3A_111, %dma_start3A_112] : memref<3x64xi32, #tpu.memory_space<vmem>> -> memref<1x64xi32, #tpu.memory_space<vmem>>
    %dma_start3A_114 = tpu.memref_squeeze %dma_start3A_113 : memref<1x64xi32, #tpu.memory_space<vmem>> -> memref<64xi32, #tpu.memory_space<vmem>>
    %dma_start3A_115 = arith.constant 0 : i32
    %dma_start3A_116 = arith.constant 0 : i32
    %dma_start3A_117 = tpu.memref_slice %arg6[%add3A, %dma_start3A_115, %dma_start3A_116] : memref<32x159x64xi32, #tpu.memory_space<hbm>> -> memref<1x159x64xi32, #tpu.memory_space<hbm>>
    %dma_start3A_118 = tpu.memref_squeeze %dma_start3A_117 : memref<1x159x64xi32, #tpu.memory_space<hbm>> -> memref<159x64xi32, #tpu.memory_space<hbm>>
    %dma_start3A_119 = arith.constant 0 : i32
    %dma_start3A_120 = tpu.memref_slice %dma_start3A_118[%dma_start3A_110, %dma_start3A_119] : memref<159x64xi32, #tpu.memory_space<hbm>> -> memref<1x64xi32, #tpu.memory_space<hbm>>
    %dma_start3A_121 = tpu.memref_squeeze %dma_start3A_120 : memref<1x64xi32, #tpu.memory_space<hbm>> -> memref<64xi32, #tpu.memory_space<hbm>>
    %dma_start3A_122 = arith.constant 0 : i32
    %dma_start3A_123 = tpu.memref_slice %arg9[%dma_start3A_111, %dma_start3A_122] : memref<3x64xi32, #tpu.memory_space<vmem>> -> memref<1x64xi32, #tpu.memory_space<vmem>>
    %dma_start3A_124 = tpu.memref_squeeze %dma_start3A_123 : memref<1x64xi32, #tpu.memory_space<vmem>> -> memref<64xi32, #tpu.memory_space<vmem>>
    %dma_start3A_125 = arith.constant 0 : i32
    %dma_start3A_126 = arith.constant 0 : i32
    %dma_start3A_127 = tpu.memref_slice %arg6[%add3A, %dma_start3A_125, %dma_start3A_126] : memref<32x159x64xi32, #tpu.memory_space<hbm>> -> memref<1x159x64xi32, #tpu.memory_space<hbm>>
    %dma_start3A_128 = tpu.memref_squeeze %dma_start3A_127 : memref<1x159x64xi32, #tpu.memory_space<hbm>> -> memref<159x64xi32, #tpu.memory_space<hbm>>
    %dma_start3A_129 = arith.constant 0 : i32
    %dma_start3A_130 = tpu.memref_slice %dma_start3A_128[%dma_start3A_110, %dma_start3A_129] : memref<159x64xi32, #tpu.memory_space<hbm>> -> memref<1x64xi32, #tpu.memory_space<hbm>>
    %dma_start3A_131 = tpu.memref_squeeze %dma_start3A_130 : memref<1x64xi32, #tpu.memory_space<hbm>> -> memref<64xi32, #tpu.memory_space<hbm>>
    tpu.enqueue_dma source(%dma_start3A_131 : memref<64xi32, #tpu.memory_space<hbm>>) target(%dma_start3A_124 : memref<64xi32, #tpu.memory_space<vmem>>) target_semaphore(%arg16 : memref<!tpu.dma_semaphore, #tpu.memory_space<semaphore_mem>>)
    %dma_wait3A = arith.constant 0 : i32
    %dma_wait3A_132 = arith.constant 0 : i32
    %dma_wait3A_133 = arith.constant 0 : i32
    %dma_wait3A_134 = tpu.memref_slice %arg8[%dma_wait3A_132, %dma_wait3A_133] : memref<3x128xi32, #tpu.memory_space<vmem>> -> memref<1x128xi32, #tpu.memory_space<vmem>>
    %dma_wait3A_135 = tpu.memref_squeeze %dma_wait3A_134 : memref<1x128xi32, #tpu.memory_space<vmem>> -> memref<128xi32, #tpu.memory_space<vmem>>
    %dma_wait3A_136 = arith.constant 0 : i32
    %dma_wait3A_137 = arith.constant 0 : i32
    %dma_wait3A_138 = tpu.memref_slice %arg5[%add3A, %dma_wait3A_136, %dma_wait3A_137] : memref<32x159x128xi32, #tpu.memory_space<hbm>> -> memref<1x159x128xi32, #tpu.memory_space<hbm>>
    %dma_wait3A_139 = tpu.memref_squeeze %dma_wait3A_138 : memref<1x159x128xi32, #tpu.memory_space<hbm>> -> memref<159x128xi32, #tpu.memory_space<hbm>>
    %dma_wait3A_140 = arith.constant 0 : i32
    %dma_wait3A_141 = tpu.memref_slice %dma_wait3A_139[%dma_wait3A, %dma_wait3A_140] : memref<159x128xi32, #tpu.memory_space<hbm>> -> memref<1x128xi32, #tpu.memory_space<hbm>>
    %dma_wait3A_142 = tpu.memref_squeeze %dma_wait3A_141 : memref<1x128xi32, #tpu.memory_space<hbm>> -> memref<128xi32, #tpu.memory_space<hbm>>
    %dma_wait3A_143 = arith.constant 0 : i32
    %dma_wait3A_144 = tpu.memref_slice %arg8[%dma_wait3A_132, %dma_wait3A_143] : memref<3x128xi32, #tpu.memory_space<vmem>> -> memref<1x128xi32, #tpu.memory_space<vmem>>
    %dma_wait3A_145 = tpu.memref_squeeze %dma_wait3A_144 : memref<1x128xi32, #tpu.memory_space<vmem>> -> memref<128xi32, #tpu.memory_space<vmem>>
    %dma_wait3A_146 = arith.constant 0 : i32
    %dma_wait3A_147 = arith.constant 0 : i32
    %dma_wait3A_148 = tpu.memref_slice %arg5[%add3A, %dma_wait3A_146, %dma_wait3A_147] : memref<32x159x128xi32, #tpu.memory_space<hbm>> -> memref<1x159x128xi32, #tpu.memory_space<hbm>>
    %dma_wait3A_149 = tpu.memref_squeeze %dma_wait3A_148 : memref<1x159x128xi32, #tpu.memory_space<hbm>> -> memref<159x128xi32, #tpu.memory_space<hbm>>
    %dma_wait3A_150 = arith.constant 0 : i32
    %dma_wait3A_151 = tpu.memref_slice %dma_wait3A_149[%dma_wait3A, %dma_wait3A_150] : memref<159x128xi32, #tpu.memory_space<hbm>> -> memref<1x128xi32, #tpu.memory_space<hbm>>
    %dma_wait3A_152 = tpu.memref_squeeze %dma_wait3A_151 : memref<1x128xi32, #tpu.memory_space<hbm>> -> memref<128xi32, #tpu.memory_space<hbm>>
    tpu.wait_dma2 semaphore(%arg16 : memref<!tpu.dma_semaphore, #tpu.memory_space<semaphore_mem>>) src(%dma_wait3A_152 : memref<128xi32, #tpu.memory_space<hbm>>) dst(%dma_wait3A_145 : memref<128xi32, #tpu.memory_space<vmem>>)
    %dma_wait3A_153 = arith.constant 0 : i32
    %dma_wait3A_154 = arith.constant 0 : i32
    %dma_wait3A_155 = arith.constant 0 : i32
    %dma_wait3A_156 = tpu.memref_slice %arg9[%dma_wait3A_154, %dma_wait3A_155] : memref<3x64xi32, #tpu.memory_space<vmem>> -> memref<1x64xi32, #tpu.memory_space<vmem>>
    %dma_wait3A_157 = tpu.memref_squeeze %dma_wait3A_156 : memref<1x64xi32, #tpu.memory_space<vmem>> -> memref<64xi32, #tpu.memory_space<vmem>>
    %dma_wait3A_158 = arith.constant 0 : i32
    %dma_wait3A_159 = arith.constant 0 : i32
    %dma_wait3A_160 = tpu.memref_slice %arg6[%add3A, %dma_wait3A_158, %dma_wait3A_159] : memref<32x159x64xi32, #tpu.memory_space<hbm>> -> memref<1x159x64xi32, #tpu.memory_space<hbm>>
    %dma_wait3A_161 = tpu.memref_squeeze %dma_wait3A_160 : memref<1x159x64xi32, #tpu.memory_space<hbm>> -> memref<159x64xi32, #tpu.memory_space<hbm>>
    %dma_wait3A_162 = arith.constant 0 : i32
    %dma_wait3A_163 = tpu.memref_slice %dma_wait3A_161[%dma_wait3A_153, %dma_wait3A_162] : memref<159x64xi32, #tpu.memory_space<hbm>> -> memref<1x64xi32, #tpu.memory_space<hbm>>
    %dma_wait3A_164 = tpu.memref_squeeze %dma_wait3A_163 : memref<1x64xi32, #tpu.memory_space<hbm>> -> memref<64xi32, #tpu.memory_space<hbm>>
    %dma_wait3A_165 = arith.constant 0 : i32
    %dma_wait3A_166 = tpu.memref_slice %arg9[%dma_wait3A_154, %dma_wait3A_165] : memref<3x64xi32, #tpu.memory_space<vmem>> -> memref<1x64xi32, #tpu.memory_space<vmem>>
    %dma_wait3A_167 = tpu.memref_squeeze %dma_wait3A_166 : memref<1x64xi32, #tpu.memory_space<vmem>> -> memref<64xi32, #tpu.memory_space<vmem>>
    %dma_wait3A_168 = arith.constant 0 : i32
    %dma_wait3A_169 = arith.constant 0 : i32
    %dma_wait3A_170 = tpu.memref_slice %arg6[%add3A, %dma_wait3A_168, %dma_wait3A_169] : memref<32x159x64xi32, #tpu.memory_space<hbm>> -> memref<1x159x64xi32, #tpu.memory_space<hbm>>
    %dma_wait3A_171 = tpu.memref_squeeze %dma_wait3A_170 : memref<1x159x64xi32, #tpu.memory_space<hbm>> -> memref<159x64xi32, #tpu.memory_space<hbm>>
    %dma_wait3A_172 = arith.constant 0 : i32
    %dma_wait3A_173 = tpu.memref_slice %dma_wait3A_171[%dma_wait3A_153, %dma_wait3A_172] : memref<159x64xi32, #tpu.memory_space<hbm>> -> memref<1x64xi32, #tpu.memory_space<hbm>>
    %dma_wait3A_174 = tpu.memref_squeeze %dma_wait3A_173 : memref<1x64xi32, #tpu.memory_space<hbm>> -> memref<64xi32, #tpu.memory_space<hbm>>
    tpu.wait_dma2 semaphore(%arg16 : memref<!tpu.dma_semaphore, #tpu.memory_space<semaphore_mem>>) src(%dma_wait3A_174 : memref<64xi32, #tpu.memory_space<hbm>>) dst(%dma_wait3A_167 : memref<64xi32, #tpu.memory_space<vmem>>)
    %dma_start3A_175 = arith.constant 0 : i32
    %dma_start3A_176 = arith.constant 0 : i32
    %dma_start3A_177 = arith.constant 0 : i32
    %dma_start3A_178 = arith.constant 0 : i32
    %dma_start3A_179 = tpu.memref_slice %arg13[%dma_start3A_176, %dma_start3A_177, %dma_start3A_178] : memref<2x64x256xf32, #tpu.memory_space<vmem>> -> memref<1x64x256xf32, #tpu.memory_space<vmem>>
    %dma_start3A_180 = tpu.memref_squeeze %dma_start3A_179 : memref<1x64x256xf32, #tpu.memory_space<vmem>> -> memref<64x256xf32, #tpu.memory_space<vmem>>
    %dma_start3A_181 = arith.constant 0 : i32
    %dma_start3A_182 = tpu.memref_slice %arg8[%dma_start3A_175, %dma_start3A_181] : memref<3x128xi32, #tpu.memory_space<vmem>> -> memref<1x64xi32, #tpu.memory_space<vmem>>
    %dma_start3A_183 = tpu.memref_squeeze %dma_start3A_182 : memref<1x64xi32, #tpu.memory_space<vmem>> -> memref<64xi32, #tpu.memory_space<vmem>>
    %dma_start3A_184 = arith.constant 0 : i32
    %dma_start3A_185 = arith.constant 0 : i32
    %dma_start3A_186 = tpu.memref_slice %arg2[%dma_start3A_184, %dma_start3A_185] : memref<10000x256xf32, #tpu.memory_space<hbm>> -> memref<10000x256xf32, #tpu.memory_space<hbm>>
    tpu.enqueue_indirect_dma source(%dma_start3A_186 : memref<10000x256xf32, #tpu.memory_space<hbm>>) target(%dma_start3A_180 : memref<64x256xf32, #tpu.memory_space<vmem>>) offsets(%dma_start3A_183 : memref<64xi32, #tpu.memory_space<vmem>>) semaphore(%arg17 : memref<!tpu.dma_semaphore, #tpu.memory_space<semaphore_mem>>)
    %scan3A_187 = arith.constant 0 : i32
    %scan3A_188 = arith.constant 0 : i32
    %scan3A_189 = arith.constant 157 : i32
    %scan3A_190 = arith.addi %scan3A_188, %scan3A_189 : i32
    %scan3A_191 = arith.constant 1 : i32
    scf.for %scan3A_295 = %scan3A_188 to %scan3A_190 step %scan3A_191  : i32 {
      %rem3A = arith.constant 2 : i32
      %rem3A_296 = arith.remsi %scan3A_295, %rem3A : i32
      %rem3A_297 = arith.constant 3 : i32
      %rem3A_298 = arith.remsi %scan3A_295, %rem3A_297 : i32
      %add3A_299 = arith.constant 1 : i32
      %add3A_300 = arith.addi %scan3A_295, %add3A_299 : i32
      %rem3A_301 = arith.constant 2 : i32
      %rem3A_302 = arith.remsi %add3A_300, %rem3A_301 : i32
      %add3A_303 = arith.constant 1 : i32
      %add3A_304 = arith.addi %scan3A_295, %add3A_303 : i32
      %rem3A_305 = arith.constant 3 : i32
      %rem3A_306 = arith.remsi %add3A_304, %rem3A_305 : i32
      %add3A_307 = arith.constant 1 : i32
      %add3A_308 = arith.addi %scan3A_295, %add3A_307 : i32
      %dma_wait3A_309 = arith.constant 0 : i32
      %dma_wait3A_310 = tpu.memref_slice %arg8[%rem3A_306, %dma_wait3A_309] : memref<3x128xi32, #tpu.memory_space<vmem>> -> memref<1x128xi32, #tpu.memory_space<vmem>>
      %dma_wait3A_311 = tpu.memref_squeeze %dma_wait3A_310 : memref<1x128xi32, #tpu.memory_space<vmem>> -> memref<128xi32, #tpu.memory_space<vmem>>
      %dma_wait3A_312 = arith.constant 0 : i32
      %dma_wait3A_313 = arith.constant 0 : i32
      %dma_wait3A_314 = tpu.memref_slice %arg5[%add3A, %dma_wait3A_312, %dma_wait3A_313] : memref<32x159x128xi32, #tpu.memory_space<hbm>> -> memref<1x159x128xi32, #tpu.memory_space<hbm>>
      %dma_wait3A_315 = tpu.memref_squeeze %dma_wait3A_314 : memref<1x159x128xi32, #tpu.memory_space<hbm>> -> memref<159x128xi32, #tpu.memory_space<hbm>>
      %dma_wait3A_316 = arith.constant 0 : i32
      %dma_wait3A_317 = tpu.memref_slice %dma_wait3A_315[%add3A_308, %dma_wait3A_316] : memref<159x128xi32, #tpu.memory_space<hbm>> -> memref<1x128xi32, #tpu.memory_space<hbm>>
      %dma_wait3A_318 = tpu.memref_squeeze %dma_wait3A_317 : memref<1x128xi32, #tpu.memory_space<hbm>> -> memref<128xi32, #tpu.memory_space<hbm>>
      %dma_wait3A_319 = arith.constant 0 : i32
      %dma_wait3A_320 = tpu.memref_slice %arg8[%rem3A_306, %dma_wait3A_319] : memref<3x128xi32, #tpu.memory_space<vmem>> -> memref<1x128xi32, #tpu.memory_space<vmem>>
      %dma_wait3A_321 = tpu.memref_squeeze %dma_wait3A_320 : memref<1x128xi32, #tpu.memory_space<vmem>> -> memref<128xi32, #tpu.memory_space<vmem>>
      %dma_wait3A_322 = arith.constant 0 : i32
      %dma_wait3A_323 = arith.constant 0 : i32
      %dma_wait3A_324 = tpu.memref_slice %arg5[%add3A, %dma_wait3A_322, %dma_wait3A_323] : memref<32x159x128xi32, #tpu.memory_space<hbm>> -> memref<1x159x128xi32, #tpu.memory_space<hbm>>
      %dma_wait3A_325 = tpu.memref_squeeze %dma_wait3A_324 : memref<1x159x128xi32, #tpu.memory_space<hbm>> -> memref<159x128xi32, #tpu.memory_space<hbm>>
      %dma_wait3A_326 = arith.constant 0 : i32
      %dma_wait3A_327 = tpu.memref_slice %dma_wait3A_325[%add3A_308, %dma_wait3A_326] : memref<159x128xi32, #tpu.memory_space<hbm>> -> memref<1x128xi32, #tpu.memory_space<hbm>>
      %dma_wait3A_328 = tpu.memref_squeeze %dma_wait3A_327 : memref<1x128xi32, #tpu.memory_space<hbm>> -> memref<128xi32, #tpu.memory_space<hbm>>
      tpu.wait_dma2 semaphore(%arg16 : memref<!tpu.dma_semaphore, #tpu.memory_space<semaphore_mem>>) src(%dma_wait3A_328 : memref<128xi32, #tpu.memory_space<hbm>>) dst(%dma_wait3A_321 : memref<128xi32, #tpu.memory_space<vmem>>)
      %dma_wait3A_329 = arith.constant 0 : i32
      %dma_wait3A_330 = tpu.memref_slice %arg9[%rem3A_306, %dma_wait3A_329] : memref<3x64xi32, #tpu.memory_space<vmem>> -> memref<1x64xi32, #tpu.memory_space<vmem>>
      %dma_wait3A_331 = tpu.memref_squeeze %dma_wait3A_330 : memref<1x64xi32, #tpu.memory_space<vmem>> -> memref<64xi32, #tpu.memory_space<vmem>>
      %dma_wait3A_332 = arith.constant 0 : i32
      %dma_wait3A_333 = arith.constant 0 : i32
      %dma_wait3A_334 = tpu.memref_slice %arg6[%add3A, %dma_wait3A_332, %dma_wait3A_333] : memref<32x159x64xi32, #tpu.memory_space<hbm>> -> memref<1x159x64xi32, #tpu.memory_space<hbm>>
      %dma_wait3A_335 = tpu.memref_squeeze %dma_wait3A_334 : memref<1x159x64xi32, #tpu.memory_space<hbm>> -> memref<159x64xi32, #tpu.memory_space<hbm>>
      %dma_wait3A_336 = arith.constant 0 : i32
      %dma_wait3A_337 = tpu.memref_slice %dma_wait3A_335[%add3A_308, %dma_wait3A_336] : memref<159x64xi32, #tpu.memory_space<hbm>> -> memref<1x64xi32, #tpu.memory_space<hbm>>
      %dma_wait3A_338 = tpu.memref_squeeze %dma_wait3A_337 : memref<1x64xi32, #tpu.memory_space<hbm>> -> memref<64xi32, #tpu.memory_space<hbm>>
      %dma_wait3A_339 = arith.constant 0 : i32
      %dma_wait3A_340 = tpu.memref_slice %arg9[%rem3A_306, %dma_wait3A_339] : memref<3x64xi32, #tpu.memory_space<vmem>> -> memref<1x64xi32, #tpu.memory_space<vmem>>
      %dma_wait3A_341 = tpu.memref_squeeze %dma_wait3A_340 : memref<1x64xi32, #tpu.memory_space<vmem>> -> memref<64xi32, #tpu.memory_space<vmem>>
      %dma_wait3A_342 = arith.constant 0 : i32
      %dma_wait3A_343 = arith.constant 0 : i32
      %dma_wait3A_344 = tpu.memref_slice %arg6[%add3A, %dma_wait3A_342, %dma_wait3A_343] : memref<32x159x64xi32, #tpu.memory_space<hbm>> -> memref<1x159x64xi32, #tpu.memory_space<hbm>>
      %dma_wait3A_345 = tpu.memref_squeeze %dma_wait3A_344 : memref<1x159x64xi32, #tpu.memory_space<hbm>> -> memref<159x64xi32, #tpu.memory_space<hbm>>
      %dma_wait3A_346 = arith.constant 0 : i32
      %dma_wait3A_347 = tpu.memref_slice %dma_wait3A_345[%add3A_308, %dma_wait3A_346] : memref<159x64xi32, #tpu.memory_space<hbm>> -> memref<1x64xi32, #tpu.memory_space<hbm>>
      %dma_wait3A_348 = tpu.memref_squeeze %dma_wait3A_347 : memref<1x64xi32, #tpu.memory_space<hbm>> -> memref<64xi32, #tpu.memory_space<hbm>>
      tpu.wait_dma2 semaphore(%arg16 : memref<!tpu.dma_semaphore, #tpu.memory_space<semaphore_mem>>) src(%dma_wait3A_348 : memref<64xi32, #tpu.memory_space<hbm>>) dst(%dma_wait3A_341 : memref<64xi32, #tpu.memory_space<vmem>>)
      %dma_start3A_349 = arith.constant 0 : i32
      %dma_start3A_350 = arith.constant 0 : i32
      %dma_start3A_351 = tpu.memref_slice %arg13[%rem3A_302, %dma_start3A_349, %dma_start3A_350] : memref<2x64x256xf32, #tpu.memory_space<vmem>> -> memref<1x64x256xf32, #tpu.memory_space<vmem>>
      %dma_start3A_352 = tpu.memref_squeeze %dma_start3A_351 : memref<1x64x256xf32, #tpu.memory_space<vmem>> -> memref<64x256xf32, #tpu.memory_space<vmem>>
      %dma_start3A_353 = arith.constant 0 : i32
      %dma_start3A_354 = tpu.memref_slice %arg8[%rem3A_306, %dma_start3A_353] : memref<3x128xi32, #tpu.memory_space<vmem>> -> memref<1x64xi32, #tpu.memory_space<vmem>>
      %dma_start3A_355 = tpu.memref_squeeze %dma_start3A_354 : memref<1x64xi32, #tpu.memory_space<vmem>> -> memref<64xi32, #tpu.memory_space<vmem>>
      %dma_start3A_356 = arith.constant 0 : i32
      %dma_start3A_357 = arith.constant 0 : i32
      %dma_start3A_358 = tpu.memref_slice %arg2[%dma_start3A_356, %dma_start3A_357] : memref<10000x256xf32, #tpu.memory_space<hbm>> -> memref<10000x256xf32, #tpu.memory_space<hbm>>
      tpu.enqueue_indirect_dma source(%dma_start3A_358 : memref<10000x256xf32, #tpu.memory_space<hbm>>) target(%dma_start3A_352 : memref<64x256xf32, #tpu.memory_space<vmem>>) offsets(%dma_start3A_355 : memref<64xi32, #tpu.memory_space<vmem>>) semaphore(%arg17 : memref<!tpu.dma_semaphore, #tpu.memory_space<semaphore_mem>>)
      %add3A_359 = arith.constant 2 : i32
      %add3A_360 = arith.addi %scan3A_295, %add3A_359 : i32
      %add3A_361 = arith.constant 2 : i32
      %add3A_362 = arith.addi %scan3A_295, %add3A_361 : i32
      %rem3A_363 = arith.constant 3 : i32
      %rem3A_364 = arith.remsi %add3A_362, %rem3A_363 : i32
      %dma_start3A_365 = arith.constant 0 : i32
      %dma_start3A_366 = tpu.memref_slice %arg8[%rem3A_364, %dma_start3A_365] : memref<3x128xi32, #tpu.memory_space<vmem>> -> memref<1x128xi32, #tpu.memory_space<vmem>>
      %dma_start3A_367 = tpu.memref_squeeze %dma_start3A_366 : memref<1x128xi32, #tpu.memory_space<vmem>> -> memref<128xi32, #tpu.memory_space<vmem>>
      %dma_start3A_368 = arith.constant 0 : i32
      %dma_start3A_369 = arith.constant 0 : i32
      %dma_start3A_370 = tpu.memref_slice %arg5[%add3A, %dma_start3A_368, %dma_start3A_369] : memref<32x159x128xi32, #tpu.memory_space<hbm>> -> memref<1x159x128xi32, #tpu.memory_space<hbm>>
      %dma_start3A_371 = tpu.memref_squeeze %dma_start3A_370 : memref<1x159x128xi32, #tpu.memory_space<hbm>> -> memref<159x128xi32, #tpu.memory_space<hbm>>
      %dma_start3A_372 = arith.constant 0 : i32
      %dma_start3A_373 = tpu.memref_slice %dma_start3A_371[%add3A_360, %dma_start3A_372] : memref<159x128xi32, #tpu.memory_space<hbm>> -> memref<1x128xi32, #tpu.memory_space<hbm>>
      %dma_start3A_374 = tpu.memref_squeeze %dma_start3A_373 : memref<1x128xi32, #tpu.memory_space<hbm>> -> memref<128xi32, #tpu.memory_space<hbm>>
      %dma_start3A_375 = arith.constant 0 : i32
      %dma_start3A_376 = tpu.memref_slice %arg8[%rem3A_364, %dma_start3A_375] : memref<3x128xi32, #tpu.memory_space<vmem>> -> memref<1x128xi32, #tpu.memory_space<vmem>>
      %dma_start3A_377 = tpu.memref_squeeze %dma_start3A_376 : memref<1x128xi32, #tpu.memory_space<vmem>> -> memref<128xi32, #tpu.memory_space<vmem>>
      %dma_start3A_378 = arith.constant 0 : i32
      %dma_start3A_379 = arith.constant 0 : i32
      %dma_start3A_380 = tpu.memref_slice %arg5[%add3A, %dma_start3A_378, %dma_start3A_379] : memref<32x159x128xi32, #tpu.memory_space<hbm>> -> memref<1x159x128xi32, #tpu.memory_space<hbm>>
      %dma_start3A_381 = tpu.memref_squeeze %dma_start3A_380 : memref<1x159x128xi32, #tpu.memory_space<hbm>> -> memref<159x128xi32, #tpu.memory_space<hbm>>
      %dma_start3A_382 = arith.constant 0 : i32
      %dma_start3A_383 = tpu.memref_slice %dma_start3A_381[%add3A_360, %dma_start3A_382] : memref<159x128xi32, #tpu.memory_space<hbm>> -> memref<1x128xi32, #tpu.memory_space<hbm>>
      %dma_start3A_384 = tpu.memref_squeeze %dma_start3A_383 : memref<1x128xi32, #tpu.memory_space<hbm>> -> memref<128xi32, #tpu.memory_space<hbm>>
      tpu.enqueue_dma source(%dma_start3A_384 : memref<128xi32, #tpu.memory_space<hbm>>) target(%dma_start3A_377 : memref<128xi32, #tpu.memory_space<vmem>>) target_semaphore(%arg16 : memref<!tpu.dma_semaphore, #tpu.memory_space<semaphore_mem>>)
      %dma_start3A_385 = arith.constant 0 : i32
      %dma_start3A_386 = tpu.memref_slice %arg9[%rem3A_364, %dma_start3A_385] : memref<3x64xi32, #tpu.memory_space<vmem>> -> memref<1x64xi32, #tpu.memory_space<vmem>>
      %dma_start3A_387 = tpu.memref_squeeze %dma_start3A_386 : memref<1x64xi32, #tpu.memory_space<vmem>> -> memref<64xi32, #tpu.memory_space<vmem>>
      %dma_start3A_388 = arith.constant 0 : i32
      %dma_start3A_389 = arith.constant 0 : i32
      %dma_start3A_390 = tpu.memref_slice %arg6[%add3A, %dma_start3A_388, %dma_start3A_389] : memref<32x159x64xi32, #tpu.memory_space<hbm>> -> memref<1x159x64xi32, #tpu.memory_space<hbm>>
      %dma_start3A_391 = tpu.memref_squeeze %dma_start3A_390 : memref<1x159x64xi32, #tpu.memory_space<hbm>> -> memref<159x64xi32, #tpu.memory_space<hbm>>
      %dma_start3A_392 = arith.constant 0 : i32
      %dma_start3A_393 = tpu.memref_slice %dma_start3A_391[%add3A_360, %dma_start3A_392] : memref<159x64xi32, #tpu.memory_space<hbm>> -> memref<1x64xi32, #tpu.memory_space<hbm>>
      %dma_start3A_394 = tpu.memref_squeeze %dma_start3A_393 : memref<1x64xi32, #tpu.memory_space<hbm>> -> memref<64xi32, #tpu.memory_space<hbm>>
      %dma_start3A_395 = arith.constant 0 : i32
      %dma_start3A_396 = tpu.memref_slice %arg9[%rem3A_364, %dma_start3A_395] : memref<3x64xi32, #tpu.memory_space<vmem>> -> memref<1x64xi32, #tpu.memory_space<vmem>>
      %dma_start3A_397 = tpu.memref_squeeze %dma_start3A_396 : memref<1x64xi32, #tpu.memory_space<vmem>> -> memref<64xi32, #tpu.memory_space<vmem>>
      %dma_start3A_398 = arith.constant 0 : i32
      %dma_start3A_399 = arith.constant 0 : i32
      %dma_start3A_400 = tpu.memref_slice %arg6[%add3A, %dma_start3A_398, %dma_start3A_399] : memref<32x159x64xi32, #tpu.memory_space<hbm>> -> memref<1x159x64xi32, #tpu.memory_space<hbm>>
      %dma_start3A_401 = tpu.memref_squeeze %dma_start3A_400 : memref<1x159x64xi32, #tpu.memory_space<hbm>> -> memref<159x64xi32, #tpu.memory_space<hbm>>
      %dma_start3A_402 = arith.constant 0 : i32
      %dma_start3A_403 = tpu.memref_slice %dma_start3A_401[%add3A_360, %dma_start3A_402] : memref<159x64xi32, #tpu.memory_space<hbm>> -> memref<1x64xi32, #tpu.memory_space<hbm>>
      %dma_start3A_404 = tpu.memref_squeeze %dma_start3A_403 : memref<1x64xi32, #tpu.memory_space<hbm>> -> memref<64xi32, #tpu.memory_space<hbm>>
      tpu.enqueue_dma source(%dma_start3A_404 : memref<64xi32, #tpu.memory_space<hbm>>) target(%dma_start3A_397 : memref<64xi32, #tpu.memory_space<vmem>>) target_semaphore(%arg16 : memref<!tpu.dma_semaphore, #tpu.memory_space<semaphore_mem>>)
      %dma_wait3A_405 = arith.constant 0 : i32
      %dma_wait3A_406 = arith.constant 0 : i32
      %dma_wait3A_407 = tpu.memref_slice %arg13[%rem3A_296, %dma_wait3A_405, %dma_wait3A_406] : memref<2x64x256xf32, #tpu.memory_space<vmem>> -> memref<1x64x256xf32, #tpu.memory_space<vmem>>
      %dma_wait3A_408 = tpu.memref_squeeze %dma_wait3A_407 : memref<1x64x256xf32, #tpu.memory_space<vmem>> -> memref<64x256xf32, #tpu.memory_space<vmem>>
      %dma_wait3A_409 = arith.constant 0 : i32
      %dma_wait3A_410 = tpu.memref_slice %arg8[%rem3A_298, %dma_wait3A_409] : memref<3x128xi32, #tpu.memory_space<vmem>> -> memref<1x64xi32, #tpu.memory_space<vmem>>
      %dma_wait3A_411 = tpu.memref_squeeze %dma_wait3A_410 : memref<1x64xi32, #tpu.memory_space<vmem>> -> memref<64xi32, #tpu.memory_space<vmem>>
      %dma_wait3A_412 = arith.constant 0 : i32
      %dma_wait3A_413 = arith.constant 0 : i32
      %dma_wait3A_414 = tpu.memref_slice %arg2[%dma_wait3A_412, %dma_wait3A_413] : memref<10000x256xf32, #tpu.memory_space<hbm>> -> memref<10000x256xf32, #tpu.memory_space<hbm>>
      tpu.wait_indirect_dma semaphore(%arg17 : memref<!tpu.dma_semaphore, #tpu.memory_space<semaphore_mem>>) src(%dma_wait3A_414 : memref<10000x256xf32, #tpu.memory_space<hbm>>) dst(%dma_wait3A_408 : memref<64x256xf32, #tpu.memory_space<vmem>>)
      %dma_wait3A_415 = arith.constant 0 : i32
      %dma_wait3A_416 = arith.constant 0 : i32
      %dma_wait3A_417 = tpu.memref_slice %arg15[%dma_wait3A_415, %dma_wait3A_416] : memref<10016x128xf32, #tpu.memory_space<vmem_shared>> -> memref<10016x128xf32, #tpu.memory_space<vmem_shared>>
      tpu.wait_indirect_dma semaphore(%arg18 : memref<!tpu.dma_semaphore, #tpu.memory_space<semaphore_mem>>) src(%arg14 : memref<64x128xf32, #tpu.memory_space<vmem>>) dst(%dma_wait3A_417 : memref<10016x128xf32, #tpu.memory_space<vmem_shared>>)
      %scan3A_418 = arith.constant 0 : i32
      %scan3A_419 = arith.constant 0 : i32
      %scan3A_420 = arith.constant 4 : i32
      %scan3A_421 = arith.addi %scan3A_419, %scan3A_420 : i32
      %scan3A_422 = arith.constant 1 : i32
      scf.for %scan3A_430 = %scan3A_419 to %scan3A_421 step %scan3A_422  : i32 {
        %mul3A_431 = arith.constant 16 : i32
        %mul3A_432 = arith.muli %scan3A_430, %mul3A_431 : i32
        %add3A_433 = arith.constant 64 : i32
        %add3A_434 = arith.addi %add3A_433, %mul3A_432 : i32
        %get3A = arith.index_cast %rem3A_298 : i32 to index
        %get3A_435 = arith.index_cast %add3A_434 : i32 to index
        %get3A_436 = tpu.vector_load %arg8[%get3A, %get3A_435] {strides = array<i32>} : memref<3x128xi32, #tpu.memory_space<vmem>>, vector<16xi32>,
        %gather3A = tpu.vector_load_idx %arg10[%get3A_436] : memref<256xf32, #tpu.memory_space<vmem>>[vector<16xi32>], vector<16xf32>,
        %gather3A_437 = tpu.vector_load_idx %arg11[%get3A_436] : memref<256xf32, #tpu.memory_space<vmem>>[vector<16xi32>], vector<16xf32>,
        %slice3A = vector.extract_strided_slice %gather3A {offsets = [0], sizes = [1], strides = [1]} : vector<16xf32> to vector<1xf32>
        %squeeze3A = vector.extract %slice3A[0] : f32 from vector<1xf32>
        %broadcast_in_dim3A_438 = vector.broadcast %squeeze3A : f32 to vector<16xf32>
        %slice3A_439 = vector.extract_strided_slice %gather3A_437 {offsets = [0], sizes = [1], strides = [1]} : vector<16xf32> to vector<1xf32>
        %squeeze3A_440 = vector.extract %slice3A_439[0] : f32 from vector<1xf32>
        %broadcast_in_dim3A_441 = vector.broadcast %squeeze3A_440 : f32 to vector<16xf32>
        %slice3A_442 = vector.extract_strided_slice %gather3A {offsets = [1], sizes = [1], strides = [1]} : vector<16xf32> to vector<1xf32>
        %squeeze3A_443 = vector.extract %slice3A_442[0] : f32 from vector<1xf32>
        %broadcast_in_dim3A_444 = vector.broadcast %squeeze3A_443 : f32 to vector<16xf32>
        %slice3A_445 = vector.extract_strided_slice %gather3A_437 {offsets = [1], sizes = [1], strides = [1]} : vector<16xf32> to vector<1xf32>
        %squeeze3A_446 = vector.extract %slice3A_445[0] : f32 from vector<1xf32>
        %broadcast_in_dim3A_447 = vector.broadcast %squeeze3A_446 : f32 to vector<16xf32>
        %add3A_448 = arith.constant 0 : i32
        %add3A_449 = arith.addi %mul3A_432, %add3A_448 : i32
        %add3A_450 = arith.constant 0 : i32
        %add3A_451 = arith.addi %add3A_449, %add3A_450 : i32
        %get3A_452 = arith.index_cast %rem3A_296 : i32 to index
        %get3A_453 = arith.index_cast %add3A_451 : i32 to index
        %get3A_454 = arith.constant 0 : index
        %get3A_455 = tpu.vector_load %arg13[%get3A_452, %get3A_453, %get3A_454] {strides = array<i32>} : memref<2x64x256xf32, #tpu.memory_space<vmem>>, vector<16xf32>,
        %mul3A_456 = arith.mulf %get3A_455, %broadcast_in_dim3A_438 : vector<16xf32>
        %get3A_457 = arith.index_cast %rem3A_296 : i32 to index
        %get3A_458 = arith.index_cast %add3A_451 : i32 to index
        %get3A_459 = arith.constant 128 : index
        %get3A_460 = tpu.vector_load %arg13[%get3A_457, %get3A_458, %get3A_459] {strides = array<i32>} : memref<2x64x256xf32, #tpu.memory_space<vmem>>, vector<16xf32>,
        %mul3A_461 = arith.mulf %get3A_460, %broadcast_in_dim3A_441 : vector<16xf32>
        %add3A_462 = arith.addf %mul3A_456, %mul3A_461 : vector<16xf32>
        %add3A_463 = arith.constant 0 : i32
        %add3A_464 = arith.addi %mul3A_432, %add3A_463 : i32
        %add3A_465 = arith.constant 1 : i32
        %add3A_466 = arith.addi %add3A_464, %add3A_465 : i32
        %get3A_467 = arith.index_cast %rem3A_296 : i32 to index
        %get3A_468 = arith.index_cast %add3A_466 : i32 to index
        %get3A_469 = arith.constant 0 : index
        %get3A_470 = tpu.vector_load %arg13[%get3A_467, %get3A_468, %get3A_469] {strides = array<i32>} : memref<2x64x256xf32, #tpu.memory_space<vmem>>, vector<16xf32>,
        %mul3A_471 = arith.mulf %get3A_470, %broadcast_in_dim3A_444 : vector<16xf32>
        %get3A_472 = arith.index_cast %rem3A_296 : i32 to index
        %get3A_473 = arith.index_cast %add3A_466 : i32 to index
        %get3A_474 = arith.constant 128 : index
        %get3A_475 = tpu.vector_load %arg13[%get3A_472, %get3A_473, %get3A_474] {strides = array<i32>} : memref<2x64x256xf32, #tpu.memory_space<vmem>>, vector<16xf32>,
        %mul3A_476 = arith.mulf %get3A_475, %broadcast_in_dim3A_447 : vector<16xf32>
        %add3A_477 = arith.addf %mul3A_471, %mul3A_476 : vector<16xf32>
        %add3A_478 = arith.constant 0 : i32
        %add3A_479 = arith.addi %mul3A_432, %add3A_478 : i32
        %add3A_480 = arith.constant 0 : i32
        %add3A_481 = arith.addi %add3A_479, %add3A_480 : i32
        %get3A_482 = arith.index_cast %rem3A_296 : i32 to index
        %get3A_483 = arith.index_cast %add3A_481 : i32 to index
        %get3A_484 = arith.constant 16 : index
        %get3A_485 = tpu.vector_load %arg13[%get3A_482, %get3A_483, %get3A_484] {strides = array<i32>} : memref<2x64x256xf32, #tpu.memory_space<vmem>>, vector<16xf32>,
        %mul3A_486 = arith.mulf %get3A_485, %broadcast_in_dim3A_438 : vector<16xf32>
        %get3A_487 = arith.index_cast %rem3A_296 : i32 to index
        %get3A_488 = arith.index_cast %add3A_481 : i32 to index
        %get3A_489 = arith.constant 144 : index
        %get3A_490 = tpu.vector_load %arg13[%get3A_487, %get3A_488, %get3A_489] {strides = array<i32>} : memref<2x64x256xf32, #tpu.memory_space<vmem>>, vector<16xf32>,
        %mul3A_491 = arith.mulf %get3A_490, %broadcast_in_dim3A_441 : vector<16xf32>
        %add3A_492 = arith.addf %mul3A_486, %mul3A_491 : vector<16xf32>
        %add3A_493 = arith.constant 0 : i32
        %add3A_494 = arith.addi %mul3A_432, %add3A_493 : i32
        %add3A_495 = arith.constant 1 : i32
        %add3A_496 = arith.addi %add3A_494, %add3A_495 : i32
        %get3A_497 = arith.index_cast %rem3A_296 : i32 to index
        %get3A_498 = arith.index_cast %add3A_496 : i32 to index
        %get3A_499 = arith.constant 16 : index
        %get3A_500 = tpu.vector_load %arg13[%get3A_497, %get3A_498, %get3A_499] {strides = array<i32>} : memref<2x64x256xf32, #tpu.memory_space<vmem>>, vector<16xf32>,
        %mul3A_501 = arith.mulf %get3A_500, %broadcast_in_dim3A_444 : vector<16xf32>
        %get3A_502 = arith.index_cast %rem3A_296 : i32 to index
        %get3A_503 = arith.index_cast %add3A_496 : i32 to index
        %get3A_504 = arith.constant 144 : index
        %get3A_505 = tpu.vector_load %arg13[%get3A_502, %get3A_503, %get3A_504] {strides = array<i32>} : memref<2x64x256xf32, #tpu.memory_space<vmem>>, vector<16xf32>,
        %mul3A_506 = arith.mulf %get3A_505, %broadcast_in_dim3A_447 : vector<16xf32>
        %add3A_507 = arith.addf %mul3A_501, %mul3A_506 : vector<16xf32>
        %add3A_508 = arith.constant 0 : i32
        %add3A_509 = arith.addi %mul3A_432, %add3A_508 : i32
        %add3A_510 = arith.constant 0 : i32
        %add3A_511 = arith.addi %add3A_509, %add3A_510 : i32
        %get3A_512 = arith.index_cast %rem3A_296 : i32 to index
        %get3A_513 = arith.index_cast %add3A_511 : i32 to index
        %get3A_514 = arith.constant 32 : index
        %get3A_515 = tpu.vector_load %arg13[%get3A_512, %get3A_513, %get3A_514] {strides = array<i32>} : memref<2x64x256xf32, #tpu.memory_space<vmem>>, vector<16xf32>,
        %mul3A_516 = arith.mulf %get3A_515, %broadcast_in_dim3A_438 : vector<16xf32>
        %get3A_517 = arith.index_cast %rem3A_296 : i32 to index
        %get3A_518 = arith.index_cast %add3A_511 : i32 to index
        %get3A_519 = arith.constant 160 : index
        %get3A_520 = tpu.vector_load %arg13[%get3A_517, %get3A_518, %get3A_519] {strides = array<i32>} : memref<2x64x256xf32, #tpu.memory_space<vmem>>, vector<16xf32>,
        %mul3A_521 = arith.mulf %get3A_520, %broadcast_in_dim3A_441 : vector<16xf32>
        %add3A_522 = arith.addf %mul3A_516, %mul3A_521 : vector<16xf32>
        %add3A_523 = arith.constant 0 : i32
        %add3A_524 = arith.addi %mul3A_432, %add3A_523 : i32
        %add3A_525 = arith.constant 1 : i32
        %add3A_526 = arith.addi %add3A_524, %add3A_525 : i32
        %get3A_527 = arith.index_cast %rem3A_296 : i32 to index
        %get3A_528 = arith.index_cast %add3A_526 : i32 to index
        %get3A_529 = arith.constant 32 : index
        %get3A_530 = tpu.vector_load %arg13[%get3A_527, %get3A_528, %get3A_529] {strides = array<i32>} : memref<2x64x256xf32, #tpu.memory_space<vmem>>, vector<16xf32>,
        %mul3A_531 = arith.mulf %get3A_530, %broadcast_in_dim3A_444 : vector<16xf32>
        %get3A_532 = arith.index_cast %rem3A_296 : i32 to index
        %get3A_533 = arith.index_cast %add3A_526 : i32 to index
        %get3A_534 = arith.constant 160 : index
        %get3A_535 = tpu.vector_load %arg13[%get3A_532, %get3A_533, %get3A_534] {strides = array<i32>} : memref<2x64x256xf32, #tpu.memory_space<vmem>>, vector<16xf32>,
        %mul3A_536 = arith.mulf %get3A_535, %broadcast_in_dim3A_447 : vector<16xf32>
        %add3A_537 = arith.addf %mul3A_531, %mul3A_536 : vector<16xf32>
        %add3A_538 = arith.constant 0 : i32
        %add3A_539 = arith.addi %mul3A_432, %add3A_538 : i32
        %add3A_540 = arith.constant 0 : i32
        %add3A_541 = arith.addi %add3A_539, %add3A_540 : i32
        %get3A_542 = arith.index_cast %rem3A_296 : i32 to index
        %get3A_543 = arith.index_cast %add3A_541 : i32 to index
        %get3A_544 = arith.constant 48 : index
        %get3A_545 = tpu.vector_load %arg13[%get3A_542, %get3A_543, %get3A_544] {strides = array<i32>} : memref<2x64x256xf32, #tpu.memory_space<vmem>>, vector<16xf32>,
        %mul3A_546 = arith.mulf %get3A_545, %broadcast_in_dim3A_438 : vector<16xf32>
        %get3A_547 = arith.index_cast %rem3A_296 : i32 to index
        %get3A_548 = arith.index_cast %add3A_541 : i32 to index
        %get3A_549 = arith.constant 176 : index
        %get3A_550 = tpu.vector_load %arg13[%get3A_547, %get3A_548, %get3A_549] {strides = array<i32>} : memref<2x64x256xf32, #tpu.memory_space<vmem>>, vector<16xf32>,
        %mul3A_551 = arith.mulf %get3A_550, %broadcast_in_dim3A_441 : vector<16xf32>
        %add3A_552 = arith.addf %mul3A_546, %mul3A_551 : vector<16xf32>
        %add3A_553 = arith.constant 0 : i32
        %add3A_554 = arith.addi %mul3A_432, %add3A_553 : i32
        %add3A_555 = arith.constant 1 : i32
        %add3A_556 = arith.addi %add3A_554, %add3A_555 : i32
        %get3A_557 = arith.index_cast %rem3A_296 : i32 to index
        %get3A_558 = arith.index_cast %add3A_556 : i32 to index
        %get3A_559 = arith.constant 48 : index
        %get3A_560 = tpu.vector_load %arg13[%get3A_557, %get3A_558, %get3A_559] {strides = array<i32>} : memref<2x64x256xf32, #tpu.memory_space<vmem>>, vector<16xf32>,
        %mul3A_561 = arith.mulf %get3A_560, %broadcast_in_dim3A_444 : vector<16xf32>
        %get3A_562 = arith.index_cast %rem3A_296 : i32 to index
        %get3A_563 = arith.index_cast %add3A_556 : i32 to index
        %get3A_564 = arith.constant 176 : index
        %get3A_565 = tpu.vector_load %arg13[%get3A_562, %get3A_563, %get3A_564] {strides = array<i32>} : memref<2x64x256xf32, #tpu.memory_space<vmem>>, vector<16xf32>,
        %mul3A_566 = arith.mulf %get3A_565, %broadcast_in_dim3A_447 : vector<16xf32>
        %add3A_567 = arith.addf %mul3A_561, %mul3A_566 : vector<16xf32>
        %add3A_568 = arith.constant 0 : i32
        %add3A_569 = arith.addi %mul3A_432, %add3A_568 : i32
        %add3A_570 = arith.constant 0 : i32
        %add3A_571 = arith.addi %add3A_569, %add3A_570 : i32
        %get3A_572 = arith.index_cast %rem3A_296 : i32 to index
        %get3A_573 = arith.index_cast %add3A_571 : i32 to index
        %get3A_574 = arith.constant 64 : index
        %get3A_575 = tpu.vector_load %arg13[%get3A_572, %get3A_573, %get3A_574] {strides = array<i32>} : memref<2x64x256xf32, #tpu.memory_space<vmem>>, vector<16xf32>,
        %mul3A_576 = arith.mulf %get3A_575, %broadcast_in_dim3A_438 : vector<16xf32>
        %get3A_577 = arith.index_cast %rem3A_296 : i32 to index
        %get3A_578 = arith.index_cast %add3A_571 : i32 to index
        %get3A_579 = arith.constant 192 : index
        %get3A_580 = tpu.vector_load %arg13[%get3A_577, %get3A_578, %get3A_579] {strides = array<i32>} : memref<2x64x256xf32, #tpu.memory_space<vmem>>, vector<16xf32>,
        %mul3A_581 = arith.mulf %get3A_580, %broadcast_in_dim3A_441 : vector<16xf32>
        %add3A_582 = arith.addf %mul3A_576, %mul3A_581 : vector<16xf32>
        %add3A_583 = arith.constant 0 : i32
        %add3A_584 = arith.addi %mul3A_432, %add3A_583 : i32
        %add3A_585 = arith.constant 1 : i32
        %add3A_586 = arith.addi %add3A_584, %add3A_585 : i32
        %get3A_587 = arith.index_cast %rem3A_296 : i32 to index
        %get3A_588 = arith.index_cast %add3A_586 : i32 to index
        %get3A_589 = arith.constant 64 : index
        %get3A_590 = tpu.vector_load %arg13[%get3A_587, %get3A_588, %get3A_589] {strides = array<i32>} : memref<2x64x256xf32, #tpu.memory_space<vmem>>, vector<16xf32>,
        %mul3A_591 = arith.mulf %get3A_590, %broadcast_in_dim3A_444 : vector<16xf32>
        %get3A_592 = arith.index_cast %rem3A_296 : i32 to index
        %get3A_593 = arith.index_cast %add3A_586 : i32 to index
        %get3A_594 = arith.constant 192 : index
        %get3A_595 = tpu.vector_load %arg13[%get3A_592, %get3A_593, %get3A_594] {strides = array<i32>} : memref<2x64x256xf32, #tpu.memory_space<vmem>>, vector<16xf32>,
        %mul3A_596 = arith.mulf %get3A_595, %broadcast_in_dim3A_447 : vector<16xf32>
        %add3A_597 = arith.addf %mul3A_591, %mul3A_596 : vector<16xf32>
        %add3A_598 = arith.constant 0 : i32
        %add3A_599 = arith.addi %mul3A_432, %add3A_598 : i32
        %add3A_600 = arith.constant 0 : i32
        %add3A_601 = arith.addi %add3A_599, %add3A_600 : i32
        %get3A_602 = arith.index_cast %rem3A_296 : i32 to index
        %get3A_603 = arith.index_cast %add3A_601 : i32 to index
        %get3A_604 = arith.constant 80 : index
        %get3A_605 = tpu.vector_load %arg13[%get3A_602, %get3A_603, %get3A_604] {strides = array<i32>} : memref<2x64x256xf32, #tpu.memory_space<vmem>>, vector<16xf32>,
        %mul3A_606 = arith.mulf %get3A_605, %broadcast_in_dim3A_438 : vector<16xf32>
        %get3A_607 = arith.index_cast %rem3A_296 : i32 to index
        %get3A_608 = arith.index_cast %add3A_601 : i32 to index
        %get3A_609 = arith.constant 208 : index
        %get3A_610 = tpu.vector_load %arg13[%get3A_607, %get3A_608, %get3A_609] {strides = array<i32>} : memref<2x64x256xf32, #tpu.memory_space<vmem>>, vector<16xf32>,
        %mul3A_611 = arith.mulf %get3A_610, %broadcast_in_dim3A_441 : vector<16xf32>
        %add3A_612 = arith.addf %mul3A_606, %mul3A_611 : vector<16xf32>
        %add3A_613 = arith.constant 0 : i32
        %add3A_614 = arith.addi %mul3A_432, %add3A_613 : i32
        %add3A_615 = arith.constant 1 : i32
        %add3A_616 = arith.addi %add3A_614, %add3A_615 : i32
        %get3A_617 = arith.index_cast %rem3A_296 : i32 to index
        %get3A_618 = arith.index_cast %add3A_616 : i32 to index
        %get3A_619 = arith.constant 80 : index
        %get3A_620 = tpu.vector_load %arg13[%get3A_617, %get3A_618, %get3A_619] {strides = array<i32>} : memref<2x64x256xf32, #tpu.memory_space<vmem>>, vector<16xf32>,
        %mul3A_621 = arith.mulf %get3A_620, %broadcast_in_dim3A_444 : vector<16xf32>
        %get3A_622 = arith.index_cast %rem3A_296 : i32 to index
        %get3A_623 = arith.index_cast %add3A_616 : i32 to index
        %get3A_624 = arith.constant 208 : index
        %get3A_625 = tpu.vector_load %arg13[%get3A_622, %get3A_623, %get3A_624] {strides = array<i32>} : memref<2x64x256xf32, #tpu.memory_space<vmem>>, vector<16xf32>,
        %mul3A_626 = arith.mulf %get3A_625, %broadcast_in_dim3A_447 : vector<16xf32>
        %add3A_627 = arith.addf %mul3A_621, %mul3A_626 : vector<16xf32>
        %add3A_628 = arith.constant 0 : i32
        %add3A_629 = arith.addi %mul3A_432, %add3A_628 : i32
        %add3A_630 = arith.constant 0 : i32
        %add3A_631 = arith.addi %add3A_629, %add3A_630 : i32
        %get3A_632 = arith.index_cast %rem3A_296 : i32 to index
        %get3A_633 = arith.index_cast %add3A_631 : i32 to index
        %get3A_634 = arith.constant 96 : index
        %get3A_635 = tpu.vector_load %arg13[%get3A_632, %get3A_633, %get3A_634] {strides = array<i32>} : memref<2x64x256xf32, #tpu.memory_space<vmem>>, vector<16xf32>,
        %mul3A_636 = arith.mulf %get3A_635, %broadcast_in_dim3A_438 : vector<16xf32>
        %get3A_637 = arith.index_cast %rem3A_296 : i32 to index
        %get3A_638 = arith.index_cast %add3A_631 : i32 to index
        %get3A_639 = arith.constant 224 : index
        %get3A_640 = tpu.vector_load %arg13[%get3A_637, %get3A_638, %get3A_639] {strides = array<i32>} : memref<2x64x256xf32, #tpu.memory_space<vmem>>, vector<16xf32>,
        %mul3A_641 = arith.mulf %get3A_640, %broadcast_in_dim3A_441 : vector<16xf32>
        %add3A_642 = arith.addf %mul3A_636, %mul3A_641 : vector<16xf32>
        %add3A_643 = arith.constant 0 : i32
        %add3A_644 = arith.addi %mul3A_432, %add3A_643 : i32
        %add3A_645 = arith.constant 1 : i32
        %add3A_646 = arith.addi %add3A_644, %add3A_645 : i32
        %get3A_647 = arith.index_cast %rem3A_296 : i32 to index
        %get3A_648 = arith.index_cast %add3A_646 : i32 to index
        %get3A_649 = arith.constant 96 : index
        %get3A_650 = tpu.vector_load %arg13[%get3A_647, %get3A_648, %get3A_649] {strides = array<i32>} : memref<2x64x256xf32, #tpu.memory_space<vmem>>, vector<16xf32>,
        %mul3A_651 = arith.mulf %get3A_650, %broadcast_in_dim3A_444 : vector<16xf32>
        %get3A_652 = arith.index_cast %rem3A_296 : i32 to index
        %get3A_653 = arith.index_cast %add3A_646 : i32 to index
        %get3A_654 = arith.constant 224 : index
        %get3A_655 = tpu.vector_load %arg13[%get3A_652, %get3A_653, %get3A_654] {strides = array<i32>} : memref<2x64x256xf32, #tpu.memory_space<vmem>>, vector<16xf32>,
        %mul3A_656 = arith.mulf %get3A_655, %broadcast_in_dim3A_447 : vector<16xf32>
        %add3A_657 = arith.addf %mul3A_651, %mul3A_656 : vector<16xf32>
        %add3A_658 = arith.constant 0 : i32
        %add3A_659 = arith.addi %mul3A_432, %add3A_658 : i32
        %add3A_660 = arith.constant 0 : i32
        %add3A_661 = arith.addi %add3A_659, %add3A_660 : i32
        %get3A_662 = arith.index_cast %rem3A_296 : i32 to index
        %get3A_663 = arith.index_cast %add3A_661 : i32 to index
        %get3A_664 = arith.constant 112 : index
        %get3A_665 = tpu.vector_load %arg13[%get3A_662, %get3A_663, %get3A_664] {strides = array<i32>} : memref<2x64x256xf32, #tpu.memory_space<vmem>>, vector<16xf32>,
        %mul3A_666 = arith.mulf %get3A_665, %broadcast_in_dim3A_438 : vector<16xf32>
        %get3A_667 = arith.index_cast %rem3A_296 : i32 to index
        %get3A_668 = arith.index_cast %add3A_661 : i32 to index
        %get3A_669 = arith.constant 240 : index
        %get3A_670 = tpu.vector_load %arg13[%get3A_667, %get3A_668, %get3A_669] {strides = array<i32>} : memref<2x64x256xf32, #tpu.memory_space<vmem>>, vector<16xf32>,
        %mul3A_671 = arith.mulf %get3A_670, %broadcast_in_dim3A_441 : vector<16xf32>
        %add3A_672 = arith.addf %mul3A_666, %mul3A_671 : vector<16xf32>
        %add3A_673 = arith.constant 0 : i32
        %add3A_674 = arith.addi %mul3A_432, %add3A_673 : i32
        %add3A_675 = arith.constant 1 : i32
        %add3A_676 = arith.addi %add3A_674, %add3A_675 : i32
        %get3A_677 = arith.index_cast %rem3A_296 : i32 to index
        %get3A_678 = arith.index_cast %add3A_676 : i32 to index
        %get3A_679 = arith.constant 112 : index
        %get3A_680 = tpu.vector_load %arg13[%get3A_677, %get3A_678, %get3A_679] {strides = array<i32>} : memref<2x64x256xf32, #tpu.memory_space<vmem>>, vector<16xf32>,
        %mul3A_681 = arith.mulf %get3A_680, %broadcast_in_dim3A_444 : vector<16xf32>
        %get3A_682 = arith.index_cast %rem3A_296 : i32 to index
        %get3A_683 = arith.index_cast %add3A_676 : i32 to index
        %get3A_684 = arith.constant 240 : index
        %get3A_685 = tpu.vector_load %arg13[%get3A_682, %get3A_683, %get3A_684] {strides = array<i32>} : memref<2x64x256xf32, #tpu.memory_space<vmem>>, vector<16xf32>,
        %mul3A_686 = arith.mulf %get3A_685, %broadcast_in_dim3A_447 : vector<16xf32>
        %add3A_687 = arith.addf %mul3A_681, %mul3A_686 : vector<16xf32>
        %add3A_688 = arith.constant 0 : i32
        %add3A_689 = arith.addi %mul3A_432, %add3A_688 : i32
        %add3A_690 = arith.constant 0 : i32
        %add3A_691 = arith.addi %add3A_689, %add3A_690 : i32
        %swap3A_692 = arith.index_cast %add3A_691 : i32 to index
        %swap3A_693 = arith.constant 0 : index
        %swap3A_694 = tpu.vector_load %arg14[%swap3A_692, %swap3A_693] {strides = array<i32>} : memref<64x128xf32, #tpu.memory_space<vmem>>, vector<16xf32>,
        tpu.vector_store %arg14[%swap3A_692, %swap3A_693], %add3A_462 {strides = array<i32>} : memref<64x128xf32, #tpu.memory_space<vmem>>, vector<16xf32>,
        %add3A_695 = arith.constant 0 : i32
        %add3A_696 = arith.addi %mul3A_432, %add3A_695 : i32
        %add3A_697 = arith.constant 1 : i32
        %add3A_698 = arith.addi %add3A_696, %add3A_697 : i32
        %swap3A_699 = arith.index_cast %add3A_698 : i32 to index
        %swap3A_700 = arith.constant 0 : index
        %swap3A_701 = tpu.vector_load %arg14[%swap3A_699, %swap3A_700] {strides = array<i32>} : memref<64x128xf32, #tpu.memory_space<vmem>>, vector<16xf32>,
        tpu.vector_store %arg14[%swap3A_699, %swap3A_700], %add3A_477 {strides = array<i32>} : memref<64x128xf32, #tpu.memory_space<vmem>>, vector<16xf32>,
        %add3A_702 = arith.constant 0 : i32
        %add3A_703 = arith.addi %mul3A_432, %add3A_702 : i32
        %add3A_704 = arith.constant 0 : i32
        %add3A_705 = arith.addi %add3A_703, %add3A_704 : i32
        %swap3A_706 = arith.index_cast %add3A_705 : i32 to index
        %swap3A_707 = arith.constant 16 : index
        %swap3A_708 = tpu.vector_load %arg14[%swap3A_706, %swap3A_707] {strides = array<i32>} : memref<64x128xf32, #tpu.memory_space<vmem>>, vector<16xf32>,
        tpu.vector_store %arg14[%swap3A_706, %swap3A_707], %add3A_492 {strides = array<i32>} : memref<64x128xf32, #tpu.memory_space<vmem>>, vector<16xf32>,
        %add3A_709 = arith.constant 0 : i32
        %add3A_710 = arith.addi %mul3A_432, %add3A_709 : i32
        %add3A_711 = arith.constant 1 : i32
        %add3A_712 = arith.addi %add3A_710, %add3A_711 : i32
        %swap3A_713 = arith.index_cast %add3A_712 : i32 to index
        %swap3A_714 = arith.constant 16 : index
        %swap3A_715 = tpu.vector_load %arg14[%swap3A_713, %swap3A_714] {strides = array<i32>} : memref<64x128xf32, #tpu.memory_space<vmem>>, vector<16xf32>,
        tpu.vector_store %arg14[%swap3A_713, %swap3A_714], %add3A_507 {strides = array<i32>} : memref<64x128xf32, #tpu.memory_space<vmem>>, vector<16xf32>,
        %add3A_716 = arith.constant 0 : i32
        %add3A_717 = arith.addi %mul3A_432, %add3A_716 : i32
        %add3A_718 = arith.constant 0 : i32
        %add3A_719 = arith.addi %add3A_717, %add3A_718 : i32
        %swap3A_720 = arith.index_cast %add3A_719 : i32 to index
        %swap3A_721 = arith.constant 32 : index
        %swap3A_722 = tpu.vector_load %arg14[%swap3A_720, %swap3A_721] {strides = array<i32>} : memref<64x128xf32, #tpu.memory_space<vmem>>, vector<16xf32>,
        tpu.vector_store %arg14[%swap3A_720, %swap3A_721], %add3A_522 {strides = array<i32>} : memref<64x128xf32, #tpu.memory_space<vmem>>, vector<16xf32>,
        %add3A_723 = arith.constant 0 : i32
        %add3A_724 = arith.addi %mul3A_432, %add3A_723 : i32
        %add3A_725 = arith.constant 1 : i32
        %add3A_726 = arith.addi %add3A_724, %add3A_725 : i32
        %swap3A_727 = arith.index_cast %add3A_726 : i32 to index
        %swap3A_728 = arith.constant 32 : index
        %swap3A_729 = tpu.vector_load %arg14[%swap3A_727, %swap3A_728] {strides = array<i32>} : memref<64x128xf32, #tpu.memory_space<vmem>>, vector<16xf32>,
        tpu.vector_store %arg14[%swap3A_727, %swap3A_728], %add3A_537 {strides = array<i32>} : memref<64x128xf32, #tpu.memory_space<vmem>>, vector<16xf32>,
        %add3A_730 = arith.constant 0 : i32
        %add3A_731 = arith.addi %mul3A_432, %add3A_730 : i32
        %add3A_732 = arith.constant 0 : i32
        %add3A_733 = arith.addi %add3A_731, %add3A_732 : i32
        %swap3A_734 = arith.index_cast %add3A_733 : i32 to index
        %swap3A_735 = arith.constant 48 : index
        %swap3A_736 = tpu.vector_load %arg14[%swap3A_734, %swap3A_735] {strides = array<i32>} : memref<64x128xf32, #tpu.memory_space<vmem>>, vector<16xf32>,
        tpu.vector_store %arg14[%swap3A_734, %swap3A_735], %add3A_552 {strides = array<i32>} : memref<64x128xf32, #tpu.memory_space<vmem>>, vector<16xf32>,
        %add3A_737 = arith.constant 0 : i32
        %add3A_738 = arith.addi %mul3A_432, %add3A_737 : i32
        %add3A_739 = arith.constant 1 : i32
        %add3A_740 = arith.addi %add3A_738, %add3A_739 : i32
        %swap3A_741 = arith.index_cast %add3A_740 : i32 to index
        %swap3A_742 = arith.constant 48 : index
        %swap3A_743 = tpu.vector_load %arg14[%swap3A_741, %swap3A_742] {strides = array<i32>} : memref<64x128xf32, #tpu.memory_space<vmem>>, vector<16xf32>,
        tpu.vector_store %arg14[%swap3A_741, %swap3A_742], %add3A_567 {strides = array<i32>} : memref<64x128xf32, #tpu.memory_space<vmem>>, vector<16xf32>,
        %add3A_744 = arith.constant 0 : i32
        %add3A_745 = arith.addi %mul3A_432, %add3A_744 : i32
        %add3A_746 = arith.constant 0 : i32
        %add3A_747 = arith.addi %add3A_745, %add3A_746 : i32
        %swap3A_748 = arith.index_cast %add3A_747 : i32 to index
        %swap3A_749 = arith.constant 64 : index
        %swap3A_750 = tpu.vector_load %arg14[%swap3A_748, %swap3A_749] {strides = array<i32>} : memref<64x128xf32, #tpu.memory_space<vmem>>, vector<16xf32>,
        tpu.vector_store %arg14[%swap3A_748, %swap3A_749], %add3A_582 {strides = array<i32>} : memref<64x128xf32, #tpu.memory_space<vmem>>, vector<16xf32>,
        %add3A_751 = arith.constant 0 : i32
        %add3A_752 = arith.addi %mul3A_432, %add3A_751 : i32
        %add3A_753 = arith.constant 1 : i32
        %add3A_754 = arith.addi %add3A_752, %add3A_753 : i32
        %swap3A_755 = arith.index_cast %add3A_754 : i32 to index
        %swap3A_756 = arith.constant 64 : index
        %swap3A_757 = tpu.vector_load %arg14[%swap3A_755, %swap3A_756] {strides = array<i32>} : memref<64x128xf32, #tpu.memory_space<vmem>>, vector<16xf32>,
        tpu.vector_store %arg14[%swap3A_755, %swap3A_756], %add3A_597 {strides = array<i32>} : memref<64x128xf32, #tpu.memory_space<vmem>>, vector<16xf32>,
        %add3A_758 = arith.constant 0 : i32
        %add3A_759 = arith.addi %mul3A_432, %add3A_758 : i32
        %add3A_760 = arith.constant 0 : i32
        %add3A_761 = arith.addi %add3A_759, %add3A_760 : i32
        %swap3A_762 = arith.index_cast %add3A_761 : i32 to index
        %swap3A_763 = arith.constant 80 : index
        %swap3A_764 = tpu.vector_load %arg14[%swap3A_762, %swap3A_763] {strides = array<i32>} : memref<64x128xf32, #tpu.memory_space<vmem>>, vector<16xf32>,
        tpu.vector_store %arg14[%swap3A_762, %swap3A_763], %add3A_612 {strides = array<i32>} : memref<64x128xf32, #tpu.memory_space<vmem>>, vector<16xf32>,
        %add3A_765 = arith.constant 0 : i32
        %add3A_766 = arith.addi %mul3A_432, %add3A_765 : i32
        %add3A_767 = arith.constant 1 : i32
        %add3A_768 = arith.addi %add3A_766, %add3A_767 : i32
        %swap3A_769 = arith.index_cast %add3A_768 : i32 to index
        %swap3A_770 = arith.constant 80 : index
        %swap3A_771 = tpu.vector_load %arg14[%swap3A_769, %swap3A_770] {strides = array<i32>} : memref<64x128xf32, #tpu.memory_space<vmem>>, vector<16xf32>,
        tpu.vector_store %arg14[%swap3A_769, %swap3A_770], %add3A_627 {strides = array<i32>} : memref<64x128xf32, #tpu.memory_space<vmem>>, vector<16xf32>,
        %add3A_772 = arith.constant 0 : i32
        %add3A_773 = arith.addi %mul3A_432, %add3A_772 : i32
        %add3A_774 = arith.constant 0 : i32
        %add3A_775 = arith.addi %add3A_773, %add3A_774 : i32
        %swap3A_776 = arith.index_cast %add3A_775 : i32 to index
        %swap3A_777 = arith.constant 96 : index
        %swap3A_778 = tpu.vector_load %arg14[%swap3A_776, %swap3A_777] {strides = array<i32>} : memref<64x128xf32, #tpu.memory_space<vmem>>, vector<16xf32>,
        tpu.vector_store %arg14[%swap3A_776, %swap3A_777], %add3A_642 {strides = array<i32>} : memref<64x128xf32, #tpu.memory_space<vmem>>, vector<16xf32>,
        %add3A_779 = arith.constant 0 : i32
        %add3A_780 = arith.addi %mul3A_432, %add3A_779 : i32
        %add3A_781 = arith.constant 1 : i32
        %add3A_782 = arith.addi %add3A_780, %add3A_781 : i32
        %swap3A_783 = arith.index_cast %add3A_782 : i32 to index
        %swap3A_784 = arith.constant 96 : index
        %swap3A_785 = tpu.vector_load %arg14[%swap3A_783, %swap3A_784] {strides = array<i32>} : memref<64x128xf32, #tpu.memory_space<vmem>>, vector<16xf32>,
        tpu.vector_store %arg14[%swap3A_783, %swap3A_784], %add3A_657 {strides = array<i32>} : memref<64x128xf32, #tpu.memory_space<vmem>>, vector<16xf32>,
        %add3A_786 = arith.constant 0 : i32
        %add3A_787 = arith.addi %mul3A_432, %add3A_786 : i32
        %add3A_788 = arith.constant 0 : i32
        %add3A_789 = arith.addi %add3A_787, %add3A_788 : i32
        %swap3A_790 = arith.index_cast %add3A_789 : i32 to index
        %swap3A_791 = arith.constant 112 : index
        %swap3A_792 = tpu.vector_load %arg14[%swap3A_790, %swap3A_791] {strides = array<i32>} : memref<64x128xf32, #tpu.memory_space<vmem>>, vector<16xf32>,
        tpu.vector_store %arg14[%swap3A_790, %swap3A_791], %add3A_672 {strides = array<i32>} : memref<64x128xf32, #tpu.memory_space<vmem>>, vector<16xf32>,
        %add3A_793 = arith.constant 0 : i32
        %add3A_794 = arith.addi %mul3A_432, %add3A_793 : i32
        %add3A_795 = arith.constant 1 : i32
        %add3A_796 = arith.addi %add3A_794, %add3A_795 : i32
        %swap3A_797 = arith.index_cast %add3A_796 : i32 to index
        %swap3A_798 = arith.constant 112 : index
        %swap3A_799 = tpu.vector_load %arg14[%swap3A_797, %swap3A_798] {strides = array<i32>} : memref<64x128xf32, #tpu.memory_space<vmem>>, vector<16xf32>,
        tpu.vector_store %arg14[%swap3A_797, %swap3A_798], %add3A_687 {strides = array<i32>} : memref<64x128xf32, #tpu.memory_space<vmem>>, vector<16xf32>,
        %slice3A_800 = vector.extract_strided_slice %gather3A {offsets = [2], sizes = [1], strides = [1]} : vector<16xf32> to vector<1xf32>
        %squeeze3A_801 = vector.extract %slice3A_800[0] : f32 from vector<1xf32>
        %broadcast_in_dim3A_802 = vector.broadcast %squeeze3A_801 : f32 to vector<16xf32>
        %slice3A_803 = vector.extract_strided_slice %gather3A_437 {offsets = [2], sizes = [1], strides = [1]} : vector<16xf32> to vector<1xf32>
        %squeeze3A_804 = vector.extract %slice3A_803[0] : f32 from vector<1xf32>
        %broadcast_in_dim3A_805 = vector.broadcast %squeeze3A_804 : f32 to vector<16xf32>
        %slice3A_806 = vector.extract_strided_slice %gather3A {offsets = [3], sizes = [1], strides = [1]} : vector<16xf32> to vector<1xf32>
        %squeeze3A_807 = vector.extract %slice3A_806[0] : f32 from vector<1xf32>
        %broadcast_in_dim3A_808 = vector.broadcast %squeeze3A_807 : f32 to vector<16xf32>
        %slice3A_809 = vector.extract_strided_slice %gather3A_437 {offsets = [3], sizes = [1], strides = [1]} : vector<16xf32> to vector<1xf32>
        %squeeze3A_810 = vector.extract %slice3A_809[0] : f32 from vector<1xf32>
        %broadcast_in_dim3A_811 = vector.broadcast %squeeze3A_810 : f32 to vector<16xf32>
        %add3A_812 = arith.constant 2 : i32
        %add3A_813 = arith.addi %mul3A_432, %add3A_812 : i32
        %add3A_814 = arith.constant 0 : i32
        %add3A_815 = arith.addi %add3A_813, %add3A_814 : i32
        %get3A_816 = arith.index_cast %rem3A_296 : i32 to index
        %get3A_817 = arith.index_cast %add3A_815 : i32 to index
        %get3A_818 = arith.constant 0 : index
        %get3A_819 = tpu.vector_load %arg13[%get3A_816, %get3A_817, %get3A_818] {strides = array<i32>} : memref<2x64x256xf32, #tpu.memory_space<vmem>>, vector<16xf32>,
        %mul3A_820 = arith.mulf %get3A_819, %broadcast_in_dim3A_802 : vector<16xf32>
        %get3A_821 = arith.index_cast %rem3A_296 : i32 to index
        %get3A_822 = arith.index_cast %add3A_815 : i32 to index
        %get3A_823 = arith.constant 128 : index
        %get3A_824 = tpu.vector_load %arg13[%get3A_821, %get3A_822, %get3A_823] {strides = array<i32>} : memref<2x64x256xf32, #tpu.memory_space<vmem>>, vector<16xf32>,
        %mul3A_825 = arith.mulf %get3A_824, %broadcast_in_dim3A_805 : vector<16xf32>
        %add3A_826 = arith.addf %mul3A_820, %mul3A_825 : vector<16xf32>
        %add3A_827 = arith.constant 2 : i32
        %add3A_828 = arith.addi %mul3A_432, %add3A_827 : i32
        %add3A_829 = arith.constant 1 : i32
        %add3A_830 = arith.addi %add3A_828, %add3A_829 : i32
        %get3A_831 = arith.index_cast %rem3A_296 : i32 to index
        %get3A_832 = arith.index_cast %add3A_830 : i32 to index
        %get3A_833 = arith.constant 0 : index
        %get3A_834 = tpu.vector_load %arg13[%get3A_831, %get3A_832, %get3A_833] {strides = array<i32>} : memref<2x64x256xf32, #tpu.memory_space<vmem>>, vector<16xf32>,
        %mul3A_835 = arith.mulf %get3A_834, %broadcast_in_dim3A_808 : vector<16xf32>
        %get3A_836 = arith.index_cast %rem3A_296 : i32 to index
        %get3A_837 = arith.index_cast %add3A_830 : i32 to index
        %get3A_838 = arith.constant 128 : index
        %get3A_839 = tpu.vector_load %arg13[%get3A_836, %get3A_837, %get3A_838] {strides = array<i32>} : memref<2x64x256xf32, #tpu.memory_space<vmem>>, vector<16xf32>,
        %mul3A_840 = arith.mulf %get3A_839, %broadcast_in_dim3A_811 : vector<16xf32>
        %add3A_841 = arith.addf %mul3A_835, %mul3A_840 : vector<16xf32>
        %add3A_842 = arith.constant 2 : i32
        %add3A_843 = arith.addi %mul3A_432, %add3A_842 : i32
        %add3A_844 = arith.constant 0 : i32
        %add3A_845 = arith.addi %add3A_843, %add3A_844 : i32
        %get3A_846 = arith.index_cast %rem3A_296 : i32 to index
        %get3A_847 = arith.index_cast %add3A_845 : i32 to index
        %get3A_848 = arith.constant 16 : index
        %get3A_849 = tpu.vector_load %arg13[%get3A_846, %get3A_847, %get3A_848] {strides = array<i32>} : memref<2x64x256xf32, #tpu.memory_space<vmem>>, vector<16xf32>,
        %mul3A_850 = arith.mulf %get3A_849, %broadcast_in_dim3A_802 : vector<16xf32>
        %get3A_851 = arith.index_cast %rem3A_296 : i32 to index
        %get3A_852 = arith.index_cast %add3A_845 : i32 to index
        %get3A_853 = arith.constant 144 : index
        %get3A_854 = tpu.vector_load %arg13[%get3A_851, %get3A_852, %get3A_853] {strides = array<i32>} : memref<2x64x256xf32, #tpu.memory_space<vmem>>, vector<16xf32>,
        %mul3A_855 = arith.mulf %get3A_854, %broadcast_in_dim3A_805 : vector<16xf32>
        %add3A_856 = arith.addf %mul3A_850, %mul3A_855 : vector<16xf32>
        %add3A_857 = arith.constant 2 : i32
        %add3A_858 = arith.addi %mul3A_432, %add3A_857 : i32
        %add3A_859 = arith.constant 1 : i32
        %add3A_860 = arith.addi %add3A_858, %add3A_859 : i32
        %get3A_861 = arith.index_cast %rem3A_296 : i32 to index
        %get3A_862 = arith.index_cast %add3A_860 : i32 to index
        %get3A_863 = arith.constant 16 : index
        %get3A_864 = tpu.vector_load %arg13[%get3A_861, %get3A_862, %get3A_863] {strides = array<i32>} : memref<2x64x256xf32, #tpu.memory_space<vmem>>, vector<16xf32>,
        %mul3A_865 = arith.mulf %get3A_864, %broadcast_in_dim3A_808 : vector<16xf32>
        %get3A_866 = arith.index_cast %rem3A_296 : i32 to index
        %get3A_867 = arith.index_cast %add3A_860 : i32 to index
        %get3A_868 = arith.constant 144 : index
        %get3A_869 = tpu.vector_load %arg13[%get3A_866, %get3A_867, %get3A_868] {strides = array<i32>} : memref<2x64x256xf32, #tpu.memory_space<vmem>>, vector<16xf32>,
        %mul3A_870 = arith.mulf %get3A_869, %broadcast_in_dim3A_811 : vector<16xf32>
        %add3A_871 = arith.addf %mul3A_865, %mul3A_870 : vector<16xf32>
        %add3A_872 = arith.constant 2 : i32
        %add3A_873 = arith.addi %mul3A_432, %add3A_872 : i32
        %add3A_874 = arith.constant 0 : i32
        %add3A_875 = arith.addi %add3A_873, %add3A_874 : i32
        %get3A_876 = arith.index_cast %rem3A_296 : i32 to index
        %get3A_877 = arith.index_cast %add3A_875 : i32 to index
        %get3A_878 = arith.constant 32 : index
        %get3A_879 = tpu.vector_load %arg13[%get3A_876, %get3A_877, %get3A_878] {strides = array<i32>} : memref<2x64x256xf32, #tpu.memory_space<vmem>>, vector<16xf32>,
        %mul3A_880 = arith.mulf %get3A_879, %broadcast_in_dim3A_802 : vector<16xf32>
        %get3A_881 = arith.index_cast %rem3A_296 : i32 to index
        %get3A_882 = arith.index_cast %add3A_875 : i32 to index
        %get3A_883 = arith.constant 160 : index
        %get3A_884 = tpu.vector_load %arg13[%get3A_881, %get3A_882, %get3A_883] {strides = array<i32>} : memref<2x64x256xf32, #tpu.memory_space<vmem>>, vector<16xf32>,
        %mul3A_885 = arith.mulf %get3A_884, %broadcast_in_dim3A_805 : vector<16xf32>
        %add3A_886 = arith.addf %mul3A_880, %mul3A_885 : vector<16xf32>
        %add3A_887 = arith.constant 2 : i32
        %add3A_888 = arith.addi %mul3A_432, %add3A_887 : i32
        %add3A_889 = arith.constant 1 : i32
        %add3A_890 = arith.addi %add3A_888, %add3A_889 : i32
        %get3A_891 = arith.index_cast %rem3A_296 : i32 to index
        %get3A_892 = arith.index_cast %add3A_890 : i32 to index
        %get3A_893 = arith.constant 32 : index
        %get3A_894 = tpu.vector_load %arg13[%get3A_891, %get3A_892, %get3A_893] {strides = array<i32>} : memref<2x64x256xf32, #tpu.memory_space<vmem>>, vector<16xf32>,
        %mul3A_895 = arith.mulf %get3A_894, %broadcast_in_dim3A_808 : vector<16xf32>
        %get3A_896 = arith.index_cast %rem3A_296 : i32 to index
        %get3A_897 = arith.index_cast %add3A_890 : i32 to index
        %get3A_898 = arith.constant 160 : index
        %get3A_899 = tpu.vector_load %arg13[%get3A_896, %get3A_897, %get3A_898] {strides = array<i32>} : memref<2x64x256xf32, #tpu.memory_space<vmem>>, vector<16xf32>,
        %mul3A_900 = arith.mulf %get3A_899, %broadcast_in_dim3A_811 : vector<16xf32>
        %add3A_901 = arith.addf %mul3A_895, %mul3A_900 : vector<16xf32>
        %add3A_902 = arith.constant 2 : i32
        %add3A_903 = arith.addi %mul3A_432, %add3A_902 : i32
        %add3A_904 = arith.constant 0 : i32
        %add3A_905 = arith.addi %add3A_903, %add3A_904 : i32
        %get3A_906 = arith.index_cast %rem3A_296 : i32 to index
        %get3A_907 = arith.index_cast %add3A_905 : i32 to index
        %get3A_908 = arith.constant 48 : index
        %get3A_909 = tpu.vector_load %arg13[%get3A_906, %get3A_907, %get3A_908] {strides = array<i32>} : memref<2x64x256xf32, #tpu.memory_space<vmem>>, vector<16xf32>,
        %mul3A_910 = arith.mulf %get3A_909, %broadcast_in_dim3A_802 : vector<16xf32>
        %get3A_911 = arith.index_cast %rem3A_296 : i32 to index
        %get3A_912 = arith.index_cast %add3A_905 : i32 to index
        %get3A_913 = arith.constant 176 : index
        %get3A_914 = tpu.vector_load %arg13[%get3A_911, %get3A_912, %get3A_913] {strides = array<i32>} : memref<2x64x256xf32, #tpu.memory_space<vmem>>, vector<16xf32>,
        %mul3A_915 = arith.mulf %get3A_914, %broadcast_in_dim3A_805 : vector<16xf32>
        %add3A_916 = arith.addf %mul3A_910, %mul3A_915 : vector<16xf32>
        %add3A_917 = arith.constant 2 : i32
        %add3A_918 = arith.addi %mul3A_432, %add3A_917 : i32
        %add3A_919 = arith.constant 1 : i32
        %add3A_920 = arith.addi %add3A_918, %add3A_919 : i32
        %get3A_921 = arith.index_cast %rem3A_296 : i32 to index
        %get3A_922 = arith.index_cast %add3A_920 : i32 to index
        %get3A_923 = arith.constant 48 : index
        %get3A_924 = tpu.vector_load %arg13[%get3A_921, %get3A_922, %get3A_923] {strides = array<i32>} : memref<2x64x256xf32, #tpu.memory_space<vmem>>, vector<16xf32>,
        %mul3A_925 = arith.mulf %get3A_924, %broadcast_in_dim3A_808 : vector<16xf32>
        %get3A_926 = arith.index_cast %rem3A_296 : i32 to index
        %get3A_927 = arith.index_cast %add3A_920 : i32 to index
        %get3A_928 = arith.constant 176 : index
        %get3A_929 = tpu.vector_load %arg13[%get3A_926, %get3A_927, %get3A_928] {strides = array<i32>} : memref<2x64x256xf32, #tpu.memory_space<vmem>>, vector<16xf32>,
        %mul3A_930 = arith.mulf %get3A_929, %broadcast_in_dim3A_811 : vector<16xf32>
        %add3A_931 = arith.addf %mul3A_925, %mul3A_930 : vector<16xf32>
        %add3A_932 = arith.constant 2 : i32
        %add3A_933 = arith.addi %mul3A_432, %add3A_932 : i32
        %add3A_934 = arith.constant 0 : i32
        %add3A_935 = arith.addi %add3A_933, %add3A_934 : i32
        %get3A_936 = arith.index_cast %rem3A_296 : i32 to index
        %get3A_937 = arith.index_cast %add3A_935 : i32 to index
        %get3A_938 = arith.constant 64 : index
        %get3A_939 = tpu.vector_load %arg13[%get3A_936, %get3A_937, %get3A_938] {strides = array<i32>} : memref<2x64x256xf32, #tpu.memory_space<vmem>>, vector<16xf32>,
        %mul3A_940 = arith.mulf %get3A_939, %broadcast_in_dim3A_802 : vector<16xf32>
        %get3A_941 = arith.index_cast %rem3A_296 : i32 to index
        %get3A_942 = arith.index_cast %add3A_935 : i32 to index
        %get3A_943 = arith.constant 192 : index
        %get3A_944 = tpu.vector_load %arg13[%get3A_941, %get3A_942, %get3A_943] {strides = array<i32>} : memref<2x64x256xf32, #tpu.memory_space<vmem>>, vector<16xf32>,
        %mul3A_945 = arith.mulf %get3A_944, %broadcast_in_dim3A_805 : vector<16xf32>
        %add3A_946 = arith.addf %mul3A_940, %mul3A_945 : vector<16xf32>
        %add3A_947 = arith.constant 2 : i32
        %add3A_948 = arith.addi %mul3A_432, %add3A_947 : i32
        %add3A_949 = arith.constant 1 : i32
        %add3A_950 = arith.addi %add3A_948, %add3A_949 : i32
        %get3A_951 = arith.index_cast %rem3A_296 : i32 to index
        %get3A_952 = arith.index_cast %add3A_950 : i32 to index
        %get3A_953 = arith.constant 64 : index
        %get3A_954 = tpu.vector_load %arg13[%get3A_951, %get3A_952, %get3A_953] {strides = array<i32>} : memref<2x64x256xf32, #tpu.memory_space<vmem>>, vector<16xf32>,
        %mul3A_955 = arith.mulf %get3A_954, %broadcast_in_dim3A_808 : vector<16xf32>
        %get3A_956 = arith.index_cast %rem3A_296 : i32 to index
        %get3A_957 = arith.index_cast %add3A_950 : i32 to index
        %get3A_958 = arith.constant 192 : index
        %get3A_959 = tpu.vector_load %arg13[%get3A_956, %get3A_957, %get3A_958] {strides = array<i32>} : memref<2x64x256xf32, #tpu.memory_space<vmem>>, vector<16xf32>,
        %mul3A_960 = arith.mulf %get3A_959, %broadcast_in_dim3A_811 : vector<16xf32>
        %add3A_961 = arith.addf %mul3A_955, %mul3A_960 : vector<16xf32>
        %add3A_962 = arith.constant 2 : i32
        %add3A_963 = arith.addi %mul3A_432, %add3A_962 : i32
        %add3A_964 = arith.constant 0 : i32
        %add3A_965 = arith.addi %add3A_963, %add3A_964 : i32
        %get3A_966 = arith.index_cast %rem3A_296 : i32 to index
        %get3A_967 = arith.index_cast %add3A_965 : i32 to index
        %get3A_968 = arith.constant 80 : index
        %get3A_969 = tpu.vector_load %arg13[%get3A_966, %get3A_967, %get3A_968] {strides = array<i32>} : memref<2x64x256xf32, #tpu.memory_space<vmem>>, vector<16xf32>,
        %mul3A_970 = arith.mulf %get3A_969, %broadcast_in_dim3A_802 : vector<16xf32>
        %get3A_971 = arith.index_cast %rem3A_296 : i32 to index
        %get3A_972 = arith.index_cast %add3A_965 : i32 to index
        %get3A_973 = arith.constant 208 : index
        %get3A_974 = tpu.vector_load %arg13[%get3A_971, %get3A_972, %get3A_973] {strides = array<i32>} : memref<2x64x256xf32, #tpu.memory_space<vmem>>, vector<16xf32>,
        %mul3A_975 = arith.mulf %get3A_974, %broadcast_in_dim3A_805 : vector<16xf32>
        %add3A_976 = arith.addf %mul3A_970, %mul3A_975 : vector<16xf32>
        %add3A_977 = arith.constant 2 : i32
        %add3A_978 = arith.addi %mul3A_432, %add3A_977 : i32
        %add3A_979 = arith.constant 1 : i32
        %add3A_980 = arith.addi %add3A_978, %add3A_979 : i32
        %get3A_981 = arith.index_cast %rem3A_296 : i32 to index
        %get3A_982 = arith.index_cast %add3A_980 : i32 to index
        %get3A_983 = arith.constant 80 : index
        %get3A_984 = tpu.vector_load %arg13[%get3A_981, %get3A_982, %get3A_983] {strides = array<i32>} : memref<2x64x256xf32, #tpu.memory_space<vmem>>, vector<16xf32>,
        %mul3A_985 = arith.mulf %get3A_984, %broadcast_in_dim3A_808 : vector<16xf32>
        %get3A_986 = arith.index_cast %rem3A_296 : i32 to index
        %get3A_987 = arith.index_cast %add3A_980 : i32 to index
        %get3A_988 = arith.constant 208 : index
        %get3A_989 = tpu.vector_load %arg13[%get3A_986, %get3A_987, %get3A_988] {strides = array<i32>} : memref<2x64x256xf32, #tpu.memory_space<vmem>>, vector<16xf32>,
        %mul3A_990 = arith.mulf %get3A_989, %broadcast_in_dim3A_811 : vector<16xf32>
        %add3A_991 = arith.addf %mul3A_985, %mul3A_990 : vector<16xf32>
        %add3A_992 = arith.constant 2 : i32
        %add3A_993 = arith.addi %mul3A_432, %add3A_992 : i32
        %add3A_994 = arith.constant 0 : i32
        %add3A_995 = arith.addi %add3A_993, %add3A_994 : i32
        %get3A_996 = arith.index_cast %rem3A_296 : i32 to index
        %get3A_997 = arith.index_cast %add3A_995 : i32 to index
        %get3A_998 = arith.constant 96 : index
        %get3A_999 = tpu.vector_load %arg13[%get3A_996, %get3A_997, %get3A_998] {strides = array<i32>} : memref<2x64x256xf32, #tpu.memory_space<vmem>>, vector<16xf32>,
        %mul3A_1000 = arith.mulf %get3A_999, %broadcast_in_dim3A_802 : vector<16xf32>
        %get3A_1001 = arith.index_cast %rem3A_296 : i32 to index
        %get3A_1002 = arith.index_cast %add3A_995 : i32 to index
        %get3A_1003 = arith.constant 224 : index
        %get3A_1004 = tpu.vector_load %arg13[%get3A_1001, %get3A_1002, %get3A_1003] {strides = array<i32>} : memref<2x64x256xf32, #tpu.memory_space<vmem>>, vector<16xf32>,
        %mul3A_1005 = arith.mulf %get3A_1004, %broadcast_in_dim3A_805 : vector<16xf32>
        %add3A_1006 = arith.addf %mul3A_1000, %mul3A_1005 : vector<16xf32>
        %add3A_1007 = arith.constant 2 : i32
        %add3A_1008 = arith.addi %mul3A_432, %add3A_1007 : i32
        %add3A_1009 = arith.constant 1 : i32
        %add3A_1010 = arith.addi %add3A_1008, %add3A_1009 : i32
        %get3A_1011 = arith.index_cast %rem3A_296 : i32 to index
        %get3A_1012 = arith.index_cast %add3A_1010 : i32 to index
        %get3A_1013 = arith.constant 96 : index
        %get3A_1014 = tpu.vector_load %arg13[%get3A_1011, %get3A_1012, %get3A_1013] {strides = array<i32>} : memref<2x64x256xf32, #tpu.memory_space<vmem>>, vector<16xf32>,
        %mul3A_1015 = arith.mulf %get3A_1014, %broadcast_in_dim3A_808 : vector<16xf32>
        %get3A_1016 = arith.index_cast %rem3A_296 : i32 to index
        %get3A_1017 = arith.index_cast %add3A_1010 : i32 to index
        %get3A_1018 = arith.constant 224 : index
        %get3A_1019 = tpu.vector_load %arg13[%get3A_1016, %get3A_1017, %get3A_1018] {strides = array<i32>} : memref<2x64x256xf32, #tpu.memory_space<vmem>>, vector<16xf32>,
        %mul3A_1020 = arith.mulf %get3A_1019, %broadcast_in_dim3A_811 : vector<16xf32>
        %add3A_1021 = arith.addf %mul3A_1015, %mul3A_1020 : vector<16xf32>
        %add3A_1022 = arith.constant 2 : i32
        %add3A_1023 = arith.addi %mul3A_432, %add3A_1022 : i32
        %add3A_1024 = arith.constant 0 : i32
        %add3A_1025 = arith.addi %add3A_1023, %add3A_1024 : i32
        %get3A_1026 = arith.index_cast %rem3A_296 : i32 to index
        %get3A_1027 = arith.index_cast %add3A_1025 : i32 to index
        %get3A_1028 = arith.constant 112 : index
        %get3A_1029 = tpu.vector_load %arg13[%get3A_1026, %get3A_1027, %get3A_1028] {strides = array<i32>} : memref<2x64x256xf32, #tpu.memory_space<vmem>>, vector<16xf32>,
        %mul3A_1030 = arith.mulf %get3A_1029, %broadcast_in_dim3A_802 : vector<16xf32>
        %get3A_1031 = arith.index_cast %rem3A_296 : i32 to index
        %get3A_1032 = arith.index_cast %add3A_1025 : i32 to index
        %get3A_1033 = arith.constant 240 : index
        %get3A_1034 = tpu.vector_load %arg13[%get3A_1031, %get3A_1032, %get3A_1033] {strides = array<i32>} : memref<2x64x256xf32, #tpu.memory_space<vmem>>, vector<16xf32>,
        %mul3A_1035 = arith.mulf %get3A_1034, %broadcast_in_dim3A_805 : vector<16xf32>
        %add3A_1036 = arith.addf %mul3A_1030, %mul3A_1035 : vector<16xf32>
        %add3A_1037 = arith.constant 2 : i32
        %add3A_1038 = arith.addi %mul3A_432, %add3A_1037 : i32
        %add3A_1039 = arith.constant 1 : i32
        %add3A_1040 = arith.addi %add3A_1038, %add3A_1039 : i32
        %get3A_1041 = arith.index_cast %rem3A_296 : i32 to index
        %get3A_1042 = arith.index_cast %add3A_1040 : i32 to index
        %get3A_1043 = arith.constant 112 : index
        %get3A_1044 = tpu.vector_load %arg13[%get3A_1041, %get3A_1042, %get3A_1043] {strides = array<i32>} : memref<2x64x256xf32, #tpu.memory_space<vmem>>, vector<16xf32>,
        %mul3A_1045 = arith.mulf %get3A_1044, %broadcast_in_dim3A_808 : vector<16xf32>
        %get3A_1046 = arith.index_cast %rem3A_296 : i32 to index
        %get3A_1047 = arith.index_cast %add3A_1040 : i32 to index
        %get3A_1048 = arith.constant 240 : index
        %get3A_1049 = tpu.vector_load %arg13[%get3A_1046, %get3A_1047, %get3A_1048] {strides = array<i32>} : memref<2x64x256xf32, #tpu.memory_space<vmem>>, vector<16xf32>,
        %mul3A_1050 = arith.mulf %get3A_1049, %broadcast_in_dim3A_811 : vector<16xf32>
        %add3A_1051 = arith.addf %mul3A_1045, %mul3A_1050 : vector<16xf32>
        %add3A_1052 = arith.constant 2 : i32
        %add3A_1053 = arith.addi %mul3A_432, %add3A_1052 : i32
        %add3A_1054 = arith.constant 0 : i32
        %add3A_1055 = arith.addi %add3A_1053, %add3A_1054 : i32
        %swap3A_1056 = arith.index_cast %add3A_1055 : i32 to index
        %swap3A_1057 = arith.constant 0 : index
        %swap3A_1058 = tpu.vector_load %arg14[%swap3A_1056, %swap3A_1057] {strides = array<i32>} : memref<64x128xf32, #tpu.memory_space<vmem>>, vector<16xf32>,
        tpu.vector_store %arg14[%swap3A_1056, %swap3A_1057], %add3A_826 {strides = array<i32>} : memref<64x128xf32, #tpu.memory_space<vmem>>, vector<16xf32>,
        %add3A_1059 = arith.constant 2 : i32
        %add3A_1060 = arith.addi %mul3A_432, %add3A_1059 : i32
        %add3A_1061 = arith.constant 1 : i32
        %add3A_1062 = arith.addi %add3A_1060, %add3A_1061 : i32
        %swap3A_1063 = arith.index_cast %add3A_1062 : i32 to index
        %swap3A_1064 = arith.constant 0 : index
        %swap3A_1065 = tpu.vector_load %arg14[%swap3A_1063, %swap3A_1064] {strides = array<i32>} : memref<64x128xf32, #tpu.memory_space<vmem>>, vector<16xf32>,
        tpu.vector_store %arg14[%swap3A_1063, %swap3A_1064], %add3A_841 {strides = array<i32>} : memref<64x128xf32, #tpu.memory_space<vmem>>, vector<16xf32>,
        %add3A_1066 = arith.constant 2 : i32
        %add3A_1067 = arith.addi %mul3A_432, %add3A_1066 : i32
        %add3A_1068 = arith.constant 0 : i32
        %add3A_1069 = arith.addi %add3A_1067, %add3A_1068 : i32
        %swap3A_1070 = arith.index_cast %add3A_1069 : i32 to index
        %swap3A_1071 = arith.constant 16 : index
        %swap3A_1072 = tpu.vector_load %arg14[%swap3A_1070, %swap3A_1071] {strides = array<i32>} : memref<64x128xf32, #tpu.memory_space<vmem>>, vector<16xf32>,
        tpu.vector_store %arg14[%swap3A_1070, %swap3A_1071], %add3A_856 {strides = array<i32>} : memref<64x128xf32, #tpu.memory_space<vmem>>, vector<16xf32>,
        %add3A_1073 = arith.constant 2 : i32
        %add3A_1074 = arith.addi %mul3A_432, %add3A_1073 : i32
        %add3A_1075 = arith.constant 1 : i32
        %add3A_1076 = arith.addi %add3A_1074, %add3A_1075 : i32
        %swap3A_1077 = arith.index_cast %add3A_1076 : i32 to index
        %swap3A_1078 = arith.constant 16 : index
        %swap3A_1079 = tpu.vector_load %arg14[%swap3A_1077, %swap3A_1078] {strides = array<i32>} : memref<64x128xf32, #tpu.memory_space<vmem>>, vector<16xf32>,
        tpu.vector_store %arg14[%swap3A_1077, %swap3A_1078], %add3A_871 {strides = array<i32>} : memref<64x128xf32, #tpu.memory_space<vmem>>, vector<16xf32>,
        %add3A_1080 = arith.constant 2 : i32
        %add3A_1081 = arith.addi %mul3A_432, %add3A_1080 : i32
        %add3A_1082 = arith.constant 0 : i32
        %add3A_1083 = arith.addi %add3A_1081, %add3A_1082 : i32
        %swap3A_1084 = arith.index_cast %add3A_1083 : i32 to index
        %swap3A_1085 = arith.constant 32 : index
        %swap3A_1086 = tpu.vector_load %arg14[%swap3A_1084, %swap3A_1085] {strides = array<i32>} : memref<64x128xf32, #tpu.memory_space<vmem>>, vector<16xf32>,
        tpu.vector_store %arg14[%swap3A_1084, %swap3A_1085], %add3A_886 {strides = array<i32>} : memref<64x128xf32, #tpu.memory_space<vmem>>, vector<16xf32>,
        %add3A_1087 = arith.constant 2 : i32
        %add3A_1088 = arith.addi %mul3A_432, %add3A_1087 : i32
        %add3A_1089 = arith.constant 1 : i32
        %add3A_1090 = arith.addi %add3A_1088, %add3A_1089 : i32
        %swap3A_1091 = arith.index_cast %add3A_1090 : i32 to index
        %swap3A_1092 = arith.constant 32 : index
        %swap3A_1093 = tpu.vector_load %arg14[%swap3A_1091, %swap3A_1092] {strides = array<i32>} : memref<64x128xf32, #tpu.memory_space<vmem>>, vector<16xf32>,
        tpu.vector_store %arg14[%swap3A_1091, %swap3A_1092], %add3A_901 {strides = array<i32>} : memref<64x128xf32, #tpu.memory_space<vmem>>, vector<16xf32>,
        %add3A_1094 = arith.constant 2 : i32
        %add3A_1095 = arith.addi %mul3A_432, %add3A_1094 : i32
        %add3A_1096 = arith.constant 0 : i32
        %add3A_1097 = arith.addi %add3A_1095, %add3A_1096 : i32
        %swap3A_1098 = arith.index_cast %add3A_1097 : i32 to index
        %swap3A_1099 = arith.constant 48 : index
        %swap3A_1100 = tpu.vector_load %arg14[%swap3A_1098, %swap3A_1099] {strides = array<i32>} : memref<64x128xf32, #tpu.memory_space<vmem>>, vector<16xf32>,
        tpu.vector_store %arg14[%swap3A_1098, %swap3A_1099], %add3A_916 {strides = array<i32>} : memref<64x128xf32, #tpu.memory_space<vmem>>, vector<16xf32>,
        %add3A_1101 = arith.constant 2 : i32
        %add3A_1102 = arith.addi %mul3A_432, %add3A_1101 : i32
        %add3A_1103 = arith.constant 1 : i32
        %add3A_1104 = arith.addi %add3A_1102, %add3A_1103 : i32
        %swap3A_1105 = arith.index_cast %add3A_1104 : i32 to index
        %swap3A_1106 = arith.constant 48 : index
        %swap3A_1107 = tpu.vector_load %arg14[%swap3A_1105, %swap3A_1106] {strides = array<i32>} : memref<64x128xf32, #tpu.memory_space<vmem>>, vector<16xf32>,
        tpu.vector_store %arg14[%swap3A_1105, %swap3A_1106], %add3A_931 {strides = array<i32>} : memref<64x128xf32, #tpu.memory_space<vmem>>, vector<16xf32>,
        %add3A_1108 = arith.constant 2 : i32
        %add3A_1109 = arith.addi %mul3A_432, %add3A_1108 : i32
        %add3A_1110 = arith.constant 0 : i32
        %add3A_1111 = arith.addi %add3A_1109, %add3A_1110 : i32
        %swap3A_1112 = arith.index_cast %add3A_1111 : i32 to index
        %swap3A_1113 = arith.constant 64 : index
        %swap3A_1114 = tpu.vector_load %arg14[%swap3A_1112, %swap3A_1113] {strides = array<i32>} : memref<64x128xf32, #tpu.memory_space<vmem>>, vector<16xf32>,
        tpu.vector_store %arg14[%swap3A_1112, %swap3A_1113], %add3A_946 {strides = array<i32>} : memref<64x128xf32, #tpu.memory_space<vmem>>, vector<16xf32>,
        %add3A_1115 = arith.constant 2 : i32
        %add3A_1116 = arith.addi %mul3A_432, %add3A_1115 : i32
        %add3A_1117 = arith.constant 1 : i32
        %add3A_1118 = arith.addi %add3A_1116, %add3A_1117 : i32
        %swap3A_1119 = arith.index_cast %add3A_1118 : i32 to index
        %swap3A_1120 = arith.constant 64 : index
        %swap3A_1121 = tpu.vector_load %arg14[%swap3A_1119, %swap3A_1120] {strides = array<i32>} : memref<64x128xf32, #tpu.memory_space<vmem>>, vector<16xf32>,
        tpu.vector_store %arg14[%swap3A_1119, %swap3A_1120], %add3A_961 {strides = array<i32>} : memref<64x128xf32, #tpu.memory_space<vmem>>, vector<16xf32>,
        %add3A_1122 = arith.constant 2 : i32
        %add3A_1123 = arith.addi %mul3A_432, %add3A_1122 : i32
        %add3A_1124 = arith.constant 0 : i32
        %add3A_1125 = arith.addi %add3A_1123, %add3A_1124 : i32
        %swap3A_1126 = arith.index_cast %add3A_1125 : i32 to index
        %swap3A_1127 = arith.constant 80 : index
        %swap3A_1128 = tpu.vector_load %arg14[%swap3A_1126, %swap3A_1127] {strides = array<i32>} : memref<64x128xf32, #tpu.memory_space<vmem>>, vector<16xf32>,
        tpu.vector_store %arg14[%swap3A_1126, %swap3A_1127], %add3A_976 {strides = array<i32>} : memref<64x128xf32, #tpu.memory_space<vmem>>, vector<16xf32>,
        %add3A_1129 = arith.constant 2 : i32
        %add3A_1130 = arith.addi %mul3A_432, %add3A_1129 : i32
        %add3A_1131 = arith.constant 1 : i32
        %add3A_1132 = arith.addi %add3A_1130, %add3A_1131 : i32
        %swap3A_1133 = arith.index_cast %add3A_1132 : i32 to index
        %swap3A_1134 = arith.constant 80 : index
        %swap3A_1135 = tpu.vector_load %arg14[%swap3A_1133, %swap3A_1134] {strides = array<i32>} : memref<64x128xf32, #tpu.memory_space<vmem>>, vector<16xf32>,
        tpu.vector_store %arg14[%swap3A_1133, %swap3A_1134], %add3A_991 {strides = array<i32>} : memref<64x128xf32, #tpu.memory_space<vmem>>, vector<16xf32>,
        %add3A_1136 = arith.constant 2 : i32
        %add3A_1137 = arith.addi %mul3A_432, %add3A_1136 : i32
        %add3A_1138 = arith.constant 0 : i32
        %add3A_1139 = arith.addi %add3A_1137, %add3A_1138 : i32
        %swap3A_1140 = arith.index_cast %add3A_1139 : i32 to index
        %swap3A_1141 = arith.constant 96 : index
        %swap3A_1142 = tpu.vector_load %arg14[%swap3A_1140, %swap3A_1141] {strides = array<i32>} : memref<64x128xf32, #tpu.memory_space<vmem>>, vector<16xf32>,
        tpu.vector_store %arg14[%swap3A_1140, %swap3A_1141], %add3A_1006 {strides = array<i32>} : memref<64x128xf32, #tpu.memory_space<vmem>>, vector<16xf32>,
        %add3A_1143 = arith.constant 2 : i32
        %add3A_1144 = arith.addi %mul3A_432, %add3A_1143 : i32
        %add3A_1145 = arith.constant 1 : i32
        %add3A_1146 = arith.addi %add3A_1144, %add3A_1145 : i32
        %swap3A_1147 = arith.index_cast %add3A_1146 : i32 to index
        %swap3A_1148 = arith.constant 96 : index
        %swap3A_1149 = tpu.vector_load %arg14[%swap3A_1147, %swap3A_1148] {strides = array<i32>} : memref<64x128xf32, #tpu.memory_space<vmem>>, vector<16xf32>,
        tpu.vector_store %arg14[%swap3A_1147, %swap3A_1148], %add3A_1021 {strides = array<i32>} : memref<64x128xf32, #tpu.memory_space<vmem>>, vector<16xf32>,
        %add3A_1150 = arith.constant 2 : i32
        %add3A_1151 = arith.addi %mul3A_432, %add3A_1150 : i32
        %add3A_1152 = arith.constant 0 : i32
        %add3A_1153 = arith.addi %add3A_1151, %add3A_1152 : i32
        %swap3A_1154 = arith.index_cast %add3A_1153 : i32 to index
        %swap3A_1155 = arith.constant 112 : index
        %swap3A_1156 = tpu.vector_load %arg14[%swap3A_1154, %swap3A_1155] {strides = array<i32>} : memref<64x128xf32, #tpu.memory_space<vmem>>, vector<16xf32>,
        tpu.vector_store %arg14[%swap3A_1154, %swap3A_1155], %add3A_1036 {strides = array<i32>} : memref<64x128xf32, #tpu.memory_space<vmem>>, vector<16xf32>,
        %add3A_1157 = arith.constant 2 : i32
        %add3A_1158 = arith.addi %mul3A_432, %add3A_1157 : i32
        %add3A_1159 = arith.constant 1 : i32
        %add3A_1160 = arith.addi %add3A_1158, %add3A_1159 : i32
        %swap3A_1161 = arith.index_cast %add3A_1160 : i32 to index
        %swap3A_1162 = arith.constant 112 : index
        %swap3A_1163 = tpu.vector_load %arg14[%swap3A_1161, %swap3A_1162] {strides = array<i32>} : memref<64x128xf32, #tpu.memory_space<vmem>>, vector<16xf32>,
        tpu.vector_store %arg14[%swap3A_1161, %swap3A_1162], %add3A_1051 {strides = array<i32>} : memref<64x128xf32, #tpu.memory_space<vmem>>, vector<16xf32>,
        %slice3A_1164 = vector.extract_strided_slice %gather3A {offsets = [4], sizes = [1], strides = [1]} : vector<16xf32> to vector<1xf32>
        %squeeze3A_1165 = vector.extract %slice3A_1164[0] : f32 from vector<1xf32>
        %broadcast_in_dim3A_1166 = vector.broadcast %squeeze3A_1165 : f32 to vector<16xf32>
        %slice3A_1167 = vector.extract_strided_slice %gather3A_437 {offsets = [4], sizes = [1], strides = [1]} : vector<16xf32> to vector<1xf32>
        %squeeze3A_1168 = vector.extract %slice3A_1167[0] : f32 from vector<1xf32>
        %broadcast_in_dim3A_1169 = vector.broadcast %squeeze3A_1168 : f32 to vector<16xf32>
        %slice3A_1170 = vector.extract_strided_slice %gather3A {offsets = [5], sizes = [1], strides = [1]} : vector<16xf32> to vector<1xf32>
        %squeeze3A_1171 = vector.extract %slice3A_1170[0] : f32 from vector<1xf32>
        %broadcast_in_dim3A_1172 = vector.broadcast %squeeze3A_1171 : f32 to vector<16xf32>
        %slice3A_1173 = vector.extract_strided_slice %gather3A_437 {offsets = [5], sizes = [1], strides = [1]} : vector<16xf32> to vector<1xf32>
        %squeeze3A_1174 = vector.extract %slice3A_1173[0] : f32 from vector<1xf32>
        %broadcast_in_dim3A_1175 = vector.broadcast %squeeze3A_1174 : f32 to vector<16xf32>
        %add3A_1176 = arith.constant 4 : i32
        %add3A_1177 = arith.addi %mul3A_432, %add3A_1176 : i32
        %add3A_1178 = arith.constant 0 : i32
        %add3A_1179 = arith.addi %add3A_1177, %add3A_1178 : i32
        %get3A_1180 = arith.index_cast %rem3A_296 : i32 to index
        %get3A_1181 = arith.index_cast %add3A_1179 : i32 to index
        %get3A_1182 = arith.constant 0 : index
        %get3A_1183 = tpu.vector_load %arg13[%get3A_1180, %get3A_1181, %get3A_1182] {strides = array<i32>} : memref<2x64x256xf32, #tpu.memory_space<vmem>>, vector<16xf32>,
        %mul3A_1184 = arith.mulf %get3A_1183, %broadcast_in_dim3A_1166 : vector<16xf32>
        %get3A_1185 = arith.index_cast %rem3A_296 : i32 to index
        %get3A_1186 = arith.index_cast %add3A_1179 : i32 to index
        %get3A_1187 = arith.constant 128 : index
        %get3A_1188 = tpu.vector_load %arg13[%get3A_1185, %get3A_1186, %get3A_1187] {strides = array<i32>} : memref<2x64x256xf32, #tpu.memory_space<vmem>>, vector<16xf32>,
        %mul3A_1189 = arith.mulf %get3A_1188, %broadcast_in_dim3A_1169 : vector<16xf32>
        %add3A_1190 = arith.addf %mul3A_1184, %mul3A_1189 : vector<16xf32>
        %add3A_1191 = arith.constant 4 : i32
        %add3A_1192 = arith.addi %mul3A_432, %add3A_1191 : i32
        %add3A_1193 = arith.constant 1 : i32
        %add3A_1194 = arith.addi %add3A_1192, %add3A_1193 : i32
        %get3A_1195 = arith.index_cast %rem3A_296 : i32 to index
        %get3A_1196 = arith.index_cast %add3A_1194 : i32 to index
        %get3A_1197 = arith.constant 0 : index
        %get3A_1198 = tpu.vector_load %arg13[%get3A_1195, %get3A_1196, %get3A_1197] {strides = array<i32>} : memref<2x64x256xf32, #tpu.memory_space<vmem>>, vector<16xf32>,
        %mul3A_1199 = arith.mulf %get3A_1198, %broadcast_in_dim3A_1172 : vector<16xf32>
        %get3A_1200 = arith.index_cast %rem3A_296 : i32 to index
        %get3A_1201 = arith.index_cast %add3A_1194 : i32 to index
        %get3A_1202 = arith.constant 128 : index
        %get3A_1203 = tpu.vector_load %arg13[%get3A_1200, %get3A_1201, %get3A_1202] {strides = array<i32>} : memref<2x64x256xf32, #tpu.memory_space<vmem>>, vector<16xf32>,
        %mul3A_1204 = arith.mulf %get3A_1203, %broadcast_in_dim3A_1175 : vector<16xf32>
        %add3A_1205 = arith.addf %mul3A_1199, %mul3A_1204 : vector<16xf32>
        %add3A_1206 = arith.constant 4 : i32
        %add3A_1207 = arith.addi %mul3A_432, %add3A_1206 : i32
        %add3A_1208 = arith.constant 0 : i32
        %add3A_1209 = arith.addi %add3A_1207, %add3A_1208 : i32
        %get3A_1210 = arith.index_cast %rem3A_296 : i32 to index
        %get3A_1211 = arith.index_cast %add3A_1209 : i32 to index
        %get3A_1212 = arith.constant 16 : index
        %get3A_1213 = tpu.vector_load %arg13[%get3A_1210, %get3A_1211, %get3A_1212] {strides = array<i32>} : memref<2x64x256xf32, #tpu.memory_space<vmem>>, vector<16xf32>,
        %mul3A_1214 = arith.mulf %get3A_1213, %broadcast_in_dim3A_1166 : vector<16xf32>
        %get3A_1215 = arith.index_cast %rem3A_296 : i32 to index
        %get3A_1216 = arith.index_cast %add3A_1209 : i32 to index
        %get3A_1217 = arith.constant 144 : index
        %get3A_1218 = tpu.vector_load %arg13[%get3A_1215, %get3A_1216, %get3A_1217] {strides = array<i32>} : memref<2x64x256xf32, #tpu.memory_space<vmem>>, vector<16xf32>,
        %mul3A_1219 = arith.mulf %get3A_1218, %broadcast_in_dim3A_1169 : vector<16xf32>
        %add3A_1220 = arith.addf %mul3A_1214, %mul3A_1219 : vector<16xf32>
        %add3A_1221 = arith.constant 4 : i32
        %add3A_1222 = arith.addi %mul3A_432, %add3A_1221 : i32
        %add3A_1223 = arith.constant 1 : i32
        %add3A_1224 = arith.addi %add3A_1222, %add3A_1223 : i32
        %get3A_1225 = arith.index_cast %rem3A_296 : i32 to index
        %get3A_1226 = arith.index_cast %add3A_1224 : i32 to index
        %get3A_1227 = arith.constant 16 : index
        %get3A_1228 = tpu.vector_load %arg13[%get3A_1225, %get3A_1226, %get3A_1227] {strides = array<i32>} : memref<2x64x256xf32, #tpu.memory_space<vmem>>, vector<16xf32>,
        %mul3A_1229 = arith.mulf %get3A_1228, %broadcast_in_dim3A_1172 : vector<16xf32>
        %get3A_1230 = arith.index_cast %rem3A_296 : i32 to index
        %get3A_1231 = arith.index_cast %add3A_1224 : i32 to index
        %get3A_1232 = arith.constant 144 : index
        %get3A_1233 = tpu.vector_load %arg13[%get3A_1230, %get3A_1231, %get3A_1232] {strides = array<i32>} : memref<2x64x256xf32, #tpu.memory_space<vmem>>, vector<16xf32>,
        %mul3A_1234 = arith.mulf %get3A_1233, %broadcast_in_dim3A_1175 : vector<16xf32>
        %add3A_1235 = arith.addf %mul3A_1229, %mul3A_1234 : vector<16xf32>
        %add3A_1236 = arith.constant 4 : i32
        %add3A_1237 = arith.addi %mul3A_432, %add3A_1236 : i32
        %add3A_1238 = arith.constant 0 : i32
        %add3A_1239 = arith.addi %add3A_1237, %add3A_1238 : i32
        %get3A_1240 = arith.index_cast %rem3A_296 : i32 to index
        %get3A_1241 = arith.index_cast %add3A_1239 : i32 to index
        %get3A_1242 = arith.constant 32 : index
        %get3A_1243 = tpu.vector_load %arg13[%get3A_1240, %get3A_1241, %get3A_1242] {strides = array<i32>} : memref<2x64x256xf32, #tpu.memory_space<vmem>>, vector<16xf32>,
        %mul3A_1244 = arith.mulf %get3A_1243, %broadcast_in_dim3A_1166 : vector<16xf32>
        %get3A_1245 = arith.index_cast %rem3A_296 : i32 to index
        %get3A_1246 = arith.index_cast %add3A_1239 : i32 to index
        %get3A_1247 = arith.constant 160 : index
        %get3A_1248 = tpu.vector_load %arg13[%get3A_1245, %get3A_1246, %get3A_1247] {strides = array<i32>} : memref<2x64x256xf32, #tpu.memory_space<vmem>>, vector<16xf32>,
        %mul3A_1249 = arith.mulf %get3A_1248, %broadcast_in_dim3A_1169 : vector<16xf32>
        %add3A_1250 = arith.addf %mul3A_1244, %mul3A_1249 : vector<16xf32>
        %add3A_1251 = arith.constant 4 : i32
        %add3A_1252 = arith.addi %mul3A_432, %add3A_1251 : i32
        %add3A_1253 = arith.constant 1 : i32
        %add3A_1254 = arith.addi %add3A_1252, %add3A_1253 : i32
        %get3A_1255 = arith.index_cast %rem3A_296 : i32 to index
        %get3A_1256 = arith.index_cast %add3A_1254 : i32 to index
        %get3A_1257 = arith.constant 32 : index
        %get3A_1258 = tpu.vector_load %arg13[%get3A_1255, %get3A_1256, %get3A_1257] {strides = array<i32>} : memref<2x64x256xf32, #tpu.memory_space<vmem>>, vector<16xf32>,
        %mul3A_1259 = arith.mulf %get3A_1258, %broadcast_in_dim3A_1172 : vector<16xf32>
        %get3A_1260 = arith.index_cast %rem3A_296 : i32 to index
        %get3A_1261 = arith.index_cast %add3A_1254 : i32 to index
        %get3A_1262 = arith.constant 160 : index
        %get3A_1263 = tpu.vector_load %arg13[%get3A_1260, %get3A_1261, %get3A_1262] {strides = array<i32>} : memref<2x64x256xf32, #tpu.memory_space<vmem>>, vector<16xf32>,
        %mul3A_1264 = arith.mulf %get3A_1263, %broadcast_in_dim3A_1175 : vector<16xf32>
        %add3A_1265 = arith.addf %mul3A_1259, %mul3A_1264 : vector<16xf32>
        %add3A_1266 = arith.constant 4 : i32
        %add3A_1267 = arith.addi %mul3A_432, %add3A_1266 : i32
        %add3A_1268 = arith.constant 0 : i32
        %add3A_1269 = arith.addi %add3A_1267, %add3A_1268 : i32
        %get3A_1270 = arith.index_cast %rem3A_296 : i32 to index
        %get3A_1271 = arith.index_cast %add3A_1269 : i32 to index
        %get3A_1272 = arith.constant 48 : index
        %get3A_1273 = tpu.vector_load %arg13[%get3A_1270, %get3A_1271, %get3A_1272] {strides = array<i32>} : memref<2x64x256xf32, #tpu.memory_space<vmem>>, vector<16xf32>,
        %mul3A_1274 = arith.mulf %get3A_1273, %broadcast_in_dim3A_1166 : vector<16xf32>
        %get3A_1275 = arith.index_cast %rem3A_296 : i32 to index
        %get3A_1276 = arith.index_cast %add3A_1269 : i32 to index
        %get3A_1277 = arith.constant 176 : index
        %get3A_1278 = tpu.vector_load %arg13[%get3A_1275, %get3A_1276, %get3A_1277] {strides = array<i32>} : memref<2x64x256xf32, #tpu.memory_space<vmem>>, vector<16xf32>,
        %mul3A_1279 = arith.mulf %get3A_1278, %broadcast_in_dim3A_1169 : vector<16xf32>
        %add3A_1280 = arith.addf %mul3A_1274, %mul3A_1279 : vector<16xf32>
        %add3A_1281 = arith.constant 4 : i32
        %add3A_1282 = arith.addi %mul3A_432, %add3A_1281 : i32
        %add3A_1283 = arith.constant 1 : i32
        %add3A_1284 = arith.addi %add3A_1282, %add3A_1283 : i32
        %get3A_1285 = arith.index_cast %rem3A_296 : i32 to index
        %get3A_1286 = arith.index_cast %add3A_1284 : i32 to index
        %get3A_1287 = arith.constant 48 : index
        %get3A_1288 = tpu.vector_load %arg13[%get3A_1285, %get3A_1286, %get3A_1287] {strides = array<i32>} : memref<2x64x256xf32, #tpu.memory_space<vmem>>, vector<16xf32>,
        %mul3A_1289 = arith.mulf %get3A_1288, %broadcast_in_dim3A_1172 : vector<16xf32>
        %get3A_1290 = arith.index_cast %rem3A_296 : i32 to index
        %get3A_1291 = arith.index_cast %add3A_1284 : i32 to index
        %get3A_1292 = arith.constant 176 : index
        %get3A_1293 = tpu.vector_load %arg13[%get3A_1290, %get3A_1291, %get3A_1292] {strides = array<i32>} : memref<2x64x256xf32, #tpu.memory_space<vmem>>, vector<16xf32>,
        %mul3A_1294 = arith.mulf %get3A_1293, %broadcast_in_dim3A_1175 : vector<16xf32>
        %add3A_1295 = arith.addf %mul3A_1289, %mul3A_1294 : vector<16xf32>
        %add3A_1296 = arith.constant 4 : i32
        %add3A_1297 = arith.addi %mul3A_432, %add3A_1296 : i32
        %add3A_1298 = arith.constant 0 : i32
        %add3A_1299 = arith.addi %add3A_1297, %add3A_1298 : i32
        %get3A_1300 = arith.index_cast %rem3A_296 : i32 to index
        %get3A_1301 = arith.index_cast %add3A_1299 : i32 to index
        %get3A_1302 = arith.constant 64 : index
        %get3A_1303 = tpu.vector_load %arg13[%get3A_1300, %get3A_1301, %get3A_1302] {strides = array<i32>} : memref<2x64x256xf32, #tpu.memory_space<vmem>>, vector<16xf32>,
        %mul3A_1304 = arith.mulf %get3A_1303, %broadcast_in_dim3A_1166 : vector<16xf32>
        %get3A_1305 = arith.index_cast %rem3A_296 : i32 to index
        %get3A_1306 = arith.index_cast %add3A_1299 : i32 to index
        %get3A_1307 = arith.constant 192 : index
        %get3A_1308 = tpu.vector_load %arg13[%get3A_1305, %get3A_1306, %get3A_1307] {strides = array<i32>} : memref<2x64x256xf32, #tpu.memory_space<vmem>>, vector<16xf32>,
        %mul3A_1309 = arith.mulf %get3A_1308, %broadcast_in_dim3A_1169 : vector<16xf32>
        %add3A_1310 = arith.addf %mul3A_1304, %mul3A_1309 : vector<16xf32>
        %add3A_1311 = arith.constant 4 : i32
        %add3A_1312 = arith.addi %mul3A_432, %add3A_1311 : i32
        %add3A_1313 = arith.constant 1 : i32
        %add3A_1314 = arith.addi %add3A_1312, %add3A_1313 : i32
        %get3A_1315 = arith.index_cast %rem3A_296 : i32 to index
        %get3A_1316 = arith.index_cast %add3A_1314 : i32 to index
        %get3A_1317 = arith.constant 64 : index
        %get3A_1318 = tpu.vector_load %arg13[%get3A_1315, %get3A_1316, %get3A_1317] {strides = array<i32>} : memref<2x64x256xf32, #tpu.memory_space<vmem>>, vector<16xf32>,
        %mul3A_1319 = arith.mulf %get3A_1318, %broadcast_in_dim3A_1172 : vector<16xf32>
        %get3A_1320 = arith.index_cast %rem3A_296 : i32 to index
        %get3A_1321 = arith.index_cast %add3A_1314 : i32 to index
        %get3A_1322 = arith.constant 192 : index
        %get3A_1323 = tpu.vector_load %arg13[%get3A_1320, %get3A_1321, %get3A_1322] {strides = array<i32>} : memref<2x64x256xf32, #tpu.memory_space<vmem>>, vector<16xf32>,
        %mul3A_1324 = arith.mulf %get3A_1323, %broadcast_in_dim3A_1175 : vector<16xf32>
        %add3A_1325 = arith.addf %mul3A_1319, %mul3A_1324 : vector<16xf32>
        %add3A_1326 = arith.constant 4 : i32
        %add3A_1327 = arith.addi %mul3A_432, %add3A_1326 : i32
        %add3A_1328 = arith.constant 0 : i32
        %add3A_1329 = arith.addi %add3A_1327, %add3A_1328 : i32
        %get3A_1330 = arith.index_cast %rem3A_296 : i32 to index
        %get3A_1331 = arith.index_cast %add3A_1329 : i32 to index
        %get3A_1332 = arith.constant 80 : index
        %get3A_1333 = tpu.vector_load %arg13[%get3A_1330, %get3A_1331, %get3A_1332] {strides = array<i32>} : memref<2x64x256xf32, #tpu.memory_space<vmem>>, vector<16xf32>,
        %mul3A_1334 = arith.mulf %get3A_1333, %broadcast_in_dim3A_1166 : vector<16xf32>
        %get3A_1335 = arith.index_cast %rem3A_296 : i32 to index
        %get3A_1336 = arith.index_cast %add3A_1329 : i32 to index
        %get3A_1337 = arith.constant 208 : index
        %get3A_1338 = tpu.vector_load %arg13[%get3A_1335, %get3A_1336, %get3A_1337] {strides = array<i32>} : memref<2x64x256xf32, #tpu.memory_space<vmem>>, vector<16xf32>,
        %mul3A_1339 = arith.mulf %get3A_1338, %broadcast_in_dim3A_1169 : vector<16xf32>
        %add3A_1340 = arith.addf %mul3A_1334, %mul3A_1339 : vector<16xf32>
        %add3A_1341 = arith.constant 4 : i32
        %add3A_1342 = arith.addi %mul3A_432, %add3A_1341 : i32
        %add3A_1343 = arith.constant 1 : i32
        %add3A_1344 = arith.addi %add3A_1342, %add3A_1343 : i32
        %get3A_1345 = arith.index_cast %rem3A_296 : i32 to index
        %get3A_1346 = arith.index_cast %add3A_1344 : i32 to index
        %get3A_1347 = arith.constant 80 : index
        %get3A_1348 = tpu.vector_load %arg13[%get3A_1345, %get3A_1346, %get3A_1347] {strides = array<i32>} : memref<2x64x256xf32, #tpu.memory_space<vmem>>, vector<16xf32>,
        %mul3A_1349 = arith.mulf %get3A_1348, %broadcast_in_dim3A_1172 : vector<16xf32>
        %get3A_1350 = arith.index_cast %rem3A_296 : i32 to index
        %get3A_1351 = arith.index_cast %add3A_1344 : i32 to index
        %get3A_1352 = arith.constant 208 : index
        %get3A_1353 = tpu.vector_load %arg13[%get3A_1350, %get3A_1351, %get3A_1352] {strides = array<i32>} : memref<2x64x256xf32, #tpu.memory_space<vmem>>, vector<16xf32>,
        %mul3A_1354 = arith.mulf %get3A_1353, %broadcast_in_dim3A_1175 : vector<16xf32>
        %add3A_1355 = arith.addf %mul3A_1349, %mul3A_1354 : vector<16xf32>
        %add3A_1356 = arith.constant 4 : i32
        %add3A_1357 = arith.addi %mul3A_432, %add3A_1356 : i32
        %add3A_1358 = arith.constant 0 : i32
        %add3A_1359 = arith.addi %add3A_1357, %add3A_1358 : i32
        %get3A_1360 = arith.index_cast %rem3A_296 : i32 to index
        %get3A_1361 = arith.index_cast %add3A_1359 : i32 to index
        %get3A_1362 = arith.constant 96 : index
        %get3A_1363 = tpu.vector_load %arg13[%get3A_1360, %get3A_1361, %get3A_1362] {strides = array<i32>} : memref<2x64x256xf32, #tpu.memory_space<vmem>>, vector<16xf32>,
        %mul3A_1364 = arith.mulf %get3A_1363, %broadcast_in_dim3A_1166 : vector<16xf32>
        %get3A_1365 = arith.index_cast %rem3A_296 : i32 to index
        %get3A_1366 = arith.index_cast %add3A_1359 : i32 to index
        %get3A_1367 = arith.constant 224 : index
        %get3A_1368 = tpu.vector_load %arg13[%get3A_1365, %get3A_1366, %get3A_1367] {strides = array<i32>} : memref<2x64x256xf32, #tpu.memory_space<vmem>>, vector<16xf32>,
        %mul3A_1369 = arith.mulf %get3A_1368, %broadcast_in_dim3A_1169 : vector<16xf32>
        %add3A_1370 = arith.addf %mul3A_1364, %mul3A_1369 : vector<16xf32>
        %add3A_1371 = arith.constant 4 : i32
        %add3A_1372 = arith.addi %mul3A_432, %add3A_1371 : i32
        %add3A_1373 = arith.constant 1 : i32
        %add3A_1374 = arith.addi %add3A_1372, %add3A_1373 : i32
        %get3A_1375 = arith.index_cast %rem3A_296 : i32 to index
        %get3A_1376 = arith.index_cast %add3A_1374 : i32 to index
        %get3A_1377 = arith.constant 96 : index
        %get3A_1378 = tpu.vector_load %arg13[%get3A_1375, %get3A_1376, %get3A_1377] {strides = array<i32>} : memref<2x64x256xf32, #tpu.memory_space<vmem>>, vector<16xf32>,
        %mul3A_1379 = arith.mulf %get3A_1378, %broadcast_in_dim3A_1172 : vector<16xf32>
        %get3A_1380 = arith.index_cast %rem3A_296 : i32 to index
        %get3A_1381 = arith.index_cast %add3A_1374 : i32 to index
        %get3A_1382 = arith.constant 224 : index
        %get3A_1383 = tpu.vector_load %arg13[%get3A_1380, %get3A_1381, %get3A_1382] {strides = array<i32>} : memref<2x64x256xf32, #tpu.memory_space<vmem>>, vector<16xf32>,
        %mul3A_1384 = arith.mulf %get3A_1383, %broadcast_in_dim3A_1175 : vector<16xf32>
        %add3A_1385 = arith.addf %mul3A_1379, %mul3A_1384 : vector<16xf32>
        %add3A_1386 = arith.constant 4 : i32
        %add3A_1387 = arith.addi %mul3A_432, %add3A_1386 : i32
        %add3A_1388 = arith.constant 0 : i32
        %add3A_1389 = arith.addi %add3A_1387, %add3A_1388 : i32
        %get3A_1390 = arith.index_cast %rem3A_296 : i32 to index
        %get3A_1391 = arith.index_cast %add3A_1389 : i32 to index
        %get3A_1392 = arith.constant 112 : index
        %get3A_1393 = tpu.vector_load %arg13[%get3A_1390, %get3A_1391, %get3A_1392] {strides = array<i32>} : memref<2x64x256xf32, #tpu.memory_space<vmem>>, vector<16xf32>,
        %mul3A_1394 = arith.mulf %get3A_1393, %broadcast_in_dim3A_1166 : vector<16xf32>
        %get3A_1395 = arith.index_cast %rem3A_296 : i32 to index
        %get3A_1396 = arith.index_cast %add3A_1389 : i32 to index
        %get3A_1397 = arith.constant 240 : index
        %get3A_1398 = tpu.vector_load %arg13[%get3A_1395, %get3A_1396, %get3A_1397] {strides = array<i32>} : memref<2x64x256xf32, #tpu.memory_space<vmem>>, vector<16xf32>,
        %mul3A_1399 = arith.mulf %get3A_1398, %broadcast_in_dim3A_1169 : vector<16xf32>
        %add3A_1400 = arith.addf %mul3A_1394, %mul3A_1399 : vector<16xf32>
        %add3A_1401 = arith.constant 4 : i32
        %add3A_1402 = arith.addi %mul3A_432, %add3A_1401 : i32
        %add3A_1403 = arith.constant 1 : i32
        %add3A_1404 = arith.addi %add3A_1402, %add3A_1403 : i32
        %get3A_1405 = arith.index_cast %rem3A_296 : i32 to index
        %get3A_1406 = arith.index_cast %add3A_1404 : i32 to index
        %get3A_1407 = arith.constant 112 : index
        %get3A_1408 = tpu.vector_load %arg13[%get3A_1405, %get3A_1406, %get3A_1407] {strides = array<i32>} : memref<2x64x256xf32, #tpu.memory_space<vmem>>, vector<16xf32>,
        %mul3A_1409 = arith.mulf %get3A_1408, %broadcast_in_dim3A_1172 : vector<16xf32>
        %get3A_1410 = arith.index_cast %rem3A_296 : i32 to index
        %get3A_1411 = arith.index_cast %add3A_1404 : i32 to index
        %get3A_1412 = arith.constant 240 : index
        %get3A_1413 = tpu.vector_load %arg13[%get3A_1410, %get3A_1411, %get3A_1412] {strides = array<i32>} : memref<2x64x256xf32, #tpu.memory_space<vmem>>, vector<16xf32>,
        %mul3A_1414 = arith.mulf %get3A_1413, %broadcast_in_dim3A_1175 : vector<16xf32>
        %add3A_1415 = arith.addf %mul3A_1409, %mul3A_1414 : vector<16xf32>
        %add3A_1416 = arith.constant 4 : i32
        %add3A_1417 = arith.addi %mul3A_432, %add3A_1416 : i32
        %add3A_1418 = arith.constant 0 : i32
        %add3A_1419 = arith.addi %add3A_1417, %add3A_1418 : i32
        %swap3A_1420 = arith.index_cast %add3A_1419 : i32 to index
        %swap3A_1421 = arith.constant 0 : index
        %swap3A_1422 = tpu.vector_load %arg14[%swap3A_1420, %swap3A_1421] {strides = array<i32>} : memref<64x128xf32, #tpu.memory_space<vmem>>, vector<16xf32>,
        tpu.vector_store %arg14[%swap3A_1420, %swap3A_1421], %add3A_1190 {strides = array<i32>} : memref<64x128xf32, #tpu.memory_space<vmem>>, vector<16xf32>,
        %add3A_1423 = arith.constant 4 : i32
        %add3A_1424 = arith.addi %mul3A_432, %add3A_1423 : i32
        %add3A_1425 = arith.constant 1 : i32
        %add3A_1426 = arith.addi %add3A_1424, %add3A_1425 : i32
        %swap3A_1427 = arith.index_cast %add3A_1426 : i32 to index
        %swap3A_1428 = arith.constant 0 : index
        %swap3A_1429 = tpu.vector_load %arg14[%swap3A_1427, %swap3A_1428] {strides = array<i32>} : memref<64x128xf32, #tpu.memory_space<vmem>>, vector<16xf32>,
        tpu.vector_store %arg14[%swap3A_1427, %swap3A_1428], %add3A_1205 {strides = array<i32>} : memref<64x128xf32, #tpu.memory_space<vmem>>, vector<16xf32>,
        %add3A_1430 = arith.constant 4 : i32
        %add3A_1431 = arith.addi %mul3A_432, %add3A_1430 : i32
        %add3A_1432 = arith.constant 0 : i32
        %add3A_1433 = arith.addi %add3A_1431, %add3A_1432 : i32
        %swap3A_1434 = arith.index_cast %add3A_1433 : i32 to index
        %swap3A_1435 = arith.constant 16 : index
        %swap3A_1436 = tpu.vector_load %arg14[%swap3A_1434, %swap3A_1435] {strides = array<i32>} : memref<64x128xf32, #tpu.memory_space<vmem>>, vector<16xf32>,
        tpu.vector_store %arg14[%swap3A_1434, %swap3A_1435], %add3A_1220 {strides = array<i32>} : memref<64x128xf32, #tpu.memory_space<vmem>>, vector<16xf32>,
        %add3A_1437 = arith.constant 4 : i32
        %add3A_1438 = arith.addi %mul3A_432, %add3A_1437 : i32
        %add3A_1439 = arith.constant 1 : i32
        %add3A_1440 = arith.addi %add3A_1438, %add3A_1439 : i32
        %swap3A_1441 = arith.index_cast %add3A_1440 : i32 to index
        %swap3A_1442 = arith.constant 16 : index
        %swap3A_1443 = tpu.vector_load %arg14[%swap3A_1441, %swap3A_1442] {strides = array<i32>} : memref<64x128xf32, #tpu.memory_space<vmem>>, vector<16xf32>,
        tpu.vector_store %arg14[%swap3A_1441, %swap3A_1442], %add3A_1235 {strides = array<i32>} : memref<64x128xf32, #tpu.memory_space<vmem>>, vector<16xf32>,
        %add3A_1444 = arith.constant 4 : i32
        %add3A_1445 = arith.addi %mul3A_432, %add3A_1444 : i32
        %add3A_1446 = arith.constant 0 : i32
        %add3A_1447 = arith.addi %add3A_1445, %add3A_1446 : i32
        %swap3A_1448 = arith.index_cast %add3A_1447 : i32 to index
        %swap3A_1449 = arith.constant 32 : index
        %swap3A_1450 = tpu.vector_load %arg14[%swap3A_1448, %swap3A_1449] {strides = array<i32>} : memref<64x128xf32, #tpu.memory_space<vmem>>, vector<16xf32>,
        tpu.vector_store %arg14[%swap3A_1448, %swap3A_1449], %add3A_1250 {strides = array<i32>} : memref<64x128xf32, #tpu.memory_space<vmem>>, vector<16xf32>,
        %add3A_1451 = arith.constant 4 : i32
        %add3A_1452 = arith.addi %mul3A_432, %add3A_1451 : i32
        %add3A_1453 = arith.constant 1 : i32
        %add3A_1454 = arith.addi %add3A_1452, %add3A_1453 : i32
        %swap3A_1455 = arith.index_cast %add3A_1454 : i32 to index
        %swap3A_1456 = arith.constant 32 : index
        %swap3A_1457 = tpu.vector_load %arg14[%swap3A_1455, %swap3A_1456] {strides = array<i32>} : memref<64x128xf32, #tpu.memory_space<vmem>>, vector<16xf32>,
        tpu.vector_store %arg14[%swap3A_1455, %swap3A_1456], %add3A_1265 {strides = array<i32>} : memref<64x128xf32, #tpu.memory_space<vmem>>, vector<16xf32>,
        %add3A_1458 = arith.constant 4 : i32
        %add3A_1459 = arith.addi %mul3A_432, %add3A_1458 : i32
        %add3A_1460 = arith.constant 0 : i32
        %add3A_1461 = arith.addi %add3A_1459, %add3A_1460 : i32
        %swap3A_1462 = arith.index_cast %add3A_1461 : i32 to index
        %swap3A_1463 = arith.constant 48 : index
        %swap3A_1464 = tpu.vector_load %arg14[%swap3A_1462, %swap3A_1463] {strides = array<i32>} : memref<64x128xf32, #tpu.memory_space<vmem>>, vector<16xf32>,
        tpu.vector_store %arg14[%swap3A_1462, %swap3A_1463], %add3A_1280 {strides = array<i32>} : memref<64x128xf32, #tpu.memory_space<vmem>>, vector<16xf32>,
        %add3A_1465 = arith.constant 4 : i32
        %add3A_1466 = arith.addi %mul3A_432, %add3A_1465 : i32
        %add3A_1467 = arith.constant 1 : i32
        %add3A_1468 = arith.addi %add3A_1466, %add3A_1467 : i32
        %swap3A_1469 = arith.index_cast %add3A_1468 : i32 to index
        %swap3A_1470 = arith.constant 48 : index
        %swap3A_1471 = tpu.vector_load %arg14[%swap3A_1469, %swap3A_1470] {strides = array<i32>} : memref<64x128xf32, #tpu.memory_space<vmem>>, vector<16xf32>,
        tpu.vector_store %arg14[%swap3A_1469, %swap3A_1470], %add3A_1295 {strides = array<i32>} : memref<64x128xf32, #tpu.memory_space<vmem>>, vector<16xf32>,
        %add3A_1472 = arith.constant 4 : i32
        %add3A_1473 = arith.addi %mul3A_432, %add3A_1472 : i32
        %add3A_1474 = arith.constant 0 : i32
        %add3A_1475 = arith.addi %add3A_1473, %add3A_1474 : i32
        %swap3A_1476 = arith.index_cast %add3A_1475 : i32 to index
        %swap3A_1477 = arith.constant 64 : index
        %swap3A_1478 = tpu.vector_load %arg14[%swap3A_1476, %swap3A_1477] {strides = array<i32>} : memref<64x128xf32, #tpu.memory_space<vmem>>, vector<16xf32>,
        tpu.vector_store %arg14[%swap3A_1476, %swap3A_1477], %add3A_1310 {strides = array<i32>} : memref<64x128xf32, #tpu.memory_space<vmem>>, vector<16xf32>,
        %add3A_1479 = arith.constant 4 : i32
        %add3A_1480 = arith.addi %mul3A_432, %add3A_1479 : i32
        %add3A_1481 = arith.constant 1 : i32
        %add3A_1482 = arith.addi %add3A_1480, %add3A_1481 : i32
        %swap3A_1483 = arith.index_cast %add3A_1482 : i32 to index
        %swap3A_1484 = arith.constant 64 : index
        %swap3A_1485 = tpu.vector_load %arg14[%swap3A_1483, %swap3A_1484] {strides = array<i32>} : memref<64x128xf32, #tpu.memory_space<vmem>>, vector<16xf32>,
        tpu.vector_store %arg14[%swap3A_1483, %swap3A_1484], %add3A_1325 {strides = array<i32>} : memref<64x128xf32, #tpu.memory_space<vmem>>, vector<16xf32>,
        %add3A_1486 = arith.constant 4 : i32
        %add3A_1487 = arith.addi %mul3A_432, %add3A_1486 : i32
        %add3A_1488 = arith.constant 0 : i32
        %add3A_1489 = arith.addi %add3A_1487, %add3A_1488 : i32
        %swap3A_1490 = arith.index_cast %add3A_1489 : i32 to index
        %swap3A_1491 = arith.constant 80 : index
        %swap3A_1492 = tpu.vector_load %arg14[%swap3A_1490, %swap3A_1491] {strides = array<i32>} : memref<64x128xf32, #tpu.memory_space<vmem>>, vector<16xf32>,
        tpu.vector_store %arg14[%swap3A_1490, %swap3A_1491], %add3A_1340 {strides = array<i32>} : memref<64x128xf32, #tpu.memory_space<vmem>>, vector<16xf32>,
        %add3A_1493 = arith.constant 4 : i32
        %add3A_1494 = arith.addi %mul3A_432, %add3A_1493 : i32
        %add3A_1495 = arith.constant 1 : i32
        %add3A_1496 = arith.addi %add3A_1494, %add3A_1495 : i32
        %swap3A_1497 = arith.index_cast %add3A_1496 : i32 to index
        %swap3A_1498 = arith.constant 80 : index
        %swap3A_1499 = tpu.vector_load %arg14[%swap3A_1497, %swap3A_1498] {strides = array<i32>} : memref<64x128xf32, #tpu.memory_space<vmem>>, vector<16xf32>,
        tpu.vector_store %arg14[%swap3A_1497, %swap3A_1498], %add3A_1355 {strides = array<i32>} : memref<64x128xf32, #tpu.memory_space<vmem>>, vector<16xf32>,
        %add3A_1500 = arith.constant 4 : i32
        %add3A_1501 = arith.addi %mul3A_432, %add3A_1500 : i32
        %add3A_1502 = arith.constant 0 : i32
        %add3A_1503 = arith.addi %add3A_1501, %add3A_1502 : i32
        %swap3A_1504 = arith.index_cast %add3A_1503 : i32 to index
        %swap3A_1505 = arith.constant 96 : index
        %swap3A_1506 = tpu.vector_load %arg14[%swap3A_1504, %swap3A_1505] {strides = array<i32>} : memref<64x128xf32, #tpu.memory_space<vmem>>, vector<16xf32>,
        tpu.vector_store %arg14[%swap3A_1504, %swap3A_1505], %add3A_1370 {strides = array<i32>} : memref<64x128xf32, #tpu.memory_space<vmem>>, vector<16xf32>,
        %add3A_1507 = arith.constant 4 : i32
        %add3A_1508 = arith.addi %mul3A_432, %add3A_1507 : i32
        %add3A_1509 = arith.constant 1 : i32
        %add3A_1510 = arith.addi %add3A_1508, %add3A_1509 : i32
        %swap3A_1511 = arith.index_cast %add3A_1510 : i32 to index
        %swap3A_1512 = arith.constant 96 : index
        %swap3A_1513 = tpu.vector_load %arg14[%swap3A_1511, %swap3A_1512] {strides = array<i32>} : memref<64x128xf32, #tpu.memory_space<vmem>>, vector<16xf32>,
        tpu.vector_store %arg14[%swap3A_1511, %swap3A_1512], %add3A_1385 {strides = array<i32>} : memref<64x128xf32, #tpu.memory_space<vmem>>, vector<16xf32>,
        %add3A_1514 = arith.constant 4 : i32
        %add3A_1515 = arith.addi %mul3A_432, %add3A_1514 : i32
        %add3A_1516 = arith.constant 0 : i32
        %add3A_1517 = arith.addi %add3A_1515, %add3A_1516 : i32
        %swap3A_1518 = arith.index_cast %add3A_1517 : i32 to index
        %swap3A_1519 = arith.constant 112 : index
        %swap3A_1520 = tpu.vector_load %arg14[%swap3A_1518, %swap3A_1519] {strides = array<i32>} : memref<64x128xf32, #tpu.memory_space<vmem>>, vector<16xf32>,
        tpu.vector_store %arg14[%swap3A_1518, %swap3A_1519], %add3A_1400 {strides = array<i32>} : memref<64x128xf32, #tpu.memory_space<vmem>>, vector<16xf32>,
        %add3A_1521 = arith.constant 4 : i32
        %add3A_1522 = arith.addi %mul3A_432, %add3A_1521 : i32
        %add3A_1523 = arith.constant 1 : i32
        %add3A_1524 = arith.addi %add3A_1522, %add3A_1523 : i32
        %swap3A_1525 = arith.index_cast %add3A_1524 : i32 to index
        %swap3A_1526 = arith.constant 112 : index
        %swap3A_1527 = tpu.vector_load %arg14[%swap3A_1525, %swap3A_1526] {strides = array<i32>} : memref<64x128xf32, #tpu.memory_space<vmem>>, vector<16xf32>,
        tpu.vector_store %arg14[%swap3A_1525, %swap3A_1526], %add3A_1415 {strides = array<i32>} : memref<64x128xf32, #tpu.memory_space<vmem>>, vector<16xf32>,
        %slice3A_1528 = vector.extract_strided_slice %gather3A {offsets = [6], sizes = [1], strides = [1]} : vector<16xf32> to vector<1xf32>
        %squeeze3A_1529 = vector.extract %slice3A_1528[0] : f32 from vector<1xf32>
        %broadcast_in_dim3A_1530 = vector.broadcast %squeeze3A_1529 : f32 to vector<16xf32>
        %slice3A_1531 = vector.extract_strided_slice %gather3A_437 {offsets = [6], sizes = [1], strides = [1]} : vector<16xf32> to vector<1xf32>
        %squeeze3A_1532 = vector.extract %slice3A_1531[0] : f32 from vector<1xf32>
        %broadcast_in_dim3A_1533 = vector.broadcast %squeeze3A_1532 : f32 to vector<16xf32>
        %slice3A_1534 = vector.extract_strided_slice %gather3A {offsets = [7], sizes = [1], strides = [1]} : vector<16xf32> to vector<1xf32>
        %squeeze3A_1535 = vector.extract %slice3A_1534[0] : f32 from vector<1xf32>
        %broadcast_in_dim3A_1536 = vector.broadcast %squeeze3A_1535 : f32 to vector<16xf32>
        %slice3A_1537 = vector.extract_strided_slice %gather3A_437 {offsets = [7], sizes = [1], strides = [1]} : vector<16xf32> to vector<1xf32>
        %squeeze3A_1538 = vector.extract %slice3A_1537[0] : f32 from vector<1xf32>
        %broadcast_in_dim3A_1539 = vector.broadcast %squeeze3A_1538 : f32 to vector<16xf32>
        %add3A_1540 = arith.constant 6 : i32
        %add3A_1541 = arith.addi %mul3A_432, %add3A_1540 : i32
        %add3A_1542 = arith.constant 0 : i32
        %add3A_1543 = arith.addi %add3A_1541, %add3A_1542 : i32
        %get3A_1544 = arith.index_cast %rem3A_296 : i32 to index
        %get3A_1545 = arith.index_cast %add3A_1543 : i32 to index
        %get3A_1546 = arith.constant 0 : index
        %get3A_1547 = tpu.vector_load %arg13[%get3A_1544, %get3A_1545, %get3A_1546] {strides = array<i32>} : memref<2x64x256xf32, #tpu.memory_space<vmem>>, vector<16xf32>,
        %mul3A_1548 = arith.mulf %get3A_1547, %broadcast_in_dim3A_1530 : vector<16xf32>
        %get3A_1549 = arith.index_cast %rem3A_296 : i32 to index
        %get3A_1550 = arith.index_cast %add3A_1543 : i32 to index
        %get3A_1551 = arith.constant 128 : index
        %get3A_1552 = tpu.vector_load %arg13[%get3A_1549, %get3A_1550, %get3A_1551] {strides = array<i32>} : memref<2x64x256xf32, #tpu.memory_space<vmem>>, vector<16xf32>,
        %mul3A_1553 = arith.mulf %get3A_1552, %broadcast_in_dim3A_1533 : vector<16xf32>
        %add3A_1554 = arith.addf %mul3A_1548, %mul3A_1553 : vector<16xf32>
        %add3A_1555 = arith.constant 6 : i32
        %add3A_1556 = arith.addi %mul3A_432, %add3A_1555 : i32
        %add3A_1557 = arith.constant 1 : i32
        %add3A_1558 = arith.addi %add3A_1556, %add3A_1557 : i32
        %get3A_1559 = arith.index_cast %rem3A_296 : i32 to index
        %get3A_1560 = arith.index_cast %add3A_1558 : i32 to index
        %get3A_1561 = arith.constant 0 : index
        %get3A_1562 = tpu.vector_load %arg13[%get3A_1559, %get3A_1560, %get3A_1561] {strides = array<i32>} : memref<2x64x256xf32, #tpu.memory_space<vmem>>, vector<16xf32>,
        %mul3A_1563 = arith.mulf %get3A_1562, %broadcast_in_dim3A_1536 : vector<16xf32>
        %get3A_1564 = arith.index_cast %rem3A_296 : i32 to index
        %get3A_1565 = arith.index_cast %add3A_1558 : i32 to index
        %get3A_1566 = arith.constant 128 : index
        %get3A_1567 = tpu.vector_load %arg13[%get3A_1564, %get3A_1565, %get3A_1566] {strides = array<i32>} : memref<2x64x256xf32, #tpu.memory_space<vmem>>, vector<16xf32>,
        %mul3A_1568 = arith.mulf %get3A_1567, %broadcast_in_dim3A_1539 : vector<16xf32>
        %add3A_1569 = arith.addf %mul3A_1563, %mul3A_1568 : vector<16xf32>
        %add3A_1570 = arith.constant 6 : i32
        %add3A_1571 = arith.addi %mul3A_432, %add3A_1570 : i32
        %add3A_1572 = arith.constant 0 : i32
        %add3A_1573 = arith.addi %add3A_1571, %add3A_1572 : i32
        %get3A_1574 = arith.index_cast %rem3A_296 : i32 to index
        %get3A_1575 = arith.index_cast %add3A_1573 : i32 to index
        %get3A_1576 = arith.constant 16 : index
        %get3A_1577 = tpu.vector_load %arg13[%get3A_1574, %get3A_1575, %get3A_1576] {strides = array<i32>} : memref<2x64x256xf32, #tpu.memory_space<vmem>>, vector<16xf32>,
        %mul3A_1578 = arith.mulf %get3A_1577, %broadcast_in_dim3A_1530 : vector<16xf32>
        %get3A_1579 = arith.index_cast %rem3A_296 : i32 to index
        %get3A_1580 = arith.index_cast %add3A_1573 : i32 to index
        %get3A_1581 = arith.constant 144 : index
        %get3A_1582 = tpu.vector_load %arg13[%get3A_1579, %get3A_1580, %get3A_1581] {strides = array<i32>} : memref<2x64x256xf32, #tpu.memory_space<vmem>>, vector<16xf32>,
        %mul3A_1583 = arith.mulf %get3A_1582, %broadcast_in_dim3A_1533 : vector<16xf32>
        %add3A_1584 = arith.addf %mul3A_1578, %mul3A_1583 : vector<16xf32>
        %add3A_1585 = arith.constant 6 : i32
        %add3A_1586 = arith.addi %mul3A_432, %add3A_1585 : i32
        %add3A_1587 = arith.constant 1 : i32
        %add3A_1588 = arith.addi %add3A_1586, %add3A_1587 : i32
        %get3A_1589 = arith.index_cast %rem3A_296 : i32 to index
        %get3A_1590 = arith.index_cast %add3A_1588 : i32 to index
        %get3A_1591 = arith.constant 16 : index
        %get3A_1592 = tpu.vector_load %arg13[%get3A_1589, %get3A_1590, %get3A_1591] {strides = array<i32>} : memref<2x64x256xf32, #tpu.memory_space<vmem>>, vector<16xf32>,
        %mul3A_1593 = arith.mulf %get3A_1592, %broadcast_in_dim3A_1536 : vector<16xf32>
        %get3A_1594 = arith.index_cast %rem3A_296 : i32 to index
        %get3A_1595 = arith.index_cast %add3A_1588 : i32 to index
        %get3A_1596 = arith.constant 144 : index
        %get3A_1597 = tpu.vector_load %arg13[%get3A_1594, %get3A_1595, %get3A_1596] {strides = array<i32>} : memref<2x64x256xf32, #tpu.memory_space<vmem>>, vector<16xf32>,
        %mul3A_1598 = arith.mulf %get3A_1597, %broadcast_in_dim3A_1539 : vector<16xf32>
        %add3A_1599 = arith.addf %mul3A_1593, %mul3A_1598 : vector<16xf32>
        %add3A_1600 = arith.constant 6 : i32
        %add3A_1601 = arith.addi %mul3A_432, %add3A_1600 : i32
        %add3A_1602 = arith.constant 0 : i32
        %add3A_1603 = arith.addi %add3A_1601, %add3A_1602 : i32
        %get3A_1604 = arith.index_cast %rem3A_296 : i32 to index
        %get3A_1605 = arith.index_cast %add3A_1603 : i32 to index
        %get3A_1606 = arith.constant 32 : index
        %get3A_1607 = tpu.vector_load %arg13[%get3A_1604, %get3A_1605, %get3A_1606] {strides = array<i32>} : memref<2x64x256xf32, #tpu.memory_space<vmem>>, vector<16xf32>,
        %mul3A_1608 = arith.mulf %get3A_1607, %broadcast_in_dim3A_1530 : vector<16xf32>
        %get3A_1609 = arith.index_cast %rem3A_296 : i32 to index
        %get3A_1610 = arith.index_cast %add3A_1603 : i32 to index
        %get3A_1611 = arith.constant 160 : index
        %get3A_1612 = tpu.vector_load %arg13[%get3A_1609, %get3A_1610, %get3A_1611] {strides = array<i32>} : memref<2x64x256xf32, #tpu.memory_space<vmem>>, vector<16xf32>,
        %mul3A_1613 = arith.mulf %get3A_1612, %broadcast_in_dim3A_1533 : vector<16xf32>
        %add3A_1614 = arith.addf %mul3A_1608, %mul3A_1613 : vector<16xf32>
        %add3A_1615 = arith.constant 6 : i32
        %add3A_1616 = arith.addi %mul3A_432, %add3A_1615 : i32
        %add3A_1617 = arith.constant 1 : i32
        %add3A_1618 = arith.addi %add3A_1616, %add3A_1617 : i32
        %get3A_1619 = arith.index_cast %rem3A_296 : i32 to index
        %get3A_1620 = arith.index_cast %add3A_1618 : i32 to index
        %get3A_1621 = arith.constant 32 : index
        %get3A_1622 = tpu.vector_load %arg13[%get3A_1619, %get3A_1620, %get3A_1621] {strides = array<i32>} : memref<2x64x256xf32, #tpu.memory_space<vmem>>, vector<16xf32>,
        %mul3A_1623 = arith.mulf %get3A_1622, %broadcast_in_dim3A_1536 : vector<16xf32>
        %get3A_1624 = arith.index_cast %rem3A_296 : i32 to index
        %get3A_1625 = arith.index_cast %add3A_1618 : i32 to index
        %get3A_1626 = arith.constant 160 : index
        %get3A_1627 = tpu.vector_load %arg13[%get3A_1624, %get3A_1625, %get3A_1626] {strides = array<i32>} : memref<2x64x256xf32, #tpu.memory_space<vmem>>, vector<16xf32>,
        %mul3A_1628 = arith.mulf %get3A_1627, %broadcast_in_dim3A_1539 : vector<16xf32>
        %add3A_1629 = arith.addf %mul3A_1623, %mul3A_1628 : vector<16xf32>
        %add3A_1630 = arith.constant 6 : i32
        %add3A_1631 = arith.addi %mul3A_432, %add3A_1630 : i32
        %add3A_1632 = arith.constant 0 : i32
        %add3A_1633 = arith.addi %add3A_1631, %add3A_1632 : i32
        %get3A_1634 = arith.index_cast %rem3A_296 : i32 to index
        %get3A_1635 = arith.index_cast %add3A_1633 : i32 to index
        %get3A_1636 = arith.constant 48 : index
        %get3A_1637 = tpu.vector_load %arg13[%get3A_1634, %get3A_1635, %get3A_1636] {strides = array<i32>} : memref<2x64x256xf32, #tpu.memory_space<vmem>>, vector<16xf32>,
        %mul3A_1638 = arith.mulf %get3A_1637, %broadcast_in_dim3A_1530 : vector<16xf32>
        %get3A_1639 = arith.index_cast %rem3A_296 : i32 to index
        %get3A_1640 = arith.index_cast %add3A_1633 : i32 to index
        %get3A_1641 = arith.constant 176 : index
        %get3A_1642 = tpu.vector_load %arg13[%get3A_1639, %get3A_1640, %get3A_1641] {strides = array<i32>} : memref<2x64x256xf32, #tpu.memory_space<vmem>>, vector<16xf32>,
        %mul3A_1643 = arith.mulf %get3A_1642, %broadcast_in_dim3A_1533 : vector<16xf32>
        %add3A_1644 = arith.addf %mul3A_1638, %mul3A_1643 : vector<16xf32>
        %add3A_1645 = arith.constant 6 : i32
        %add3A_1646 = arith.addi %mul3A_432, %add3A_1645 : i32
        %add3A_1647 = arith.constant 1 : i32
        %add3A_1648 = arith.addi %add3A_1646, %add3A_1647 : i32
        %get3A_1649 = arith.index_cast %rem3A_296 : i32 to index
        %get3A_1650 = arith.index_cast %add3A_1648 : i32 to index
        %get3A_1651 = arith.constant 48 : index
        %get3A_1652 = tpu.vector_load %arg13[%get3A_1649, %get3A_1650, %get3A_1651] {strides = array<i32>} : memref<2x64x256xf32, #tpu.memory_space<vmem>>, vector<16xf32>,
        %mul3A_1653 = arith.mulf %get3A_1652, %broadcast_in_dim3A_1536 : vector<16xf32>
        %get3A_1654 = arith.index_cast %rem3A_296 : i32 to index
        %get3A_1655 = arith.index_cast %add3A_1648 : i32 to index
        %get3A_1656 = arith.constant 176 : index
        %get3A_1657 = tpu.vector_load %arg13[%get3A_1654, %get3A_1655, %get3A_1656] {strides = array<i32>} : memref<2x64x256xf32, #tpu.memory_space<vmem>>, vector<16xf32>,
        %mul3A_1658 = arith.mulf %get3A_1657, %broadcast_in_dim3A_1539 : vector<16xf32>
        %add3A_1659 = arith.addf %mul3A_1653, %mul3A_1658 : vector<16xf32>
        %add3A_1660 = arith.constant 6 : i32
        %add3A_1661 = arith.addi %mul3A_432, %add3A_1660 : i32
        %add3A_1662 = arith.constant 0 : i32
        %add3A_1663 = arith.addi %add3A_1661, %add3A_1662 : i32
        %get3A_1664 = arith.index_cast %rem3A_296 : i32 to index
        %get3A_1665 = arith.index_cast %add3A_1663 : i32 to index
        %get3A_1666 = arith.constant 64 : index
        %get3A_1667 = tpu.vector_load %arg13[%get3A_1664, %get3A_1665, %get3A_1666] {strides = array<i32>} : memref<2x64x256xf32, #tpu.memory_space<vmem>>, vector<16xf32>,
        %mul3A_1668 = arith.mulf %get3A_1667, %broadcast_in_dim3A_1530 : vector<16xf32>
        %get3A_1669 = arith.index_cast %rem3A_296 : i32 to index
        %get3A_1670 = arith.index_cast %add3A_1663 : i32 to index
        %get3A_1671 = arith.constant 192 : index
        %get3A_1672 = tpu.vector_load %arg13[%get3A_1669, %get3A_1670, %get3A_1671] {strides = array<i32>} : memref<2x64x256xf32, #tpu.memory_space<vmem>>, vector<16xf32>,
        %mul3A_1673 = arith.mulf %get3A_1672, %broadcast_in_dim3A_1533 : vector<16xf32>
        %add3A_1674 = arith.addf %mul3A_1668, %mul3A_1673 : vector<16xf32>
        %add3A_1675 = arith.constant 6 : i32
        %add3A_1676 = arith.addi %mul3A_432, %add3A_1675 : i32
        %add3A_1677 = arith.constant 1 : i32
        %add3A_1678 = arith.addi %add3A_1676, %add3A_1677 : i32
        %get3A_1679 = arith.index_cast %rem3A_296 : i32 to index
        %get3A_1680 = arith.index_cast %add3A_1678 : i32 to index
        %get3A_1681 = arith.constant 64 : index
        %get3A_1682 = tpu.vector_load %arg13[%get3A_1679, %get3A_1680, %get3A_1681] {strides = array<i32>} : memref<2x64x256xf32, #tpu.memory_space<vmem>>, vector<16xf32>,
        %mul3A_1683 = arith.mulf %get3A_1682, %broadcast_in_dim3A_1536 : vector<16xf32>
        %get3A_1684 = arith.index_cast %rem3A_296 : i32 to index
        %get3A_1685 = arith.index_cast %add3A_1678 : i32 to index
        %get3A_1686 = arith.constant 192 : index
        %get3A_1687 = tpu.vector_load %arg13[%get3A_1684, %get3A_1685, %get3A_1686] {strides = array<i32>} : memref<2x64x256xf32, #tpu.memory_space<vmem>>, vector<16xf32>,
        %mul3A_1688 = arith.mulf %get3A_1687, %broadcast_in_dim3A_1539 : vector<16xf32>
        %add3A_1689 = arith.addf %mul3A_1683, %mul3A_1688 : vector<16xf32>
        %add3A_1690 = arith.constant 6 : i32
        %add3A_1691 = arith.addi %mul3A_432, %add3A_1690 : i32
        %add3A_1692 = arith.constant 0 : i32
        %add3A_1693 = arith.addi %add3A_1691, %add3A_1692 : i32
        %get3A_1694 = arith.index_cast %rem3A_296 : i32 to index
        %get3A_1695 = arith.index_cast %add3A_1693 : i32 to index
        %get3A_1696 = arith.constant 80 : index
        %get3A_1697 = tpu.vector_load %arg13[%get3A_1694, %get3A_1695, %get3A_1696] {strides = array<i32>} : memref<2x64x256xf32, #tpu.memory_space<vmem>>, vector<16xf32>,
        %mul3A_1698 = arith.mulf %get3A_1697, %broadcast_in_dim3A_1530 : vector<16xf32>
        %get3A_1699 = arith.index_cast %rem3A_296 : i32 to index
        %get3A_1700 = arith.index_cast %add3A_1693 : i32 to index
        %get3A_1701 = arith.constant 208 : index
        %get3A_1702 = tpu.vector_load %arg13[%get3A_1699, %get3A_1700, %get3A_1701] {strides = array<i32>} : memref<2x64x256xf32, #tpu.memory_space<vmem>>, vector<16xf32>,
        %mul3A_1703 = arith.mulf %get3A_1702, %broadcast_in_dim3A_1533 : vector<16xf32>
        %add3A_1704 = arith.addf %mul3A_1698, %mul3A_1703 : vector<16xf32>
        %add3A_1705 = arith.constant 6 : i32
        %add3A_1706 = arith.addi %mul3A_432, %add3A_1705 : i32
        %add3A_1707 = arith.constant 1 : i32
        %add3A_1708 = arith.addi %add3A_1706, %add3A_1707 : i32
        %get3A_1709 = arith.index_cast %rem3A_296 : i32 to index
        %get3A_1710 = arith.index_cast %add3A_1708 : i32 to index
        %get3A_1711 = arith.constant 80 : index
        %get3A_1712 = tpu.vector_load %arg13[%get3A_1709, %get3A_1710, %get3A_1711] {strides = array<i32>} : memref<2x64x256xf32, #tpu.memory_space<vmem>>, vector<16xf32>,
        %mul3A_1713 = arith.mulf %get3A_1712, %broadcast_in_dim3A_1536 : vector<16xf32>
        %get3A_1714 = arith.index_cast %rem3A_296 : i32 to index
        %get3A_1715 = arith.index_cast %add3A_1708 : i32 to index
        %get3A_1716 = arith.constant 208 : index
        %get3A_1717 = tpu.vector_load %arg13[%get3A_1714, %get3A_1715, %get3A_1716] {strides = array<i32>} : memref<2x64x256xf32, #tpu.memory_space<vmem>>, vector<16xf32>,
        %mul3A_1718 = arith.mulf %get3A_1717, %broadcast_in_dim3A_1539 : vector<16xf32>
        %add3A_1719 = arith.addf %mul3A_1713, %mul3A_1718 : vector<16xf32>
        %add3A_1720 = arith.constant 6 : i32
        %add3A_1721 = arith.addi %mul3A_432, %add3A_1720 : i32
        %add3A_1722 = arith.constant 0 : i32
        %add3A_1723 = arith.addi %add3A_1721, %add3A_1722 : i32
        %get3A_1724 = arith.index_cast %rem3A_296 : i32 to index
        %get3A_1725 = arith.index_cast %add3A_1723 : i32 to index
        %get3A_1726 = arith.constant 96 : index
        %get3A_1727 = tpu.vector_load %arg13[%get3A_1724, %get3A_1725, %get3A_1726] {strides = array<i32>} : memref<2x64x256xf32, #tpu.memory_space<vmem>>, vector<16xf32>,
        %mul3A_1728 = arith.mulf %get3A_1727, %broadcast_in_dim3A_1530 : vector<16xf32>
        %get3A_1729 = arith.index_cast %rem3A_296 : i32 to index
        %get3A_1730 = arith.index_cast %add3A_1723 : i32 to index
        %get3A_1731 = arith.constant 224 : index
        %get3A_1732 = tpu.vector_load %arg13[%get3A_1729, %get3A_1730, %get3A_1731] {strides = array<i32>} : memref<2x64x256xf32, #tpu.memory_space<vmem>>, vector<16xf32>,
        %mul3A_1733 = arith.mulf %get3A_1732, %broadcast_in_dim3A_1533 : vector<16xf32>
        %add3A_1734 = arith.addf %mul3A_1728, %mul3A_1733 : vector<16xf32>
        %add3A_1735 = arith.constant 6 : i32
        %add3A_1736 = arith.addi %mul3A_432, %add3A_1735 : i32
        %add3A_1737 = arith.constant 1 : i32
        %add3A_1738 = arith.addi %add3A_1736, %add3A_1737 : i32
        %get3A_1739 = arith.index_cast %rem3A_296 : i32 to index
        %get3A_1740 = arith.index_cast %add3A_1738 : i32 to index
        %get3A_1741 = arith.constant 96 : index
        %get3A_1742 = tpu.vector_load %arg13[%get3A_1739, %get3A_1740, %get3A_1741] {strides = array<i32>} : memref<2x64x256xf32, #tpu.memory_space<vmem>>, vector<16xf32>,
        %mul3A_1743 = arith.mulf %get3A_1742, %broadcast_in_dim3A_1536 : vector<16xf32>
        %get3A_1744 = arith.index_cast %rem3A_296 : i32 to index
        %get3A_1745 = arith.index_cast %add3A_1738 : i32 to index
        %get3A_1746 = arith.constant 224 : index
        %get3A_1747 = tpu.vector_load %arg13[%get3A_1744, %get3A_1745, %get3A_1746] {strides = array<i32>} : memref<2x64x256xf32, #tpu.memory_space<vmem>>, vector<16xf32>,
        %mul3A_1748 = arith.mulf %get3A_1747, %broadcast_in_dim3A_1539 : vector<16xf32>
        %add3A_1749 = arith.addf %mul3A_1743, %mul3A_1748 : vector<16xf32>
        %add3A_1750 = arith.constant 6 : i32
        %add3A_1751 = arith.addi %mul3A_432, %add3A_1750 : i32
        %add3A_1752 = arith.constant 0 : i32
        %add3A_1753 = arith.addi %add3A_1751, %add3A_1752 : i32
        %get3A_1754 = arith.index_cast %rem3A_296 : i32 to index
        %get3A_1755 = arith.index_cast %add3A_1753 : i32 to index
        %get3A_1756 = arith.constant 112 : index
        %get3A_1757 = tpu.vector_load %arg13[%get3A_1754, %get3A_1755, %get3A_1756] {strides = array<i32>} : memref<2x64x256xf32, #tpu.memory_space<vmem>>, vector<16xf32>,
        %mul3A_1758 = arith.mulf %get3A_1757, %broadcast_in_dim3A_1530 : vector<16xf32>
        %get3A_1759 = arith.index_cast %rem3A_296 : i32 to index
        %get3A_1760 = arith.index_cast %add3A_1753 : i32 to index
        %get3A_1761 = arith.constant 240 : index
        %get3A_1762 = tpu.vector_load %arg13[%get3A_1759, %get3A_1760, %get3A_1761] {strides = array<i32>} : memref<2x64x256xf32, #tpu.memory_space<vmem>>, vector<16xf32>,
        %mul3A_1763 = arith.mulf %get3A_1762, %broadcast_in_dim3A_1533 : vector<16xf32>
        %add3A_1764 = arith.addf %mul3A_1758, %mul3A_1763 : vector<16xf32>
        %add3A_1765 = arith.constant 6 : i32
        %add3A_1766 = arith.addi %mul3A_432, %add3A_1765 : i32
        %add3A_1767 = arith.constant 1 : i32
        %add3A_1768 = arith.addi %add3A_1766, %add3A_1767 : i32
        %get3A_1769 = arith.index_cast %rem3A_296 : i32 to index
        %get3A_1770 = arith.index_cast %add3A_1768 : i32 to index
        %get3A_1771 = arith.constant 112 : index
        %get3A_1772 = tpu.vector_load %arg13[%get3A_1769, %get3A_1770, %get3A_1771] {strides = array<i32>} : memref<2x64x256xf32, #tpu.memory_space<vmem>>, vector<16xf32>,
        %mul3A_1773 = arith.mulf %get3A_1772, %broadcast_in_dim3A_1536 : vector<16xf32>
        %get3A_1774 = arith.index_cast %rem3A_296 : i32 to index
        %get3A_1775 = arith.index_cast %add3A_1768 : i32 to index
        %get3A_1776 = arith.constant 240 : index
        %get3A_1777 = tpu.vector_load %arg13[%get3A_1774, %get3A_1775, %get3A_1776] {strides = array<i32>} : memref<2x64x256xf32, #tpu.memory_space<vmem>>, vector<16xf32>,
        %mul3A_1778 = arith.mulf %get3A_1777, %broadcast_in_dim3A_1539 : vector<16xf32>
        %add3A_1779 = arith.addf %mul3A_1773, %mul3A_1778 : vector<16xf32>
        %add3A_1780 = arith.constant 6 : i32
        %add3A_1781 = arith.addi %mul3A_432, %add3A_1780 : i32
        %add3A_1782 = arith.constant 0 : i32
        %add3A_1783 = arith.addi %add3A_1781, %add3A_1782 : i32
        %swap3A_1784 = arith.index_cast %add3A_1783 : i32 to index
        %swap3A_1785 = arith.constant 0 : index
        %swap3A_1786 = tpu.vector_load %arg14[%swap3A_1784, %swap3A_1785] {strides = array<i32>} : memref<64x128xf32, #tpu.memory_space<vmem>>, vector<16xf32>,
        tpu.vector_store %arg14[%swap3A_1784, %swap3A_1785], %add3A_1554 {strides = array<i32>} : memref<64x128xf32, #tpu.memory_space<vmem>>, vector<16xf32>,
        %add3A_1787 = arith.constant 6 : i32
        %add3A_1788 = arith.addi %mul3A_432, %add3A_1787 : i32
        %add3A_1789 = arith.constant 1 : i32
        %add3A_1790 = arith.addi %add3A_1788, %add3A_1789 : i32
        %swap3A_1791 = arith.index_cast %add3A_1790 : i32 to index
        %swap3A_1792 = arith.constant 0 : index
        %swap3A_1793 = tpu.vector_load %arg14[%swap3A_1791, %swap3A_1792] {strides = array<i32>} : memref<64x128xf32, #tpu.memory_space<vmem>>, vector<16xf32>,
        tpu.vector_store %arg14[%swap3A_1791, %swap3A_1792], %add3A_1569 {strides = array<i32>} : memref<64x128xf32, #tpu.memory_space<vmem>>, vector<16xf32>,
        %add3A_1794 = arith.constant 6 : i32
        %add3A_1795 = arith.addi %mul3A_432, %add3A_1794 : i32
        %add3A_1796 = arith.constant 0 : i32
        %add3A_1797 = arith.addi %add3A_1795, %add3A_1796 : i32
        %swap3A_1798 = arith.index_cast %add3A_1797 : i32 to index
        %swap3A_1799 = arith.constant 16 : index
        %swap3A_1800 = tpu.vector_load %arg14[%swap3A_1798, %swap3A_1799] {strides = array<i32>} : memref<64x128xf32, #tpu.memory_space<vmem>>, vector<16xf32>,
        tpu.vector_store %arg14[%swap3A_1798, %swap3A_1799], %add3A_1584 {strides = array<i32>} : memref<64x128xf32, #tpu.memory_space<vmem>>, vector<16xf32>,
        %add3A_1801 = arith.constant 6 : i32
        %add3A_1802 = arith.addi %mul3A_432, %add3A_1801 : i32
        %add3A_1803 = arith.constant 1 : i32
        %add3A_1804 = arith.addi %add3A_1802, %add3A_1803 : i32
        %swap3A_1805 = arith.index_cast %add3A_1804 : i32 to index
        %swap3A_1806 = arith.constant 16 : index
        %swap3A_1807 = tpu.vector_load %arg14[%swap3A_1805, %swap3A_1806] {strides = array<i32>} : memref<64x128xf32, #tpu.memory_space<vmem>>, vector<16xf32>,
        tpu.vector_store %arg14[%swap3A_1805, %swap3A_1806], %add3A_1599 {strides = array<i32>} : memref<64x128xf32, #tpu.memory_space<vmem>>, vector<16xf32>,
        %add3A_1808 = arith.constant 6 : i32
        %add3A_1809 = arith.addi %mul3A_432, %add3A_1808 : i32
        %add3A_1810 = arith.constant 0 : i32
        %add3A_1811 = arith.addi %add3A_1809, %add3A_1810 : i32
        %swap3A_1812 = arith.index_cast %add3A_1811 : i32 to index
        %swap3A_1813 = arith.constant 32 : index
        %swap3A_1814 = tpu.vector_load %arg14[%swap3A_1812, %swap3A_1813] {strides = array<i32>} : memref<64x128xf32, #tpu.memory_space<vmem>>, vector<16xf32>,
        tpu.vector_store %arg14[%swap3A_1812, %swap3A_1813], %add3A_1614 {strides = array<i32>} : memref<64x128xf32, #tpu.memory_space<vmem>>, vector<16xf32>,
        %add3A_1815 = arith.constant 6 : i32
        %add3A_1816 = arith.addi %mul3A_432, %add3A_1815 : i32
        %add3A_1817 = arith.constant 1 : i32
        %add3A_1818 = arith.addi %add3A_1816, %add3A_1817 : i32
        %swap3A_1819 = arith.index_cast %add3A_1818 : i32 to index
        %swap3A_1820 = arith.constant 32 : index
        %swap3A_1821 = tpu.vector_load %arg14[%swap3A_1819, %swap3A_1820] {strides = array<i32>} : memref<64x128xf32, #tpu.memory_space<vmem>>, vector<16xf32>,
        tpu.vector_store %arg14[%swap3A_1819, %swap3A_1820], %add3A_1629 {strides = array<i32>} : memref<64x128xf32, #tpu.memory_space<vmem>>, vector<16xf32>,
        %add3A_1822 = arith.constant 6 : i32
        %add3A_1823 = arith.addi %mul3A_432, %add3A_1822 : i32
        %add3A_1824 = arith.constant 0 : i32
        %add3A_1825 = arith.addi %add3A_1823, %add3A_1824 : i32
        %swap3A_1826 = arith.index_cast %add3A_1825 : i32 to index
        %swap3A_1827 = arith.constant 48 : index
        %swap3A_1828 = tpu.vector_load %arg14[%swap3A_1826, %swap3A_1827] {strides = array<i32>} : memref<64x128xf32, #tpu.memory_space<vmem>>, vector<16xf32>,
        tpu.vector_store %arg14[%swap3A_1826, %swap3A_1827], %add3A_1644 {strides = array<i32>} : memref<64x128xf32, #tpu.memory_space<vmem>>, vector<16xf32>,
        %add3A_1829 = arith.constant 6 : i32
        %add3A_1830 = arith.addi %mul3A_432, %add3A_1829 : i32
        %add3A_1831 = arith.constant 1 : i32
        %add3A_1832 = arith.addi %add3A_1830, %add3A_1831 : i32
        %swap3A_1833 = arith.index_cast %add3A_1832 : i32 to index
        %swap3A_1834 = arith.constant 48 : index
        %swap3A_1835 = tpu.vector_load %arg14[%swap3A_1833, %swap3A_1834] {strides = array<i32>} : memref<64x128xf32, #tpu.memory_space<vmem>>, vector<16xf32>,
        tpu.vector_store %arg14[%swap3A_1833, %swap3A_1834], %add3A_1659 {strides = array<i32>} : memref<64x128xf32, #tpu.memory_space<vmem>>, vector<16xf32>,
        %add3A_1836 = arith.constant 6 : i32
        %add3A_1837 = arith.addi %mul3A_432, %add3A_1836 : i32
        %add3A_1838 = arith.constant 0 : i32
        %add3A_1839 = arith.addi %add3A_1837, %add3A_1838 : i32
        %swap3A_1840 = arith.index_cast %add3A_1839 : i32 to index
        %swap3A_1841 = arith.constant 64 : index
        %swap3A_1842 = tpu.vector_load %arg14[%swap3A_1840, %swap3A_1841] {strides = array<i32>} : memref<64x128xf32, #tpu.memory_space<vmem>>, vector<16xf32>,
        tpu.vector_store %arg14[%swap3A_1840, %swap3A_1841], %add3A_1674 {strides = array<i32>} : memref<64x128xf32, #tpu.memory_space<vmem>>, vector<16xf32>,
        %add3A_1843 = arith.constant 6 : i32
        %add3A_1844 = arith.addi %mul3A_432, %add3A_1843 : i32
        %add3A_1845 = arith.constant 1 : i32
        %add3A_1846 = arith.addi %add3A_1844, %add3A_1845 : i32
        %swap3A_1847 = arith.index_cast %add3A_1846 : i32 to index
        %swap3A_1848 = arith.constant 64 : index
        %swap3A_1849 = tpu.vector_load %arg14[%swap3A_1847, %swap3A_1848] {strides = array<i32>} : memref<64x128xf32, #tpu.memory_space<vmem>>, vector<16xf32>,
        tpu.vector_store %arg14[%swap3A_1847, %swap3A_1848], %add3A_1689 {strides = array<i32>} : memref<64x128xf32, #tpu.memory_space<vmem>>, vector<16xf32>,
        %add3A_1850 = arith.constant 6 : i32
        %add3A_1851 = arith.addi %mul3A_432, %add3A_1850 : i32
        %add3A_1852 = arith.constant 0 : i32
        %add3A_1853 = arith.addi %add3A_1851, %add3A_1852 : i32
        %swap3A_1854 = arith.index_cast %add3A_1853 : i32 to index
        %swap3A_1855 = arith.constant 80 : index
        %swap3A_1856 = tpu.vector_load %arg14[%swap3A_1854, %swap3A_1855] {strides = array<i32>} : memref<64x128xf32, #tpu.memory_space<vmem>>, vector<16xf32>,
        tpu.vector_store %arg14[%swap3A_1854, %swap3A_1855], %add3A_1704 {strides = array<i32>} : memref<64x128xf32, #tpu.memory_space<vmem>>, vector<16xf32>,
        %add3A_1857 = arith.constant 6 : i32
        %add3A_1858 = arith.addi %mul3A_432, %add3A_1857 : i32
        %add3A_1859 = arith.constant 1 : i32
        %add3A_1860 = arith.addi %add3A_1858, %add3A_1859 : i32
        %swap3A_1861 = arith.index_cast %add3A_1860 : i32 to index
        %swap3A_1862 = arith.constant 80 : index
        %swap3A_1863 = tpu.vector_load %arg14[%swap3A_1861, %swap3A_1862] {strides = array<i32>} : memref<64x128xf32, #tpu.memory_space<vmem>>, vector<16xf32>,
        tpu.vector_store %arg14[%swap3A_1861, %swap3A_1862], %add3A_1719 {strides = array<i32>} : memref<64x128xf32, #tpu.memory_space<vmem>>, vector<16xf32>,
        %add3A_1864 = arith.constant 6 : i32
        %add3A_1865 = arith.addi %mul3A_432, %add3A_1864 : i32
        %add3A_1866 = arith.constant 0 : i32
        %add3A_1867 = arith.addi %add3A_1865, %add3A_1866 : i32
        %swap3A_1868 = arith.index_cast %add3A_1867 : i32 to index
        %swap3A_1869 = arith.constant 96 : index
        %swap3A_1870 = tpu.vector_load %arg14[%swap3A_1868, %swap3A_1869] {strides = array<i32>} : memref<64x128xf32, #tpu.memory_space<vmem>>, vector<16xf32>,
        tpu.vector_store %arg14[%swap3A_1868, %swap3A_1869], %add3A_1734 {strides = array<i32>} : memref<64x128xf32, #tpu.memory_space<vmem>>, vector<16xf32>,
        %add3A_1871 = arith.constant 6 : i32
        %add3A_1872 = arith.addi %mul3A_432, %add3A_1871 : i32
        %add3A_1873 = arith.constant 1 : i32
        %add3A_1874 = arith.addi %add3A_1872, %add3A_1873 : i32
        %swap3A_1875 = arith.index_cast %add3A_1874 : i32 to index
        %swap3A_1876 = arith.constant 96 : index
        %swap3A_1877 = tpu.vector_load %arg14[%swap3A_1875, %swap3A_1876] {strides = array<i32>} : memref<64x128xf32, #tpu.memory_space<vmem>>, vector<16xf32>,
        tpu.vector_store %arg14[%swap3A_1875, %swap3A_1876], %add3A_1749 {strides = array<i32>} : memref<64x128xf32, #tpu.memory_space<vmem>>, vector<16xf32>,
        %add3A_1878 = arith.constant 6 : i32
        %add3A_1879 = arith.addi %mul3A_432, %add3A_1878 : i32
        %add3A_1880 = arith.constant 0 : i32
        %add3A_1881 = arith.addi %add3A_1879, %add3A_1880 : i32
        %swap3A_1882 = arith.index_cast %add3A_1881 : i32 to index
        %swap3A_1883 = arith.constant 112 : index
        %swap3A_1884 = tpu.vector_load %arg14[%swap3A_1882, %swap3A_1883] {strides = array<i32>} : memref<64x128xf32, #tpu.memory_space<vmem>>, vector<16xf32>,
        tpu.vector_store %arg14[%swap3A_1882, %swap3A_1883], %add3A_1764 {strides = array<i32>} : memref<64x128xf32, #tpu.memory_space<vmem>>, vector<16xf32>,
        %add3A_1885 = arith.constant 6 : i32
        %add3A_1886 = arith.addi %mul3A_432, %add3A_1885 : i32
        %add3A_1887 = arith.constant 1 : i32
        %add3A_1888 = arith.addi %add3A_1886, %add3A_1887 : i32
        %swap3A_1889 = arith.index_cast %add3A_1888 : i32 to index
        %swap3A_1890 = arith.constant 112 : index
        %swap3A_1891 = tpu.vector_load %arg14[%swap3A_1889, %swap3A_1890] {strides = array<i32>} : memref<64x128xf32, #tpu.memory_space<vmem>>, vector<16xf32>,
        tpu.vector_store %arg14[%swap3A_1889, %swap3A_1890], %add3A_1779 {strides = array<i32>} : memref<64x128xf32, #tpu.memory_space<vmem>>, vector<16xf32>,
        %slice3A_1892 = vector.extract_strided_slice %gather3A {offsets = [8], sizes = [1], strides = [1]} : vector<16xf32> to vector<1xf32>
        %squeeze3A_1893 = vector.extract %slice3A_1892[0] : f32 from vector<1xf32>
        %broadcast_in_dim3A_1894 = vector.broadcast %squeeze3A_1893 : f32 to vector<16xf32>
        %slice3A_1895 = vector.extract_strided_slice %gather3A_437 {offsets = [8], sizes = [1], strides = [1]} : vector<16xf32> to vector<1xf32>
        %squeeze3A_1896 = vector.extract %slice3A_1895[0] : f32 from vector<1xf32>
        %broadcast_in_dim3A_1897 = vector.broadcast %squeeze3A_1896 : f32 to vector<16xf32>
        %slice3A_1898 = vector.extract_strided_slice %gather3A {offsets = [9], sizes = [1], strides = [1]} : vector<16xf32> to vector<1xf32>
        %squeeze3A_1899 = vector.extract %slice3A_1898[0] : f32 from vector<1xf32>
        %broadcast_in_dim3A_1900 = vector.broadcast %squeeze3A_1899 : f32 to vector<16xf32>
        %slice3A_1901 = vector.extract_strided_slice %gather3A_437 {offsets = [9], sizes = [1], strides = [1]} : vector<16xf32> to vector<1xf32>
        %squeeze3A_1902 = vector.extract %slice3A_1901[0] : f32 from vector<1xf32>
        %broadcast_in_dim3A_1903 = vector.broadcast %squeeze3A_1902 : f32 to vector<16xf32>
        %add3A_1904 = arith.constant 8 : i32
        %add3A_1905 = arith.addi %mul3A_432, %add3A_1904 : i32
        %add3A_1906 = arith.constant 0 : i32
        %add3A_1907 = arith.addi %add3A_1905, %add3A_1906 : i32
        %get3A_1908 = arith.index_cast %rem3A_296 : i32 to index
        %get3A_1909 = arith.index_cast %add3A_1907 : i32 to index
        %get3A_1910 = arith.constant 0 : index
        %get3A_1911 = tpu.vector_load %arg13[%get3A_1908, %get3A_1909, %get3A_1910] {strides = array<i32>} : memref<2x64x256xf32, #tpu.memory_space<vmem>>, vector<16xf32>,
        %mul3A_1912 = arith.mulf %get3A_1911, %broadcast_in_dim3A_1894 : vector<16xf32>
        %get3A_1913 = arith.index_cast %rem3A_296 : i32 to index
        %get3A_1914 = arith.index_cast %add3A_1907 : i32 to index
        %get3A_1915 = arith.constant 128 : index
        %get3A_1916 = tpu.vector_load %arg13[%get3A_1913, %get3A_1914, %get3A_1915] {strides = array<i32>} : memref<2x64x256xf32, #tpu.memory_space<vmem>>, vector<16xf32>,
        %mul3A_1917 = arith.mulf %get3A_1916, %broadcast_in_dim3A_1897 : vector<16xf32>
        %add3A_1918 = arith.addf %mul3A_1912, %mul3A_1917 : vector<16xf32>
        %add3A_1919 = arith.constant 8 : i32
        %add3A_1920 = arith.addi %mul3A_432, %add3A_1919 : i32
        %add3A_1921 = arith.constant 1 : i32
        %add3A_1922 = arith.addi %add3A_1920, %add3A_1921 : i32
        %get3A_1923 = arith.index_cast %rem3A_296 : i32 to index
        %get3A_1924 = arith.index_cast %add3A_1922 : i32 to index
        %get3A_1925 = arith.constant 0 : index
        %get3A_1926 = tpu.vector_load %arg13[%get3A_1923, %get3A_1924, %get3A_1925] {strides = array<i32>} : memref<2x64x256xf32, #tpu.memory_space<vmem>>, vector<16xf32>,
        %mul3A_1927 = arith.mulf %get3A_1926, %broadcast_in_dim3A_1900 : vector<16xf32>
        %get3A_1928 = arith.index_cast %rem3A_296 : i32 to index
        %get3A_1929 = arith.index_cast %add3A_1922 : i32 to index
        %get3A_1930 = arith.constant 128 : index
        %get3A_1931 = tpu.vector_load %arg13[%get3A_1928, %get3A_1929, %get3A_1930] {strides = array<i32>} : memref<2x64x256xf32, #tpu.memory_space<vmem>>, vector<16xf32>,
        %mul3A_1932 = arith.mulf %get3A_1931, %broadcast_in_dim3A_1903 : vector<16xf32>
        %add3A_1933 = arith.addf %mul3A_1927, %mul3A_1932 : vector<16xf32>
        %add3A_1934 = arith.constant 8 : i32
        %add3A_1935 = arith.addi %mul3A_432, %add3A_1934 : i32
        %add3A_1936 = arith.constant 0 : i32
        %add3A_1937 = arith.addi %add3A_1935, %add3A_1936 : i32
        %get3A_1938 = arith.index_cast %rem3A_296 : i32 to index
        %get3A_1939 = arith.index_cast %add3A_1937 : i32 to index
        %get3A_1940 = arith.constant 16 : index
        %get3A_1941 = tpu.vector_load %arg13[%get3A_1938, %get3A_1939, %get3A_1940] {strides = array<i32>} : memref<2x64x256xf32, #tpu.memory_space<vmem>>, vector<16xf32>,
        %mul3A_1942 = arith.mulf %get3A_1941, %broadcast_in_dim3A_1894 : vector<16xf32>
        %get3A_1943 = arith.index_cast %rem3A_296 : i32 to index
        %get3A_1944 = arith.index_cast %add3A_1937 : i32 to index
        %get3A_1945 = arith.constant 144 : index
        %get3A_1946 = tpu.vector_load %arg13[%get3A_1943, %get3A_1944, %get3A_1945] {strides = array<i32>} : memref<2x64x256xf32, #tpu.memory_space<vmem>>, vector<16xf32>,
        %mul3A_1947 = arith.mulf %get3A_1946, %broadcast_in_dim3A_1897 : vector<16xf32>
        %add3A_1948 = arith.addf %mul3A_1942, %mul3A_1947 : vector<16xf32>
        %add3A_1949 = arith.constant 8 : i32
        %add3A_1950 = arith.addi %mul3A_432, %add3A_1949 : i32
        %add3A_1951 = arith.constant 1 : i32
        %add3A_1952 = arith.addi %add3A_1950, %add3A_1951 : i32
        %get3A_1953 = arith.index_cast %rem3A_296 : i32 to index
        %get3A_1954 = arith.index_cast %add3A_1952 : i32 to index
        %get3A_1955 = arith.constant 16 : index
        %get3A_1956 = tpu.vector_load %arg13[%get3A_1953, %get3A_1954, %get3A_1955] {strides = array<i32>} : memref<2x64x256xf32, #tpu.memory_space<vmem>>, vector<16xf32>,
        %mul3A_1957 = arith.mulf %get3A_1956, %broadcast_in_dim3A_1900 : vector<16xf32>
        %get3A_1958 = arith.index_cast %rem3A_296 : i32 to index
        %get3A_1959 = arith.index_cast %add3A_1952 : i32 to index
        %get3A_1960 = arith.constant 144 : index
        %get3A_1961 = tpu.vector_load %arg13[%get3A_1958, %get3A_1959, %get3A_1960] {strides = array<i32>} : memref<2x64x256xf32, #tpu.memory_space<vmem>>, vector<16xf32>,
        %mul3A_1962 = arith.mulf %get3A_1961, %broadcast_in_dim3A_1903 : vector<16xf32>
        %add3A_1963 = arith.addf %mul3A_1957, %mul3A_1962 : vector<16xf32>
        %add3A_1964 = arith.constant 8 : i32
        %add3A_1965 = arith.addi %mul3A_432, %add3A_1964 : i32
        %add3A_1966 = arith.constant 0 : i32
        %add3A_1967 = arith.addi %add3A_1965, %add3A_1966 : i32
        %get3A_1968 = arith.index_cast %rem3A_296 : i32 to index
        %get3A_1969 = arith.index_cast %add3A_1967 : i32 to index
        %get3A_1970 = arith.constant 32 : index
        %get3A_1971 = tpu.vector_load %arg13[%get3A_1968, %get3A_1969, %get3A_1970] {strides = array<i32>} : memref<2x64x256xf32, #tpu.memory_space<vmem>>, vector<16xf32>,
        %mul3A_1972 = arith.mulf %get3A_1971, %broadcast_in_dim3A_1894 : vector<16xf32>
        %get3A_1973 = arith.index_cast %rem3A_296 : i32 to index
        %get3A_1974 = arith.index_cast %add3A_1967 : i32 to index
        %get3A_1975 = arith.constant 160 : index
        %get3A_1976 = tpu.vector_load %arg13[%get3A_1973, %get3A_1974, %get3A_1975] {strides = array<i32>} : memref<2x64x256xf32, #tpu.memory_space<vmem>>, vector<16xf32>,
        %mul3A_1977 = arith.mulf %get3A_1976, %broadcast_in_dim3A_1897 : vector<16xf32>
        %add3A_1978 = arith.addf %mul3A_1972, %mul3A_1977 : vector<16xf32>
        %add3A_1979 = arith.constant 8 : i32
        %add3A_1980 = arith.addi %mul3A_432, %add3A_1979 : i32
        %add3A_1981 = arith.constant 1 : i32
        %add3A_1982 = arith.addi %add3A_1980, %add3A_1981 : i32
        %get3A_1983 = arith.index_cast %rem3A_296 : i32 to index
        %get3A_1984 = arith.index_cast %add3A_1982 : i32 to index
        %get3A_1985 = arith.constant 32 : index
        %get3A_1986 = tpu.vector_load %arg13[%get3A_1983, %get3A_1984, %get3A_1985] {strides = array<i32>} : memref<2x64x256xf32, #tpu.memory_space<vmem>>, vector<16xf32>,
        %mul3A_1987 = arith.mulf %get3A_1986, %broadcast_in_dim3A_1900 : vector<16xf32>
        %get3A_1988 = arith.index_cast %rem3A_296 : i32 to index
        %get3A_1989 = arith.index_cast %add3A_1982 : i32 to index
        %get3A_1990 = arith.constant 160 : index
        %get3A_1991 = tpu.vector_load %arg13[%get3A_1988, %get3A_1989, %get3A_1990] {strides = array<i32>} : memref<2x64x256xf32, #tpu.memory_space<vmem>>, vector<16xf32>,
        %mul3A_1992 = arith.mulf %get3A_1991, %broadcast_in_dim3A_1903 : vector<16xf32>
        %add3A_1993 = arith.addf %mul3A_1987, %mul3A_1992 : vector<16xf32>
        %add3A_1994 = arith.constant 8 : i32
        %add3A_1995 = arith.addi %mul3A_432, %add3A_1994 : i32
        %add3A_1996 = arith.constant 0 : i32
        %add3A_1997 = arith.addi %add3A_1995, %add3A_1996 : i32
        %get3A_1998 = arith.index_cast %rem3A_296 : i32 to index
        %get3A_1999 = arith.index_cast %add3A_1997 : i32 to index
        %get3A_2000 = arith.constant 48 : index
        %get3A_2001 = tpu.vector_load %arg13[%get3A_1998, %get3A_1999, %get3A_2000] {strides = array<i32>} : memref<2x64x256xf32, #tpu.memory_space<vmem>>, vector<16xf32>,
        %mul3A_2002 = arith.mulf %get3A_2001, %broadcast_in_dim3A_1894 : vector<16xf32>
        %get3A_2003 = arith.index_cast %rem3A_296 : i32 to index
        %get3A_2004 = arith.index_cast %add3A_1997 : i32 to index
        %get3A_2005 = arith.constant 176 : index
        %get3A_2006 = tpu.vector_load %arg13[%get3A_2003, %get3A_2004, %get3A_2005] {strides = array<i32>} : memref<2x64x256xf32, #tpu.memory_space<vmem>>, vector<16xf32>,
        %mul3A_2007 = arith.mulf %get3A_2006, %broadcast_in_dim3A_1897 : vector<16xf32>
        %add3A_2008 = arith.addf %mul3A_2002, %mul3A_2007 : vector<16xf32>
        %add3A_2009 = arith.constant 8 : i32
        %add3A_2010 = arith.addi %mul3A_432, %add3A_2009 : i32
        %add3A_2011 = arith.constant 1 : i32
        %add3A_2012 = arith.addi %add3A_2010, %add3A_2011 : i32
        %get3A_2013 = arith.index_cast %rem3A_296 : i32 to index
        %get3A_2014 = arith.index_cast %add3A_2012 : i32 to index
        %get3A_2015 = arith.constant 48 : index
        %get3A_2016 = tpu.vector_load %arg13[%get3A_2013, %get3A_2014, %get3A_2015] {strides = array<i32>} : memref<2x64x256xf32, #tpu.memory_space<vmem>>, vector<16xf32>,
        %mul3A_2017 = arith.mulf %get3A_2016, %broadcast_in_dim3A_1900 : vector<16xf32>
        %get3A_2018 = arith.index_cast %rem3A_296 : i32 to index
        %get3A_2019 = arith.index_cast %add3A_2012 : i32 to index
        %get3A_2020 = arith.constant 176 : index
        %get3A_2021 = tpu.vector_load %arg13[%get3A_2018, %get3A_2019, %get3A_2020] {strides = array<i32>} : memref<2x64x256xf32, #tpu.memory_space<vmem>>, vector<16xf32>,
        %mul3A_2022 = arith.mulf %get3A_2021, %broadcast_in_dim3A_1903 : vector<16xf32>
        %add3A_2023 = arith.addf %mul3A_2017, %mul3A_2022 : vector<16xf32>
        %add3A_2024 = arith.constant 8 : i32
        %add3A_2025 = arith.addi %mul3A_432, %add3A_2024 : i32
        %add3A_2026 = arith.constant 0 : i32
        %add3A_2027 = arith.addi %add3A_2025, %add3A_2026 : i32
        %get3A_2028 = arith.index_cast %rem3A_296 : i32 to index
        %get3A_2029 = arith.index_cast %add3A_2027 : i32 to index
        %get3A_2030 = arith.constant 64 : index
        %get3A_2031 = tpu.vector_load %arg13[%get3A_2028, %get3A_2029, %get3A_2030] {strides = array<i32>} : memref<2x64x256xf32, #tpu.memory_space<vmem>>, vector<16xf32>,
        %mul3A_2032 = arith.mulf %get3A_2031, %broadcast_in_dim3A_1894 : vector<16xf32>
        %get3A_2033 = arith.index_cast %rem3A_296 : i32 to index
        %get3A_2034 = arith.index_cast %add3A_2027 : i32 to index
        %get3A_2035 = arith.constant 192 : index
        %get3A_2036 = tpu.vector_load %arg13[%get3A_2033, %get3A_2034, %get3A_2035] {strides = array<i32>} : memref<2x64x256xf32, #tpu.memory_space<vmem>>, vector<16xf32>,
        %mul3A_2037 = arith.mulf %get3A_2036, %broadcast_in_dim3A_1897 : vector<16xf32>
        %add3A_2038 = arith.addf %mul3A_2032, %mul3A_2037 : vector<16xf32>
        %add3A_2039 = arith.constant 8 : i32
        %add3A_2040 = arith.addi %mul3A_432, %add3A_2039 : i32
        %add3A_2041 = arith.constant 1 : i32
        %add3A_2042 = arith.addi %add3A_2040, %add3A_2041 : i32
        %get3A_2043 = arith.index_cast %rem3A_296 : i32 to index
        %get3A_2044 = arith.index_cast %add3A_2042 : i32 to index
        %get3A_2045 = arith.constant 64 : index
        %get3A_2046 = tpu.vector_load %arg13[%get3A_2043, %get3A_2044, %get3A_2045] {strides = array<i32>} : memref<2x64x256xf32, #tpu.memory_space<vmem>>, vector<16xf32>,
        %mul3A_2047 = arith.mulf %get3A_2046, %broadcast_in_dim3A_1900 : vector<16xf32>
        %get3A_2048 = arith.index_cast %rem3A_296 : i32 to index
        %get3A_2049 = arith.index_cast %add3A_2042 : i32 to index
        %get3A_2050 = arith.constant 192 : index
        %get3A_2051 = tpu.vector_load %arg13[%get3A_2048, %get3A_2049, %get3A_2050] {strides = array<i32>} : memref<2x64x256xf32, #tpu.memory_space<vmem>>, vector<16xf32>,
        %mul3A_2052 = arith.mulf %get3A_2051, %broadcast_in_dim3A_1903 : vector<16xf32>
        %add3A_2053 = arith.addf %mul3A_2047, %mul3A_2052 : vector<16xf32>
        %add3A_2054 = arith.constant 8 : i32
        %add3A_2055 = arith.addi %mul3A_432, %add3A_2054 : i32
        %add3A_2056 = arith.constant 0 : i32
        %add3A_2057 = arith.addi %add3A_2055, %add3A_2056 : i32
        %get3A_2058 = arith.index_cast %rem3A_296 : i32 to index
        %get3A_2059 = arith.index_cast %add3A_2057 : i32 to index
        %get3A_2060 = arith.constant 80 : index
        %get3A_2061 = tpu.vector_load %arg13[%get3A_2058, %get3A_2059, %get3A_2060] {strides = array<i32>} : memref<2x64x256xf32, #tpu.memory_space<vmem>>, vector<16xf32>,
        %mul3A_2062 = arith.mulf %get3A_2061, %broadcast_in_dim3A_1894 : vector<16xf32>
        %get3A_2063 = arith.index_cast %rem3A_296 : i32 to index
        %get3A_2064 = arith.index_cast %add3A_2057 : i32 to index
        %get3A_2065 = arith.constant 208 : index
        %get3A_2066 = tpu.vector_load %arg13[%get3A_2063, %get3A_2064, %get3A_2065] {strides = array<i32>} : memref<2x64x256xf32, #tpu.memory_space<vmem>>, vector<16xf32>,
        %mul3A_2067 = arith.mulf %get3A_2066, %broadcast_in_dim3A_1897 : vector<16xf32>
        %add3A_2068 = arith.addf %mul3A_2062, %mul3A_2067 : vector<16xf32>
        %add3A_2069 = arith.constant 8 : i32
        %add3A_2070 = arith.addi %mul3A_432, %add3A_2069 : i32
        %add3A_2071 = arith.constant 1 : i32
        %add3A_2072 = arith.addi %add3A_2070, %add3A_2071 : i32
        %get3A_2073 = arith.index_cast %rem3A_296 : i32 to index
        %get3A_2074 = arith.index_cast %add3A_2072 : i32 to index
        %get3A_2075 = arith.constant 80 : index
        %get3A_2076 = tpu.vector_load %arg13[%get3A_2073, %get3A_2074, %get3A_2075] {strides = array<i32>} : memref<2x64x256xf32, #tpu.memory_space<vmem>>, vector<16xf32>,
        %mul3A_2077 = arith.mulf %get3A_2076, %broadcast_in_dim3A_1900 : vector<16xf32>
        %get3A_2078 = arith.index_cast %rem3A_296 : i32 to index
        %get3A_2079 = arith.index_cast %add3A_2072 : i32 to index
        %get3A_2080 = arith.constant 208 : index
        %get3A_2081 = tpu.vector_load %arg13[%get3A_2078, %get3A_2079, %get3A_2080] {strides = array<i32>} : memref<2x64x256xf32, #tpu.memory_space<vmem>>, vector<16xf32>,
        %mul3A_2082 = arith.mulf %get3A_2081, %broadcast_in_dim3A_1903 : vector<16xf32>
        %add3A_2083 = arith.addf %mul3A_2077, %mul3A_2082 : vector<16xf32>
        %add3A_2084 = arith.constant 8 : i32
        %add3A_2085 = arith.addi %mul3A_432, %add3A_2084 : i32
        %add3A_2086 = arith.constant 0 : i32
        %add3A_2087 = arith.addi %add3A_2085, %add3A_2086 : i32
        %get3A_2088 = arith.index_cast %rem3A_296 : i32 to index
        %get3A_2089 = arith.index_cast %add3A_2087 : i32 to index
        %get3A_2090 = arith.constant 96 : index
        %get3A_2091 = tpu.vector_load %arg13[%get3A_2088, %get3A_2089, %get3A_2090] {strides = array<i32>} : memref<2x64x256xf32, #tpu.memory_space<vmem>>, vector<16xf32>,
        %mul3A_2092 = arith.mulf %get3A_2091, %broadcast_in_dim3A_1894 : vector<16xf32>
        %get3A_2093 = arith.index_cast %rem3A_296 : i32 to index
        %get3A_2094 = arith.index_cast %add3A_2087 : i32 to index
        %get3A_2095 = arith.constant 224 : index
        %get3A_2096 = tpu.vector_load %arg13[%get3A_2093, %get3A_2094, %get3A_2095] {strides = array<i32>} : memref<2x64x256xf32, #tpu.memory_space<vmem>>, vector<16xf32>,
        %mul3A_2097 = arith.mulf %get3A_2096, %broadcast_in_dim3A_1897 : vector<16xf32>
        %add3A_2098 = arith.addf %mul3A_2092, %mul3A_2097 : vector<16xf32>
        %add3A_2099 = arith.constant 8 : i32
        %add3A_2100 = arith.addi %mul3A_432, %add3A_2099 : i32
        %add3A_2101 = arith.constant 1 : i32
        %add3A_2102 = arith.addi %add3A_2100, %add3A_2101 : i32
        %get3A_2103 = arith.index_cast %rem3A_296 : i32 to index
        %get3A_2104 = arith.index_cast %add3A_2102 : i32 to index
        %get3A_2105 = arith.constant 96 : index
        %get3A_2106 = tpu.vector_load %arg13[%get3A_2103, %get3A_2104, %get3A_2105] {strides = array<i32>} : memref<2x64x256xf32, #tpu.memory_space<vmem>>, vector<16xf32>,
        %mul3A_2107 = arith.mulf %get3A_2106, %broadcast_in_dim3A_1900 : vector<16xf32>
        %get3A_2108 = arith.index_cast %rem3A_296 : i32 to index
        %get3A_2109 = arith.index_cast %add3A_2102 : i32 to index
        %get3A_2110 = arith.constant 224 : index
        %get3A_2111 = tpu.vector_load %arg13[%get3A_2108, %get3A_2109, %get3A_2110] {strides = array<i32>} : memref<2x64x256xf32, #tpu.memory_space<vmem>>, vector<16xf32>,
        %mul3A_2112 = arith.mulf %get3A_2111, %broadcast_in_dim3A_1903 : vector<16xf32>
        %add3A_2113 = arith.addf %mul3A_2107, %mul3A_2112 : vector<16xf32>
        %add3A_2114 = arith.constant 8 : i32
        %add3A_2115 = arith.addi %mul3A_432, %add3A_2114 : i32
        %add3A_2116 = arith.constant 0 : i32
        %add3A_2117 = arith.addi %add3A_2115, %add3A_2116 : i32
        %get3A_2118 = arith.index_cast %rem3A_296 : i32 to index
        %get3A_2119 = arith.index_cast %add3A_2117 : i32 to index
        %get3A_2120 = arith.constant 112 : index
        %get3A_2121 = tpu.vector_load %arg13[%get3A_2118, %get3A_2119, %get3A_2120] {strides = array<i32>} : memref<2x64x256xf32, #tpu.memory_space<vmem>>, vector<16xf32>,
        %mul3A_2122 = arith.mulf %get3A_2121, %broadcast_in_dim3A_1894 : vector<16xf32>
        %get3A_2123 = arith.index_cast %rem3A_296 : i32 to index
        %get3A_2124 = arith.index_cast %add3A_2117 : i32 to index
        %get3A_2125 = arith.constant 240 : index
        %get3A_2126 = tpu.vector_load %arg13[%get3A_2123, %get3A_2124, %get3A_2125] {strides = array<i32>} : memref<2x64x256xf32, #tpu.memory_space<vmem>>, vector<16xf32>,
        %mul3A_2127 = arith.mulf %get3A_2126, %broadcast_in_dim3A_1897 : vector<16xf32>
        %add3A_2128 = arith.addf %mul3A_2122, %mul3A_2127 : vector<16xf32>
        %add3A_2129 = arith.constant 8 : i32
        %add3A_2130 = arith.addi %mul3A_432, %add3A_2129 : i32
        %add3A_2131 = arith.constant 1 : i32
        %add3A_2132 = arith.addi %add3A_2130, %add3A_2131 : i32
        %get3A_2133 = arith.index_cast %rem3A_296 : i32 to index
        %get3A_2134 = arith.index_cast %add3A_2132 : i32 to index
        %get3A_2135 = arith.constant 112 : index
        %get3A_2136 = tpu.vector_load %arg13[%get3A_2133, %get3A_2134, %get3A_2135] {strides = array<i32>} : memref<2x64x256xf32, #tpu.memory_space<vmem>>, vector<16xf32>,
        %mul3A_2137 = arith.mulf %get3A_2136, %broadcast_in_dim3A_1900 : vector<16xf32>
        %get3A_2138 = arith.index_cast %rem3A_296 : i32 to index
        %get3A_2139 = arith.index_cast %add3A_2132 : i32 to index
        %get3A_2140 = arith.constant 240 : index
        %get3A_2141 = tpu.vector_load %arg13[%get3A_2138, %get3A_2139, %get3A_2140] {strides = array<i32>} : memref<2x64x256xf32, #tpu.memory_space<vmem>>, vector<16xf32>,
        %mul3A_2142 = arith.mulf %get3A_2141, %broadcast_in_dim3A_1903 : vector<16xf32>
        %add3A_2143 = arith.addf %mul3A_2137, %mul3A_2142 : vector<16xf32>
        %add3A_2144 = arith.constant 8 : i32
        %add3A_2145 = arith.addi %mul3A_432, %add3A_2144 : i32
        %add3A_2146 = arith.constant 0 : i32
        %add3A_2147 = arith.addi %add3A_2145, %add3A_2146 : i32
        %swap3A_2148 = arith.index_cast %add3A_2147 : i32 to index
        %swap3A_2149 = arith.constant 0 : index
        %swap3A_2150 = tpu.vector_load %arg14[%swap3A_2148, %swap3A_2149] {strides = array<i32>} : memref<64x128xf32, #tpu.memory_space<vmem>>, vector<16xf32>,
        tpu.vector_store %arg14[%swap3A_2148, %swap3A_2149], %add3A_1918 {strides = array<i32>} : memref<64x128xf32, #tpu.memory_space<vmem>>, vector<16xf32>,
        %add3A_2151 = arith.constant 8 : i32
        %add3A_2152 = arith.addi %mul3A_432, %add3A_2151 : i32
        %add3A_2153 = arith.constant 1 : i32
        %add3A_2154 = arith.addi %add3A_2152, %add3A_2153 : i32
        %swap3A_2155 = arith.index_cast %add3A_2154 : i32 to index
        %swap3A_2156 = arith.constant 0 : index
        %swap3A_2157 = tpu.vector_load %arg14[%swap3A_2155, %swap3A_2156] {strides = array<i32>} : memref<64x128xf32, #tpu.memory_space<vmem>>, vector<16xf32>,
        tpu.vector_store %arg14[%swap3A_2155, %swap3A_2156], %add3A_1933 {strides = array<i32>} : memref<64x128xf32, #tpu.memory_space<vmem>>, vector<16xf32>,
        %add3A_2158 = arith.constant 8 : i32
        %add3A_2159 = arith.addi %mul3A_432, %add3A_2158 : i32
        %add3A_2160 = arith.constant 0 : i32
        %add3A_2161 = arith.addi %add3A_2159, %add3A_2160 : i32
        %swap3A_2162 = arith.index_cast %add3A_2161 : i32 to index
        %swap3A_2163 = arith.constant 16 : index
        %swap3A_2164 = tpu.vector_load %arg14[%swap3A_2162, %swap3A_2163] {strides = array<i32>} : memref<64x128xf32, #tpu.memory_space<vmem>>, vector<16xf32>,
        tpu.vector_store %arg14[%swap3A_2162, %swap3A_2163], %add3A_1948 {strides = array<i32>} : memref<64x128xf32, #tpu.memory_space<vmem>>, vector<16xf32>,
        %add3A_2165 = arith.constant 8 : i32
        %add3A_2166 = arith.addi %mul3A_432, %add3A_2165 : i32
        %add3A_2167 = arith.constant 1 : i32
        %add3A_2168 = arith.addi %add3A_2166, %add3A_2167 : i32
        %swap3A_2169 = arith.index_cast %add3A_2168 : i32 to index
        %swap3A_2170 = arith.constant 16 : index
        %swap3A_2171 = tpu.vector_load %arg14[%swap3A_2169, %swap3A_2170] {strides = array<i32>} : memref<64x128xf32, #tpu.memory_space<vmem>>, vector<16xf32>,
        tpu.vector_store %arg14[%swap3A_2169, %swap3A_2170], %add3A_1963 {strides = array<i32>} : memref<64x128xf32, #tpu.memory_space<vmem>>, vector<16xf32>,
        %add3A_2172 = arith.constant 8 : i32
        %add3A_2173 = arith.addi %mul3A_432, %add3A_2172 : i32
        %add3A_2174 = arith.constant 0 : i32
        %add3A_2175 = arith.addi %add3A_2173, %add3A_2174 : i32
        %swap3A_2176 = arith.index_cast %add3A_2175 : i32 to index
        %swap3A_2177 = arith.constant 32 : index
        %swap3A_2178 = tpu.vector_load %arg14[%swap3A_2176, %swap3A_2177] {strides = array<i32>} : memref<64x128xf32, #tpu.memory_space<vmem>>, vector<16xf32>,
        tpu.vector_store %arg14[%swap3A_2176, %swap3A_2177], %add3A_1978 {strides = array<i32>} : memref<64x128xf32, #tpu.memory_space<vmem>>, vector<16xf32>,
        %add3A_2179 = arith.constant 8 : i32
        %add3A_2180 = arith.addi %mul3A_432, %add3A_2179 : i32
        %add3A_2181 = arith.constant 1 : i32
        %add3A_2182 = arith.addi %add3A_2180, %add3A_2181 : i32
        %swap3A_2183 = arith.index_cast %add3A_2182 : i32 to index
        %swap3A_2184 = arith.constant 32 : index
        %swap3A_2185 = tpu.vector_load %arg14[%swap3A_2183, %swap3A_2184] {strides = array<i32>} : memref<64x128xf32, #tpu.memory_space<vmem>>, vector<16xf32>,
        tpu.vector_store %arg14[%swap3A_2183, %swap3A_2184], %add3A_1993 {strides = array<i32>} : memref<64x128xf32, #tpu.memory_space<vmem>>, vector<16xf32>,
        %add3A_2186 = arith.constant 8 : i32
        %add3A_2187 = arith.addi %mul3A_432, %add3A_2186 : i32
        %add3A_2188 = arith.constant 0 : i32
        %add3A_2189 = arith.addi %add3A_2187, %add3A_2188 : i32
        %swap3A_2190 = arith.index_cast %add3A_2189 : i32 to index
        %swap3A_2191 = arith.constant 48 : index
        %swap3A_2192 = tpu.vector_load %arg14[%swap3A_2190, %swap3A_2191] {strides = array<i32>} : memref<64x128xf32, #tpu.memory_space<vmem>>, vector<16xf32>,
        tpu.vector_store %arg14[%swap3A_2190, %swap3A_2191], %add3A_2008 {strides = array<i32>} : memref<64x128xf32, #tpu.memory_space<vmem>>, vector<16xf32>,
        %add3A_2193 = arith.constant 8 : i32
        %add3A_2194 = arith.addi %mul3A_432, %add3A_2193 : i32
        %add3A_2195 = arith.constant 1 : i32
        %add3A_2196 = arith.addi %add3A_2194, %add3A_2195 : i32
        %swap3A_2197 = arith.index_cast %add3A_2196 : i32 to index
        %swap3A_2198 = arith.constant 48 : index
        %swap3A_2199 = tpu.vector_load %arg14[%swap3A_2197, %swap3A_2198] {strides = array<i32>} : memref<64x128xf32, #tpu.memory_space<vmem>>, vector<16xf32>,
        tpu.vector_store %arg14[%swap3A_2197, %swap3A_2198], %add3A_2023 {strides = array<i32>} : memref<64x128xf32, #tpu.memory_space<vmem>>, vector<16xf32>,
        %add3A_2200 = arith.constant 8 : i32
        %add3A_2201 = arith.addi %mul3A_432, %add3A_2200 : i32
        %add3A_2202 = arith.constant 0 : i32
        %add3A_2203 = arith.addi %add3A_2201, %add3A_2202 : i32
        %swap3A_2204 = arith.index_cast %add3A_2203 : i32 to index
        %swap3A_2205 = arith.constant 64 : index
        %swap3A_2206 = tpu.vector_load %arg14[%swap3A_2204, %swap3A_2205] {strides = array<i32>} : memref<64x128xf32, #tpu.memory_space<vmem>>, vector<16xf32>,
        tpu.vector_store %arg14[%swap3A_2204, %swap3A_2205], %add3A_2038 {strides = array<i32>} : memref<64x128xf32, #tpu.memory_space<vmem>>, vector<16xf32>,
        %add3A_2207 = arith.constant 8 : i32
        %add3A_2208 = arith.addi %mul3A_432, %add3A_2207 : i32
        %add3A_2209 = arith.constant 1 : i32
        %add3A_2210 = arith.addi %add3A_2208, %add3A_2209 : i32
        %swap3A_2211 = arith.index_cast %add3A_2210 : i32 to index
        %swap3A_2212 = arith.constant 64 : index
        %swap3A_2213 = tpu.vector_load %arg14[%swap3A_2211, %swap3A_2212] {strides = array<i32>} : memref<64x128xf32, #tpu.memory_space<vmem>>, vector<16xf32>,
        tpu.vector_store %arg14[%swap3A_2211, %swap3A_2212], %add3A_2053 {strides = array<i32>} : memref<64x128xf32, #tpu.memory_space<vmem>>, vector<16xf32>,
        %add3A_2214 = arith.constant 8 : i32
        %add3A_2215 = arith.addi %mul3A_432, %add3A_2214 : i32
        %add3A_2216 = arith.constant 0 : i32
        %add3A_2217 = arith.addi %add3A_2215, %add3A_2216 : i32
        %swap3A_2218 = arith.index_cast %add3A_2217 : i32 to index
        %swap3A_2219 = arith.constant 80 : index
        %swap3A_2220 = tpu.vector_load %arg14[%swap3A_2218, %swap3A_2219] {strides = array<i32>} : memref<64x128xf32, #tpu.memory_space<vmem>>, vector<16xf32>,
        tpu.vector_store %arg14[%swap3A_2218, %swap3A_2219], %add3A_2068 {strides = array<i32>} : memref<64x128xf32, #tpu.memory_space<vmem>>, vector<16xf32>,
        %add3A_2221 = arith.constant 8 : i32
        %add3A_2222 = arith.addi %mul3A_432, %add3A_2221 : i32
        %add3A_2223 = arith.constant 1 : i32
        %add3A_2224 = arith.addi %add3A_2222, %add3A_2223 : i32
        %swap3A_2225 = arith.index_cast %add3A_2224 : i32 to index
        %swap3A_2226 = arith.constant 80 : index
        %swap3A_2227 = tpu.vector_load %arg14[%swap3A_2225, %swap3A_2226] {strides = array<i32>} : memref<64x128xf32, #tpu.memory_space<vmem>>, vector<16xf32>,
        tpu.vector_store %arg14[%swap3A_2225, %swap3A_2226], %add3A_2083 {strides = array<i32>} : memref<64x128xf32, #tpu.memory_space<vmem>>, vector<16xf32>,
        %add3A_2228 = arith.constant 8 : i32
        %add3A_2229 = arith.addi %mul3A_432, %add3A_2228 : i32
        %add3A_2230 = arith.constant 0 : i32
        %add3A_2231 = arith.addi %add3A_2229, %add3A_2230 : i32
        %swap3A_2232 = arith.index_cast %add3A_2231 : i32 to index
        %swap3A_2233 = arith.constant 96 : index
        %swap3A_2234 = tpu.vector_load %arg14[%swap3A_2232, %swap3A_2233] {strides = array<i32>} : memref<64x128xf32, #tpu.memory_space<vmem>>, vector<16xf32>,
        tpu.vector_store %arg14[%swap3A_2232, %swap3A_2233], %add3A_2098 {strides = array<i32>} : memref<64x128xf32, #tpu.memory_space<vmem>>, vector<16xf32>,
        %add3A_2235 = arith.constant 8 : i32
        %add3A_2236 = arith.addi %mul3A_432, %add3A_2235 : i32
        %add3A_2237 = arith.constant 1 : i32
        %add3A_2238 = arith.addi %add3A_2236, %add3A_2237 : i32
        %swap3A_2239 = arith.index_cast %add3A_2238 : i32 to index
        %swap3A_2240 = arith.constant 96 : index
        %swap3A_2241 = tpu.vector_load %arg14[%swap3A_2239, %swap3A_2240] {strides = array<i32>} : memref<64x128xf32, #tpu.memory_space<vmem>>, vector<16xf32>,
        tpu.vector_store %arg14[%swap3A_2239, %swap3A_2240], %add3A_2113 {strides = array<i32>} : memref<64x128xf32, #tpu.memory_space<vmem>>, vector<16xf32>,
        %add3A_2242 = arith.constant 8 : i32
        %add3A_2243 = arith.addi %mul3A_432, %add3A_2242 : i32
        %add3A_2244 = arith.constant 0 : i32
        %add3A_2245 = arith.addi %add3A_2243, %add3A_2244 : i32
        %swap3A_2246 = arith.index_cast %add3A_2245 : i32 to index
        %swap3A_2247 = arith.constant 112 : index
        %swap3A_2248 = tpu.vector_load %arg14[%swap3A_2246, %swap3A_2247] {strides = array<i32>} : memref<64x128xf32, #tpu.memory_space<vmem>>, vector<16xf32>,
        tpu.vector_store %arg14[%swap3A_2246, %swap3A_2247], %add3A_2128 {strides = array<i32>} : memref<64x128xf32, #tpu.memory_space<vmem>>, vector<16xf32>,
        %add3A_2249 = arith.constant 8 : i32
        %add3A_2250 = arith.addi %mul3A_432, %add3A_2249 : i32
        %add3A_2251 = arith.constant 1 : i32
        %add3A_2252 = arith.addi %add3A_2250, %add3A_2251 : i32
        %swap3A_2253 = arith.index_cast %add3A_2252 : i32 to index
        %swap3A_2254 = arith.constant 112 : index
        %swap3A_2255 = tpu.vector_load %arg14[%swap3A_2253, %swap3A_2254] {strides = array<i32>} : memref<64x128xf32, #tpu.memory_space<vmem>>, vector<16xf32>,
        tpu.vector_store %arg14[%swap3A_2253, %swap3A_2254], %add3A_2143 {strides = array<i32>} : memref<64x128xf32, #tpu.memory_space<vmem>>, vector<16xf32>,
        %slice3A_2256 = vector.extract_strided_slice %gather3A {offsets = [10], sizes = [1], strides = [1]} : vector<16xf32> to vector<1xf32>
        %squeeze3A_2257 = vector.extract %slice3A_2256[0] : f32 from vector<1xf32>
        %broadcast_in_dim3A_2258 = vector.broadcast %squeeze3A_2257 : f32 to vector<16xf32>
        %slice3A_2259 = vector.extract_strided_slice %gather3A_437 {offsets = [10], sizes = [1], strides = [1]} : vector<16xf32> to vector<1xf32>
        %squeeze3A_2260 = vector.extract %slice3A_2259[0] : f32 from vector<1xf32>
        %broadcast_in_dim3A_2261 = vector.broadcast %squeeze3A_2260 : f32 to vector<16xf32>
        %slice3A_2262 = vector.extract_strided_slice %gather3A {offsets = [11], sizes = [1], strides = [1]} : vector<16xf32> to vector<1xf32>
        %squeeze3A_2263 = vector.extract %slice3A_2262[0] : f32 from vector<1xf32>
        %broadcast_in_dim3A_2264 = vector.broadcast %squeeze3A_2263 : f32 to vector<16xf32>
        %slice3A_2265 = vector.extract_strided_slice %gather3A_437 {offsets = [11], sizes = [1], strides = [1]} : vector<16xf32> to vector<1xf32>
        %squeeze3A_2266 = vector.extract %slice3A_2265[0] : f32 from vector<1xf32>
        %broadcast_in_dim3A_2267 = vector.broadcast %squeeze3A_2266 : f32 to vector<16xf32>
        %add3A_2268 = arith.constant 10 : i32
        %add3A_2269 = arith.addi %mul3A_432, %add3A_2268 : i32
        %add3A_2270 = arith.constant 0 : i32
        %add3A_2271 = arith.addi %add3A_2269, %add3A_2270 : i32
        %get3A_2272 = arith.index_cast %rem3A_296 : i32 to index
        %get3A_2273 = arith.index_cast %add3A_2271 : i32 to index
        %get3A_2274 = arith.constant 0 : index
        %get3A_2275 = tpu.vector_load %arg13[%get3A_2272, %get3A_2273, %get3A_2274] {strides = array<i32>} : memref<2x64x256xf32, #tpu.memory_space<vmem>>, vector<16xf32>,
        %mul3A_2276 = arith.mulf %get3A_2275, %broadcast_in_dim3A_2258 : vector<16xf32>
        %get3A_2277 = arith.index_cast %rem3A_296 : i32 to index
        %get3A_2278 = arith.index_cast %add3A_2271 : i32 to index
        %get3A_2279 = arith.constant 128 : index
        %get3A_2280 = tpu.vector_load %arg13[%get3A_2277, %get3A_2278, %get3A_2279] {strides = array<i32>} : memref<2x64x256xf32, #tpu.memory_space<vmem>>, vector<16xf32>,
        %mul3A_2281 = arith.mulf %get3A_2280, %broadcast_in_dim3A_2261 : vector<16xf32>
        %add3A_2282 = arith.addf %mul3A_2276, %mul3A_2281 : vector<16xf32>
        %add3A_2283 = arith.constant 10 : i32
        %add3A_2284 = arith.addi %mul3A_432, %add3A_2283 : i32
        %add3A_2285 = arith.constant 1 : i32
        %add3A_2286 = arith.addi %add3A_2284, %add3A_2285 : i32
        %get3A_2287 = arith.index_cast %rem3A_296 : i32 to index
        %get3A_2288 = arith.index_cast %add3A_2286 : i32 to index
        %get3A_2289 = arith.constant 0 : index
        %get3A_2290 = tpu.vector_load %arg13[%get3A_2287, %get3A_2288, %get3A_2289] {strides = array<i32>} : memref<2x64x256xf32, #tpu.memory_space<vmem>>, vector<16xf32>,
        %mul3A_2291 = arith.mulf %get3A_2290, %broadcast_in_dim3A_2264 : vector<16xf32>
        %get3A_2292 = arith.index_cast %rem3A_296 : i32 to index
        %get3A_2293 = arith.index_cast %add3A_2286 : i32 to index
        %get3A_2294 = arith.constant 128 : index
        %get3A_2295 = tpu.vector_load %arg13[%get3A_2292, %get3A_2293, %get3A_2294] {strides = array<i32>} : memref<2x64x256xf32, #tpu.memory_space<vmem>>, vector<16xf32>,
        %mul3A_2296 = arith.mulf %get3A_2295, %broadcast_in_dim3A_2267 : vector<16xf32>
        %add3A_2297 = arith.addf %mul3A_2291, %mul3A_2296 : vector<16xf32>
        %add3A_2298 = arith.constant 10 : i32
        %add3A_2299 = arith.addi %mul3A_432, %add3A_2298 : i32
        %add3A_2300 = arith.constant 0 : i32
        %add3A_2301 = arith.addi %add3A_2299, %add3A_2300 : i32
        %get3A_2302 = arith.index_cast %rem3A_296 : i32 to index
        %get3A_2303 = arith.index_cast %add3A_2301 : i32 to index
        %get3A_2304 = arith.constant 16 : index
        %get3A_2305 = tpu.vector_load %arg13[%get3A_2302, %get3A_2303, %get3A_2304] {strides = array<i32>} : memref<2x64x256xf32, #tpu.memory_space<vmem>>, vector<16xf32>,
        %mul3A_2306 = arith.mulf %get3A_2305, %broadcast_in_dim3A_2258 : vector<16xf32>
        %get3A_2307 = arith.index_cast %rem3A_296 : i32 to index
        %get3A_2308 = arith.index_cast %add3A_2301 : i32 to index
        %get3A_2309 = arith.constant 144 : index
        %get3A_2310 = tpu.vector_load %arg13[%get3A_2307, %get3A_2308, %get3A_2309] {strides = array<i32>} : memref<2x64x256xf32, #tpu.memory_space<vmem>>, vector<16xf32>,
        %mul3A_2311 = arith.mulf %get3A_2310, %broadcast_in_dim3A_2261 : vector<16xf32>
        %add3A_2312 = arith.addf %mul3A_2306, %mul3A_2311 : vector<16xf32>
        %add3A_2313 = arith.constant 10 : i32
        %add3A_2314 = arith.addi %mul3A_432, %add3A_2313 : i32
        %add3A_2315 = arith.constant 1 : i32
        %add3A_2316 = arith.addi %add3A_2314, %add3A_2315 : i32
        %get3A_2317 = arith.index_cast %rem3A_296 : i32 to index
        %get3A_2318 = arith.index_cast %add3A_2316 : i32 to index
        %get3A_2319 = arith.constant 16 : index
        %get3A_2320 = tpu.vector_load %arg13[%get3A_2317, %get3A_2318, %get3A_2319] {strides = array<i32>} : memref<2x64x256xf32, #tpu.memory_space<vmem>>, vector<16xf32>,
        %mul3A_2321 = arith.mulf %get3A_2320, %broadcast_in_dim3A_2264 : vector<16xf32>
        %get3A_2322 = arith.index_cast %rem3A_296 : i32 to index
        %get3A_2323 = arith.index_cast %add3A_2316 : i32 to index
        %get3A_2324 = arith.constant 144 : index
        %get3A_2325 = tpu.vector_load %arg13[%get3A_2322, %get3A_2323, %get3A_2324] {strides = array<i32>} : memref<2x64x256xf32, #tpu.memory_space<vmem>>, vector<16xf32>,
        %mul3A_2326 = arith.mulf %get3A_2325, %broadcast_in_dim3A_2267 : vector<16xf32>
        %add3A_2327 = arith.addf %mul3A_2321, %mul3A_2326 : vector<16xf32>
        %add3A_2328 = arith.constant 10 : i32
        %add3A_2329 = arith.addi %mul3A_432, %add3A_2328 : i32
        %add3A_2330 = arith.constant 0 : i32
        %add3A_2331 = arith.addi %add3A_2329, %add3A_2330 : i32
        %get3A_2332 = arith.index_cast %rem3A_296 : i32 to index
        %get3A_2333 = arith.index_cast %add3A_2331 : i32 to index
        %get3A_2334 = arith.constant 32 : index
        %get3A_2335 = tpu.vector_load %arg13[%get3A_2332, %get3A_2333, %get3A_2334] {strides = array<i32>} : memref<2x64x256xf32, #tpu.memory_space<vmem>>, vector<16xf32>,
        %mul3A_2336 = arith.mulf %get3A_2335, %broadcast_in_dim3A_2258 : vector<16xf32>
        %get3A_2337 = arith.index_cast %rem3A_296 : i32 to index
        %get3A_2338 = arith.index_cast %add3A_2331 : i32 to index
        %get3A_2339 = arith.constant 160 : index
        %get3A_2340 = tpu.vector_load %arg13[%get3A_2337, %get3A_2338, %get3A_2339] {strides = array<i32>} : memref<2x64x256xf32, #tpu.memory_space<vmem>>, vector<16xf32>,
        %mul3A_2341 = arith.mulf %get3A_2340, %broadcast_in_dim3A_2261 : vector<16xf32>
        %add3A_2342 = arith.addf %mul3A_2336, %mul3A_2341 : vector<16xf32>
        %add3A_2343 = arith.constant 10 : i32
        %add3A_2344 = arith.addi %mul3A_432, %add3A_2343 : i32
        %add3A_2345 = arith.constant 1 : i32
        %add3A_2346 = arith.addi %add3A_2344, %add3A_2345 : i32
        %get3A_2347 = arith.index_cast %rem3A_296 : i32 to index
        %get3A_2348 = arith.index_cast %add3A_2346 : i32 to index
        %get3A_2349 = arith.constant 32 : index
        %get3A_2350 = tpu.vector_load %arg13[%get3A_2347, %get3A_2348, %get3A_2349] {strides = array<i32>} : memref<2x64x256xf32, #tpu.memory_space<vmem>>, vector<16xf32>,
        %mul3A_2351 = arith.mulf %get3A_2350, %broadcast_in_dim3A_2264 : vector<16xf32>
        %get3A_2352 = arith.index_cast %rem3A_296 : i32 to index
        %get3A_2353 = arith.index_cast %add3A_2346 : i32 to index
        %get3A_2354 = arith.constant 160 : index
        %get3A_2355 = tpu.vector_load %arg13[%get3A_2352, %get3A_2353, %get3A_2354] {strides = array<i32>} : memref<2x64x256xf32, #tpu.memory_space<vmem>>, vector<16xf32>,
        %mul3A_2356 = arith.mulf %get3A_2355, %broadcast_in_dim3A_2267 : vector<16xf32>
        %add3A_2357 = arith.addf %mul3A_2351, %mul3A_2356 : vector<16xf32>
        %add3A_2358 = arith.constant 10 : i32
        %add3A_2359 = arith.addi %mul3A_432, %add3A_2358 : i32
        %add3A_2360 = arith.constant 0 : i32
        %add3A_2361 = arith.addi %add3A_2359, %add3A_2360 : i32
        %get3A_2362 = arith.index_cast %rem3A_296 : i32 to index
        %get3A_2363 = arith.index_cast %add3A_2361 : i32 to index
        %get3A_2364 = arith.constant 48 : index
        %get3A_2365 = tpu.vector_load %arg13[%get3A_2362, %get3A_2363, %get3A_2364] {strides = array<i32>} : memref<2x64x256xf32, #tpu.memory_space<vmem>>, vector<16xf32>,
        %mul3A_2366 = arith.mulf %get3A_2365, %broadcast_in_dim3A_2258 : vector<16xf32>
        %get3A_2367 = arith.index_cast %rem3A_296 : i32 to index
        %get3A_2368 = arith.index_cast %add3A_2361 : i32 to index
        %get3A_2369 = arith.constant 176 : index
        %get3A_2370 = tpu.vector_load %arg13[%get3A_2367, %get3A_2368, %get3A_2369] {strides = array<i32>} : memref<2x64x256xf32, #tpu.memory_space<vmem>>, vector<16xf32>,
        %mul3A_2371 = arith.mulf %get3A_2370, %broadcast_in_dim3A_2261 : vector<16xf32>
        %add3A_2372 = arith.addf %mul3A_2366, %mul3A_2371 : vector<16xf32>
        %add3A_2373 = arith.constant 10 : i32
        %add3A_2374 = arith.addi %mul3A_432, %add3A_2373 : i32
        %add3A_2375 = arith.constant 1 : i32
        %add3A_2376 = arith.addi %add3A_2374, %add3A_2375 : i32
        %get3A_2377 = arith.index_cast %rem3A_296 : i32 to index
        %get3A_2378 = arith.index_cast %add3A_2376 : i32 to index
        %get3A_2379 = arith.constant 48 : index
        %get3A_2380 = tpu.vector_load %arg13[%get3A_2377, %get3A_2378, %get3A_2379] {strides = array<i32>} : memref<2x64x256xf32, #tpu.memory_space<vmem>>, vector<16xf32>,
        %mul3A_2381 = arith.mulf %get3A_2380, %broadcast_in_dim3A_2264 : vector<16xf32>
        %get3A_2382 = arith.index_cast %rem3A_296 : i32 to index
        %get3A_2383 = arith.index_cast %add3A_2376 : i32 to index
        %get3A_2384 = arith.constant 176 : index
        %get3A_2385 = tpu.vector_load %arg13[%get3A_2382, %get3A_2383, %get3A_2384] {strides = array<i32>} : memref<2x64x256xf32, #tpu.memory_space<vmem>>, vector<16xf32>,
        %mul3A_2386 = arith.mulf %get3A_2385, %broadcast_in_dim3A_2267 : vector<16xf32>
        %add3A_2387 = arith.addf %mul3A_2381, %mul3A_2386 : vector<16xf32>
        %add3A_2388 = arith.constant 10 : i32
        %add3A_2389 = arith.addi %mul3A_432, %add3A_2388 : i32
        %add3A_2390 = arith.constant 0 : i32
        %add3A_2391 = arith.addi %add3A_2389, %add3A_2390 : i32
        %get3A_2392 = arith.index_cast %rem3A_296 : i32 to index
        %get3A_2393 = arith.index_cast %add3A_2391 : i32 to index
        %get3A_2394 = arith.constant 64 : index
        %get3A_2395 = tpu.vector_load %arg13[%get3A_2392, %get3A_2393, %get3A_2394] {strides = array<i32>} : memref<2x64x256xf32, #tpu.memory_space<vmem>>, vector<16xf32>,
        %mul3A_2396 = arith.mulf %get3A_2395, %broadcast_in_dim3A_2258 : vector<16xf32>
        %get3A_2397 = arith.index_cast %rem3A_296 : i32 to index
        %get3A_2398 = arith.index_cast %add3A_2391 : i32 to index
        %get3A_2399 = arith.constant 192 : index
        %get3A_2400 = tpu.vector_load %arg13[%get3A_2397, %get3A_2398, %get3A_2399] {strides = array<i32>} : memref<2x64x256xf32, #tpu.memory_space<vmem>>, vector<16xf32>,
        %mul3A_2401 = arith.mulf %get3A_2400, %broadcast_in_dim3A_2261 : vector<16xf32>
        %add3A_2402 = arith.addf %mul3A_2396, %mul3A_2401 : vector<16xf32>
        %add3A_2403 = arith.constant 10 : i32
        %add3A_2404 = arith.addi %mul3A_432, %add3A_2403 : i32
        %add3A_2405 = arith.constant 1 : i32
        %add3A_2406 = arith.addi %add3A_2404, %add3A_2405 : i32
        %get3A_2407 = arith.index_cast %rem3A_296 : i32 to index
        %get3A_2408 = arith.index_cast %add3A_2406 : i32 to index
        %get3A_2409 = arith.constant 64 : index
        %get3A_2410 = tpu.vector_load %arg13[%get3A_2407, %get3A_2408, %get3A_2409] {strides = array<i32>} : memref<2x64x256xf32, #tpu.memory_space<vmem>>, vector<16xf32>,
        %mul3A_2411 = arith.mulf %get3A_2410, %broadcast_in_dim3A_2264 : vector<16xf32>
        %get3A_2412 = arith.index_cast %rem3A_296 : i32 to index
        %get3A_2413 = arith.index_cast %add3A_2406 : i32 to index
        %get3A_2414 = arith.constant 192 : index
        %get3A_2415 = tpu.vector_load %arg13[%get3A_2412, %get3A_2413, %get3A_2414] {strides = array<i32>} : memref<2x64x256xf32, #tpu.memory_space<vmem>>, vector<16xf32>,
        %mul3A_2416 = arith.mulf %get3A_2415, %broadcast_in_dim3A_2267 : vector<16xf32>
        %add3A_2417 = arith.addf %mul3A_2411, %mul3A_2416 : vector<16xf32>
        %add3A_2418 = arith.constant 10 : i32
        %add3A_2419 = arith.addi %mul3A_432, %add3A_2418 : i32
        %add3A_2420 = arith.constant 0 : i32
        %add3A_2421 = arith.addi %add3A_2419, %add3A_2420 : i32
        %get3A_2422 = arith.index_cast %rem3A_296 : i32 to index
        %get3A_2423 = arith.index_cast %add3A_2421 : i32 to index
        %get3A_2424 = arith.constant 80 : index
        %get3A_2425 = tpu.vector_load %arg13[%get3A_2422, %get3A_2423, %get3A_2424] {strides = array<i32>} : memref<2x64x256xf32, #tpu.memory_space<vmem>>, vector<16xf32>,
        %mul3A_2426 = arith.mulf %get3A_2425, %broadcast_in_dim3A_2258 : vector<16xf32>
        %get3A_2427 = arith.index_cast %rem3A_296 : i32 to index
        %get3A_2428 = arith.index_cast %add3A_2421 : i32 to index
        %get3A_2429 = arith.constant 208 : index
        %get3A_2430 = tpu.vector_load %arg13[%get3A_2427, %get3A_2428, %get3A_2429] {strides = array<i32>} : memref<2x64x256xf32, #tpu.memory_space<vmem>>, vector<16xf32>,
        %mul3A_2431 = arith.mulf %get3A_2430, %broadcast_in_dim3A_2261 : vector<16xf32>
        %add3A_2432 = arith.addf %mul3A_2426, %mul3A_2431 : vector<16xf32>
        %add3A_2433 = arith.constant 10 : i32
        %add3A_2434 = arith.addi %mul3A_432, %add3A_2433 : i32
        %add3A_2435 = arith.constant 1 : i32
        %add3A_2436 = arith.addi %add3A_2434, %add3A_2435 : i32
        %get3A_2437 = arith.index_cast %rem3A_296 : i32 to index
        %get3A_2438 = arith.index_cast %add3A_2436 : i32 to index
        %get3A_2439 = arith.constant 80 : index
        %get3A_2440 = tpu.vector_load %arg13[%get3A_2437, %get3A_2438, %get3A_2439] {strides = array<i32>} : memref<2x64x256xf32, #tpu.memory_space<vmem>>, vector<16xf32>,
        %mul3A_2441 = arith.mulf %get3A_2440, %broadcast_in_dim3A_2264 : vector<16xf32>
        %get3A_2442 = arith.index_cast %rem3A_296 : i32 to index
        %get3A_2443 = arith.index_cast %add3A_2436 : i32 to index
        %get3A_2444 = arith.constant 208 : index
        %get3A_2445 = tpu.vector_load %arg13[%get3A_2442, %get3A_2443, %get3A_2444] {strides = array<i32>} : memref<2x64x256xf32, #tpu.memory_space<vmem>>, vector<16xf32>,
        %mul3A_2446 = arith.mulf %get3A_2445, %broadcast_in_dim3A_2267 : vector<16xf32>
        %add3A_2447 = arith.addf %mul3A_2441, %mul3A_2446 : vector<16xf32>
        %add3A_2448 = arith.constant 10 : i32
        %add3A_2449 = arith.addi %mul3A_432, %add3A_2448 : i32
        %add3A_2450 = arith.constant 0 : i32
        %add3A_2451 = arith.addi %add3A_2449, %add3A_2450 : i32
        %get3A_2452 = arith.index_cast %rem3A_296 : i32 to index
        %get3A_2453 = arith.index_cast %add3A_2451 : i32 to index
        %get3A_2454 = arith.constant 96 : index
        %get3A_2455 = tpu.vector_load %arg13[%get3A_2452, %get3A_2453, %get3A_2454] {strides = array<i32>} : memref<2x64x256xf32, #tpu.memory_space<vmem>>, vector<16xf32>,
        %mul3A_2456 = arith.mulf %get3A_2455, %broadcast_in_dim3A_2258 : vector<16xf32>
        %get3A_2457 = arith.index_cast %rem3A_296 : i32 to index
        %get3A_2458 = arith.index_cast %add3A_2451 : i32 to index
        %get3A_2459 = arith.constant 224 : index
        %get3A_2460 = tpu.vector_load %arg13[%get3A_2457, %get3A_2458, %get3A_2459] {strides = array<i32>} : memref<2x64x256xf32, #tpu.memory_space<vmem>>, vector<16xf32>,
        %mul3A_2461 = arith.mulf %get3A_2460, %broadcast_in_dim3A_2261 : vector<16xf32>
        %add3A_2462 = arith.addf %mul3A_2456, %mul3A_2461 : vector<16xf32>
        %add3A_2463 = arith.constant 10 : i32
        %add3A_2464 = arith.addi %mul3A_432, %add3A_2463 : i32
        %add3A_2465 = arith.constant 1 : i32
        %add3A_2466 = arith.addi %add3A_2464, %add3A_2465 : i32
        %get3A_2467 = arith.index_cast %rem3A_296 : i32 to index
        %get3A_2468 = arith.index_cast %add3A_2466 : i32 to index
        %get3A_2469 = arith.constant 96 : index
        %get3A_2470 = tpu.vector_load %arg13[%get3A_2467, %get3A_2468, %get3A_2469] {strides = array<i32>} : memref<2x64x256xf32, #tpu.memory_space<vmem>>, vector<16xf32>,
        %mul3A_2471 = arith.mulf %get3A_2470, %broadcast_in_dim3A_2264 : vector<16xf32>
        %get3A_2472 = arith.index_cast %rem3A_296 : i32 to index
        %get3A_2473 = arith.index_cast %add3A_2466 : i32 to index
        %get3A_2474 = arith.constant 224 : index
        %get3A_2475 = tpu.vector_load %arg13[%get3A_2472, %get3A_2473, %get3A_2474] {strides = array<i32>} : memref<2x64x256xf32, #tpu.memory_space<vmem>>, vector<16xf32>,
        %mul3A_2476 = arith.mulf %get3A_2475, %broadcast_in_dim3A_2267 : vector<16xf32>
        %add3A_2477 = arith.addf %mul3A_2471, %mul3A_2476 : vector<16xf32>
        %add3A_2478 = arith.constant 10 : i32
        %add3A_2479 = arith.addi %mul3A_432, %add3A_2478 : i32
        %add3A_2480 = arith.constant 0 : i32
        %add3A_2481 = arith.addi %add3A_2479, %add3A_2480 : i32
        %get3A_2482 = arith.index_cast %rem3A_296 : i32 to index
        %get3A_2483 = arith.index_cast %add3A_2481 : i32 to index
        %get3A_2484 = arith.constant 112 : index
        %get3A_2485 = tpu.vector_load %arg13[%get3A_2482, %get3A_2483, %get3A_2484] {strides = array<i32>} : memref<2x64x256xf32, #tpu.memory_space<vmem>>, vector<16xf32>,
        %mul3A_2486 = arith.mulf %get3A_2485, %broadcast_in_dim3A_2258 : vector<16xf32>
        %get3A_2487 = arith.index_cast %rem3A_296 : i32 to index
        %get3A_2488 = arith.index_cast %add3A_2481 : i32 to index
        %get3A_2489 = arith.constant 240 : index
        %get3A_2490 = tpu.vector_load %arg13[%get3A_2487, %get3A_2488, %get3A_2489] {strides = array<i32>} : memref<2x64x256xf32, #tpu.memory_space<vmem>>, vector<16xf32>,
        %mul3A_2491 = arith.mulf %get3A_2490, %broadcast_in_dim3A_2261 : vector<16xf32>
        %add3A_2492 = arith.addf %mul3A_2486, %mul3A_2491 : vector<16xf32>
        %add3A_2493 = arith.constant 10 : i32
        %add3A_2494 = arith.addi %mul3A_432, %add3A_2493 : i32
        %add3A_2495 = arith.constant 1 : i32
        %add3A_2496 = arith.addi %add3A_2494, %add3A_2495 : i32
        %get3A_2497 = arith.index_cast %rem3A_296 : i32 to index
        %get3A_2498 = arith.index_cast %add3A_2496 : i32 to index
        %get3A_2499 = arith.constant 112 : index
        %get3A_2500 = tpu.vector_load %arg13[%get3A_2497, %get3A_2498, %get3A_2499] {strides = array<i32>} : memref<2x64x256xf32, #tpu.memory_space<vmem>>, vector<16xf32>,
        %mul3A_2501 = arith.mulf %get3A_2500, %broadcast_in_dim3A_2264 : vector<16xf32>
        %get3A_2502 = arith.index_cast %rem3A_296 : i32 to index
        %get3A_2503 = arith.index_cast %add3A_2496 : i32 to index
        %get3A_2504 = arith.constant 240 : index
        %get3A_2505 = tpu.vector_load %arg13[%get3A_2502, %get3A_2503, %get3A_2504] {strides = array<i32>} : memref<2x64x256xf32, #tpu.memory_space<vmem>>, vector<16xf32>,
        %mul3A_2506 = arith.mulf %get3A_2505, %broadcast_in_dim3A_2267 : vector<16xf32>
        %add3A_2507 = arith.addf %mul3A_2501, %mul3A_2506 : vector<16xf32>
        %add3A_2508 = arith.constant 10 : i32
        %add3A_2509 = arith.addi %mul3A_432, %add3A_2508 : i32
        %add3A_2510 = arith.constant 0 : i32
        %add3A_2511 = arith.addi %add3A_2509, %add3A_2510 : i32
        %swap3A_2512 = arith.index_cast %add3A_2511 : i32 to index
        %swap3A_2513 = arith.constant 0 : index
        %swap3A_2514 = tpu.vector_load %arg14[%swap3A_2512, %swap3A_2513] {strides = array<i32>} : memref<64x128xf32, #tpu.memory_space<vmem>>, vector<16xf32>,
        tpu.vector_store %arg14[%swap3A_2512, %swap3A_2513], %add3A_2282 {strides = array<i32>} : memref<64x128xf32, #tpu.memory_space<vmem>>, vector<16xf32>,
        %add3A_2515 = arith.constant 10 : i32
        %add3A_2516 = arith.addi %mul3A_432, %add3A_2515 : i32
        %add3A_2517 = arith.constant 1 : i32
        %add3A_2518 = arith.addi %add3A_2516, %add3A_2517 : i32
        %swap3A_2519 = arith.index_cast %add3A_2518 : i32 to index
        %swap3A_2520 = arith.constant 0 : index
        %swap3A_2521 = tpu.vector_load %arg14[%swap3A_2519, %swap3A_2520] {strides = array<i32>} : memref<64x128xf32, #tpu.memory_space<vmem>>, vector<16xf32>,
        tpu.vector_store %arg14[%swap3A_2519, %swap3A_2520], %add3A_2297 {strides = array<i32>} : memref<64x128xf32, #tpu.memory_space<vmem>>, vector<16xf32>,
        %add3A_2522 = arith.constant 10 : i32
        %add3A_2523 = arith.addi %mul3A_432, %add3A_2522 : i32
        %add3A_2524 = arith.constant 0 : i32
        %add3A_2525 = arith.addi %add3A_2523, %add3A_2524 : i32
        %swap3A_2526 = arith.index_cast %add3A_2525 : i32 to index
        %swap3A_2527 = arith.constant 16 : index
        %swap3A_2528 = tpu.vector_load %arg14[%swap3A_2526, %swap3A_2527] {strides = array<i32>} : memref<64x128xf32, #tpu.memory_space<vmem>>, vector<16xf32>,
        tpu.vector_store %arg14[%swap3A_2526, %swap3A_2527], %add3A_2312 {strides = array<i32>} : memref<64x128xf32, #tpu.memory_space<vmem>>, vector<16xf32>,
        %add3A_2529 = arith.constant 10 : i32
        %add3A_2530 = arith.addi %mul3A_432, %add3A_2529 : i32
        %add3A_2531 = arith.constant 1 : i32
        %add3A_2532 = arith.addi %add3A_2530, %add3A_2531 : i32
        %swap3A_2533 = arith.index_cast %add3A_2532 : i32 to index
        %swap3A_2534 = arith.constant 16 : index
        %swap3A_2535 = tpu.vector_load %arg14[%swap3A_2533, %swap3A_2534] {strides = array<i32>} : memref<64x128xf32, #tpu.memory_space<vmem>>, vector<16xf32>,
        tpu.vector_store %arg14[%swap3A_2533, %swap3A_2534], %add3A_2327 {strides = array<i32>} : memref<64x128xf32, #tpu.memory_space<vmem>>, vector<16xf32>,
        %add3A_2536 = arith.constant 10 : i32
        %add3A_2537 = arith.addi %mul3A_432, %add3A_2536 : i32
        %add3A_2538 = arith.constant 0 : i32
        %add3A_2539 = arith.addi %add3A_2537, %add3A_2538 : i32
        %swap3A_2540 = arith.index_cast %add3A_2539 : i32 to index
        %swap3A_2541 = arith.constant 32 : index
        %swap3A_2542 = tpu.vector_load %arg14[%swap3A_2540, %swap3A_2541] {strides = array<i32>} : memref<64x128xf32, #tpu.memory_space<vmem>>, vector<16xf32>,
        tpu.vector_store %arg14[%swap3A_2540, %swap3A_2541], %add3A_2342 {strides = array<i32>} : memref<64x128xf32, #tpu.memory_space<vmem>>, vector<16xf32>,
        %add3A_2543 = arith.constant 10 : i32
        %add3A_2544 = arith.addi %mul3A_432, %add3A_2543 : i32
        %add3A_2545 = arith.constant 1 : i32
        %add3A_2546 = arith.addi %add3A_2544, %add3A_2545 : i32
        %swap3A_2547 = arith.index_cast %add3A_2546 : i32 to index
        %swap3A_2548 = arith.constant 32 : index
        %swap3A_2549 = tpu.vector_load %arg14[%swap3A_2547, %swap3A_2548] {strides = array<i32>} : memref<64x128xf32, #tpu.memory_space<vmem>>, vector<16xf32>,
        tpu.vector_store %arg14[%swap3A_2547, %swap3A_2548], %add3A_2357 {strides = array<i32>} : memref<64x128xf32, #tpu.memory_space<vmem>>, vector<16xf32>,
        %add3A_2550 = arith.constant 10 : i32
        %add3A_2551 = arith.addi %mul3A_432, %add3A_2550 : i32
        %add3A_2552 = arith.constant 0 : i32
        %add3A_2553 = arith.addi %add3A_2551, %add3A_2552 : i32
        %swap3A_2554 = arith.index_cast %add3A_2553 : i32 to index
        %swap3A_2555 = arith.constant 48 : index
        %swap3A_2556 = tpu.vector_load %arg14[%swap3A_2554, %swap3A_2555] {strides = array<i32>} : memref<64x128xf32, #tpu.memory_space<vmem>>, vector<16xf32>,
        tpu.vector_store %arg14[%swap3A_2554, %swap3A_2555], %add3A_2372 {strides = array<i32>} : memref<64x128xf32, #tpu.memory_space<vmem>>, vector<16xf32>,
        %add3A_2557 = arith.constant 10 : i32
        %add3A_2558 = arith.addi %mul3A_432, %add3A_2557 : i32
        %add3A_2559 = arith.constant 1 : i32
        %add3A_2560 = arith.addi %add3A_2558, %add3A_2559 : i32
        %swap3A_2561 = arith.index_cast %add3A_2560 : i32 to index
        %swap3A_2562 = arith.constant 48 : index
        %swap3A_2563 = tpu.vector_load %arg14[%swap3A_2561, %swap3A_2562] {strides = array<i32>} : memref<64x128xf32, #tpu.memory_space<vmem>>, vector<16xf32>,
        tpu.vector_store %arg14[%swap3A_2561, %swap3A_2562], %add3A_2387 {strides = array<i32>} : memref<64x128xf32, #tpu.memory_space<vmem>>, vector<16xf32>,
        %add3A_2564 = arith.constant 10 : i32
        %add3A_2565 = arith.addi %mul3A_432, %add3A_2564 : i32
        %add3A_2566 = arith.constant 0 : i32
        %add3A_2567 = arith.addi %add3A_2565, %add3A_2566 : i32
        %swap3A_2568 = arith.index_cast %add3A_2567 : i32 to index
        %swap3A_2569 = arith.constant 64 : index
        %swap3A_2570 = tpu.vector_load %arg14[%swap3A_2568, %swap3A_2569] {strides = array<i32>} : memref<64x128xf32, #tpu.memory_space<vmem>>, vector<16xf32>,
        tpu.vector_store %arg14[%swap3A_2568, %swap3A_2569], %add3A_2402 {strides = array<i32>} : memref<64x128xf32, #tpu.memory_space<vmem>>, vector<16xf32>,
        %add3A_2571 = arith.constant 10 : i32
        %add3A_2572 = arith.addi %mul3A_432, %add3A_2571 : i32
        %add3A_2573 = arith.constant 1 : i32
        %add3A_2574 = arith.addi %add3A_2572, %add3A_2573 : i32
        %swap3A_2575 = arith.index_cast %add3A_2574 : i32 to index
        %swap3A_2576 = arith.constant 64 : index
        %swap3A_2577 = tpu.vector_load %arg14[%swap3A_2575, %swap3A_2576] {strides = array<i32>} : memref<64x128xf32, #tpu.memory_space<vmem>>, vector<16xf32>,
        tpu.vector_store %arg14[%swap3A_2575, %swap3A_2576], %add3A_2417 {strides = array<i32>} : memref<64x128xf32, #tpu.memory_space<vmem>>, vector<16xf32>,
        %add3A_2578 = arith.constant 10 : i32
        %add3A_2579 = arith.addi %mul3A_432, %add3A_2578 : i32
        %add3A_2580 = arith.constant 0 : i32
        %add3A_2581 = arith.addi %add3A_2579, %add3A_2580 : i32
        %swap3A_2582 = arith.index_cast %add3A_2581 : i32 to index
        %swap3A_2583 = arith.constant 80 : index
        %swap3A_2584 = tpu.vector_load %arg14[%swap3A_2582, %swap3A_2583] {strides = array<i32>} : memref<64x128xf32, #tpu.memory_space<vmem>>, vector<16xf32>,
        tpu.vector_store %arg14[%swap3A_2582, %swap3A_2583], %add3A_2432 {strides = array<i32>} : memref<64x128xf32, #tpu.memory_space<vmem>>, vector<16xf32>,
        %add3A_2585 = arith.constant 10 : i32
        %add3A_2586 = arith.addi %mul3A_432, %add3A_2585 : i32
        %add3A_2587 = arith.constant 1 : i32
        %add3A_2588 = arith.addi %add3A_2586, %add3A_2587 : i32
        %swap3A_2589 = arith.index_cast %add3A_2588 : i32 to index
        %swap3A_2590 = arith.constant 80 : index
        %swap3A_2591 = tpu.vector_load %arg14[%swap3A_2589, %swap3A_2590] {strides = array<i32>} : memref<64x128xf32, #tpu.memory_space<vmem>>, vector<16xf32>,
        tpu.vector_store %arg14[%swap3A_2589, %swap3A_2590], %add3A_2447 {strides = array<i32>} : memref<64x128xf32, #tpu.memory_space<vmem>>, vector<16xf32>,
        %add3A_2592 = arith.constant 10 : i32
        %add3A_2593 = arith.addi %mul3A_432, %add3A_2592 : i32
        %add3A_2594 = arith.constant 0 : i32
        %add3A_2595 = arith.addi %add3A_2593, %add3A_2594 : i32
        %swap3A_2596 = arith.index_cast %add3A_2595 : i32 to index
        %swap3A_2597 = arith.constant 96 : index
        %swap3A_2598 = tpu.vector_load %arg14[%swap3A_2596, %swap3A_2597] {strides = array<i32>} : memref<64x128xf32, #tpu.memory_space<vmem>>, vector<16xf32>,
        tpu.vector_store %arg14[%swap3A_2596, %swap3A_2597], %add3A_2462 {strides = array<i32>} : memref<64x128xf32, #tpu.memory_space<vmem>>, vector<16xf32>,
        %add3A_2599 = arith.constant 10 : i32
        %add3A_2600 = arith.addi %mul3A_432, %add3A_2599 : i32
        %add3A_2601 = arith.constant 1 : i32
        %add3A_2602 = arith.addi %add3A_2600, %add3A_2601 : i32
        %swap3A_2603 = arith.index_cast %add3A_2602 : i32 to index
        %swap3A_2604 = arith.constant 96 : index
        %swap3A_2605 = tpu.vector_load %arg14[%swap3A_2603, %swap3A_2604] {strides = array<i32>} : memref<64x128xf32, #tpu.memory_space<vmem>>, vector<16xf32>,
        tpu.vector_store %arg14[%swap3A_2603, %swap3A_2604], %add3A_2477 {strides = array<i32>} : memref<64x128xf32, #tpu.memory_space<vmem>>, vector<16xf32>,
        %add3A_2606 = arith.constant 10 : i32
        %add3A_2607 = arith.addi %mul3A_432, %add3A_2606 : i32
        %add3A_2608 = arith.constant 0 : i32
        %add3A_2609 = arith.addi %add3A_2607, %add3A_2608 : i32
        %swap3A_2610 = arith.index_cast %add3A_2609 : i32 to index
        %swap3A_2611 = arith.constant 112 : index
        %swap3A_2612 = tpu.vector_load %arg14[%swap3A_2610, %swap3A_2611] {strides = array<i32>} : memref<64x128xf32, #tpu.memory_space<vmem>>, vector<16xf32>,
        tpu.vector_store %arg14[%swap3A_2610, %swap3A_2611], %add3A_2492 {strides = array<i32>} : memref<64x128xf32, #tpu.memory_space<vmem>>, vector<16xf32>,
        %add3A_2613 = arith.constant 10 : i32
        %add3A_2614 = arith.addi %mul3A_432, %add3A_2613 : i32
        %add3A_2615 = arith.constant 1 : i32
        %add3A_2616 = arith.addi %add3A_2614, %add3A_2615 : i32
        %swap3A_2617 = arith.index_cast %add3A_2616 : i32 to index
        %swap3A_2618 = arith.constant 112 : index
        %swap3A_2619 = tpu.vector_load %arg14[%swap3A_2617, %swap3A_2618] {strides = array<i32>} : memref<64x128xf32, #tpu.memory_space<vmem>>, vector<16xf32>,
        tpu.vector_store %arg14[%swap3A_2617, %swap3A_2618], %add3A_2507 {strides = array<i32>} : memref<64x128xf32, #tpu.memory_space<vmem>>, vector<16xf32>,
        %slice3A_2620 = vector.extract_strided_slice %gather3A {offsets = [12], sizes = [1], strides = [1]} : vector<16xf32> to vector<1xf32>
        %squeeze3A_2621 = vector.extract %slice3A_2620[0] : f32 from vector<1xf32>
        %broadcast_in_dim3A_2622 = vector.broadcast %squeeze3A_2621 : f32 to vector<16xf32>
        %slice3A_2623 = vector.extract_strided_slice %gather3A_437 {offsets = [12], sizes = [1], strides = [1]} : vector<16xf32> to vector<1xf32>
        %squeeze3A_2624 = vector.extract %slice3A_2623[0] : f32 from vector<1xf32>
        %broadcast_in_dim3A_2625 = vector.broadcast %squeeze3A_2624 : f32 to vector<16xf32>
        %slice3A_2626 = vector.extract_strided_slice %gather3A {offsets = [13], sizes = [1], strides = [1]} : vector<16xf32> to vector<1xf32>
        %squeeze3A_2627 = vector.extract %slice3A_2626[0] : f32 from vector<1xf32>
        %broadcast_in_dim3A_2628 = vector.broadcast %squeeze3A_2627 : f32 to vector<16xf32>
        %slice3A_2629 = vector.extract_strided_slice %gather3A_437 {offsets = [13], sizes = [1], strides = [1]} : vector<16xf32> to vector<1xf32>
        %squeeze3A_2630 = vector.extract %slice3A_2629[0] : f32 from vector<1xf32>
        %broadcast_in_dim3A_2631 = vector.broadcast %squeeze3A_2630 : f32 to vector<16xf32>
        %add3A_2632 = arith.constant 12 : i32
        %add3A_2633 = arith.addi %mul3A_432, %add3A_2632 : i32
        %add3A_2634 = arith.constant 0 : i32
        %add3A_2635 = arith.addi %add3A_2633, %add3A_2634 : i32
        %get3A_2636 = arith.index_cast %rem3A_296 : i32 to index
        %get3A_2637 = arith.index_cast %add3A_2635 : i32 to index
        %get3A_2638 = arith.constant 0 : index
        %get3A_2639 = tpu.vector_load %arg13[%get3A_2636, %get3A_2637, %get3A_2638] {strides = array<i32>} : memref<2x64x256xf32, #tpu.memory_space<vmem>>, vector<16xf32>,
        %mul3A_2640 = arith.mulf %get3A_2639, %broadcast_in_dim3A_2622 : vector<16xf32>
        %get3A_2641 = arith.index_cast %rem3A_296 : i32 to index
        %get3A_2642 = arith.index_cast %add3A_2635 : i32 to index
        %get3A_2643 = arith.constant 128 : index
        %get3A_2644 = tpu.vector_load %arg13[%get3A_2641, %get3A_2642, %get3A_2643] {strides = array<i32>} : memref<2x64x256xf32, #tpu.memory_space<vmem>>, vector<16xf32>,
        %mul3A_2645 = arith.mulf %get3A_2644, %broadcast_in_dim3A_2625 : vector<16xf32>
        %add3A_2646 = arith.addf %mul3A_2640, %mul3A_2645 : vector<16xf32>
        %add3A_2647 = arith.constant 12 : i32
        %add3A_2648 = arith.addi %mul3A_432, %add3A_2647 : i32
        %add3A_2649 = arith.constant 1 : i32
        %add3A_2650 = arith.addi %add3A_2648, %add3A_2649 : i32
        %get3A_2651 = arith.index_cast %rem3A_296 : i32 to index
        %get3A_2652 = arith.index_cast %add3A_2650 : i32 to index
        %get3A_2653 = arith.constant 0 : index
        %get3A_2654 = tpu.vector_load %arg13[%get3A_2651, %get3A_2652, %get3A_2653] {strides = array<i32>} : memref<2x64x256xf32, #tpu.memory_space<vmem>>, vector<16xf32>,
        %mul3A_2655 = arith.mulf %get3A_2654, %broadcast_in_dim3A_2628 : vector<16xf32>
        %get3A_2656 = arith.index_cast %rem3A_296 : i32 to index
        %get3A_2657 = arith.index_cast %add3A_2650 : i32 to index
        %get3A_2658 = arith.constant 128 : index
        %get3A_2659 = tpu.vector_load %arg13[%get3A_2656, %get3A_2657, %get3A_2658] {strides = array<i32>} : memref<2x64x256xf32, #tpu.memory_space<vmem>>, vector<16xf32>,
        %mul3A_2660 = arith.mulf %get3A_2659, %broadcast_in_dim3A_2631 : vector<16xf32>
        %add3A_2661 = arith.addf %mul3A_2655, %mul3A_2660 : vector<16xf32>
        %add3A_2662 = arith.constant 12 : i32
        %add3A_2663 = arith.addi %mul3A_432, %add3A_2662 : i32
        %add3A_2664 = arith.constant 0 : i32
        %add3A_2665 = arith.addi %add3A_2663, %add3A_2664 : i32
        %get3A_2666 = arith.index_cast %rem3A_296 : i32 to index
        %get3A_2667 = arith.index_cast %add3A_2665 : i32 to index
        %get3A_2668 = arith.constant 16 : index
        %get3A_2669 = tpu.vector_load %arg13[%get3A_2666, %get3A_2667, %get3A_2668] {strides = array<i32>} : memref<2x64x256xf32, #tpu.memory_space<vmem>>, vector<16xf32>,
        %mul3A_2670 = arith.mulf %get3A_2669, %broadcast_in_dim3A_2622 : vector<16xf32>
        %get3A_2671 = arith.index_cast %rem3A_296 : i32 to index
        %get3A_2672 = arith.index_cast %add3A_2665 : i32 to index
        %get3A_2673 = arith.constant 144 : index
        %get3A_2674 = tpu.vector_load %arg13[%get3A_2671, %get3A_2672, %get3A_2673] {strides = array<i32>} : memref<2x64x256xf32, #tpu.memory_space<vmem>>, vector<16xf32>,
        %mul3A_2675 = arith.mulf %get3A_2674, %broadcast_in_dim3A_2625 : vector<16xf32>
        %add3A_2676 = arith.addf %mul3A_2670, %mul3A_2675 : vector<16xf32>
        %add3A_2677 = arith.constant 12 : i32
        %add3A_2678 = arith.addi %mul3A_432, %add3A_2677 : i32
        %add3A_2679 = arith.constant 1 : i32
        %add3A_2680 = arith.addi %add3A_2678, %add3A_2679 : i32
        %get3A_2681 = arith.index_cast %rem3A_296 : i32 to index
        %get3A_2682 = arith.index_cast %add3A_2680 : i32 to index
        %get3A_2683 = arith.constant 16 : index
        %get3A_2684 = tpu.vector_load %arg13[%get3A_2681, %get3A_2682, %get3A_2683] {strides = array<i32>} : memref<2x64x256xf32, #tpu.memory_space<vmem>>, vector<16xf32>,
        %mul3A_2685 = arith.mulf %get3A_2684, %broadcast_in_dim3A_2628 : vector<16xf32>
        %get3A_2686 = arith.index_cast %rem3A_296 : i32 to index
        %get3A_2687 = arith.index_cast %add3A_2680 : i32 to index
        %get3A_2688 = arith.constant 144 : index
        %get3A_2689 = tpu.vector_load %arg13[%get3A_2686, %get3A_2687, %get3A_2688] {strides = array<i32>} : memref<2x64x256xf32, #tpu.memory_space<vmem>>, vector<16xf32>,
        %mul3A_2690 = arith.mulf %get3A_2689, %broadcast_in_dim3A_2631 : vector<16xf32>
        %add3A_2691 = arith.addf %mul3A_2685, %mul3A_2690 : vector<16xf32>
        %add3A_2692 = arith.constant 12 : i32
        %add3A_2693 = arith.addi %mul3A_432, %add3A_2692 : i32
        %add3A_2694 = arith.constant 0 : i32
        %add3A_2695 = arith.addi %add3A_2693, %add3A_2694 : i32
        %get3A_2696 = arith.index_cast %rem3A_296 : i32 to index
        %get3A_2697 = arith.index_cast %add3A_2695 : i32 to index
        %get3A_2698 = arith.constant 32 : index
        %get3A_2699 = tpu.vector_load %arg13[%get3A_2696, %get3A_2697, %get3A_2698] {strides = array<i32>} : memref<2x64x256xf32, #tpu.memory_space<vmem>>, vector<16xf32>,
        %mul3A_2700 = arith.mulf %get3A_2699, %broadcast_in_dim3A_2622 : vector<16xf32>
        %get3A_2701 = arith.index_cast %rem3A_296 : i32 to index
        %get3A_2702 = arith.index_cast %add3A_2695 : i32 to index
        %get3A_2703 = arith.constant 160 : index
        %get3A_2704 = tpu.vector_load %arg13[%get3A_2701, %get3A_2702, %get3A_2703] {strides = array<i32>} : memref<2x64x256xf32, #tpu.memory_space<vmem>>, vector<16xf32>,
        %mul3A_2705 = arith.mulf %get3A_2704, %broadcast_in_dim3A_2625 : vector<16xf32>
        %add3A_2706 = arith.addf %mul3A_2700, %mul3A_2705 : vector<16xf32>
        %add3A_2707 = arith.constant 12 : i32
        %add3A_2708 = arith.addi %mul3A_432, %add3A_2707 : i32
        %add3A_2709 = arith.constant 1 : i32
        %add3A_2710 = arith.addi %add3A_2708, %add3A_2709 : i32
        %get3A_2711 = arith.index_cast %rem3A_296 : i32 to index
        %get3A_2712 = arith.index_cast %add3A_2710 : i32 to index
        %get3A_2713 = arith.constant 32 : index
        %get3A_2714 = tpu.vector_load %arg13[%get3A_2711, %get3A_2712, %get3A_2713] {strides = array<i32>} : memref<2x64x256xf32, #tpu.memory_space<vmem>>, vector<16xf32>,
        %mul3A_2715 = arith.mulf %get3A_2714, %broadcast_in_dim3A_2628 : vector<16xf32>
        %get3A_2716 = arith.index_cast %rem3A_296 : i32 to index
        %get3A_2717 = arith.index_cast %add3A_2710 : i32 to index
        %get3A_2718 = arith.constant 160 : index
        %get3A_2719 = tpu.vector_load %arg13[%get3A_2716, %get3A_2717, %get3A_2718] {strides = array<i32>} : memref<2x64x256xf32, #tpu.memory_space<vmem>>, vector<16xf32>,
        %mul3A_2720 = arith.mulf %get3A_2719, %broadcast_in_dim3A_2631 : vector<16xf32>
        %add3A_2721 = arith.addf %mul3A_2715, %mul3A_2720 : vector<16xf32>
        %add3A_2722 = arith.constant 12 : i32
        %add3A_2723 = arith.addi %mul3A_432, %add3A_2722 : i32
        %add3A_2724 = arith.constant 0 : i32
        %add3A_2725 = arith.addi %add3A_2723, %add3A_2724 : i32
        %get3A_2726 = arith.index_cast %rem3A_296 : i32 to index
        %get3A_2727 = arith.index_cast %add3A_2725 : i32 to index
        %get3A_2728 = arith.constant 48 : index
        %get3A_2729 = tpu.vector_load %arg13[%get3A_2726, %get3A_2727, %get3A_2728] {strides = array<i32>} : memref<2x64x256xf32, #tpu.memory_space<vmem>>, vector<16xf32>,
        %mul3A_2730 = arith.mulf %get3A_2729, %broadcast_in_dim3A_2622 : vector<16xf32>
        %get3A_2731 = arith.index_cast %rem3A_296 : i32 to index
        %get3A_2732 = arith.index_cast %add3A_2725 : i32 to index
        %get3A_2733 = arith.constant 176 : index
        %get3A_2734 = tpu.vector_load %arg13[%get3A_2731, %get3A_2732, %get3A_2733] {strides = array<i32>} : memref<2x64x256xf32, #tpu.memory_space<vmem>>, vector<16xf32>,
        %mul3A_2735 = arith.mulf %get3A_2734, %broadcast_in_dim3A_2625 : vector<16xf32>
        %add3A_2736 = arith.addf %mul3A_2730, %mul3A_2735 : vector<16xf32>
        %add3A_2737 = arith.constant 12 : i32
        %add3A_2738 = arith.addi %mul3A_432, %add3A_2737 : i32
        %add3A_2739 = arith.constant 1 : i32
        %add3A_2740 = arith.addi %add3A_2738, %add3A_2739 : i32
        %get3A_2741 = arith.index_cast %rem3A_296 : i32 to index
        %get3A_2742 = arith.index_cast %add3A_2740 : i32 to index
        %get3A_2743 = arith.constant 48 : index
        %get3A_2744 = tpu.vector_load %arg13[%get3A_2741, %get3A_2742, %get3A_2743] {strides = array<i32>} : memref<2x64x256xf32, #tpu.memory_space<vmem>>, vector<16xf32>,
        %mul3A_2745 = arith.mulf %get3A_2744, %broadcast_in_dim3A_2628 : vector<16xf32>
        %get3A_2746 = arith.index_cast %rem3A_296 : i32 to index
        %get3A_2747 = arith.index_cast %add3A_2740 : i32 to index
        %get3A_2748 = arith.constant 176 : index
        %get3A_2749 = tpu.vector_load %arg13[%get3A_2746, %get3A_2747, %get3A_2748] {strides = array<i32>} : memref<2x64x256xf32, #tpu.memory_space<vmem>>, vector<16xf32>,
        %mul3A_2750 = arith.mulf %get3A_2749, %broadcast_in_dim3A_2631 : vector<16xf32>
        %add3A_2751 = arith.addf %mul3A_2745, %mul3A_2750 : vector<16xf32>
        %add3A_2752 = arith.constant 12 : i32
        %add3A_2753 = arith.addi %mul3A_432, %add3A_2752 : i32
        %add3A_2754 = arith.constant 0 : i32
        %add3A_2755 = arith.addi %add3A_2753, %add3A_2754 : i32
        %get3A_2756 = arith.index_cast %rem3A_296 : i32 to index
        %get3A_2757 = arith.index_cast %add3A_2755 : i32 to index
        %get3A_2758 = arith.constant 64 : index
        %get3A_2759 = tpu.vector_load %arg13[%get3A_2756, %get3A_2757, %get3A_2758] {strides = array<i32>} : memref<2x64x256xf32, #tpu.memory_space<vmem>>, vector<16xf32>,
        %mul3A_2760 = arith.mulf %get3A_2759, %broadcast_in_dim3A_2622 : vector<16xf32>
        %get3A_2761 = arith.index_cast %rem3A_296 : i32 to index
        %get3A_2762 = arith.index_cast %add3A_2755 : i32 to index
        %get3A_2763 = arith.constant 192 : index
        %get3A_2764 = tpu.vector_load %arg13[%get3A_2761, %get3A_2762, %get3A_2763] {strides = array<i32>} : memref<2x64x256xf32, #tpu.memory_space<vmem>>, vector<16xf32>,
        %mul3A_2765 = arith.mulf %get3A_2764, %broadcast_in_dim3A_2625 : vector<16xf32>
        %add3A_2766 = arith.addf %mul3A_2760, %mul3A_2765 : vector<16xf32>
        %add3A_2767 = arith.constant 12 : i32
        %add3A_2768 = arith.addi %mul3A_432, %add3A_2767 : i32
        %add3A_2769 = arith.constant 1 : i32
        %add3A_2770 = arith.addi %add3A_2768, %add3A_2769 : i32
        %get3A_2771 = arith.index_cast %rem3A_296 : i32 to index
        %get3A_2772 = arith.index_cast %add3A_2770 : i32 to index
        %get3A_2773 = arith.constant 64 : index
        %get3A_2774 = tpu.vector_load %arg13[%get3A_2771, %get3A_2772, %get3A_2773] {strides = array<i32>} : memref<2x64x256xf32, #tpu.memory_space<vmem>>, vector<16xf32>,
        %mul3A_2775 = arith.mulf %get3A_2774, %broadcast_in_dim3A_2628 : vector<16xf32>
        %get3A_2776 = arith.index_cast %rem3A_296 : i32 to index
        %get3A_2777 = arith.index_cast %add3A_2770 : i32 to index
        %get3A_2778 = arith.constant 192 : index
        %get3A_2779 = tpu.vector_load %arg13[%get3A_2776, %get3A_2777, %get3A_2778] {strides = array<i32>} : memref<2x64x256xf32, #tpu.memory_space<vmem>>, vector<16xf32>,
        %mul3A_2780 = arith.mulf %get3A_2779, %broadcast_in_dim3A_2631 : vector<16xf32>
        %add3A_2781 = arith.addf %mul3A_2775, %mul3A_2780 : vector<16xf32>
        %add3A_2782 = arith.constant 12 : i32
        %add3A_2783 = arith.addi %mul3A_432, %add3A_2782 : i32
        %add3A_2784 = arith.constant 0 : i32
        %add3A_2785 = arith.addi %add3A_2783, %add3A_2784 : i32
        %get3A_2786 = arith.index_cast %rem3A_296 : i32 to index
        %get3A_2787 = arith.index_cast %add3A_2785 : i32 to index
        %get3A_2788 = arith.constant 80 : index
        %get3A_2789 = tpu.vector_load %arg13[%get3A_2786, %get3A_2787, %get3A_2788] {strides = array<i32>} : memref<2x64x256xf32, #tpu.memory_space<vmem>>, vector<16xf32>,
        %mul3A_2790 = arith.mulf %get3A_2789, %broadcast_in_dim3A_2622 : vector<16xf32>
        %get3A_2791 = arith.index_cast %rem3A_296 : i32 to index
        %get3A_2792 = arith.index_cast %add3A_2785 : i32 to index
        %get3A_2793 = arith.constant 208 : index
        %get3A_2794 = tpu.vector_load %arg13[%get3A_2791, %get3A_2792, %get3A_2793] {strides = array<i32>} : memref<2x64x256xf32, #tpu.memory_space<vmem>>, vector<16xf32>,
        %mul3A_2795 = arith.mulf %get3A_2794, %broadcast_in_dim3A_2625 : vector<16xf32>
        %add3A_2796 = arith.addf %mul3A_2790, %mul3A_2795 : vector<16xf32>
        %add3A_2797 = arith.constant 12 : i32
        %add3A_2798 = arith.addi %mul3A_432, %add3A_2797 : i32
        %add3A_2799 = arith.constant 1 : i32
        %add3A_2800 = arith.addi %add3A_2798, %add3A_2799 : i32
        %get3A_2801 = arith.index_cast %rem3A_296 : i32 to index
        %get3A_2802 = arith.index_cast %add3A_2800 : i32 to index
        %get3A_2803 = arith.constant 80 : index
        %get3A_2804 = tpu.vector_load %arg13[%get3A_2801, %get3A_2802, %get3A_2803] {strides = array<i32>} : memref<2x64x256xf32, #tpu.memory_space<vmem>>, vector<16xf32>,
        %mul3A_2805 = arith.mulf %get3A_2804, %broadcast_in_dim3A_2628 : vector<16xf32>
        %get3A_2806 = arith.index_cast %rem3A_296 : i32 to index
        %get3A_2807 = arith.index_cast %add3A_2800 : i32 to index
        %get3A_2808 = arith.constant 208 : index
        %get3A_2809 = tpu.vector_load %arg13[%get3A_2806, %get3A_2807, %get3A_2808] {strides = array<i32>} : memref<2x64x256xf32, #tpu.memory_space<vmem>>, vector<16xf32>,
        %mul3A_2810 = arith.mulf %get3A_2809, %broadcast_in_dim3A_2631 : vector<16xf32>
        %add3A_2811 = arith.addf %mul3A_2805, %mul3A_2810 : vector<16xf32>
        %add3A_2812 = arith.constant 12 : i32
        %add3A_2813 = arith.addi %mul3A_432, %add3A_2812 : i32
        %add3A_2814 = arith.constant 0 : i32
        %add3A_2815 = arith.addi %add3A_2813, %add3A_2814 : i32
        %get3A_2816 = arith.index_cast %rem3A_296 : i32 to index
        %get3A_2817 = arith.index_cast %add3A_2815 : i32 to index
        %get3A_2818 = arith.constant 96 : index
        %get3A_2819 = tpu.vector_load %arg13[%get3A_2816, %get3A_2817, %get3A_2818] {strides = array<i32>} : memref<2x64x256xf32, #tpu.memory_space<vmem>>, vector<16xf32>,
        %mul3A_2820 = arith.mulf %get3A_2819, %broadcast_in_dim3A_2622 : vector<16xf32>
        %get3A_2821 = arith.index_cast %rem3A_296 : i32 to index
        %get3A_2822 = arith.index_cast %add3A_2815 : i32 to index
        %get3A_2823 = arith.constant 224 : index
        %get3A_2824 = tpu.vector_load %arg13[%get3A_2821, %get3A_2822, %get3A_2823] {strides = array<i32>} : memref<2x64x256xf32, #tpu.memory_space<vmem>>, vector<16xf32>,
        %mul3A_2825 = arith.mulf %get3A_2824, %broadcast_in_dim3A_2625 : vector<16xf32>
        %add3A_2826 = arith.addf %mul3A_2820, %mul3A_2825 : vector<16xf32>
        %add3A_2827 = arith.constant 12 : i32
        %add3A_2828 = arith.addi %mul3A_432, %add3A_2827 : i32
        %add3A_2829 = arith.constant 1 : i32
        %add3A_2830 = arith.addi %add3A_2828, %add3A_2829 : i32
        %get3A_2831 = arith.index_cast %rem3A_296 : i32 to index
        %get3A_2832 = arith.index_cast %add3A_2830 : i32 to index
        %get3A_2833 = arith.constant 96 : index
        %get3A_2834 = tpu.vector_load %arg13[%get3A_2831, %get3A_2832, %get3A_2833] {strides = array<i32>} : memref<2x64x256xf32, #tpu.memory_space<vmem>>, vector<16xf32>,
        %mul3A_2835 = arith.mulf %get3A_2834, %broadcast_in_dim3A_2628 : vector<16xf32>
        %get3A_2836 = arith.index_cast %rem3A_296 : i32 to index
        %get3A_2837 = arith.index_cast %add3A_2830 : i32 to index
        %get3A_2838 = arith.constant 224 : index
        %get3A_2839 = tpu.vector_load %arg13[%get3A_2836, %get3A_2837, %get3A_2838] {strides = array<i32>} : memref<2x64x256xf32, #tpu.memory_space<vmem>>, vector<16xf32>,
        %mul3A_2840 = arith.mulf %get3A_2839, %broadcast_in_dim3A_2631 : vector<16xf32>
        %add3A_2841 = arith.addf %mul3A_2835, %mul3A_2840 : vector<16xf32>
        %add3A_2842 = arith.constant 12 : i32
        %add3A_2843 = arith.addi %mul3A_432, %add3A_2842 : i32
        %add3A_2844 = arith.constant 0 : i32
        %add3A_2845 = arith.addi %add3A_2843, %add3A_2844 : i32
        %get3A_2846 = arith.index_cast %rem3A_296 : i32 to index
        %get3A_2847 = arith.index_cast %add3A_2845 : i32 to index
        %get3A_2848 = arith.constant 112 : index
        %get3A_2849 = tpu.vector_load %arg13[%get3A_2846, %get3A_2847, %get3A_2848] {strides = array<i32>} : memref<2x64x256xf32, #tpu.memory_space<vmem>>, vector<16xf32>,
        %mul3A_2850 = arith.mulf %get3A_2849, %broadcast_in_dim3A_2622 : vector<16xf32>
        %get3A_2851 = arith.index_cast %rem3A_296 : i32 to index
        %get3A_2852 = arith.index_cast %add3A_2845 : i32 to index
        %get3A_2853 = arith.constant 240 : index
        %get3A_2854 = tpu.vector_load %arg13[%get3A_2851, %get3A_2852, %get3A_2853] {strides = array<i32>} : memref<2x64x256xf32, #tpu.memory_space<vmem>>, vector<16xf32>,
        %mul3A_2855 = arith.mulf %get3A_2854, %broadcast_in_dim3A_2625 : vector<16xf32>
        %add3A_2856 = arith.addf %mul3A_2850, %mul3A_2855 : vector<16xf32>
        %add3A_2857 = arith.constant 12 : i32
        %add3A_2858 = arith.addi %mul3A_432, %add3A_2857 : i32
        %add3A_2859 = arith.constant 1 : i32
        %add3A_2860 = arith.addi %add3A_2858, %add3A_2859 : i32
        %get3A_2861 = arith.index_cast %rem3A_296 : i32 to index
        %get3A_2862 = arith.index_cast %add3A_2860 : i32 to index
        %get3A_2863 = arith.constant 112 : index
        %get3A_2864 = tpu.vector_load %arg13[%get3A_2861, %get3A_2862, %get3A_2863] {strides = array<i32>} : memref<2x64x256xf32, #tpu.memory_space<vmem>>, vector<16xf32>,
        %mul3A_2865 = arith.mulf %get3A_2864, %broadcast_in_dim3A_2628 : vector<16xf32>
        %get3A_2866 = arith.index_cast %rem3A_296 : i32 to index
        %get3A_2867 = arith.index_cast %add3A_2860 : i32 to index
        %get3A_2868 = arith.constant 240 : index
        %get3A_2869 = tpu.vector_load %arg13[%get3A_2866, %get3A_2867, %get3A_2868] {strides = array<i32>} : memref<2x64x256xf32, #tpu.memory_space<vmem>>, vector<16xf32>,
        %mul3A_2870 = arith.mulf %get3A_2869, %broadcast_in_dim3A_2631 : vector<16xf32>
        %add3A_2871 = arith.addf %mul3A_2865, %mul3A_2870 : vector<16xf32>
        %add3A_2872 = arith.constant 12 : i32
        %add3A_2873 = arith.addi %mul3A_432, %add3A_2872 : i32
        %add3A_2874 = arith.constant 0 : i32
        %add3A_2875 = arith.addi %add3A_2873, %add3A_2874 : i32
        %swap3A_2876 = arith.index_cast %add3A_2875 : i32 to index
        %swap3A_2877 = arith.constant 0 : index
        %swap3A_2878 = tpu.vector_load %arg14[%swap3A_2876, %swap3A_2877] {strides = array<i32>} : memref<64x128xf32, #tpu.memory_space<vmem>>, vector<16xf32>,
        tpu.vector_store %arg14[%swap3A_2876, %swap3A_2877], %add3A_2646 {strides = array<i32>} : memref<64x128xf32, #tpu.memory_space<vmem>>, vector<16xf32>,
        %add3A_2879 = arith.constant 12 : i32
        %add3A_2880 = arith.addi %mul3A_432, %add3A_2879 : i32
        %add3A_2881 = arith.constant 1 : i32
        %add3A_2882 = arith.addi %add3A_2880, %add3A_2881 : i32
        %swap3A_2883 = arith.index_cast %add3A_2882 : i32 to index
        %swap3A_2884 = arith.constant 0 : index
        %swap3A_2885 = tpu.vector_load %arg14[%swap3A_2883, %swap3A_2884] {strides = array<i32>} : memref<64x128xf32, #tpu.memory_space<vmem>>, vector<16xf32>,
        tpu.vector_store %arg14[%swap3A_2883, %swap3A_2884], %add3A_2661 {strides = array<i32>} : memref<64x128xf32, #tpu.memory_space<vmem>>, vector<16xf32>,
        %add3A_2886 = arith.constant 12 : i32
        %add3A_2887 = arith.addi %mul3A_432, %add3A_2886 : i32
        %add3A_2888 = arith.constant 0 : i32
        %add3A_2889 = arith.addi %add3A_2887, %add3A_2888 : i32
        %swap3A_2890 = arith.index_cast %add3A_2889 : i32 to index
        %swap3A_2891 = arith.constant 16 : index
        %swap3A_2892 = tpu.vector_load %arg14[%swap3A_2890, %swap3A_2891] {strides = array<i32>} : memref<64x128xf32, #tpu.memory_space<vmem>>, vector<16xf32>,
        tpu.vector_store %arg14[%swap3A_2890, %swap3A_2891], %add3A_2676 {strides = array<i32>} : memref<64x128xf32, #tpu.memory_space<vmem>>, vector<16xf32>,
        %add3A_2893 = arith.constant 12 : i32
        %add3A_2894 = arith.addi %mul3A_432, %add3A_2893 : i32
        %add3A_2895 = arith.constant 1 : i32
        %add3A_2896 = arith.addi %add3A_2894, %add3A_2895 : i32
        %swap3A_2897 = arith.index_cast %add3A_2896 : i32 to index
        %swap3A_2898 = arith.constant 16 : index
        %swap3A_2899 = tpu.vector_load %arg14[%swap3A_2897, %swap3A_2898] {strides = array<i32>} : memref<64x128xf32, #tpu.memory_space<vmem>>, vector<16xf32>,
        tpu.vector_store %arg14[%swap3A_2897, %swap3A_2898], %add3A_2691 {strides = array<i32>} : memref<64x128xf32, #tpu.memory_space<vmem>>, vector<16xf32>,
        %add3A_2900 = arith.constant 12 : i32
        %add3A_2901 = arith.addi %mul3A_432, %add3A_2900 : i32
        %add3A_2902 = arith.constant 0 : i32
        %add3A_2903 = arith.addi %add3A_2901, %add3A_2902 : i32
        %swap3A_2904 = arith.index_cast %add3A_2903 : i32 to index
        %swap3A_2905 = arith.constant 32 : index
        %swap3A_2906 = tpu.vector_load %arg14[%swap3A_2904, %swap3A_2905] {strides = array<i32>} : memref<64x128xf32, #tpu.memory_space<vmem>>, vector<16xf32>,
        tpu.vector_store %arg14[%swap3A_2904, %swap3A_2905], %add3A_2706 {strides = array<i32>} : memref<64x128xf32, #tpu.memory_space<vmem>>, vector<16xf32>,
        %add3A_2907 = arith.constant 12 : i32
        %add3A_2908 = arith.addi %mul3A_432, %add3A_2907 : i32
        %add3A_2909 = arith.constant 1 : i32
        %add3A_2910 = arith.addi %add3A_2908, %add3A_2909 : i32
        %swap3A_2911 = arith.index_cast %add3A_2910 : i32 to index
        %swap3A_2912 = arith.constant 32 : index
        %swap3A_2913 = tpu.vector_load %arg14[%swap3A_2911, %swap3A_2912] {strides = array<i32>} : memref<64x128xf32, #tpu.memory_space<vmem>>, vector<16xf32>,
        tpu.vector_store %arg14[%swap3A_2911, %swap3A_2912], %add3A_2721 {strides = array<i32>} : memref<64x128xf32, #tpu.memory_space<vmem>>, vector<16xf32>,
        %add3A_2914 = arith.constant 12 : i32
        %add3A_2915 = arith.addi %mul3A_432, %add3A_2914 : i32
        %add3A_2916 = arith.constant 0 : i32
        %add3A_2917 = arith.addi %add3A_2915, %add3A_2916 : i32
        %swap3A_2918 = arith.index_cast %add3A_2917 : i32 to index
        %swap3A_2919 = arith.constant 48 : index
        %swap3A_2920 = tpu.vector_load %arg14[%swap3A_2918, %swap3A_2919] {strides = array<i32>} : memref<64x128xf32, #tpu.memory_space<vmem>>, vector<16xf32>,
        tpu.vector_store %arg14[%swap3A_2918, %swap3A_2919], %add3A_2736 {strides = array<i32>} : memref<64x128xf32, #tpu.memory_space<vmem>>, vector<16xf32>,
        %add3A_2921 = arith.constant 12 : i32
        %add3A_2922 = arith.addi %mul3A_432, %add3A_2921 : i32
        %add3A_2923 = arith.constant 1 : i32
        %add3A_2924 = arith.addi %add3A_2922, %add3A_2923 : i32
        %swap3A_2925 = arith.index_cast %add3A_2924 : i32 to index
        %swap3A_2926 = arith.constant 48 : index
        %swap3A_2927 = tpu.vector_load %arg14[%swap3A_2925, %swap3A_2926] {strides = array<i32>} : memref<64x128xf32, #tpu.memory_space<vmem>>, vector<16xf32>,
        tpu.vector_store %arg14[%swap3A_2925, %swap3A_2926], %add3A_2751 {strides = array<i32>} : memref<64x128xf32, #tpu.memory_space<vmem>>, vector<16xf32>,
        %add3A_2928 = arith.constant 12 : i32
        %add3A_2929 = arith.addi %mul3A_432, %add3A_2928 : i32
        %add3A_2930 = arith.constant 0 : i32
        %add3A_2931 = arith.addi %add3A_2929, %add3A_2930 : i32
        %swap3A_2932 = arith.index_cast %add3A_2931 : i32 to index
        %swap3A_2933 = arith.constant 64 : index
        %swap3A_2934 = tpu.vector_load %arg14[%swap3A_2932, %swap3A_2933] {strides = array<i32>} : memref<64x128xf32, #tpu.memory_space<vmem>>, vector<16xf32>,
        tpu.vector_store %arg14[%swap3A_2932, %swap3A_2933], %add3A_2766 {strides = array<i32>} : memref<64x128xf32, #tpu.memory_space<vmem>>, vector<16xf32>,
        %add3A_2935 = arith.constant 12 : i32
        %add3A_2936 = arith.addi %mul3A_432, %add3A_2935 : i32
        %add3A_2937 = arith.constant 1 : i32
        %add3A_2938 = arith.addi %add3A_2936, %add3A_2937 : i32
        %swap3A_2939 = arith.index_cast %add3A_2938 : i32 to index
        %swap3A_2940 = arith.constant 64 : index
        %swap3A_2941 = tpu.vector_load %arg14[%swap3A_2939, %swap3A_2940] {strides = array<i32>} : memref<64x128xf32, #tpu.memory_space<vmem>>, vector<16xf32>,
        tpu.vector_store %arg14[%swap3A_2939, %swap3A_2940], %add3A_2781 {strides = array<i32>} : memref<64x128xf32, #tpu.memory_space<vmem>>, vector<16xf32>,
        %add3A_2942 = arith.constant 12 : i32
        %add3A_2943 = arith.addi %mul3A_432, %add3A_2942 : i32
        %add3A_2944 = arith.constant 0 : i32
        %add3A_2945 = arith.addi %add3A_2943, %add3A_2944 : i32
        %swap3A_2946 = arith.index_cast %add3A_2945 : i32 to index
        %swap3A_2947 = arith.constant 80 : index
        %swap3A_2948 = tpu.vector_load %arg14[%swap3A_2946, %swap3A_2947] {strides = array<i32>} : memref<64x128xf32, #tpu.memory_space<vmem>>, vector<16xf32>,
        tpu.vector_store %arg14[%swap3A_2946, %swap3A_2947], %add3A_2796 {strides = array<i32>} : memref<64x128xf32, #tpu.memory_space<vmem>>, vector<16xf32>,
        %add3A_2949 = arith.constant 12 : i32
        %add3A_2950 = arith.addi %mul3A_432, %add3A_2949 : i32
        %add3A_2951 = arith.constant 1 : i32
        %add3A_2952 = arith.addi %add3A_2950, %add3A_2951 : i32
        %swap3A_2953 = arith.index_cast %add3A_2952 : i32 to index
        %swap3A_2954 = arith.constant 80 : index
        %swap3A_2955 = tpu.vector_load %arg14[%swap3A_2953, %swap3A_2954] {strides = array<i32>} : memref<64x128xf32, #tpu.memory_space<vmem>>, vector<16xf32>,
        tpu.vector_store %arg14[%swap3A_2953, %swap3A_2954], %add3A_2811 {strides = array<i32>} : memref<64x128xf32, #tpu.memory_space<vmem>>, vector<16xf32>,
        %add3A_2956 = arith.constant 12 : i32
        %add3A_2957 = arith.addi %mul3A_432, %add3A_2956 : i32
        %add3A_2958 = arith.constant 0 : i32
        %add3A_2959 = arith.addi %add3A_2957, %add3A_2958 : i32
        %swap3A_2960 = arith.index_cast %add3A_2959 : i32 to index
        %swap3A_2961 = arith.constant 96 : index
        %swap3A_2962 = tpu.vector_load %arg14[%swap3A_2960, %swap3A_2961] {strides = array<i32>} : memref<64x128xf32, #tpu.memory_space<vmem>>, vector<16xf32>,
        tpu.vector_store %arg14[%swap3A_2960, %swap3A_2961], %add3A_2826 {strides = array<i32>} : memref<64x128xf32, #tpu.memory_space<vmem>>, vector<16xf32>,
        %add3A_2963 = arith.constant 12 : i32
        %add3A_2964 = arith.addi %mul3A_432, %add3A_2963 : i32
        %add3A_2965 = arith.constant 1 : i32
        %add3A_2966 = arith.addi %add3A_2964, %add3A_2965 : i32
        %swap3A_2967 = arith.index_cast %add3A_2966 : i32 to index
        %swap3A_2968 = arith.constant 96 : index
        %swap3A_2969 = tpu.vector_load %arg14[%swap3A_2967, %swap3A_2968] {strides = array<i32>} : memref<64x128xf32, #tpu.memory_space<vmem>>, vector<16xf32>,
        tpu.vector_store %arg14[%swap3A_2967, %swap3A_2968], %add3A_2841 {strides = array<i32>} : memref<64x128xf32, #tpu.memory_space<vmem>>, vector<16xf32>,
        %add3A_2970 = arith.constant 12 : i32
        %add3A_2971 = arith.addi %mul3A_432, %add3A_2970 : i32
        %add3A_2972 = arith.constant 0 : i32
        %add3A_2973 = arith.addi %add3A_2971, %add3A_2972 : i32
        %swap3A_2974 = arith.index_cast %add3A_2973 : i32 to index
        %swap3A_2975 = arith.constant 112 : index
        %swap3A_2976 = tpu.vector_load %arg14[%swap3A_2974, %swap3A_2975] {strides = array<i32>} : memref<64x128xf32, #tpu.memory_space<vmem>>, vector<16xf32>,
        tpu.vector_store %arg14[%swap3A_2974, %swap3A_2975], %add3A_2856 {strides = array<i32>} : memref<64x128xf32, #tpu.memory_space<vmem>>, vector<16xf32>,
        %add3A_2977 = arith.constant 12 : i32
        %add3A_2978 = arith.addi %mul3A_432, %add3A_2977 : i32
        %add3A_2979 = arith.constant 1 : i32
        %add3A_2980 = arith.addi %add3A_2978, %add3A_2979 : i32
        %swap3A_2981 = arith.index_cast %add3A_2980 : i32 to index
        %swap3A_2982 = arith.constant 112 : index
        %swap3A_2983 = tpu.vector_load %arg14[%swap3A_2981, %swap3A_2982] {strides = array<i32>} : memref<64x128xf32, #tpu.memory_space<vmem>>, vector<16xf32>,
        tpu.vector_store %arg14[%swap3A_2981, %swap3A_2982], %add3A_2871 {strides = array<i32>} : memref<64x128xf32, #tpu.memory_space<vmem>>, vector<16xf32>,
        %slice3A_2984 = vector.extract_strided_slice %gather3A {offsets = [14], sizes = [1], strides = [1]} : vector<16xf32> to vector<1xf32>
        %squeeze3A_2985 = vector.extract %slice3A_2984[0] : f32 from vector<1xf32>
        %broadcast_in_dim3A_2986 = vector.broadcast %squeeze3A_2985 : f32 to vector<16xf32>
        %slice3A_2987 = vector.extract_strided_slice %gather3A_437 {offsets = [14], sizes = [1], strides = [1]} : vector<16xf32> to vector<1xf32>
        %squeeze3A_2988 = vector.extract %slice3A_2987[0] : f32 from vector<1xf32>
        %broadcast_in_dim3A_2989 = vector.broadcast %squeeze3A_2988 : f32 to vector<16xf32>
        %slice3A_2990 = vector.extract_strided_slice %gather3A {offsets = [15], sizes = [1], strides = [1]} : vector<16xf32> to vector<1xf32>
        %squeeze3A_2991 = vector.extract %slice3A_2990[0] : f32 from vector<1xf32>
        %broadcast_in_dim3A_2992 = vector.broadcast %squeeze3A_2991 : f32 to vector<16xf32>
        %slice3A_2993 = vector.extract_strided_slice %gather3A_437 {offsets = [15], sizes = [1], strides = [1]} : vector<16xf32> to vector<1xf32>
        %squeeze3A_2994 = vector.extract %slice3A_2993[0] : f32 from vector<1xf32>
        %broadcast_in_dim3A_2995 = vector.broadcast %squeeze3A_2994 : f32 to vector<16xf32>
        %add3A_2996 = arith.constant 14 : i32
        %add3A_2997 = arith.addi %mul3A_432, %add3A_2996 : i32
        %add3A_2998 = arith.constant 0 : i32
        %add3A_2999 = arith.addi %add3A_2997, %add3A_2998 : i32
        %get3A_3000 = arith.index_cast %rem3A_296 : i32 to index
        %get3A_3001 = arith.index_cast %add3A_2999 : i32 to index
        %get3A_3002 = arith.constant 0 : index
        %get3A_3003 = tpu.vector_load %arg13[%get3A_3000, %get3A_3001, %get3A_3002] {strides = array<i32>} : memref<2x64x256xf32, #tpu.memory_space<vmem>>, vector<16xf32>,
        %mul3A_3004 = arith.mulf %get3A_3003, %broadcast_in_dim3A_2986 : vector<16xf32>
        %get3A_3005 = arith.index_cast %rem3A_296 : i32 to index
        %get3A_3006 = arith.index_cast %add3A_2999 : i32 to index
        %get3A_3007 = arith.constant 128 : index
        %get3A_3008 = tpu.vector_load %arg13[%get3A_3005, %get3A_3006, %get3A_3007] {strides = array<i32>} : memref<2x64x256xf32, #tpu.memory_space<vmem>>, vector<16xf32>,
        %mul3A_3009 = arith.mulf %get3A_3008, %broadcast_in_dim3A_2989 : vector<16xf32>
        %add3A_3010 = arith.addf %mul3A_3004, %mul3A_3009 : vector<16xf32>
        %add3A_3011 = arith.constant 14 : i32
        %add3A_3012 = arith.addi %mul3A_432, %add3A_3011 : i32
        %add3A_3013 = arith.constant 1 : i32
        %add3A_3014 = arith.addi %add3A_3012, %add3A_3013 : i32
        %get3A_3015 = arith.index_cast %rem3A_296 : i32 to index
        %get3A_3016 = arith.index_cast %add3A_3014 : i32 to index
        %get3A_3017 = arith.constant 0 : index
        %get3A_3018 = tpu.vector_load %arg13[%get3A_3015, %get3A_3016, %get3A_3017] {strides = array<i32>} : memref<2x64x256xf32, #tpu.memory_space<vmem>>, vector<16xf32>,
        %mul3A_3019 = arith.mulf %get3A_3018, %broadcast_in_dim3A_2992 : vector<16xf32>
        %get3A_3020 = arith.index_cast %rem3A_296 : i32 to index
        %get3A_3021 = arith.index_cast %add3A_3014 : i32 to index
        %get3A_3022 = arith.constant 128 : index
        %get3A_3023 = tpu.vector_load %arg13[%get3A_3020, %get3A_3021, %get3A_3022] {strides = array<i32>} : memref<2x64x256xf32, #tpu.memory_space<vmem>>, vector<16xf32>,
        %mul3A_3024 = arith.mulf %get3A_3023, %broadcast_in_dim3A_2995 : vector<16xf32>
        %add3A_3025 = arith.addf %mul3A_3019, %mul3A_3024 : vector<16xf32>
        %add3A_3026 = arith.constant 14 : i32
        %add3A_3027 = arith.addi %mul3A_432, %add3A_3026 : i32
        %add3A_3028 = arith.constant 0 : i32
        %add3A_3029 = arith.addi %add3A_3027, %add3A_3028 : i32
        %get3A_3030 = arith.index_cast %rem3A_296 : i32 to index
        %get3A_3031 = arith.index_cast %add3A_3029 : i32 to index
        %get3A_3032 = arith.constant 16 : index
        %get3A_3033 = tpu.vector_load %arg13[%get3A_3030, %get3A_3031, %get3A_3032] {strides = array<i32>} : memref<2x64x256xf32, #tpu.memory_space<vmem>>, vector<16xf32>,
        %mul3A_3034 = arith.mulf %get3A_3033, %broadcast_in_dim3A_2986 : vector<16xf32>
        %get3A_3035 = arith.index_cast %rem3A_296 : i32 to index
        %get3A_3036 = arith.index_cast %add3A_3029 : i32 to index
        %get3A_3037 = arith.constant 144 : index
        %get3A_3038 = tpu.vector_load %arg13[%get3A_3035, %get3A_3036, %get3A_3037] {strides = array<i32>} : memref<2x64x256xf32, #tpu.memory_space<vmem>>, vector<16xf32>,
        %mul3A_3039 = arith.mulf %get3A_3038, %broadcast_in_dim3A_2989 : vector<16xf32>
        %add3A_3040 = arith.addf %mul3A_3034, %mul3A_3039 : vector<16xf32>
        %add3A_3041 = arith.constant 14 : i32
        %add3A_3042 = arith.addi %mul3A_432, %add3A_3041 : i32
        %add3A_3043 = arith.constant 1 : i32
        %add3A_3044 = arith.addi %add3A_3042, %add3A_3043 : i32
        %get3A_3045 = arith.index_cast %rem3A_296 : i32 to index
        %get3A_3046 = arith.index_cast %add3A_3044 : i32 to index
        %get3A_3047 = arith.constant 16 : index
        %get3A_3048 = tpu.vector_load %arg13[%get3A_3045, %get3A_3046, %get3A_3047] {strides = array<i32>} : memref<2x64x256xf32, #tpu.memory_space<vmem>>, vector<16xf32>,
        %mul3A_3049 = arith.mulf %get3A_3048, %broadcast_in_dim3A_2992 : vector<16xf32>
        %get3A_3050 = arith.index_cast %rem3A_296 : i32 to index
        %get3A_3051 = arith.index_cast %add3A_3044 : i32 to index
        %get3A_3052 = arith.constant 144 : index
        %get3A_3053 = tpu.vector_load %arg13[%get3A_3050, %get3A_3051, %get3A_3052] {strides = array<i32>} : memref<2x64x256xf32, #tpu.memory_space<vmem>>, vector<16xf32>,
        %mul3A_3054 = arith.mulf %get3A_3053, %broadcast_in_dim3A_2995 : vector<16xf32>
        %add3A_3055 = arith.addf %mul3A_3049, %mul3A_3054 : vector<16xf32>
        %add3A_3056 = arith.constant 14 : i32
        %add3A_3057 = arith.addi %mul3A_432, %add3A_3056 : i32
        %add3A_3058 = arith.constant 0 : i32
        %add3A_3059 = arith.addi %add3A_3057, %add3A_3058 : i32
        %get3A_3060 = arith.index_cast %rem3A_296 : i32 to index
        %get3A_3061 = arith.index_cast %add3A_3059 : i32 to index
        %get3A_3062 = arith.constant 32 : index
        %get3A_3063 = tpu.vector_load %arg13[%get3A_3060, %get3A_3061, %get3A_3062] {strides = array<i32>} : memref<2x64x256xf32, #tpu.memory_space<vmem>>, vector<16xf32>,
        %mul3A_3064 = arith.mulf %get3A_3063, %broadcast_in_dim3A_2986 : vector<16xf32>
        %get3A_3065 = arith.index_cast %rem3A_296 : i32 to index
        %get3A_3066 = arith.index_cast %add3A_3059 : i32 to index
        %get3A_3067 = arith.constant 160 : index
        %get3A_3068 = tpu.vector_load %arg13[%get3A_3065, %get3A_3066, %get3A_3067] {strides = array<i32>} : memref<2x64x256xf32, #tpu.memory_space<vmem>>, vector<16xf32>,
        %mul3A_3069 = arith.mulf %get3A_3068, %broadcast_in_dim3A_2989 : vector<16xf32>
        %add3A_3070 = arith.addf %mul3A_3064, %mul3A_3069 : vector<16xf32>
        %add3A_3071 = arith.constant 14 : i32
        %add3A_3072 = arith.addi %mul3A_432, %add3A_3071 : i32
        %add3A_3073 = arith.constant 1 : i32
        %add3A_3074 = arith.addi %add3A_3072, %add3A_3073 : i32
        %get3A_3075 = arith.index_cast %rem3A_296 : i32 to index
        %get3A_3076 = arith.index_cast %add3A_3074 : i32 to index
        %get3A_3077 = arith.constant 32 : index
        %get3A_3078 = tpu.vector_load %arg13[%get3A_3075, %get3A_3076, %get3A_3077] {strides = array<i32>} : memref<2x64x256xf32, #tpu.memory_space<vmem>>, vector<16xf32>,
        %mul3A_3079 = arith.mulf %get3A_3078, %broadcast_in_dim3A_2992 : vector<16xf32>
        %get3A_3080 = arith.index_cast %rem3A_296 : i32 to index
        %get3A_3081 = arith.index_cast %add3A_3074 : i32 to index
        %get3A_3082 = arith.constant 160 : index
        %get3A_3083 = tpu.vector_load %arg13[%get3A_3080, %get3A_3081, %get3A_3082] {strides = array<i32>} : memref<2x64x256xf32, #tpu.memory_space<vmem>>, vector<16xf32>,
        %mul3A_3084 = arith.mulf %get3A_3083, %broadcast_in_dim3A_2995 : vector<16xf32>
        %add3A_3085 = arith.addf %mul3A_3079, %mul3A_3084 : vector<16xf32>
        %add3A_3086 = arith.constant 14 : i32
        %add3A_3087 = arith.addi %mul3A_432, %add3A_3086 : i32
        %add3A_3088 = arith.constant 0 : i32
        %add3A_3089 = arith.addi %add3A_3087, %add3A_3088 : i32
        %get3A_3090 = arith.index_cast %rem3A_296 : i32 to index
        %get3A_3091 = arith.index_cast %add3A_3089 : i32 to index
        %get3A_3092 = arith.constant 48 : index
        %get3A_3093 = tpu.vector_load %arg13[%get3A_3090, %get3A_3091, %get3A_3092] {strides = array<i32>} : memref<2x64x256xf32, #tpu.memory_space<vmem>>, vector<16xf32>,
        %mul3A_3094 = arith.mulf %get3A_3093, %broadcast_in_dim3A_2986 : vector<16xf32>
        %get3A_3095 = arith.index_cast %rem3A_296 : i32 to index
        %get3A_3096 = arith.index_cast %add3A_3089 : i32 to index
        %get3A_3097 = arith.constant 176 : index
        %get3A_3098 = tpu.vector_load %arg13[%get3A_3095, %get3A_3096, %get3A_3097] {strides = array<i32>} : memref<2x64x256xf32, #tpu.memory_space<vmem>>, vector<16xf32>,
        %mul3A_3099 = arith.mulf %get3A_3098, %broadcast_in_dim3A_2989 : vector<16xf32>
        %add3A_3100 = arith.addf %mul3A_3094, %mul3A_3099 : vector<16xf32>
        %add3A_3101 = arith.constant 14 : i32
        %add3A_3102 = arith.addi %mul3A_432, %add3A_3101 : i32
        %add3A_3103 = arith.constant 1 : i32
        %add3A_3104 = arith.addi %add3A_3102, %add3A_3103 : i32
        %get3A_3105 = arith.index_cast %rem3A_296 : i32 to index
        %get3A_3106 = arith.index_cast %add3A_3104 : i32 to index
        %get3A_3107 = arith.constant 48 : index
        %get3A_3108 = tpu.vector_load %arg13[%get3A_3105, %get3A_3106, %get3A_3107] {strides = array<i32>} : memref<2x64x256xf32, #tpu.memory_space<vmem>>, vector<16xf32>,
        %mul3A_3109 = arith.mulf %get3A_3108, %broadcast_in_dim3A_2992 : vector<16xf32>
        %get3A_3110 = arith.index_cast %rem3A_296 : i32 to index
        %get3A_3111 = arith.index_cast %add3A_3104 : i32 to index
        %get3A_3112 = arith.constant 176 : index
        %get3A_3113 = tpu.vector_load %arg13[%get3A_3110, %get3A_3111, %get3A_3112] {strides = array<i32>} : memref<2x64x256xf32, #tpu.memory_space<vmem>>, vector<16xf32>,
        %mul3A_3114 = arith.mulf %get3A_3113, %broadcast_in_dim3A_2995 : vector<16xf32>
        %add3A_3115 = arith.addf %mul3A_3109, %mul3A_3114 : vector<16xf32>
        %add3A_3116 = arith.constant 14 : i32
        %add3A_3117 = arith.addi %mul3A_432, %add3A_3116 : i32
        %add3A_3118 = arith.constant 0 : i32
        %add3A_3119 = arith.addi %add3A_3117, %add3A_3118 : i32
        %get3A_3120 = arith.index_cast %rem3A_296 : i32 to index
        %get3A_3121 = arith.index_cast %add3A_3119 : i32 to index
        %get3A_3122 = arith.constant 64 : index
        %get3A_3123 = tpu.vector_load %arg13[%get3A_3120, %get3A_3121, %get3A_3122] {strides = array<i32>} : memref<2x64x256xf32, #tpu.memory_space<vmem>>, vector<16xf32>,
        %mul3A_3124 = arith.mulf %get3A_3123, %broadcast_in_dim3A_2986 : vector<16xf32>
        %get3A_3125 = arith.index_cast %rem3A_296 : i32 to index
        %get3A_3126 = arith.index_cast %add3A_3119 : i32 to index
        %get3A_3127 = arith.constant 192 : index
        %get3A_3128 = tpu.vector_load %arg13[%get3A_3125, %get3A_3126, %get3A_3127] {strides = array<i32>} : memref<2x64x256xf32, #tpu.memory_space<vmem>>, vector<16xf32>,
        %mul3A_3129 = arith.mulf %get3A_3128, %broadcast_in_dim3A_2989 : vector<16xf32>
        %add3A_3130 = arith.addf %mul3A_3124, %mul3A_3129 : vector<16xf32>
        %add3A_3131 = arith.constant 14 : i32
        %add3A_3132 = arith.addi %mul3A_432, %add3A_3131 : i32
        %add3A_3133 = arith.constant 1 : i32
        %add3A_3134 = arith.addi %add3A_3132, %add3A_3133 : i32
        %get3A_3135 = arith.index_cast %rem3A_296 : i32 to index
        %get3A_3136 = arith.index_cast %add3A_3134 : i32 to index
        %get3A_3137 = arith.constant 64 : index
        %get3A_3138 = tpu.vector_load %arg13[%get3A_3135, %get3A_3136, %get3A_3137] {strides = array<i32>} : memref<2x64x256xf32, #tpu.memory_space<vmem>>, vector<16xf32>,
        %mul3A_3139 = arith.mulf %get3A_3138, %broadcast_in_dim3A_2992 : vector<16xf32>
        %get3A_3140 = arith.index_cast %rem3A_296 : i32 to index
        %get3A_3141 = arith.index_cast %add3A_3134 : i32 to index
        %get3A_3142 = arith.constant 192 : index
        %get3A_3143 = tpu.vector_load %arg13[%get3A_3140, %get3A_3141, %get3A_3142] {strides = array<i32>} : memref<2x64x256xf32, #tpu.memory_space<vmem>>, vector<16xf32>,
        %mul3A_3144 = arith.mulf %get3A_3143, %broadcast_in_dim3A_2995 : vector<16xf32>
        %add3A_3145 = arith.addf %mul3A_3139, %mul3A_3144 : vector<16xf32>
        %add3A_3146 = arith.constant 14 : i32
        %add3A_3147 = arith.addi %mul3A_432, %add3A_3146 : i32
        %add3A_3148 = arith.constant 0 : i32
        %add3A_3149 = arith.addi %add3A_3147, %add3A_3148 : i32
        %get3A_3150 = arith.index_cast %rem3A_296 : i32 to index
        %get3A_3151 = arith.index_cast %add3A_3149 : i32 to index
        %get3A_3152 = arith.constant 80 : index
        %get3A_3153 = tpu.vector_load %arg13[%get3A_3150, %get3A_3151, %get3A_3152] {strides = array<i32>} : memref<2x64x256xf32, #tpu.memory_space<vmem>>, vector<16xf32>,
        %mul3A_3154 = arith.mulf %get3A_3153, %broadcast_in_dim3A_2986 : vector<16xf32>
        %get3A_3155 = arith.index_cast %rem3A_296 : i32 to index
        %get3A_3156 = arith.index_cast %add3A_3149 : i32 to index
        %get3A_3157 = arith.constant 208 : index
        %get3A_3158 = tpu.vector_load %arg13[%get3A_3155, %get3A_3156, %get3A_3157] {strides = array<i32>} : memref<2x64x256xf32, #tpu.memory_space<vmem>>, vector<16xf32>,
        %mul3A_3159 = arith.mulf %get3A_3158, %broadcast_in_dim3A_2989 : vector<16xf32>
        %add3A_3160 = arith.addf %mul3A_3154, %mul3A_3159 : vector<16xf32>
        %add3A_3161 = arith.constant 14 : i32
        %add3A_3162 = arith.addi %mul3A_432, %add3A_3161 : i32
        %add3A_3163 = arith.constant 1 : i32
        %add3A_3164 = arith.addi %add3A_3162, %add3A_3163 : i32
        %get3A_3165 = arith.index_cast %rem3A_296 : i32 to index
        %get3A_3166 = arith.index_cast %add3A_3164 : i32 to index
        %get3A_3167 = arith.constant 80 : index
        %get3A_3168 = tpu.vector_load %arg13[%get3A_3165, %get3A_3166, %get3A_3167] {strides = array<i32>} : memref<2x64x256xf32, #tpu.memory_space<vmem>>, vector<16xf32>,
        %mul3A_3169 = arith.mulf %get3A_3168, %broadcast_in_dim3A_2992 : vector<16xf32>
        %get3A_3170 = arith.index_cast %rem3A_296 : i32 to index
        %get3A_3171 = arith.index_cast %add3A_3164 : i32 to index
        %get3A_3172 = arith.constant 208 : index
        %get3A_3173 = tpu.vector_load %arg13[%get3A_3170, %get3A_3171, %get3A_3172] {strides = array<i32>} : memref<2x64x256xf32, #tpu.memory_space<vmem>>, vector<16xf32>,
        %mul3A_3174 = arith.mulf %get3A_3173, %broadcast_in_dim3A_2995 : vector<16xf32>
        %add3A_3175 = arith.addf %mul3A_3169, %mul3A_3174 : vector<16xf32>
        %add3A_3176 = arith.constant 14 : i32
        %add3A_3177 = arith.addi %mul3A_432, %add3A_3176 : i32
        %add3A_3178 = arith.constant 0 : i32
        %add3A_3179 = arith.addi %add3A_3177, %add3A_3178 : i32
        %get3A_3180 = arith.index_cast %rem3A_296 : i32 to index
        %get3A_3181 = arith.index_cast %add3A_3179 : i32 to index
        %get3A_3182 = arith.constant 96 : index
        %get3A_3183 = tpu.vector_load %arg13[%get3A_3180, %get3A_3181, %get3A_3182] {strides = array<i32>} : memref<2x64x256xf32, #tpu.memory_space<vmem>>, vector<16xf32>,
        %mul3A_3184 = arith.mulf %get3A_3183, %broadcast_in_dim3A_2986 : vector<16xf32>
        %get3A_3185 = arith.index_cast %rem3A_296 : i32 to index
        %get3A_3186 = arith.index_cast %add3A_3179 : i32 to index
        %get3A_3187 = arith.constant 224 : index
        %get3A_3188 = tpu.vector_load %arg13[%get3A_3185, %get3A_3186, %get3A_3187] {strides = array<i32>} : memref<2x64x256xf32, #tpu.memory_space<vmem>>, vector<16xf32>,
        %mul3A_3189 = arith.mulf %get3A_3188, %broadcast_in_dim3A_2989 : vector<16xf32>
        %add3A_3190 = arith.addf %mul3A_3184, %mul3A_3189 : vector<16xf32>
        %add3A_3191 = arith.constant 14 : i32
        %add3A_3192 = arith.addi %mul3A_432, %add3A_3191 : i32
        %add3A_3193 = arith.constant 1 : i32
        %add3A_3194 = arith.addi %add3A_3192, %add3A_3193 : i32
        %get3A_3195 = arith.index_cast %rem3A_296 : i32 to index
        %get3A_3196 = arith.index_cast %add3A_3194 : i32 to index
        %get3A_3197 = arith.constant 96 : index
        %get3A_3198 = tpu.vector_load %arg13[%get3A_3195, %get3A_3196, %get3A_3197] {strides = array<i32>} : memref<2x64x256xf32, #tpu.memory_space<vmem>>, vector<16xf32>,
        %mul3A_3199 = arith.mulf %get3A_3198, %broadcast_in_dim3A_2992 : vector<16xf32>
        %get3A_3200 = arith.index_cast %rem3A_296 : i32 to index
        %get3A_3201 = arith.index_cast %add3A_3194 : i32 to index
        %get3A_3202 = arith.constant 224 : index
        %get3A_3203 = tpu.vector_load %arg13[%get3A_3200, %get3A_3201, %get3A_3202] {strides = array<i32>} : memref<2x64x256xf32, #tpu.memory_space<vmem>>, vector<16xf32>,
        %mul3A_3204 = arith.mulf %get3A_3203, %broadcast_in_dim3A_2995 : vector<16xf32>
        %add3A_3205 = arith.addf %mul3A_3199, %mul3A_3204 : vector<16xf32>
        %add3A_3206 = arith.constant 14 : i32
        %add3A_3207 = arith.addi %mul3A_432, %add3A_3206 : i32
        %add3A_3208 = arith.constant 0 : i32
        %add3A_3209 = arith.addi %add3A_3207, %add3A_3208 : i32
        %get3A_3210 = arith.index_cast %rem3A_296 : i32 to index
        %get3A_3211 = arith.index_cast %add3A_3209 : i32 to index
        %get3A_3212 = arith.constant 112 : index
        %get3A_3213 = tpu.vector_load %arg13[%get3A_3210, %get3A_3211, %get3A_3212] {strides = array<i32>} : memref<2x64x256xf32, #tpu.memory_space<vmem>>, vector<16xf32>,
        %mul3A_3214 = arith.mulf %get3A_3213, %broadcast_in_dim3A_2986 : vector<16xf32>
        %get3A_3215 = arith.index_cast %rem3A_296 : i32 to index
        %get3A_3216 = arith.index_cast %add3A_3209 : i32 to index
        %get3A_3217 = arith.constant 240 : index
        %get3A_3218 = tpu.vector_load %arg13[%get3A_3215, %get3A_3216, %get3A_3217] {strides = array<i32>} : memref<2x64x256xf32, #tpu.memory_space<vmem>>, vector<16xf32>,
        %mul3A_3219 = arith.mulf %get3A_3218, %broadcast_in_dim3A_2989 : vector<16xf32>
        %add3A_3220 = arith.addf %mul3A_3214, %mul3A_3219 : vector<16xf32>
        %add3A_3221 = arith.constant 14 : i32
        %add3A_3222 = arith.addi %mul3A_432, %add3A_3221 : i32
        %add3A_3223 = arith.constant 1 : i32
        %add3A_3224 = arith.addi %add3A_3222, %add3A_3223 : i32
        %get3A_3225 = arith.index_cast %rem3A_296 : i32 to index
        %get3A_3226 = arith.index_cast %add3A_3224 : i32 to index
        %get3A_3227 = arith.constant 112 : index
        %get3A_3228 = tpu.vector_load %arg13[%get3A_3225, %get3A_3226, %get3A_3227] {strides = array<i32>} : memref<2x64x256xf32, #tpu.memory_space<vmem>>, vector<16xf32>,
        %mul3A_3229 = arith.mulf %get3A_3228, %broadcast_in_dim3A_2992 : vector<16xf32>
        %get3A_3230 = arith.index_cast %rem3A_296 : i32 to index
        %get3A_3231 = arith.index_cast %add3A_3224 : i32 to index
        %get3A_3232 = arith.constant 240 : index
        %get3A_3233 = tpu.vector_load %arg13[%get3A_3230, %get3A_3231, %get3A_3232] {strides = array<i32>} : memref<2x64x256xf32, #tpu.memory_space<vmem>>, vector<16xf32>,
        %mul3A_3234 = arith.mulf %get3A_3233, %broadcast_in_dim3A_2995 : vector<16xf32>
        %add3A_3235 = arith.addf %mul3A_3229, %mul3A_3234 : vector<16xf32>
        %add3A_3236 = arith.constant 14 : i32
        %add3A_3237 = arith.addi %mul3A_432, %add3A_3236 : i32
        %add3A_3238 = arith.constant 0 : i32
        %add3A_3239 = arith.addi %add3A_3237, %add3A_3238 : i32
        %swap3A_3240 = arith.index_cast %add3A_3239 : i32 to index
        %swap3A_3241 = arith.constant 0 : index
        %swap3A_3242 = tpu.vector_load %arg14[%swap3A_3240, %swap3A_3241] {strides = array<i32>} : memref<64x128xf32, #tpu.memory_space<vmem>>, vector<16xf32>,
        tpu.vector_store %arg14[%swap3A_3240, %swap3A_3241], %add3A_3010 {strides = array<i32>} : memref<64x128xf32, #tpu.memory_space<vmem>>, vector<16xf32>,
        %add3A_3243 = arith.constant 14 : i32
        %add3A_3244 = arith.addi %mul3A_432, %add3A_3243 : i32
        %add3A_3245 = arith.constant 1 : i32
        %add3A_3246 = arith.addi %add3A_3244, %add3A_3245 : i32
        %swap3A_3247 = arith.index_cast %add3A_3246 : i32 to index
        %swap3A_3248 = arith.constant 0 : index
        %swap3A_3249 = tpu.vector_load %arg14[%swap3A_3247, %swap3A_3248] {strides = array<i32>} : memref<64x128xf32, #tpu.memory_space<vmem>>, vector<16xf32>,
        tpu.vector_store %arg14[%swap3A_3247, %swap3A_3248], %add3A_3025 {strides = array<i32>} : memref<64x128xf32, #tpu.memory_space<vmem>>, vector<16xf32>,
        %add3A_3250 = arith.constant 14 : i32
        %add3A_3251 = arith.addi %mul3A_432, %add3A_3250 : i32
        %add3A_3252 = arith.constant 0 : i32
        %add3A_3253 = arith.addi %add3A_3251, %add3A_3252 : i32
        %swap3A_3254 = arith.index_cast %add3A_3253 : i32 to index
        %swap3A_3255 = arith.constant 16 : index
        %swap3A_3256 = tpu.vector_load %arg14[%swap3A_3254, %swap3A_3255] {strides = array<i32>} : memref<64x128xf32, #tpu.memory_space<vmem>>, vector<16xf32>,
        tpu.vector_store %arg14[%swap3A_3254, %swap3A_3255], %add3A_3040 {strides = array<i32>} : memref<64x128xf32, #tpu.memory_space<vmem>>, vector<16xf32>,
        %add3A_3257 = arith.constant 14 : i32
        %add3A_3258 = arith.addi %mul3A_432, %add3A_3257 : i32
        %add3A_3259 = arith.constant 1 : i32
        %add3A_3260 = arith.addi %add3A_3258, %add3A_3259 : i32
        %swap3A_3261 = arith.index_cast %add3A_3260 : i32 to index
        %swap3A_3262 = arith.constant 16 : index
        %swap3A_3263 = tpu.vector_load %arg14[%swap3A_3261, %swap3A_3262] {strides = array<i32>} : memref<64x128xf32, #tpu.memory_space<vmem>>, vector<16xf32>,
        tpu.vector_store %arg14[%swap3A_3261, %swap3A_3262], %add3A_3055 {strides = array<i32>} : memref<64x128xf32, #tpu.memory_space<vmem>>, vector<16xf32>,
        %add3A_3264 = arith.constant 14 : i32
        %add3A_3265 = arith.addi %mul3A_432, %add3A_3264 : i32
        %add3A_3266 = arith.constant 0 : i32
        %add3A_3267 = arith.addi %add3A_3265, %add3A_3266 : i32
        %swap3A_3268 = arith.index_cast %add3A_3267 : i32 to index
        %swap3A_3269 = arith.constant 32 : index
        %swap3A_3270 = tpu.vector_load %arg14[%swap3A_3268, %swap3A_3269] {strides = array<i32>} : memref<64x128xf32, #tpu.memory_space<vmem>>, vector<16xf32>,
        tpu.vector_store %arg14[%swap3A_3268, %swap3A_3269], %add3A_3070 {strides = array<i32>} : memref<64x128xf32, #tpu.memory_space<vmem>>, vector<16xf32>,
        %add3A_3271 = arith.constant 14 : i32
        %add3A_3272 = arith.addi %mul3A_432, %add3A_3271 : i32
        %add3A_3273 = arith.constant 1 : i32
        %add3A_3274 = arith.addi %add3A_3272, %add3A_3273 : i32
        %swap3A_3275 = arith.index_cast %add3A_3274 : i32 to index
        %swap3A_3276 = arith.constant 32 : index
        %swap3A_3277 = tpu.vector_load %arg14[%swap3A_3275, %swap3A_3276] {strides = array<i32>} : memref<64x128xf32, #tpu.memory_space<vmem>>, vector<16xf32>,
        tpu.vector_store %arg14[%swap3A_3275, %swap3A_3276], %add3A_3085 {strides = array<i32>} : memref<64x128xf32, #tpu.memory_space<vmem>>, vector<16xf32>,
        %add3A_3278 = arith.constant 14 : i32
        %add3A_3279 = arith.addi %mul3A_432, %add3A_3278 : i32
        %add3A_3280 = arith.constant 0 : i32
        %add3A_3281 = arith.addi %add3A_3279, %add3A_3280 : i32
        %swap3A_3282 = arith.index_cast %add3A_3281 : i32 to index
        %swap3A_3283 = arith.constant 48 : index
        %swap3A_3284 = tpu.vector_load %arg14[%swap3A_3282, %swap3A_3283] {strides = array<i32>} : memref<64x128xf32, #tpu.memory_space<vmem>>, vector<16xf32>,
        tpu.vector_store %arg14[%swap3A_3282, %swap3A_3283], %add3A_3100 {strides = array<i32>} : memref<64x128xf32, #tpu.memory_space<vmem>>, vector<16xf32>,
        %add3A_3285 = arith.constant 14 : i32
        %add3A_3286 = arith.addi %mul3A_432, %add3A_3285 : i32
        %add3A_3287 = arith.constant 1 : i32
        %add3A_3288 = arith.addi %add3A_3286, %add3A_3287 : i32
        %swap3A_3289 = arith.index_cast %add3A_3288 : i32 to index
        %swap3A_3290 = arith.constant 48 : index
        %swap3A_3291 = tpu.vector_load %arg14[%swap3A_3289, %swap3A_3290] {strides = array<i32>} : memref<64x128xf32, #tpu.memory_space<vmem>>, vector<16xf32>,
        tpu.vector_store %arg14[%swap3A_3289, %swap3A_3290], %add3A_3115 {strides = array<i32>} : memref<64x128xf32, #tpu.memory_space<vmem>>, vector<16xf32>,
        %add3A_3292 = arith.constant 14 : i32
        %add3A_3293 = arith.addi %mul3A_432, %add3A_3292 : i32
        %add3A_3294 = arith.constant 0 : i32
        %add3A_3295 = arith.addi %add3A_3293, %add3A_3294 : i32
        %swap3A_3296 = arith.index_cast %add3A_3295 : i32 to index
        %swap3A_3297 = arith.constant 64 : index
        %swap3A_3298 = tpu.vector_load %arg14[%swap3A_3296, %swap3A_3297] {strides = array<i32>} : memref<64x128xf32, #tpu.memory_space<vmem>>, vector<16xf32>,
        tpu.vector_store %arg14[%swap3A_3296, %swap3A_3297], %add3A_3130 {strides = array<i32>} : memref<64x128xf32, #tpu.memory_space<vmem>>, vector<16xf32>,
        %add3A_3299 = arith.constant 14 : i32
        %add3A_3300 = arith.addi %mul3A_432, %add3A_3299 : i32
        %add3A_3301 = arith.constant 1 : i32
        %add3A_3302 = arith.addi %add3A_3300, %add3A_3301 : i32
        %swap3A_3303 = arith.index_cast %add3A_3302 : i32 to index
        %swap3A_3304 = arith.constant 64 : index
        %swap3A_3305 = tpu.vector_load %arg14[%swap3A_3303, %swap3A_3304] {strides = array<i32>} : memref<64x128xf32, #tpu.memory_space<vmem>>, vector<16xf32>,
        tpu.vector_store %arg14[%swap3A_3303, %swap3A_3304], %add3A_3145 {strides = array<i32>} : memref<64x128xf32, #tpu.memory_space<vmem>>, vector<16xf32>,
        %add3A_3306 = arith.constant 14 : i32
        %add3A_3307 = arith.addi %mul3A_432, %add3A_3306 : i32
        %add3A_3308 = arith.constant 0 : i32
        %add3A_3309 = arith.addi %add3A_3307, %add3A_3308 : i32
        %swap3A_3310 = arith.index_cast %add3A_3309 : i32 to index
        %swap3A_3311 = arith.constant 80 : index
        %swap3A_3312 = tpu.vector_load %arg14[%swap3A_3310, %swap3A_3311] {strides = array<i32>} : memref<64x128xf32, #tpu.memory_space<vmem>>, vector<16xf32>,
        tpu.vector_store %arg14[%swap3A_3310, %swap3A_3311], %add3A_3160 {strides = array<i32>} : memref<64x128xf32, #tpu.memory_space<vmem>>, vector<16xf32>,
        %add3A_3313 = arith.constant 14 : i32
        %add3A_3314 = arith.addi %mul3A_432, %add3A_3313 : i32
        %add3A_3315 = arith.constant 1 : i32
        %add3A_3316 = arith.addi %add3A_3314, %add3A_3315 : i32
        %swap3A_3317 = arith.index_cast %add3A_3316 : i32 to index
        %swap3A_3318 = arith.constant 80 : index
        %swap3A_3319 = tpu.vector_load %arg14[%swap3A_3317, %swap3A_3318] {strides = array<i32>} : memref<64x128xf32, #tpu.memory_space<vmem>>, vector<16xf32>,
        tpu.vector_store %arg14[%swap3A_3317, %swap3A_3318], %add3A_3175 {strides = array<i32>} : memref<64x128xf32, #tpu.memory_space<vmem>>, vector<16xf32>,
        %add3A_3320 = arith.constant 14 : i32
        %add3A_3321 = arith.addi %mul3A_432, %add3A_3320 : i32
        %add3A_3322 = arith.constant 0 : i32
        %add3A_3323 = arith.addi %add3A_3321, %add3A_3322 : i32
        %swap3A_3324 = arith.index_cast %add3A_3323 : i32 to index
        %swap3A_3325 = arith.constant 96 : index
        %swap3A_3326 = tpu.vector_load %arg14[%swap3A_3324, %swap3A_3325] {strides = array<i32>} : memref<64x128xf32, #tpu.memory_space<vmem>>, vector<16xf32>,
        tpu.vector_store %arg14[%swap3A_3324, %swap3A_3325], %add3A_3190 {strides = array<i32>} : memref<64x128xf32, #tpu.memory_space<vmem>>, vector<16xf32>,
        %add3A_3327 = arith.constant 14 : i32
        %add3A_3328 = arith.addi %mul3A_432, %add3A_3327 : i32
        %add3A_3329 = arith.constant 1 : i32
        %add3A_3330 = arith.addi %add3A_3328, %add3A_3329 : i32
        %swap3A_3331 = arith.index_cast %add3A_3330 : i32 to index
        %swap3A_3332 = arith.constant 96 : index
        %swap3A_3333 = tpu.vector_load %arg14[%swap3A_3331, %swap3A_3332] {strides = array<i32>} : memref<64x128xf32, #tpu.memory_space<vmem>>, vector<16xf32>,
        tpu.vector_store %arg14[%swap3A_3331, %swap3A_3332], %add3A_3205 {strides = array<i32>} : memref<64x128xf32, #tpu.memory_space<vmem>>, vector<16xf32>,
        %add3A_3334 = arith.constant 14 : i32
        %add3A_3335 = arith.addi %mul3A_432, %add3A_3334 : i32
        %add3A_3336 = arith.constant 0 : i32
        %add3A_3337 = arith.addi %add3A_3335, %add3A_3336 : i32
        %swap3A_3338 = arith.index_cast %add3A_3337 : i32 to index
        %swap3A_3339 = arith.constant 112 : index
        %swap3A_3340 = tpu.vector_load %arg14[%swap3A_3338, %swap3A_3339] {strides = array<i32>} : memref<64x128xf32, #tpu.memory_space<vmem>>, vector<16xf32>,
        tpu.vector_store %arg14[%swap3A_3338, %swap3A_3339], %add3A_3220 {strides = array<i32>} : memref<64x128xf32, #tpu.memory_space<vmem>>, vector<16xf32>,
        %add3A_3341 = arith.constant 14 : i32
        %add3A_3342 = arith.addi %mul3A_432, %add3A_3341 : i32
        %add3A_3343 = arith.constant 1 : i32
        %add3A_3344 = arith.addi %add3A_3342, %add3A_3343 : i32
        %swap3A_3345 = arith.index_cast %add3A_3344 : i32 to index
        %swap3A_3346 = arith.constant 112 : index
        %swap3A_3347 = tpu.vector_load %arg14[%swap3A_3345, %swap3A_3346] {strides = array<i32>} : memref<64x128xf32, #tpu.memory_space<vmem>>, vector<16xf32>,
        tpu.vector_store %arg14[%swap3A_3345, %swap3A_3346], %add3A_3235 {strides = array<i32>} : memref<64x128xf32, #tpu.memory_space<vmem>>, vector<16xf32>,
      }
      %scan3A_423 = arith.constant 4 : i32
      %dma_start3A_424 = arith.constant 0 : i32
      %dma_start3A_425 = tpu.memref_slice %arg9[%rem3A_298, %dma_start3A_424] : memref<3x64xi32, #tpu.memory_space<vmem>> -> memref<1x64xi32, #tpu.memory_space<vmem>>
      %dma_start3A_426 = tpu.memref_squeeze %dma_start3A_425 : memref<1x64xi32, #tpu.memory_space<vmem>> -> memref<64xi32, #tpu.memory_space<vmem>>
      %dma_start3A_427 = arith.constant 0 : i32
      %dma_start3A_428 = arith.constant 0 : i32
      %dma_start3A_429 = tpu.memref_slice %arg15[%dma_start3A_427, %dma_start3A_428] : memref<10016x128xf32, #tpu.memory_space<vmem_shared>> -> memref<10016x128xf32, #tpu.memory_space<vmem_shared>>
      tpu.enqueue_indirect_dma source(%arg14 : memref<64x128xf32, #tpu.memory_space<vmem>>) target(%dma_start3A_429 : memref<10016x128xf32, #tpu.memory_space<vmem_shared>>) offsets(%dma_start3A_426 : memref<64xi32, #tpu.memory_space<vmem>>) semaphore(%arg18 : memref<!tpu.dma_semaphore, #tpu.memory_space<semaphore_mem>>) {add = true}
    }
    %scan3A_192 = arith.constant 157 : i32
    %dma_wait3A_193 = arith.constant 0 : i32
    %dma_wait3A_194 = arith.constant 0 : i32
    %dma_wait3A_195 = tpu.memref_slice %arg15[%dma_wait3A_193, %dma_wait3A_194] : memref<10016x128xf32, #tpu.memory_space<vmem_shared>> -> memref<10016x128xf32, #tpu.memory_space<vmem_shared>>
    tpu.wait_indirect_dma semaphore(%arg18 : memref<!tpu.dma_semaphore, #tpu.memory_space<semaphore_mem>>) src(%arg14 : memref<64x128xf32, #tpu.memory_space<vmem>>) dst(%dma_wait3A_195 : memref<10016x128xf32, #tpu.memory_space<vmem_shared>>)
    %dma_wait3A_196 = arith.constant 1 : i32
    %dma_wait3A_197 = arith.constant 1 : i32
    %dma_wait3A_198 = arith.constant 0 : i32
    %dma_wait3A_199 = arith.constant 0 : i32
    %dma_wait3A_200 = tpu.memref_slice %arg13[%dma_wait3A_197, %dma_wait3A_198, %dma_wait3A_199] : memref<2x64x256xf32, #tpu.memory_space<vmem>> -> memref<1x64x256xf32, #tpu.memory_space<vmem>>
    %dma_wait3A_201 = tpu.memref_squeeze %dma_wait3A_200 : memref<1x64x256xf32, #tpu.memory_space<vmem>> -> memref<64x256xf32, #tpu.memory_space<vmem>>
    %dma_wait3A_202 = arith.constant 0 : i32
    %dma_wait3A_203 = tpu.memref_slice %arg8[%dma_wait3A_196, %dma_wait3A_202] : memref<3x128xi32, #tpu.memory_space<vmem>> -> memref<1x64xi32, #tpu.memory_space<vmem>>
    %dma_wait3A_204 = tpu.memref_squeeze %dma_wait3A_203 : memref<1x64xi32, #tpu.memory_space<vmem>> -> memref<64xi32, #tpu.memory_space<vmem>>
    %dma_wait3A_205 = arith.constant 0 : i32
    %dma_wait3A_206 = arith.constant 0 : i32
    %dma_wait3A_207 = tpu.memref_slice %arg2[%dma_wait3A_205, %dma_wait3A_206] : memref<10000x256xf32, #tpu.memory_space<hbm>> -> memref<10000x256xf32, #tpu.memory_space<hbm>>
    tpu.wait_indirect_dma semaphore(%arg17 : memref<!tpu.dma_semaphore, #tpu.memory_space<semaphore_mem>>) src(%dma_wait3A_207 : memref<10000x256xf32, #tpu.memory_space<hbm>>) dst(%dma_wait3A_201 : memref<64x256xf32, #tpu.memory_space<vmem>>)
    %dma_wait3A_208 = arith.constant 158 : i32
    %dma_wait3A_209 = arith.constant 2 : i32
    %dma_wait3A_210 = arith.constant 0 : i32
    %dma_wait3A_211 = tpu.memref_slice %arg8[%dma_wait3A_209, %dma_wait3A_210] : memref<3x128xi32, #tpu.memory_space<vmem>> -> memref<1x128xi32, #tpu.memory_space<vmem>>
    %dma_wait3A_212 = tpu.memref_squeeze %dma_wait3A_211 : memref<1x128xi32, #tpu.memory_space<vmem>> -> memref<128xi32, #tpu.memory_space<vmem>>
    %dma_wait3A_213 = arith.constant 0 : i32
    %dma_wait3A_214 = arith.constant 0 : i32
    %dma_wait3A_215 = tpu.memref_slice %arg5[%add3A, %dma_wait3A_213, %dma_wait3A_214] : memref<32x159x128xi32, #tpu.memory_space<hbm>> -> memref<1x159x128xi32, #tpu.memory_space<hbm>>
    %dma_wait3A_216 = tpu.memref_squeeze %dma_wait3A_215 : memref<1x159x128xi32, #tpu.memory_space<hbm>> -> memref<159x128xi32, #tpu.memory_space<hbm>>
    %dma_wait3A_217 = arith.constant 0 : i32
    %dma_wait3A_218 = tpu.memref_slice %dma_wait3A_216[%dma_wait3A_208, %dma_wait3A_217] : memref<159x128xi32, #tpu.memory_space<hbm>> -> memref<1x128xi32, #tpu.memory_space<hbm>>
    %dma_wait3A_219 = tpu.memref_squeeze %dma_wait3A_218 : memref<1x128xi32, #tpu.memory_space<hbm>> -> memref<128xi32, #tpu.memory_space<hbm>>
    %dma_wait3A_220 = arith.constant 0 : i32
    %dma_wait3A_221 = tpu.memref_slice %arg8[%dma_wait3A_209, %dma_wait3A_220] : memref<3x128xi32, #tpu.memory_space<vmem>> -> memref<1x128xi32, #tpu.memory_space<vmem>>
    %dma_wait3A_222 = tpu.memref_squeeze %dma_wait3A_221 : memref<1x128xi32, #tpu.memory_space<vmem>> -> memref<128xi32, #tpu.memory_space<vmem>>
    %dma_wait3A_223 = arith.constant 0 : i32
    %dma_wait3A_224 = arith.constant 0 : i32
    %dma_wait3A_225 = tpu.memref_slice %arg5[%add3A, %dma_wait3A_223, %dma_wait3A_224] : memref<32x159x128xi32, #tpu.memory_space<hbm>> -> memref<1x159x128xi32, #tpu.memory_space<hbm>>
    %dma_wait3A_226 = tpu.memref_squeeze %dma_wait3A_225 : memref<1x159x128xi32, #tpu.memory_space<hbm>> -> memref<159x128xi32, #tpu.memory_space<hbm>>
    %dma_wait3A_227 = arith.constant 0 : i32
    %dma_wait3A_228 = tpu.memref_slice %dma_wait3A_226[%dma_wait3A_208, %dma_wait3A_227] : memref<159x128xi32, #tpu.memory_space<hbm>> -> memref<1x128xi32, #tpu.memory_space<hbm>>
    %dma_wait3A_229 = tpu.memref_squeeze %dma_wait3A_228 : memref<1x128xi32, #tpu.memory_space<hbm>> -> memref<128xi32, #tpu.memory_space<hbm>>
    tpu.wait_dma2 semaphore(%arg16 : memref<!tpu.dma_semaphore, #tpu.memory_space<semaphore_mem>>) src(%dma_wait3A_229 : memref<128xi32, #tpu.memory_space<hbm>>) dst(%dma_wait3A_222 : memref<128xi32, #tpu.memory_space<vmem>>)
    %dma_wait3A_230 = arith.constant 158 : i32
    %dma_wait3A_231 = arith.constant 2 : i32
    %dma_wait3A_232 = arith.constant 0 : i32
    %dma_wait3A_233 = tpu.memref_slice %arg9[%dma_wait3A_231, %dma_wait3A_232] : memref<3x64xi32, #tpu.memory_space<vmem>> -> memref<1x64xi32, #tpu.memory_space<vmem>>
    %dma_wait3A_234 = tpu.memref_squeeze %dma_wait3A_233 : memref<1x64xi32, #tpu.memory_space<vmem>> -> memref<64xi32, #tpu.memory_space<vmem>>
    %dma_wait3A_235 = arith.constant 0 : i32
    %dma_wait3A_236 = arith.constant 0 : i32
    %dma_wait3A_237 = tpu.memref_slice %arg6[%add3A, %dma_wait3A_235, %dma_wait3A_236] : memref<32x159x64xi32, #tpu.memory_space<hbm>> -> memref<1x159x64xi32, #tpu.memory_space<hbm>>
    %dma_wait3A_238 = tpu.memref_squeeze %dma_wait3A_237 : memref<1x159x64xi32, #tpu.memory_space<hbm>> -> memref<159x64xi32, #tpu.memory_space<hbm>>
    %dma_wait3A_239 = arith.constant 0 : i32
    %dma_wait3A_240 = tpu.memref_slice %dma_wait3A_238[%dma_wait3A_230, %dma_wait3A_239] : memref<159x64xi32, #tpu.memory_space<hbm>> -> memref<1x64xi32, #tpu.memory_space<hbm>>
    %dma_wait3A_241 = tpu.memref_squeeze %dma_wait3A_240 : memref<1x64xi32, #tpu.memory_space<hbm>> -> memref<64xi32, #tpu.memory_space<hbm>>
    %dma_wait3A_242 = arith.constant 0 : i32
    %dma_wait3A_243 = tpu.memref_slice %arg9[%dma_wait3A_231, %dma_wait3A_242] : memref<3x64xi32, #tpu.memory_space<vmem>> -> memref<1x64xi32, #tpu.memory_space<vmem>>
    %dma_wait3A_244 = tpu.memref_squeeze %dma_wait3A_243 : memref<1x64xi32, #tpu.memory_space<vmem>> -> memref<64xi32, #tpu.memory_space<vmem>>
    %dma_wait3A_245 = arith.constant 0 : i32
    %dma_wait3A_246 = arith.constant 0 : i32
    %dma_wait3A_247 = tpu.memref_slice %arg6[%add3A, %dma_wait3A_245, %dma_wait3A_246] : memref<32x159x64xi32, #tpu.memory_space<hbm>> -> memref<1x159x64xi32, #tpu.memory_space<hbm>>
    %dma_wait3A_248 = tpu.memref_squeeze %dma_wait3A_247 : memref<1x159x64xi32, #tpu.memory_space<hbm>> -> memref<159x64xi32, #tpu.memory_space<hbm>>
    %dma_wait3A_249 = arith.constant 0 : i32
    %dma_wait3A_250 = tpu.memref_slice %dma_wait3A_248[%dma_wait3A_230, %dma_wait3A_249] : memref<159x64xi32, #tpu.memory_space<hbm>> -> memref<1x64xi32, #tpu.memory_space<hbm>>
    %dma_wait3A_251 = tpu.memref_squeeze %dma_wait3A_250 : memref<1x64xi32, #tpu.memory_space<hbm>> -> memref<64xi32, #tpu.memory_space<hbm>>
    tpu.wait_dma2 semaphore(%arg16 : memref<!tpu.dma_semaphore, #tpu.memory_space<semaphore_mem>>) src(%dma_wait3A_251 : memref<64xi32, #tpu.memory_space<hbm>>) dst(%dma_wait3A_244 : memref<64xi32, #tpu.memory_space<vmem>>)
    %barrier3A_252 = arith.constant 0 : index
    tpu.barrier barrier_id(%barrier3A_252)
    %mul3A_253 = arith.constant 625 : i32
    %mul3A_254 = arith.muli %arg1, %mul3A_253 : i32
    %add3A_255 = arith.constant 0 : i32
    %add3A_256 = arith.addi %mul3A_254, %add3A_255 : i32
    "tpu.region"() ({
      %run_scoped3A = tpu.sem_alloc : memref<!tpu.dma_semaphore, #tpu.memory_space<semaphore_mem>>
      %dma_start3A_295 = arith.constant 0 : i32
      %dma_start3A_296 = arith.constant 0 : i32
      %dma_start3A_297 = tpu.memref_slice %arg14[%dma_start3A_295, %dma_start3A_296] : memref<64x128xf32, #tpu.memory_space<vmem>> -> memref<64x128xf32, #tpu.memory_space<vmem>>
      %dma_start3A_298 = arith.constant 0 : i32
      %dma_start3A_299 = tpu.memref_slice %arg15[%add3A_256, %dma_start3A_298] : memref<10016x128xf32, #tpu.memory_space<vmem_shared>> -> memref<64x128xf32, #tpu.memory_space<vmem_shared>>
      %dma_start3A_300 = arith.constant 0 : i32
      %dma_start3A_301 = arith.constant 0 : i32
      %dma_start3A_302 = tpu.memref_slice %arg14[%dma_start3A_300, %dma_start3A_301] : memref<64x128xf32, #tpu.memory_space<vmem>> -> memref<64x128xf32, #tpu.memory_space<vmem>>
      %dma_start3A_303 = arith.constant 0 : i32
      %dma_start3A_304 = tpu.memref_slice %arg15[%add3A_256, %dma_start3A_303] : memref<10016x128xf32, #tpu.memory_space<vmem_shared>> -> memref<64x128xf32, #tpu.memory_space<vmem_shared>>
      tpu.enqueue_dma source(%dma_start3A_304 : memref<64x128xf32, #tpu.memory_space<vmem_shared>>) target(%dma_start3A_302 : memref<64x128xf32, #tpu.memory_space<vmem>>) target_semaphore(%run_scoped3A : memref<!tpu.dma_semaphore, #tpu.memory_space<semaphore_mem>>)
      %dma_wait3A_305 = arith.constant 0 : i32
      %dma_wait3A_306 = arith.constant 0 : i32
      %dma_wait3A_307 = tpu.memref_slice %arg14[%dma_wait3A_305, %dma_wait3A_306] : memref<64x128xf32, #tpu.memory_space<vmem>> -> memref<64x128xf32, #tpu.memory_space<vmem>>
      %dma_wait3A_308 = arith.constant 0 : i32
      %dma_wait3A_309 = tpu.memref_slice %arg15[%add3A_256, %dma_wait3A_308] : memref<10016x128xf32, #tpu.memory_space<vmem_shared>> -> memref<64x128xf32, #tpu.memory_space<vmem_shared>>
      %dma_wait3A_310 = arith.constant 0 : i32
      %dma_wait3A_311 = arith.constant 0 : i32
      %dma_wait3A_312 = tpu.memref_slice %arg14[%dma_wait3A_310, %dma_wait3A_311] : memref<64x128xf32, #tpu.memory_space<vmem>> -> memref<64x128xf32, #tpu.memory_space<vmem>>
      %dma_wait3A_313 = arith.constant 0 : i32
      %dma_wait3A_314 = tpu.memref_slice %arg15[%add3A_256, %dma_wait3A_313] : memref<10016x128xf32, #tpu.memory_space<vmem_shared>> -> memref<64x128xf32, #tpu.memory_space<vmem_shared>>
      tpu.wait_dma2 semaphore(%run_scoped3A : memref<!tpu.dma_semaphore, #tpu.memory_space<semaphore_mem>>) src(%dma_wait3A_314 : memref<64x128xf32, #tpu.memory_space<vmem_shared>>) dst(%dma_wait3A_312 : memref<64x128xf32, #tpu.memory_space<vmem>>)
      tpu.yield
    }) : () -> ()
    %add3A_257 = arith.constant 0 : i32
    %add3A_258 = arith.addi %mul3A_254, %add3A_257 : i32
    "tpu.region"() ({
      %run_scoped3A = tpu.sem_alloc : memref<!tpu.dma_semaphore, #tpu.memory_space<semaphore_mem>>
      %dma_start3A_295 = arith.constant 0 : i32
      %dma_start3A_296 = arith.constant 0 : i32
      %dma_start3A_297 = tpu.memref_slice %arg14[%dma_start3A_295, %dma_start3A_296] : memref<64x128xf32, #tpu.memory_space<vmem>> -> memref<64x128xf32, #tpu.memory_space<vmem>>
      %dma_start3A_298 = arith.constant 0 : i32
      %dma_start3A_299 = arith.constant 0 : i32
      %dma_start3A_300 = tpu.memref_slice %arg7[%arg0, %dma_start3A_298, %dma_start3A_299] : memref<2x10000x128xf32, #tpu.memory_space<hbm>> -> memref<1x10000x128xf32, #tpu.memory_space<hbm>>
      %dma_start3A_301 = tpu.memref_squeeze %dma_start3A_300 : memref<1x10000x128xf32, #tpu.memory_space<hbm>> -> memref<10000x128xf32, #tpu.memory_space<hbm>>
      %dma_start3A_302 = arith.constant 0 : i32
      %dma_start3A_303 = tpu.memref_slice %dma_start3A_301[%add3A_258, %dma_start3A_302] : memref<10000x128xf32, #tpu.memory_space<hbm>> -> memref<64x128xf32, #tpu.memory_space<hbm>>
      %dma_start3A_304 = arith.constant 0 : i32
      %dma_start3A_305 = arith.constant 0 : i32
      %dma_start3A_306 = tpu.memref_slice %arg7[%arg0, %dma_start3A_304, %dma_start3A_305] : memref<2x10000x128xf32, #tpu.memory_space<hbm>> -> memref<1x10000x128xf32, #tpu.memory_space<hbm>>
      %dma_start3A_307 = tpu.memref_squeeze %dma_start3A_306 : memref<1x10000x128xf32, #tpu.memory_space<hbm>> -> memref<10000x128xf32, #tpu.memory_space<hbm>>
      %dma_start3A_308 = arith.constant 0 : i32
      %dma_start3A_309 = tpu.memref_slice %dma_start3A_307[%add3A_258, %dma_start3A_308] : memref<10000x128xf32, #tpu.memory_space<hbm>> -> memref<64x128xf32, #tpu.memory_space<hbm>>
      %dma_start3A_310 = arith.constant 0 : i32
      %dma_start3A_311 = arith.constant 0 : i32
      %dma_start3A_312 = tpu.memref_slice %arg14[%dma_start3A_310, %dma_start3A_311] : memref<64x128xf32, #tpu.memory_space<vmem>> -> memref<64x128xf32, #tpu.memory_space<vmem>>
      tpu.enqueue_dma source(%dma_start3A_312 : memref<64x128xf32, #tpu.memory_space<vmem>>) target(%dma_start3A_309 : memref<64x128xf32, #tpu.memory_space<hbm>>) target_semaphore(%run_scoped3A : memref<!tpu.dma_semaphore, #tpu.memory_space<semaphore_mem>>)
      %dma_wait3A_313 = arith.constant 0 : i32
      %dma_wait3A_314 = arith.constant 0 : i32
      %dma_wait3A_315 = tpu.memref_slice %arg14[%dma_wait3A_313, %dma_wait3A_314] : memref<64x128xf32, #tpu.memory_space<vmem>> -> memref<64x128xf32, #tpu.memory_space<vmem>>
      %dma_wait3A_316 = arith.constant 0 : i32
      %dma_wait3A_317 = arith.constant 0 : i32
      %dma_wait3A_318 = tpu.memref_slice %arg7[%arg0, %dma_wait3A_316, %dma_wait3A_317] : memref<2x10000x128xf32, #tpu.memory_space<hbm>> -> memref<1x10000x128xf32, #tpu.memory_space<hbm>>
      %dma_wait3A_319 = tpu.memref_squeeze %dma_wait3A_318 : memref<1x10000x128xf32, #tpu.memory_space<hbm>> -> memref<10000x128xf32, #tpu.memory_space<hbm>>
      %dma_wait3A_320 = arith.constant 0 : i32
      %dma_wait3A_321 = tpu.memref_slice %dma_wait3A_319[%add3A_258, %dma_wait3A_320] : memref<10000x128xf32, #tpu.memory_space<hbm>> -> memref<64x128xf32, #tpu.memory_space<hbm>>
      %dma_wait3A_322 = arith.constant 0 : i32
      %dma_wait3A_323 = arith.constant 0 : i32
      %dma_wait3A_324 = tpu.memref_slice %arg7[%arg0, %dma_wait3A_322, %dma_wait3A_323] : memref<2x10000x128xf32, #tpu.memory_space<hbm>> -> memref<1x10000x128xf32, #tpu.memory_space<hbm>>
      %dma_wait3A_325 = tpu.memref_squeeze %dma_wait3A_324 : memref<1x10000x128xf32, #tpu.memory_space<hbm>> -> memref<10000x128xf32, #tpu.memory_space<hbm>>
      %dma_wait3A_326 = arith.constant 0 : i32
      %dma_wait3A_327 = tpu.memref_slice %dma_wait3A_325[%add3A_258, %dma_wait3A_326] : memref<10000x128xf32, #tpu.memory_space<hbm>> -> memref<64x128xf32, #tpu.memory_space<hbm>>
      %dma_wait3A_328 = arith.constant 0 : i32
      %dma_wait3A_329 = arith.constant 0 : i32
      %dma_wait3A_330 = tpu.memref_slice %arg14[%dma_wait3A_328, %dma_wait3A_329] : memref<64x128xf32, #tpu.memory_space<vmem>> -> memref<64x128xf32, #tpu.memory_space<vmem>>
      tpu.wait_dma2 semaphore(%run_scoped3A : memref<!tpu.dma_semaphore, #tpu.memory_space<semaphore_mem>>) src(%dma_wait3A_330 : memref<64x128xf32, #tpu.memory_space<vmem>>) dst(%dma_wait3A_327 : memref<64x128xf32, #tpu.memory_space<hbm>>)
      tpu.yield
    }) : () -> ()
    %add3A_259 = arith.constant 64 : i32
    %add3A_260 = arith.addi %mul3A_254, %add3A_259 : i32
    "tpu.region"() ({
      %run_scoped3A = tpu.sem_alloc : memref<!tpu.dma_semaphore, #tpu.memory_space<semaphore_mem>>
      %dma_start3A_295 = arith.constant 0 : i32
      %dma_start3A_296 = arith.constant 0 : i32
      %dma_start3A_297 = tpu.memref_slice %arg14[%dma_start3A_295, %dma_start3A_296] : memref<64x128xf32, #tpu.memory_space<vmem>> -> memref<64x128xf32, #tpu.memory_space<vmem>>
      %dma_start3A_298 = arith.constant 0 : i32
      %dma_start3A_299 = tpu.memref_slice %arg15[%add3A_260, %dma_start3A_298] : memref<10016x128xf32, #tpu.memory_space<vmem_shared>> -> memref<64x128xf32, #tpu.memory_space<vmem_shared>>
      %dma_start3A_300 = arith.constant 0 : i32
      %dma_start3A_301 = arith.constant 0 : i32
      %dma_start3A_302 = tpu.memref_slice %arg14[%dma_start3A_300, %dma_start3A_301] : memref<64x128xf32, #tpu.memory_space<vmem>> -> memref<64x128xf32, #tpu.memory_space<vmem>>
      %dma_start3A_303 = arith.constant 0 : i32
      %dma_start3A_304 = tpu.memref_slice %arg15[%add3A_260, %dma_start3A_303] : memref<10016x128xf32, #tpu.memory_space<vmem_shared>> -> memref<64x128xf32, #tpu.memory_space<vmem_shared>>
      tpu.enqueue_dma source(%dma_start3A_304 : memref<64x128xf32, #tpu.memory_space<vmem_shared>>) target(%dma_start3A_302 : memref<64x128xf32, #tpu.memory_space<vmem>>) target_semaphore(%run_scoped3A : memref<!tpu.dma_semaphore, #tpu.memory_space<semaphore_mem>>)
      %dma_wait3A_305 = arith.constant 0 : i32
      %dma_wait3A_306 = arith.constant 0 : i32
      %dma_wait3A_307 = tpu.memref_slice %arg14[%dma_wait3A_305, %dma_wait3A_306] : memref<64x128xf32, #tpu.memory_space<vmem>> -> memref<64x128xf32, #tpu.memory_space<vmem>>
      %dma_wait3A_308 = arith.constant 0 : i32
      %dma_wait3A_309 = tpu.memref_slice %arg15[%add3A_260, %dma_wait3A_308] : memref<10016x128xf32, #tpu.memory_space<vmem_shared>> -> memref<64x128xf32, #tpu.memory_space<vmem_shared>>
      %dma_wait3A_310 = arith.constant 0 : i32
      %dma_wait3A_311 = arith.constant 0 : i32
      %dma_wait3A_312 = tpu.memref_slice %arg14[%dma_wait3A_310, %dma_wait3A_311] : memref<64x128xf32, #tpu.memory_space<vmem>> -> memref<64x128xf32, #tpu.memory_space<vmem>>
      %dma_wait3A_313 = arith.constant 0 : i32
      %dma_wait3A_314 = tpu.memref_slice %arg15[%add3A_260, %dma_wait3A_313] : memref<10016x128xf32, #tpu.memory_space<vmem_shared>> -> memref<64x128xf32, #tpu.memory_space<vmem_shared>>
      tpu.wait_dma2 semaphore(%run_scoped3A : memref<!tpu.dma_semaphore, #tpu.memory_space<semaphore_mem>>) src(%dma_wait3A_314 : memref<64x128xf32, #tpu.memory_space<vmem_shared>>) dst(%dma_wait3A_312 : memref<64x128xf32, #tpu.memory_space<vmem>>)
      tpu.yield
    }) : () -> ()
    %add3A_261 = arith.constant 64 : i32
    %add3A_262 = arith.addi %mul3A_254, %add3A_261 : i32
    "tpu.region"() ({
      %run_scoped3A = tpu.sem_alloc : memref<!tpu.dma_semaphore, #tpu.memory_space<semaphore_mem>>
      %dma_start3A_295 = arith.constant 0 : i32
      %dma_start3A_296 = arith.constant 0 : i32
      %dma_start3A_297 = tpu.memref_slice %arg14[%dma_start3A_295, %dma_start3A_296] : memref<64x128xf32, #tpu.memory_space<vmem>> -> memref<64x128xf32, #tpu.memory_space<vmem>>
      %dma_start3A_298 = arith.constant 0 : i32
      %dma_start3A_299 = arith.constant 0 : i32
      %dma_start3A_300 = tpu.memref_slice %arg7[%arg0, %dma_start3A_298, %dma_start3A_299] : memref<2x10000x128xf32, #tpu.memory_space<hbm>> -> memref<1x10000x128xf32, #tpu.memory_space<hbm>>
      %dma_start3A_301 = tpu.memref_squeeze %dma_start3A_300 : memref<1x10000x128xf32, #tpu.memory_space<hbm>> -> memref<10000x128xf32, #tpu.memory_space<hbm>>
      %dma_start3A_302 = arith.constant 0 : i32
      %dma_start3A_303 = tpu.memref_slice %dma_start3A_301[%add3A_262, %dma_start3A_302] : memref<10000x128xf32, #tpu.memory_space<hbm>> -> memref<64x128xf32, #tpu.memory_space<hbm>>
      %dma_start3A_304 = arith.constant 0 : i32
      %dma_start3A_305 = arith.constant 0 : i32
      %dma_start3A_306 = tpu.memref_slice %arg7[%arg0, %dma_start3A_304, %dma_start3A_305] : memref<2x10000x128xf32, #tpu.memory_space<hbm>> -> memref<1x10000x128xf32, #tpu.memory_space<hbm>>
      %dma_start3A_307 = tpu.memref_squeeze %dma_start3A_306 : memref<1x10000x128xf32, #tpu.memory_space<hbm>> -> memref<10000x128xf32, #tpu.memory_space<hbm>>
      %dma_start3A_308 = arith.constant 0 : i32
      %dma_start3A_309 = tpu.memref_slice %dma_start3A_307[%add3A_262, %dma_start3A_308] : memref<10000x128xf32, #tpu.memory_space<hbm>> -> memref<64x128xf32, #tpu.memory_space<hbm>>
      %dma_start3A_310 = arith.constant 0 : i32
      %dma_start3A_311 = arith.constant 0 : i32
      %dma_start3A_312 = tpu.memref_slice %arg14[%dma_start3A_310, %dma_start3A_311] : memref<64x128xf32, #tpu.memory_space<vmem>> -> memref<64x128xf32, #tpu.memory_space<vmem>>
      tpu.enqueue_dma source(%dma_start3A_312 : memref<64x128xf32, #tpu.memory_space<vmem>>) target(%dma_start3A_309 : memref<64x128xf32, #tpu.memory_space<hbm>>) target_semaphore(%run_scoped3A : memref<!tpu.dma_semaphore, #tpu.memory_space<semaphore_mem>>)
      %dma_wait3A_313 = arith.constant 0 : i32
      %dma_wait3A_314 = arith.constant 0 : i32
      %dma_wait3A_315 = tpu.memref_slice %arg14[%dma_wait3A_313, %dma_wait3A_314] : memref<64x128xf32, #tpu.memory_space<vmem>> -> memref<64x128xf32, #tpu.memory_space<vmem>>
      %dma_wait3A_316 = arith.constant 0 : i32
      %dma_wait3A_317 = arith.constant 0 : i32
      %dma_wait3A_318 = tpu.memref_slice %arg7[%arg0, %dma_wait3A_316, %dma_wait3A_317] : memref<2x10000x128xf32, #tpu.memory_space<hbm>> -> memref<1x10000x128xf32, #tpu.memory_space<hbm>>
      %dma_wait3A_319 = tpu.memref_squeeze %dma_wait3A_318 : memref<1x10000x128xf32, #tpu.memory_space<hbm>> -> memref<10000x128xf32, #tpu.memory_space<hbm>>
      %dma_wait3A_320 = arith.constant 0 : i32
      %dma_wait3A_321 = tpu.memref_slice %dma_wait3A_319[%add3A_262, %dma_wait3A_320] : memref<10000x128xf32, #tpu.memory_space<hbm>> -> memref<64x128xf32, #tpu.memory_space<hbm>>
      %dma_wait3A_322 = arith.constant 0 : i32
      %dma_wait3A_323 = arith.constant 0 : i32
      %dma_wait3A_324 = tpu.memref_slice %arg7[%arg0, %dma_wait3A_322, %dma_wait3A_323] : memref<2x10000x128xf32, #tpu.memory_space<hbm>> -> memref<1x10000x128xf32, #tpu.memory_space<hbm>>
      %dma_wait3A_325 = tpu.memref_squeeze %dma_wait3A_324 : memref<1x10000x128xf32, #tpu.memory_space<hbm>> -> memref<10000x128xf32, #tpu.memory_space<hbm>>
      %dma_wait3A_326 = arith.constant 0 : i32
      %dma_wait3A_327 = tpu.memref_slice %dma_wait3A_325[%add3A_262, %dma_wait3A_326] : memref<10000x128xf32, #tpu.memory_space<hbm>> -> memref<64x128xf32, #tpu.memory_space<hbm>>
      %dma_wait3A_328 = arith.constant 0 : i32
      %dma_wait3A_329 = arith.constant 0 : i32
      %dma_wait3A_330 = tpu.memref_slice %arg14[%dma_wait3A_328, %dma_wait3A_329] : memref<64x128xf32, #tpu.memory_space<vmem>> -> memref<64x128xf32, #tpu.memory_space<vmem>>
      tpu.wait_dma2 semaphore(%run_scoped3A : memref<!tpu.dma_semaphore, #tpu.memory_space<semaphore_mem>>) src(%dma_wait3A_330 : memref<64x128xf32, #tpu.memory_space<vmem>>) dst(%dma_wait3A_327 : memref<64x128xf32, #tpu.memory_space<hbm>>)
      tpu.yield
    }) : () -> ()
    %add3A_263 = arith.constant 128 : i32
    %add3A_264 = arith.addi %mul3A_254, %add3A_263 : i32
    "tpu.region"() ({
      %run_scoped3A = tpu.sem_alloc : memref<!tpu.dma_semaphore, #tpu.memory_space<semaphore_mem>>
      %dma_start3A_295 = arith.constant 0 : i32
      %dma_start3A_296 = arith.constant 0 : i32
      %dma_start3A_297 = tpu.memref_slice %arg14[%dma_start3A_295, %dma_start3A_296] : memref<64x128xf32, #tpu.memory_space<vmem>> -> memref<64x128xf32, #tpu.memory_space<vmem>>
      %dma_start3A_298 = arith.constant 0 : i32
      %dma_start3A_299 = tpu.memref_slice %arg15[%add3A_264, %dma_start3A_298] : memref<10016x128xf32, #tpu.memory_space<vmem_shared>> -> memref<64x128xf32, #tpu.memory_space<vmem_shared>>
      %dma_start3A_300 = arith.constant 0 : i32
      %dma_start3A_301 = arith.constant 0 : i32
      %dma_start3A_302 = tpu.memref_slice %arg14[%dma_start3A_300, %dma_start3A_301] : memref<64x128xf32, #tpu.memory_space<vmem>> -> memref<64x128xf32, #tpu.memory_space<vmem>>
      %dma_start3A_303 = arith.constant 0 : i32
      %dma_start3A_304 = tpu.memref_slice %arg15[%add3A_264, %dma_start3A_303] : memref<10016x128xf32, #tpu.memory_space<vmem_shared>> -> memref<64x128xf32, #tpu.memory_space<vmem_shared>>
      tpu.enqueue_dma source(%dma_start3A_304 : memref<64x128xf32, #tpu.memory_space<vmem_shared>>) target(%dma_start3A_302 : memref<64x128xf32, #tpu.memory_space<vmem>>) target_semaphore(%run_scoped3A : memref<!tpu.dma_semaphore, #tpu.memory_space<semaphore_mem>>)
      %dma_wait3A_305 = arith.constant 0 : i32
      %dma_wait3A_306 = arith.constant 0 : i32
      %dma_wait3A_307 = tpu.memref_slice %arg14[%dma_wait3A_305, %dma_wait3A_306] : memref<64x128xf32, #tpu.memory_space<vmem>> -> memref<64x128xf32, #tpu.memory_space<vmem>>
      %dma_wait3A_308 = arith.constant 0 : i32
      %dma_wait3A_309 = tpu.memref_slice %arg15[%add3A_264, %dma_wait3A_308] : memref<10016x128xf32, #tpu.memory_space<vmem_shared>> -> memref<64x128xf32, #tpu.memory_space<vmem_shared>>
      %dma_wait3A_310 = arith.constant 0 : i32
      %dma_wait3A_311 = arith.constant 0 : i32
      %dma_wait3A_312 = tpu.memref_slice %arg14[%dma_wait3A_310, %dma_wait3A_311] : memref<64x128xf32, #tpu.memory_space<vmem>> -> memref<64x128xf32, #tpu.memory_space<vmem>>
      %dma_wait3A_313 = arith.constant 0 : i32
      %dma_wait3A_314 = tpu.memref_slice %arg15[%add3A_264, %dma_wait3A_313] : memref<10016x128xf32, #tpu.memory_space<vmem_shared>> -> memref<64x128xf32, #tpu.memory_space<vmem_shared>>
      tpu.wait_dma2 semaphore(%run_scoped3A : memref<!tpu.dma_semaphore, #tpu.memory_space<semaphore_mem>>) src(%dma_wait3A_314 : memref<64x128xf32, #tpu.memory_space<vmem_shared>>) dst(%dma_wait3A_312 : memref<64x128xf32, #tpu.memory_space<vmem>>)
      tpu.yield
    }) : () -> ()
    %add3A_265 = arith.constant 128 : i32
    %add3A_266 = arith.addi %mul3A_254, %add3A_265 : i32
    "tpu.region"() ({
      %run_scoped3A = tpu.sem_alloc : memref<!tpu.dma_semaphore, #tpu.memory_space<semaphore_mem>>
      %dma_start3A_295 = arith.constant 0 : i32
      %dma_start3A_296 = arith.constant 0 : i32
      %dma_start3A_297 = tpu.memref_slice %arg14[%dma_start3A_295, %dma_start3A_296] : memref<64x128xf32, #tpu.memory_space<vmem>> -> memref<64x128xf32, #tpu.memory_space<vmem>>
      %dma_start3A_298 = arith.constant 0 : i32
      %dma_start3A_299 = arith.constant 0 : i32
      %dma_start3A_300 = tpu.memref_slice %arg7[%arg0, %dma_start3A_298, %dma_start3A_299] : memref<2x10000x128xf32, #tpu.memory_space<hbm>> -> memref<1x10000x128xf32, #tpu.memory_space<hbm>>
      %dma_start3A_301 = tpu.memref_squeeze %dma_start3A_300 : memref<1x10000x128xf32, #tpu.memory_space<hbm>> -> memref<10000x128xf32, #tpu.memory_space<hbm>>
      %dma_start3A_302 = arith.constant 0 : i32
      %dma_start3A_303 = tpu.memref_slice %dma_start3A_301[%add3A_266, %dma_start3A_302] : memref<10000x128xf32, #tpu.memory_space<hbm>> -> memref<64x128xf32, #tpu.memory_space<hbm>>
      %dma_start3A_304 = arith.constant 0 : i32
      %dma_start3A_305 = arith.constant 0 : i32
      %dma_start3A_306 = tpu.memref_slice %arg7[%arg0, %dma_start3A_304, %dma_start3A_305] : memref<2x10000x128xf32, #tpu.memory_space<hbm>> -> memref<1x10000x128xf32, #tpu.memory_space<hbm>>
      %dma_start3A_307 = tpu.memref_squeeze %dma_start3A_306 : memref<1x10000x128xf32, #tpu.memory_space<hbm>> -> memref<10000x128xf32, #tpu.memory_space<hbm>>
      %dma_start3A_308 = arith.constant 0 : i32
      %dma_start3A_309 = tpu.memref_slice %dma_start3A_307[%add3A_266, %dma_start3A_308] : memref<10000x128xf32, #tpu.memory_space<hbm>> -> memref<64x128xf32, #tpu.memory_space<hbm>>
      %dma_start3A_310 = arith.constant 0 : i32
      %dma_start3A_311 = arith.constant 0 : i32
      %dma_start3A_312 = tpu.memref_slice %arg14[%dma_start3A_310, %dma_start3A_311] : memref<64x128xf32, #tpu.memory_space<vmem>> -> memref<64x128xf32, #tpu.memory_space<vmem>>
      tpu.enqueue_dma source(%dma_start3A_312 : memref<64x128xf32, #tpu.memory_space<vmem>>) target(%dma_start3A_309 : memref<64x128xf32, #tpu.memory_space<hbm>>) target_semaphore(%run_scoped3A : memref<!tpu.dma_semaphore, #tpu.memory_space<semaphore_mem>>)
      %dma_wait3A_313 = arith.constant 0 : i32
      %dma_wait3A_314 = arith.constant 0 : i32
      %dma_wait3A_315 = tpu.memref_slice %arg14[%dma_wait3A_313, %dma_wait3A_314] : memref<64x128xf32, #tpu.memory_space<vmem>> -> memref<64x128xf32, #tpu.memory_space<vmem>>
      %dma_wait3A_316 = arith.constant 0 : i32
      %dma_wait3A_317 = arith.constant 0 : i32
      %dma_wait3A_318 = tpu.memref_slice %arg7[%arg0, %dma_wait3A_316, %dma_wait3A_317] : memref<2x10000x128xf32, #tpu.memory_space<hbm>> -> memref<1x10000x128xf32, #tpu.memory_space<hbm>>
      %dma_wait3A_319 = tpu.memref_squeeze %dma_wait3A_318 : memref<1x10000x128xf32, #tpu.memory_space<hbm>> -> memref<10000x128xf32, #tpu.memory_space<hbm>>
      %dma_wait3A_320 = arith.constant 0 : i32
      %dma_wait3A_321 = tpu.memref_slice %dma_wait3A_319[%add3A_266, %dma_wait3A_320] : memref<10000x128xf32, #tpu.memory_space<hbm>> -> memref<64x128xf32, #tpu.memory_space<hbm>>
      %dma_wait3A_322 = arith.constant 0 : i32
      %dma_wait3A_323 = arith.constant 0 : i32
      %dma_wait3A_324 = tpu.memref_slice %arg7[%arg0, %dma_wait3A_322, %dma_wait3A_323] : memref<2x10000x128xf32, #tpu.memory_space<hbm>> -> memref<1x10000x128xf32, #tpu.memory_space<hbm>>
      %dma_wait3A_325 = tpu.memref_squeeze %dma_wait3A_324 : memref<1x10000x128xf32, #tpu.memory_space<hbm>> -> memref<10000x128xf32, #tpu.memory_space<hbm>>
      %dma_wait3A_326 = arith.constant 0 : i32
      %dma_wait3A_327 = tpu.memref_slice %dma_wait3A_325[%add3A_266, %dma_wait3A_326] : memref<10000x128xf32, #tpu.memory_space<hbm>> -> memref<64x128xf32, #tpu.memory_space<hbm>>
      %dma_wait3A_328 = arith.constant 0 : i32
      %dma_wait3A_329 = arith.constant 0 : i32
      %dma_wait3A_330 = tpu.memref_slice %arg14[%dma_wait3A_328, %dma_wait3A_329] : memref<64x128xf32, #tpu.memory_space<vmem>> -> memref<64x128xf32, #tpu.memory_space<vmem>>
      tpu.wait_dma2 semaphore(%run_scoped3A : memref<!tpu.dma_semaphore, #tpu.memory_space<semaphore_mem>>) src(%dma_wait3A_330 : memref<64x128xf32, #tpu.memory_space<vmem>>) dst(%dma_wait3A_327 : memref<64x128xf32, #tpu.memory_space<hbm>>)
      tpu.yield
    }) : () -> ()
    %add3A_267 = arith.constant 192 : i32
    %add3A_268 = arith.addi %mul3A_254, %add3A_267 : i32
    "tpu.region"() ({
      %run_scoped3A = tpu.sem_alloc : memref<!tpu.dma_semaphore, #tpu.memory_space<semaphore_mem>>
      %dma_start3A_295 = arith.constant 0 : i32
      %dma_start3A_296 = arith.constant 0 : i32
      %dma_start3A_297 = tpu.memref_slice %arg14[%dma_start3A_295, %dma_start3A_296] : memref<64x128xf32, #tpu.memory_space<vmem>> -> memref<64x128xf32, #tpu.memory_space<vmem>>
      %dma_start3A_298 = arith.constant 0 : i32
      %dma_start3A_299 = tpu.memref_slice %arg15[%add3A_268, %dma_start3A_298] : memref<10016x128xf32, #tpu.memory_space<vmem_shared>> -> memref<64x128xf32, #tpu.memory_space<vmem_shared>>
      %dma_start3A_300 = arith.constant 0 : i32
      %dma_start3A_301 = arith.constant 0 : i32
      %dma_start3A_302 = tpu.memref_slice %arg14[%dma_start3A_300, %dma_start3A_301] : memref<64x128xf32, #tpu.memory_space<vmem>> -> memref<64x128xf32, #tpu.memory_space<vmem>>
      %dma_start3A_303 = arith.constant 0 : i32
      %dma_start3A_304 = tpu.memref_slice %arg15[%add3A_268, %dma_start3A_303] : memref<10016x128xf32, #tpu.memory_space<vmem_shared>> -> memref<64x128xf32, #tpu.memory_space<vmem_shared>>
      tpu.enqueue_dma source(%dma_start3A_304 : memref<64x128xf32, #tpu.memory_space<vmem_shared>>) target(%dma_start3A_302 : memref<64x128xf32, #tpu.memory_space<vmem>>) target_semaphore(%run_scoped3A : memref<!tpu.dma_semaphore, #tpu.memory_space<semaphore_mem>>)
      %dma_wait3A_305 = arith.constant 0 : i32
      %dma_wait3A_306 = arith.constant 0 : i32
      %dma_wait3A_307 = tpu.memref_slice %arg14[%dma_wait3A_305, %dma_wait3A_306] : memref<64x128xf32, #tpu.memory_space<vmem>> -> memref<64x128xf32, #tpu.memory_space<vmem>>
      %dma_wait3A_308 = arith.constant 0 : i32
      %dma_wait3A_309 = tpu.memref_slice %arg15[%add3A_268, %dma_wait3A_308] : memref<10016x128xf32, #tpu.memory_space<vmem_shared>> -> memref<64x128xf32, #tpu.memory_space<vmem_shared>>
      %dma_wait3A_310 = arith.constant 0 : i32
      %dma_wait3A_311 = arith.constant 0 : i32
      %dma_wait3A_312 = tpu.memref_slice %arg14[%dma_wait3A_310, %dma_wait3A_311] : memref<64x128xf32, #tpu.memory_space<vmem>> -> memref<64x128xf32, #tpu.memory_space<vmem>>
      %dma_wait3A_313 = arith.constant 0 : i32
      %dma_wait3A_314 = tpu.memref_slice %arg15[%add3A_268, %dma_wait3A_313] : memref<10016x128xf32, #tpu.memory_space<vmem_shared>> -> memref<64x128xf32, #tpu.memory_space<vmem_shared>>
      tpu.wait_dma2 semaphore(%run_scoped3A : memref<!tpu.dma_semaphore, #tpu.memory_space<semaphore_mem>>) src(%dma_wait3A_314 : memref<64x128xf32, #tpu.memory_space<vmem_shared>>) dst(%dma_wait3A_312 : memref<64x128xf32, #tpu.memory_space<vmem>>)
      tpu.yield
    }) : () -> ()
    %add3A_269 = arith.constant 192 : i32
    %add3A_270 = arith.addi %mul3A_254, %add3A_269 : i32
    "tpu.region"() ({
      %run_scoped3A = tpu.sem_alloc : memref<!tpu.dma_semaphore, #tpu.memory_space<semaphore_mem>>
      %dma_start3A_295 = arith.constant 0 : i32
      %dma_start3A_296 = arith.constant 0 : i32
      %dma_start3A_297 = tpu.memref_slice %arg14[%dma_start3A_295, %dma_start3A_296] : memref<64x128xf32, #tpu.memory_space<vmem>> -> memref<64x128xf32, #tpu.memory_space<vmem>>
      %dma_start3A_298 = arith.constant 0 : i32
      %dma_start3A_299 = arith.constant 0 : i32
      %dma_start3A_300 = tpu.memref_slice %arg7[%arg0, %dma_start3A_298, %dma_start3A_299] : memref<2x10000x128xf32, #tpu.memory_space<hbm>> -> memref<1x10000x128xf32, #tpu.memory_space<hbm>>
      %dma_start3A_301 = tpu.memref_squeeze %dma_start3A_300 : memref<1x10000x128xf32, #tpu.memory_space<hbm>> -> memref<10000x128xf32, #tpu.memory_space<hbm>>
      %dma_start3A_302 = arith.constant 0 : i32
      %dma_start3A_303 = tpu.memref_slice %dma_start3A_301[%add3A_270, %dma_start3A_302] : memref<10000x128xf32, #tpu.memory_space<hbm>> -> memref<64x128xf32, #tpu.memory_space<hbm>>
      %dma_start3A_304 = arith.constant 0 : i32
      %dma_start3A_305 = arith.constant 0 : i32
      %dma_start3A_306 = tpu.memref_slice %arg7[%arg0, %dma_start3A_304, %dma_start3A_305] : memref<2x10000x128xf32, #tpu.memory_space<hbm>> -> memref<1x10000x128xf32, #tpu.memory_space<hbm>>
      %dma_start3A_307 = tpu.memref_squeeze %dma_start3A_306 : memref<1x10000x128xf32, #tpu.memory_space<hbm>> -> memref<10000x128xf32, #tpu.memory_space<hbm>>
      %dma_start3A_308 = arith.constant 0 : i32
      %dma_start3A_309 = tpu.memref_slice %dma_start3A_307[%add3A_270, %dma_start3A_308] : memref<10000x128xf32, #tpu.memory_space<hbm>> -> memref<64x128xf32, #tpu.memory_space<hbm>>
      %dma_start3A_310 = arith.constant 0 : i32
      %dma_start3A_311 = arith.constant 0 : i32
      %dma_start3A_312 = tpu.memref_slice %arg14[%dma_start3A_310, %dma_start3A_311] : memref<64x128xf32, #tpu.memory_space<vmem>> -> memref<64x128xf32, #tpu.memory_space<vmem>>
      tpu.enqueue_dma source(%dma_start3A_312 : memref<64x128xf32, #tpu.memory_space<vmem>>) target(%dma_start3A_309 : memref<64x128xf32, #tpu.memory_space<hbm>>) target_semaphore(%run_scoped3A : memref<!tpu.dma_semaphore, #tpu.memory_space<semaphore_mem>>)
      %dma_wait3A_313 = arith.constant 0 : i32
      %dma_wait3A_314 = arith.constant 0 : i32
      %dma_wait3A_315 = tpu.memref_slice %arg14[%dma_wait3A_313, %dma_wait3A_314] : memref<64x128xf32, #tpu.memory_space<vmem>> -> memref<64x128xf32, #tpu.memory_space<vmem>>
      %dma_wait3A_316 = arith.constant 0 : i32
      %dma_wait3A_317 = arith.constant 0 : i32
      %dma_wait3A_318 = tpu.memref_slice %arg7[%arg0, %dma_wait3A_316, %dma_wait3A_317] : memref<2x10000x128xf32, #tpu.memory_space<hbm>> -> memref<1x10000x128xf32, #tpu.memory_space<hbm>>
      %dma_wait3A_319 = tpu.memref_squeeze %dma_wait3A_318 : memref<1x10000x128xf32, #tpu.memory_space<hbm>> -> memref<10000x128xf32, #tpu.memory_space<hbm>>
      %dma_wait3A_320 = arith.constant 0 : i32
      %dma_wait3A_321 = tpu.memref_slice %dma_wait3A_319[%add3A_270, %dma_wait3A_320] : memref<10000x128xf32, #tpu.memory_space<hbm>> -> memref<64x128xf32, #tpu.memory_space<hbm>>
      %dma_wait3A_322 = arith.constant 0 : i32
      %dma_wait3A_323 = arith.constant 0 : i32
      %dma_wait3A_324 = tpu.memref_slice %arg7[%arg0, %dma_wait3A_322, %dma_wait3A_323] : memref<2x10000x128xf32, #tpu.memory_space<hbm>> -> memref<1x10000x128xf32, #tpu.memory_space<hbm>>
      %dma_wait3A_325 = tpu.memref_squeeze %dma_wait3A_324 : memref<1x10000x128xf32, #tpu.memory_space<hbm>> -> memref<10000x128xf32, #tpu.memory_space<hbm>>
      %dma_wait3A_326 = arith.constant 0 : i32
      %dma_wait3A_327 = tpu.memref_slice %dma_wait3A_325[%add3A_270, %dma_wait3A_326] : memref<10000x128xf32, #tpu.memory_space<hbm>> -> memref<64x128xf32, #tpu.memory_space<hbm>>
      %dma_wait3A_328 = arith.constant 0 : i32
      %dma_wait3A_329 = arith.constant 0 : i32
      %dma_wait3A_330 = tpu.memref_slice %arg14[%dma_wait3A_328, %dma_wait3A_329] : memref<64x128xf32, #tpu.memory_space<vmem>> -> memref<64x128xf32, #tpu.memory_space<vmem>>
      tpu.wait_dma2 semaphore(%run_scoped3A : memref<!tpu.dma_semaphore, #tpu.memory_space<semaphore_mem>>) src(%dma_wait3A_330 : memref<64x128xf32, #tpu.memory_space<vmem>>) dst(%dma_wait3A_327 : memref<64x128xf32, #tpu.memory_space<hbm>>)
      tpu.yield
    }) : () -> ()
    %add3A_271 = arith.constant 256 : i32
    %add3A_272 = arith.addi %mul3A_254, %add3A_271 : i32
    "tpu.region"() ({
      %run_scoped3A = tpu.sem_alloc : memref<!tpu.dma_semaphore, #tpu.memory_space<semaphore_mem>>
      %dma_start3A_295 = arith.constant 0 : i32
      %dma_start3A_296 = arith.constant 0 : i32
      %dma_start3A_297 = tpu.memref_slice %arg14[%dma_start3A_295, %dma_start3A_296] : memref<64x128xf32, #tpu.memory_space<vmem>> -> memref<64x128xf32, #tpu.memory_space<vmem>>
      %dma_start3A_298 = arith.constant 0 : i32
      %dma_start3A_299 = tpu.memref_slice %arg15[%add3A_272, %dma_start3A_298] : memref<10016x128xf32, #tpu.memory_space<vmem_shared>> -> memref<64x128xf32, #tpu.memory_space<vmem_shared>>
      %dma_start3A_300 = arith.constant 0 : i32
      %dma_start3A_301 = arith.constant 0 : i32
      %dma_start3A_302 = tpu.memref_slice %arg14[%dma_start3A_300, %dma_start3A_301] : memref<64x128xf32, #tpu.memory_space<vmem>> -> memref<64x128xf32, #tpu.memory_space<vmem>>
      %dma_start3A_303 = arith.constant 0 : i32
      %dma_start3A_304 = tpu.memref_slice %arg15[%add3A_272, %dma_start3A_303] : memref<10016x128xf32, #tpu.memory_space<vmem_shared>> -> memref<64x128xf32, #tpu.memory_space<vmem_shared>>
      tpu.enqueue_dma source(%dma_start3A_304 : memref<64x128xf32, #tpu.memory_space<vmem_shared>>) target(%dma_start3A_302 : memref<64x128xf32, #tpu.memory_space<vmem>>) target_semaphore(%run_scoped3A : memref<!tpu.dma_semaphore, #tpu.memory_space<semaphore_mem>>)
      %dma_wait3A_305 = arith.constant 0 : i32
      %dma_wait3A_306 = arith.constant 0 : i32
      %dma_wait3A_307 = tpu.memref_slice %arg14[%dma_wait3A_305, %dma_wait3A_306] : memref<64x128xf32, #tpu.memory_space<vmem>> -> memref<64x128xf32, #tpu.memory_space<vmem>>
      %dma_wait3A_308 = arith.constant 0 : i32
      %dma_wait3A_309 = tpu.memref_slice %arg15[%add3A_272, %dma_wait3A_308] : memref<10016x128xf32, #tpu.memory_space<vmem_shared>> -> memref<64x128xf32, #tpu.memory_space<vmem_shared>>
      %dma_wait3A_310 = arith.constant 0 : i32
      %dma_wait3A_311 = arith.constant 0 : i32
      %dma_wait3A_312 = tpu.memref_slice %arg14[%dma_wait3A_310, %dma_wait3A_311] : memref<64x128xf32, #tpu.memory_space<vmem>> -> memref<64x128xf32, #tpu.memory_space<vmem>>
      %dma_wait3A_313 = arith.constant 0 : i32
      %dma_wait3A_314 = tpu.memref_slice %arg15[%add3A_272, %dma_wait3A_313] : memref<10016x128xf32, #tpu.memory_space<vmem_shared>> -> memref<64x128xf32, #tpu.memory_space<vmem_shared>>
      tpu.wait_dma2 semaphore(%run_scoped3A : memref<!tpu.dma_semaphore, #tpu.memory_space<semaphore_mem>>) src(%dma_wait3A_314 : memref<64x128xf32, #tpu.memory_space<vmem_shared>>) dst(%dma_wait3A_312 : memref<64x128xf32, #tpu.memory_space<vmem>>)
      tpu.yield
    }) : () -> ()
    %add3A_273 = arith.constant 256 : i32
    %add3A_274 = arith.addi %mul3A_254, %add3A_273 : i32
    "tpu.region"() ({
      %run_scoped3A = tpu.sem_alloc : memref<!tpu.dma_semaphore, #tpu.memory_space<semaphore_mem>>
      %dma_start3A_295 = arith.constant 0 : i32
      %dma_start3A_296 = arith.constant 0 : i32
      %dma_start3A_297 = tpu.memref_slice %arg14[%dma_start3A_295, %dma_start3A_296] : memref<64x128xf32, #tpu.memory_space<vmem>> -> memref<64x128xf32, #tpu.memory_space<vmem>>
      %dma_start3A_298 = arith.constant 0 : i32
      %dma_start3A_299 = arith.constant 0 : i32
      %dma_start3A_300 = tpu.memref_slice %arg7[%arg0, %dma_start3A_298, %dma_start3A_299] : memref<2x10000x128xf32, #tpu.memory_space<hbm>> -> memref<1x10000x128xf32, #tpu.memory_space<hbm>>
      %dma_start3A_301 = tpu.memref_squeeze %dma_start3A_300 : memref<1x10000x128xf32, #tpu.memory_space<hbm>> -> memref<10000x128xf32, #tpu.memory_space<hbm>>
      %dma_start3A_302 = arith.constant 0 : i32
      %dma_start3A_303 = tpu.memref_slice %dma_start3A_301[%add3A_274, %dma_start3A_302] : memref<10000x128xf32, #tpu.memory_space<hbm>> -> memref<64x128xf32, #tpu.memory_space<hbm>>
      %dma_start3A_304 = arith.constant 0 : i32
      %dma_start3A_305 = arith.constant 0 : i32
      %dma_start3A_306 = tpu.memref_slice %arg7[%arg0, %dma_start3A_304, %dma_start3A_305] : memref<2x10000x128xf32, #tpu.memory_space<hbm>> -> memref<1x10000x128xf32, #tpu.memory_space<hbm>>
      %dma_start3A_307 = tpu.memref_squeeze %dma_start3A_306 : memref<1x10000x128xf32, #tpu.memory_space<hbm>> -> memref<10000x128xf32, #tpu.memory_space<hbm>>
      %dma_start3A_308 = arith.constant 0 : i32
      %dma_start3A_309 = tpu.memref_slice %dma_start3A_307[%add3A_274, %dma_start3A_308] : memref<10000x128xf32, #tpu.memory_space<hbm>> -> memref<64x128xf32, #tpu.memory_space<hbm>>
      %dma_start3A_310 = arith.constant 0 : i32
      %dma_start3A_311 = arith.constant 0 : i32
      %dma_start3A_312 = tpu.memref_slice %arg14[%dma_start3A_310, %dma_start3A_311] : memref<64x128xf32, #tpu.memory_space<vmem>> -> memref<64x128xf32, #tpu.memory_space<vmem>>
      tpu.enqueue_dma source(%dma_start3A_312 : memref<64x128xf32, #tpu.memory_space<vmem>>) target(%dma_start3A_309 : memref<64x128xf32, #tpu.memory_space<hbm>>) target_semaphore(%run_scoped3A : memref<!tpu.dma_semaphore, #tpu.memory_space<semaphore_mem>>)
      %dma_wait3A_313 = arith.constant 0 : i32
      %dma_wait3A_314 = arith.constant 0 : i32
      %dma_wait3A_315 = tpu.memref_slice %arg14[%dma_wait3A_313, %dma_wait3A_314] : memref<64x128xf32, #tpu.memory_space<vmem>> -> memref<64x128xf32, #tpu.memory_space<vmem>>
      %dma_wait3A_316 = arith.constant 0 : i32
      %dma_wait3A_317 = arith.constant 0 : i32
      %dma_wait3A_318 = tpu.memref_slice %arg7[%arg0, %dma_wait3A_316, %dma_wait3A_317] : memref<2x10000x128xf32, #tpu.memory_space<hbm>> -> memref<1x10000x128xf32, #tpu.memory_space<hbm>>
      %dma_wait3A_319 = tpu.memref_squeeze %dma_wait3A_318 : memref<1x10000x128xf32, #tpu.memory_space<hbm>> -> memref<10000x128xf32, #tpu.memory_space<hbm>>
      %dma_wait3A_320 = arith.constant 0 : i32
      %dma_wait3A_321 = tpu.memref_slice %dma_wait3A_319[%add3A_274, %dma_wait3A_320] : memref<10000x128xf32, #tpu.memory_space<hbm>> -> memref<64x128xf32, #tpu.memory_space<hbm>>
      %dma_wait3A_322 = arith.constant 0 : i32
      %dma_wait3A_323 = arith.constant 0 : i32
      %dma_wait3A_324 = tpu.memref_slice %arg7[%arg0, %dma_wait3A_322, %dma_wait3A_323] : memref<2x10000x128xf32, #tpu.memory_space<hbm>> -> memref<1x10000x128xf32, #tpu.memory_space<hbm>>
      %dma_wait3A_325 = tpu.memref_squeeze %dma_wait3A_324 : memref<1x10000x128xf32, #tpu.memory_space<hbm>> -> memref<10000x128xf32, #tpu.memory_space<hbm>>
      %dma_wait3A_326 = arith.constant 0 : i32
      %dma_wait3A_327 = tpu.memref_slice %dma_wait3A_325[%add3A_274, %dma_wait3A_326] : memref<10000x128xf32, #tpu.memory_space<hbm>> -> memref<64x128xf32, #tpu.memory_space<hbm>>
      %dma_wait3A_328 = arith.constant 0 : i32
      %dma_wait3A_329 = arith.constant 0 : i32
      %dma_wait3A_330 = tpu.memref_slice %arg14[%dma_wait3A_328, %dma_wait3A_329] : memref<64x128xf32, #tpu.memory_space<vmem>> -> memref<64x128xf32, #tpu.memory_space<vmem>>
      tpu.wait_dma2 semaphore(%run_scoped3A : memref<!tpu.dma_semaphore, #tpu.memory_space<semaphore_mem>>) src(%dma_wait3A_330 : memref<64x128xf32, #tpu.memory_space<vmem>>) dst(%dma_wait3A_327 : memref<64x128xf32, #tpu.memory_space<hbm>>)
      tpu.yield
    }) : () -> ()
    %add3A_275 = arith.constant 320 : i32
    %add3A_276 = arith.addi %mul3A_254, %add3A_275 : i32
    "tpu.region"() ({
      %run_scoped3A = tpu.sem_alloc : memref<!tpu.dma_semaphore, #tpu.memory_space<semaphore_mem>>
      %dma_start3A_295 = arith.constant 0 : i32
      %dma_start3A_296 = arith.constant 0 : i32
      %dma_start3A_297 = tpu.memref_slice %arg14[%dma_start3A_295, %dma_start3A_296] : memref<64x128xf32, #tpu.memory_space<vmem>> -> memref<64x128xf32, #tpu.memory_space<vmem>>
      %dma_start3A_298 = arith.constant 0 : i32
      %dma_start3A_299 = tpu.memref_slice %arg15[%add3A_276, %dma_start3A_298] : memref<10016x128xf32, #tpu.memory_space<vmem_shared>> -> memref<64x128xf32, #tpu.memory_space<vmem_shared>>
      %dma_start3A_300 = arith.constant 0 : i32
      %dma_start3A_301 = arith.constant 0 : i32
      %dma_start3A_302 = tpu.memref_slice %arg14[%dma_start3A_300, %dma_start3A_301] : memref<64x128xf32, #tpu.memory_space<vmem>> -> memref<64x128xf32, #tpu.memory_space<vmem>>
      %dma_start3A_303 = arith.constant 0 : i32
      %dma_start3A_304 = tpu.memref_slice %arg15[%add3A_276, %dma_start3A_303] : memref<10016x128xf32, #tpu.memory_space<vmem_shared>> -> memref<64x128xf32, #tpu.memory_space<vmem_shared>>
      tpu.enqueue_dma source(%dma_start3A_304 : memref<64x128xf32, #tpu.memory_space<vmem_shared>>) target(%dma_start3A_302 : memref<64x128xf32, #tpu.memory_space<vmem>>) target_semaphore(%run_scoped3A : memref<!tpu.dma_semaphore, #tpu.memory_space<semaphore_mem>>)
      %dma_wait3A_305 = arith.constant 0 : i32
      %dma_wait3A_306 = arith.constant 0 : i32
      %dma_wait3A_307 = tpu.memref_slice %arg14[%dma_wait3A_305, %dma_wait3A_306] : memref<64x128xf32, #tpu.memory_space<vmem>> -> memref<64x128xf32, #tpu.memory_space<vmem>>
      %dma_wait3A_308 = arith.constant 0 : i32
      %dma_wait3A_309 = tpu.memref_slice %arg15[%add3A_276, %dma_wait3A_308] : memref<10016x128xf32, #tpu.memory_space<vmem_shared>> -> memref<64x128xf32, #tpu.memory_space<vmem_shared>>
      %dma_wait3A_310 = arith.constant 0 : i32
      %dma_wait3A_311 = arith.constant 0 : i32
      %dma_wait3A_312 = tpu.memref_slice %arg14[%dma_wait3A_310, %dma_wait3A_311] : memref<64x128xf32, #tpu.memory_space<vmem>> -> memref<64x128xf32, #tpu.memory_space<vmem>>
      %dma_wait3A_313 = arith.constant 0 : i32
      %dma_wait3A_314 = tpu.memref_slice %arg15[%add3A_276, %dma_wait3A_313] : memref<10016x128xf32, #tpu.memory_space<vmem_shared>> -> memref<64x128xf32, #tpu.memory_space<vmem_shared>>
      tpu.wait_dma2 semaphore(%run_scoped3A : memref<!tpu.dma_semaphore, #tpu.memory_space<semaphore_mem>>) src(%dma_wait3A_314 : memref<64x128xf32, #tpu.memory_space<vmem_shared>>) dst(%dma_wait3A_312 : memref<64x128xf32, #tpu.memory_space<vmem>>)
      tpu.yield
    }) : () -> ()
    %add3A_277 = arith.constant 320 : i32
    %add3A_278 = arith.addi %mul3A_254, %add3A_277 : i32
    "tpu.region"() ({
      %run_scoped3A = tpu.sem_alloc : memref<!tpu.dma_semaphore, #tpu.memory_space<semaphore_mem>>
      %dma_start3A_295 = arith.constant 0 : i32
      %dma_start3A_296 = arith.constant 0 : i32
      %dma_start3A_297 = tpu.memref_slice %arg14[%dma_start3A_295, %dma_start3A_296] : memref<64x128xf32, #tpu.memory_space<vmem>> -> memref<64x128xf32, #tpu.memory_space<vmem>>
      %dma_start3A_298 = arith.constant 0 : i32
      %dma_start3A_299 = arith.constant 0 : i32
      %dma_start3A_300 = tpu.memref_slice %arg7[%arg0, %dma_start3A_298, %dma_start3A_299] : memref<2x10000x128xf32, #tpu.memory_space<hbm>> -> memref<1x10000x128xf32, #tpu.memory_space<hbm>>
      %dma_start3A_301 = tpu.memref_squeeze %dma_start3A_300 : memref<1x10000x128xf32, #tpu.memory_space<hbm>> -> memref<10000x128xf32, #tpu.memory_space<hbm>>
      %dma_start3A_302 = arith.constant 0 : i32
      %dma_start3A_303 = tpu.memref_slice %dma_start3A_301[%add3A_278, %dma_start3A_302] : memref<10000x128xf32, #tpu.memory_space<hbm>> -> memref<64x128xf32, #tpu.memory_space<hbm>>
      %dma_start3A_304 = arith.constant 0 : i32
      %dma_start3A_305 = arith.constant 0 : i32
      %dma_start3A_306 = tpu.memref_slice %arg7[%arg0, %dma_start3A_304, %dma_start3A_305] : memref<2x10000x128xf32, #tpu.memory_space<hbm>> -> memref<1x10000x128xf32, #tpu.memory_space<hbm>>
      %dma_start3A_307 = tpu.memref_squeeze %dma_start3A_306 : memref<1x10000x128xf32, #tpu.memory_space<hbm>> -> memref<10000x128xf32, #tpu.memory_space<hbm>>
      %dma_start3A_308 = arith.constant 0 : i32
      %dma_start3A_309 = tpu.memref_slice %dma_start3A_307[%add3A_278, %dma_start3A_308] : memref<10000x128xf32, #tpu.memory_space<hbm>> -> memref<64x128xf32, #tpu.memory_space<hbm>>
      %dma_start3A_310 = arith.constant 0 : i32
      %dma_start3A_311 = arith.constant 0 : i32
      %dma_start3A_312 = tpu.memref_slice %arg14[%dma_start3A_310, %dma_start3A_311] : memref<64x128xf32, #tpu.memory_space<vmem>> -> memref<64x128xf32, #tpu.memory_space<vmem>>
      tpu.enqueue_dma source(%dma_start3A_312 : memref<64x128xf32, #tpu.memory_space<vmem>>) target(%dma_start3A_309 : memref<64x128xf32, #tpu.memory_space<hbm>>) target_semaphore(%run_scoped3A : memref<!tpu.dma_semaphore, #tpu.memory_space<semaphore_mem>>)
      %dma_wait3A_313 = arith.constant 0 : i32
      %dma_wait3A_314 = arith.constant 0 : i32
      %dma_wait3A_315 = tpu.memref_slice %arg14[%dma_wait3A_313, %dma_wait3A_314] : memref<64x128xf32, #tpu.memory_space<vmem>> -> memref<64x128xf32, #tpu.memory_space<vmem>>
      %dma_wait3A_316 = arith.constant 0 : i32
      %dma_wait3A_317 = arith.constant 0 : i32
      %dma_wait3A_318 = tpu.memref_slice %arg7[%arg0, %dma_wait3A_316, %dma_wait3A_317] : memref<2x10000x128xf32, #tpu.memory_space<hbm>> -> memref<1x10000x128xf32, #tpu.memory_space<hbm>>
      %dma_wait3A_319 = tpu.memref_squeeze %dma_wait3A_318 : memref<1x10000x128xf32, #tpu.memory_space<hbm>> -> memref<10000x128xf32, #tpu.memory_space<hbm>>
      %dma_wait3A_320 = arith.constant 0 : i32
      %dma_wait3A_321 = tpu.memref_slice %dma_wait3A_319[%add3A_278, %dma_wait3A_320] : memref<10000x128xf32, #tpu.memory_space<hbm>> -> memref<64x128xf32, #tpu.memory_space<hbm>>
      %dma_wait3A_322 = arith.constant 0 : i32
      %dma_wait3A_323 = arith.constant 0 : i32
      %dma_wait3A_324 = tpu.memref_slice %arg7[%arg0, %dma_wait3A_322, %dma_wait3A_323] : memref<2x10000x128xf32, #tpu.memory_space<hbm>> -> memref<1x10000x128xf32, #tpu.memory_space<hbm>>
      %dma_wait3A_325 = tpu.memref_squeeze %dma_wait3A_324 : memref<1x10000x128xf32, #tpu.memory_space<hbm>> -> memref<10000x128xf32, #tpu.memory_space<hbm>>
      %dma_wait3A_326 = arith.constant 0 : i32
      %dma_wait3A_327 = tpu.memref_slice %dma_wait3A_325[%add3A_278, %dma_wait3A_326] : memref<10000x128xf32, #tpu.memory_space<hbm>> -> memref<64x128xf32, #tpu.memory_space<hbm>>
      %dma_wait3A_328 = arith.constant 0 : i32
      %dma_wait3A_329 = arith.constant 0 : i32
      %dma_wait3A_330 = tpu.memref_slice %arg14[%dma_wait3A_328, %dma_wait3A_329] : memref<64x128xf32, #tpu.memory_space<vmem>> -> memref<64x128xf32, #tpu.memory_space<vmem>>
      tpu.wait_dma2 semaphore(%run_scoped3A : memref<!tpu.dma_semaphore, #tpu.memory_space<semaphore_mem>>) src(%dma_wait3A_330 : memref<64x128xf32, #tpu.memory_space<vmem>>) dst(%dma_wait3A_327 : memref<64x128xf32, #tpu.memory_space<hbm>>)
      tpu.yield
    }) : () -> ()
    %add3A_279 = arith.constant 384 : i32
    %add3A_280 = arith.addi %mul3A_254, %add3A_279 : i32
    "tpu.region"() ({
      %run_scoped3A = tpu.sem_alloc : memref<!tpu.dma_semaphore, #tpu.memory_space<semaphore_mem>>
      %dma_start3A_295 = arith.constant 0 : i32
      %dma_start3A_296 = arith.constant 0 : i32
      %dma_start3A_297 = tpu.memref_slice %arg14[%dma_start3A_295, %dma_start3A_296] : memref<64x128xf32, #tpu.memory_space<vmem>> -> memref<64x128xf32, #tpu.memory_space<vmem>>
      %dma_start3A_298 = arith.constant 0 : i32
      %dma_start3A_299 = tpu.memref_slice %arg15[%add3A_280, %dma_start3A_298] : memref<10016x128xf32, #tpu.memory_space<vmem_shared>> -> memref<64x128xf32, #tpu.memory_space<vmem_shared>>
      %dma_start3A_300 = arith.constant 0 : i32
      %dma_start3A_301 = arith.constant 0 : i32
      %dma_start3A_302 = tpu.memref_slice %arg14[%dma_start3A_300, %dma_start3A_301] : memref<64x128xf32, #tpu.memory_space<vmem>> -> memref<64x128xf32, #tpu.memory_space<vmem>>
      %dma_start3A_303 = arith.constant 0 : i32
      %dma_start3A_304 = tpu.memref_slice %arg15[%add3A_280, %dma_start3A_303] : memref<10016x128xf32, #tpu.memory_space<vmem_shared>> -> memref<64x128xf32, #tpu.memory_space<vmem_shared>>
      tpu.enqueue_dma source(%dma_start3A_304 : memref<64x128xf32, #tpu.memory_space<vmem_shared>>) target(%dma_start3A_302 : memref<64x128xf32, #tpu.memory_space<vmem>>) target_semaphore(%run_scoped3A : memref<!tpu.dma_semaphore, #tpu.memory_space<semaphore_mem>>)
      %dma_wait3A_305 = arith.constant 0 : i32
      %dma_wait3A_306 = arith.constant 0 : i32
      %dma_wait3A_307 = tpu.memref_slice %arg14[%dma_wait3A_305, %dma_wait3A_306] : memref<64x128xf32, #tpu.memory_space<vmem>> -> memref<64x128xf32, #tpu.memory_space<vmem>>
      %dma_wait3A_308 = arith.constant 0 : i32
      %dma_wait3A_309 = tpu.memref_slice %arg15[%add3A_280, %dma_wait3A_308] : memref<10016x128xf32, #tpu.memory_space<vmem_shared>> -> memref<64x128xf32, #tpu.memory_space<vmem_shared>>
      %dma_wait3A_310 = arith.constant 0 : i32
      %dma_wait3A_311 = arith.constant 0 : i32
      %dma_wait3A_312 = tpu.memref_slice %arg14[%dma_wait3A_310, %dma_wait3A_311] : memref<64x128xf32, #tpu.memory_space<vmem>> -> memref<64x128xf32, #tpu.memory_space<vmem>>
      %dma_wait3A_313 = arith.constant 0 : i32
      %dma_wait3A_314 = tpu.memref_slice %arg15[%add3A_280, %dma_wait3A_313] : memref<10016x128xf32, #tpu.memory_space<vmem_shared>> -> memref<64x128xf32, #tpu.memory_space<vmem_shared>>
      tpu.wait_dma2 semaphore(%run_scoped3A : memref<!tpu.dma_semaphore, #tpu.memory_space<semaphore_mem>>) src(%dma_wait3A_314 : memref<64x128xf32, #tpu.memory_space<vmem_shared>>) dst(%dma_wait3A_312 : memref<64x128xf32, #tpu.memory_space<vmem>>)
      tpu.yield
    }) : () -> ()
    %add3A_281 = arith.constant 384 : i32
    %add3A_282 = arith.addi %mul3A_254, %add3A_281 : i32
    "tpu.region"() ({
      %run_scoped3A = tpu.sem_alloc : memref<!tpu.dma_semaphore, #tpu.memory_space<semaphore_mem>>
      %dma_start3A_295 = arith.constant 0 : i32
      %dma_start3A_296 = arith.constant 0 : i32
      %dma_start3A_297 = tpu.memref_slice %arg14[%dma_start3A_295, %dma_start3A_296] : memref<64x128xf32, #tpu.memory_space<vmem>> -> memref<64x128xf32, #tpu.memory_space<vmem>>
      %dma_start3A_298 = arith.constant 0 : i32
      %dma_start3A_299 = arith.constant 0 : i32
      %dma_start3A_300 = tpu.memref_slice %arg7[%arg0, %dma_start3A_298, %dma_start3A_299] : memref<2x10000x128xf32, #tpu.memory_space<hbm>> -> memref<1x10000x128xf32, #tpu.memory_space<hbm>>
      %dma_start3A_301 = tpu.memref_squeeze %dma_start3A_300 : memref<1x10000x128xf32, #tpu.memory_space<hbm>> -> memref<10000x128xf32, #tpu.memory_space<hbm>>
      %dma_start3A_302 = arith.constant 0 : i32
      %dma_start3A_303 = tpu.memref_slice %dma_start3A_301[%add3A_282, %dma_start3A_302] : memref<10000x128xf32, #tpu.memory_space<hbm>> -> memref<64x128xf32, #tpu.memory_space<hbm>>
      %dma_start3A_304 = arith.constant 0 : i32
      %dma_start3A_305 = arith.constant 0 : i32
      %dma_start3A_306 = tpu.memref_slice %arg7[%arg0, %dma_start3A_304, %dma_start3A_305] : memref<2x10000x128xf32, #tpu.memory_space<hbm>> -> memref<1x10000x128xf32, #tpu.memory_space<hbm>>
      %dma_start3A_307 = tpu.memref_squeeze %dma_start3A_306 : memref<1x10000x128xf32, #tpu.memory_space<hbm>> -> memref<10000x128xf32, #tpu.memory_space<hbm>>
      %dma_start3A_308 = arith.constant 0 : i32
      %dma_start3A_309 = tpu.memref_slice %dma_start3A_307[%add3A_282, %dma_start3A_308] : memref<10000x128xf32, #tpu.memory_space<hbm>> -> memref<64x128xf32, #tpu.memory_space<hbm>>
      %dma_start3A_310 = arith.constant 0 : i32
      %dma_start3A_311 = arith.constant 0 : i32
      %dma_start3A_312 = tpu.memref_slice %arg14[%dma_start3A_310, %dma_start3A_311] : memref<64x128xf32, #tpu.memory_space<vmem>> -> memref<64x128xf32, #tpu.memory_space<vmem>>
      tpu.enqueue_dma source(%dma_start3A_312 : memref<64x128xf32, #tpu.memory_space<vmem>>) target(%dma_start3A_309 : memref<64x128xf32, #tpu.memory_space<hbm>>) target_semaphore(%run_scoped3A : memref<!tpu.dma_semaphore, #tpu.memory_space<semaphore_mem>>)
      %dma_wait3A_313 = arith.constant 0 : i32
      %dma_wait3A_314 = arith.constant 0 : i32
      %dma_wait3A_315 = tpu.memref_slice %arg14[%dma_wait3A_313, %dma_wait3A_314] : memref<64x128xf32, #tpu.memory_space<vmem>> -> memref<64x128xf32, #tpu.memory_space<vmem>>
      %dma_wait3A_316 = arith.constant 0 : i32
      %dma_wait3A_317 = arith.constant 0 : i32
      %dma_wait3A_318 = tpu.memref_slice %arg7[%arg0, %dma_wait3A_316, %dma_wait3A_317] : memref<2x10000x128xf32, #tpu.memory_space<hbm>> -> memref<1x10000x128xf32, #tpu.memory_space<hbm>>
      %dma_wait3A_319 = tpu.memref_squeeze %dma_wait3A_318 : memref<1x10000x128xf32, #tpu.memory_space<hbm>> -> memref<10000x128xf32, #tpu.memory_space<hbm>>
      %dma_wait3A_320 = arith.constant 0 : i32
      %dma_wait3A_321 = tpu.memref_slice %dma_wait3A_319[%add3A_282, %dma_wait3A_320] : memref<10000x128xf32, #tpu.memory_space<hbm>> -> memref<64x128xf32, #tpu.memory_space<hbm>>
      %dma_wait3A_322 = arith.constant 0 : i32
      %dma_wait3A_323 = arith.constant 0 : i32
      %dma_wait3A_324 = tpu.memref_slice %arg7[%arg0, %dma_wait3A_322, %dma_wait3A_323] : memref<2x10000x128xf32, #tpu.memory_space<hbm>> -> memref<1x10000x128xf32, #tpu.memory_space<hbm>>
      %dma_wait3A_325 = tpu.memref_squeeze %dma_wait3A_324 : memref<1x10000x128xf32, #tpu.memory_space<hbm>> -> memref<10000x128xf32, #tpu.memory_space<hbm>>
      %dma_wait3A_326 = arith.constant 0 : i32
      %dma_wait3A_327 = tpu.memref_slice %dma_wait3A_325[%add3A_282, %dma_wait3A_326] : memref<10000x128xf32, #tpu.memory_space<hbm>> -> memref<64x128xf32, #tpu.memory_space<hbm>>
      %dma_wait3A_328 = arith.constant 0 : i32
      %dma_wait3A_329 = arith.constant 0 : i32
      %dma_wait3A_330 = tpu.memref_slice %arg14[%dma_wait3A_328, %dma_wait3A_329] : memref<64x128xf32, #tpu.memory_space<vmem>> -> memref<64x128xf32, #tpu.memory_space<vmem>>
      tpu.wait_dma2 semaphore(%run_scoped3A : memref<!tpu.dma_semaphore, #tpu.memory_space<semaphore_mem>>) src(%dma_wait3A_330 : memref<64x128xf32, #tpu.memory_space<vmem>>) dst(%dma_wait3A_327 : memref<64x128xf32, #tpu.memory_space<hbm>>)
      tpu.yield
    }) : () -> ()
    %add3A_283 = arith.constant 448 : i32
    %add3A_284 = arith.addi %mul3A_254, %add3A_283 : i32
    "tpu.region"() ({
      %run_scoped3A = tpu.sem_alloc : memref<!tpu.dma_semaphore, #tpu.memory_space<semaphore_mem>>
      %dma_start3A_295 = arith.constant 0 : i32
      %dma_start3A_296 = arith.constant 0 : i32
      %dma_start3A_297 = tpu.memref_slice %arg14[%dma_start3A_295, %dma_start3A_296] : memref<64x128xf32, #tpu.memory_space<vmem>> -> memref<64x128xf32, #tpu.memory_space<vmem>>
      %dma_start3A_298 = arith.constant 0 : i32
      %dma_start3A_299 = tpu.memref_slice %arg15[%add3A_284, %dma_start3A_298] : memref<10016x128xf32, #tpu.memory_space<vmem_shared>> -> memref<64x128xf32, #tpu.memory_space<vmem_shared>>
      %dma_start3A_300 = arith.constant 0 : i32
      %dma_start3A_301 = arith.constant 0 : i32
      %dma_start3A_302 = tpu.memref_slice %arg14[%dma_start3A_300, %dma_start3A_301] : memref<64x128xf32, #tpu.memory_space<vmem>> -> memref<64x128xf32, #tpu.memory_space<vmem>>
      %dma_start3A_303 = arith.constant 0 : i32
      %dma_start3A_304 = tpu.memref_slice %arg15[%add3A_284, %dma_start3A_303] : memref<10016x128xf32, #tpu.memory_space<vmem_shared>> -> memref<64x128xf32, #tpu.memory_space<vmem_shared>>
      tpu.enqueue_dma source(%dma_start3A_304 : memref<64x128xf32, #tpu.memory_space<vmem_shared>>) target(%dma_start3A_302 : memref<64x128xf32, #tpu.memory_space<vmem>>) target_semaphore(%run_scoped3A : memref<!tpu.dma_semaphore, #tpu.memory_space<semaphore_mem>>)
      %dma_wait3A_305 = arith.constant 0 : i32
      %dma_wait3A_306 = arith.constant 0 : i32
      %dma_wait3A_307 = tpu.memref_slice %arg14[%dma_wait3A_305, %dma_wait3A_306] : memref<64x128xf32, #tpu.memory_space<vmem>> -> memref<64x128xf32, #tpu.memory_space<vmem>>
      %dma_wait3A_308 = arith.constant 0 : i32
      %dma_wait3A_309 = tpu.memref_slice %arg15[%add3A_284, %dma_wait3A_308] : memref<10016x128xf32, #tpu.memory_space<vmem_shared>> -> memref<64x128xf32, #tpu.memory_space<vmem_shared>>
      %dma_wait3A_310 = arith.constant 0 : i32
      %dma_wait3A_311 = arith.constant 0 : i32
      %dma_wait3A_312 = tpu.memref_slice %arg14[%dma_wait3A_310, %dma_wait3A_311] : memref<64x128xf32, #tpu.memory_space<vmem>> -> memref<64x128xf32, #tpu.memory_space<vmem>>
      %dma_wait3A_313 = arith.constant 0 : i32
      %dma_wait3A_314 = tpu.memref_slice %arg15[%add3A_284, %dma_wait3A_313] : memref<10016x128xf32, #tpu.memory_space<vmem_shared>> -> memref<64x128xf32, #tpu.memory_space<vmem_shared>>
      tpu.wait_dma2 semaphore(%run_scoped3A : memref<!tpu.dma_semaphore, #tpu.memory_space<semaphore_mem>>) src(%dma_wait3A_314 : memref<64x128xf32, #tpu.memory_space<vmem_shared>>) dst(%dma_wait3A_312 : memref<64x128xf32, #tpu.memory_space<vmem>>)
      tpu.yield
    }) : () -> ()
    %add3A_285 = arith.constant 448 : i32
    %add3A_286 = arith.addi %mul3A_254, %add3A_285 : i32
    "tpu.region"() ({
      %run_scoped3A = tpu.sem_alloc : memref<!tpu.dma_semaphore, #tpu.memory_space<semaphore_mem>>
      %dma_start3A_295 = arith.constant 0 : i32
      %dma_start3A_296 = arith.constant 0 : i32
      %dma_start3A_297 = tpu.memref_slice %arg14[%dma_start3A_295, %dma_start3A_296] : memref<64x128xf32, #tpu.memory_space<vmem>> -> memref<64x128xf32, #tpu.memory_space<vmem>>
      %dma_start3A_298 = arith.constant 0 : i32
      %dma_start3A_299 = arith.constant 0 : i32
      %dma_start3A_300 = tpu.memref_slice %arg7[%arg0, %dma_start3A_298, %dma_start3A_299] : memref<2x10000x128xf32, #tpu.memory_space<hbm>> -> memref<1x10000x128xf32, #tpu.memory_space<hbm>>
      %dma_start3A_301 = tpu.memref_squeeze %dma_start3A_300 : memref<1x10000x128xf32, #tpu.memory_space<hbm>> -> memref<10000x128xf32, #tpu.memory_space<hbm>>
      %dma_start3A_302 = arith.constant 0 : i32
      %dma_start3A_303 = tpu.memref_slice %dma_start3A_301[%add3A_286, %dma_start3A_302] : memref<10000x128xf32, #tpu.memory_space<hbm>> -> memref<64x128xf32, #tpu.memory_space<hbm>>
      %dma_start3A_304 = arith.constant 0 : i32
      %dma_start3A_305 = arith.constant 0 : i32
      %dma_start3A_306 = tpu.memref_slice %arg7[%arg0, %dma_start3A_304, %dma_start3A_305] : memref<2x10000x128xf32, #tpu.memory_space<hbm>> -> memref<1x10000x128xf32, #tpu.memory_space<hbm>>
      %dma_start3A_307 = tpu.memref_squeeze %dma_start3A_306 : memref<1x10000x128xf32, #tpu.memory_space<hbm>> -> memref<10000x128xf32, #tpu.memory_space<hbm>>
      %dma_start3A_308 = arith.constant 0 : i32
      %dma_start3A_309 = tpu.memref_slice %dma_start3A_307[%add3A_286, %dma_start3A_308] : memref<10000x128xf32, #tpu.memory_space<hbm>> -> memref<64x128xf32, #tpu.memory_space<hbm>>
      %dma_start3A_310 = arith.constant 0 : i32
      %dma_start3A_311 = arith.constant 0 : i32
      %dma_start3A_312 = tpu.memref_slice %arg14[%dma_start3A_310, %dma_start3A_311] : memref<64x128xf32, #tpu.memory_space<vmem>> -> memref<64x128xf32, #tpu.memory_space<vmem>>
      tpu.enqueue_dma source(%dma_start3A_312 : memref<64x128xf32, #tpu.memory_space<vmem>>) target(%dma_start3A_309 : memref<64x128xf32, #tpu.memory_space<hbm>>) target_semaphore(%run_scoped3A : memref<!tpu.dma_semaphore, #tpu.memory_space<semaphore_mem>>)
      %dma_wait3A_313 = arith.constant 0 : i32
      %dma_wait3A_314 = arith.constant 0 : i32
      %dma_wait3A_315 = tpu.memref_slice %arg14[%dma_wait3A_313, %dma_wait3A_314] : memref<64x128xf32, #tpu.memory_space<vmem>> -> memref<64x128xf32, #tpu.memory_space<vmem>>
      %dma_wait3A_316 = arith.constant 0 : i32
      %dma_wait3A_317 = arith.constant 0 : i32
      %dma_wait3A_318 = tpu.memref_slice %arg7[%arg0, %dma_wait3A_316, %dma_wait3A_317] : memref<2x10000x128xf32, #tpu.memory_space<hbm>> -> memref<1x10000x128xf32, #tpu.memory_space<hbm>>
      %dma_wait3A_319 = tpu.memref_squeeze %dma_wait3A_318 : memref<1x10000x128xf32, #tpu.memory_space<hbm>> -> memref<10000x128xf32, #tpu.memory_space<hbm>>
      %dma_wait3A_320 = arith.constant 0 : i32
      %dma_wait3A_321 = tpu.memref_slice %dma_wait3A_319[%add3A_286, %dma_wait3A_320] : memref<10000x128xf32, #tpu.memory_space<hbm>> -> memref<64x128xf32, #tpu.memory_space<hbm>>
      %dma_wait3A_322 = arith.constant 0 : i32
      %dma_wait3A_323 = arith.constant 0 : i32
      %dma_wait3A_324 = tpu.memref_slice %arg7[%arg0, %dma_wait3A_322, %dma_wait3A_323] : memref<2x10000x128xf32, #tpu.memory_space<hbm>> -> memref<1x10000x128xf32, #tpu.memory_space<hbm>>
      %dma_wait3A_325 = tpu.memref_squeeze %dma_wait3A_324 : memref<1x10000x128xf32, #tpu.memory_space<hbm>> -> memref<10000x128xf32, #tpu.memory_space<hbm>>
      %dma_wait3A_326 = arith.constant 0 : i32
      %dma_wait3A_327 = tpu.memref_slice %dma_wait3A_325[%add3A_286, %dma_wait3A_326] : memref<10000x128xf32, #tpu.memory_space<hbm>> -> memref<64x128xf32, #tpu.memory_space<hbm>>
      %dma_wait3A_328 = arith.constant 0 : i32
      %dma_wait3A_329 = arith.constant 0 : i32
      %dma_wait3A_330 = tpu.memref_slice %arg14[%dma_wait3A_328, %dma_wait3A_329] : memref<64x128xf32, #tpu.memory_space<vmem>> -> memref<64x128xf32, #tpu.memory_space<vmem>>
      tpu.wait_dma2 semaphore(%run_scoped3A : memref<!tpu.dma_semaphore, #tpu.memory_space<semaphore_mem>>) src(%dma_wait3A_330 : memref<64x128xf32, #tpu.memory_space<vmem>>) dst(%dma_wait3A_327 : memref<64x128xf32, #tpu.memory_space<hbm>>)
      tpu.yield
    }) : () -> ()
    %add3A_287 = arith.constant 512 : i32
    %add3A_288 = arith.addi %mul3A_254, %add3A_287 : i32
    "tpu.region"() ({
      %run_scoped3A = tpu.sem_alloc : memref<!tpu.dma_semaphore, #tpu.memory_space<semaphore_mem>>
      %dma_start3A_295 = arith.constant 0 : i32
      %dma_start3A_296 = arith.constant 0 : i32
      %dma_start3A_297 = tpu.memref_slice %arg14[%dma_start3A_295, %dma_start3A_296] : memref<64x128xf32, #tpu.memory_space<vmem>> -> memref<64x128xf32, #tpu.memory_space<vmem>>
      %dma_start3A_298 = arith.constant 0 : i32
      %dma_start3A_299 = tpu.memref_slice %arg15[%add3A_288, %dma_start3A_298] : memref<10016x128xf32, #tpu.memory_space<vmem_shared>> -> memref<64x128xf32, #tpu.memory_space<vmem_shared>>
      %dma_start3A_300 = arith.constant 0 : i32
      %dma_start3A_301 = arith.constant 0 : i32
      %dma_start3A_302 = tpu.memref_slice %arg14[%dma_start3A_300, %dma_start3A_301] : memref<64x128xf32, #tpu.memory_space<vmem>> -> memref<64x128xf32, #tpu.memory_space<vmem>>
      %dma_start3A_303 = arith.constant 0 : i32
      %dma_start3A_304 = tpu.memref_slice %arg15[%add3A_288, %dma_start3A_303] : memref<10016x128xf32, #tpu.memory_space<vmem_shared>> -> memref<64x128xf32, #tpu.memory_space<vmem_shared>>
      tpu.enqueue_dma source(%dma_start3A_304 : memref<64x128xf32, #tpu.memory_space<vmem_shared>>) target(%dma_start3A_302 : memref<64x128xf32, #tpu.memory_space<vmem>>) target_semaphore(%run_scoped3A : memref<!tpu.dma_semaphore, #tpu.memory_space<semaphore_mem>>)
      %dma_wait3A_305 = arith.constant 0 : i32
      %dma_wait3A_306 = arith.constant 0 : i32
      %dma_wait3A_307 = tpu.memref_slice %arg14[%dma_wait3A_305, %dma_wait3A_306] : memref<64x128xf32, #tpu.memory_space<vmem>> -> memref<64x128xf32, #tpu.memory_space<vmem>>
      %dma_wait3A_308 = arith.constant 0 : i32
      %dma_wait3A_309 = tpu.memref_slice %arg15[%add3A_288, %dma_wait3A_308] : memref<10016x128xf32, #tpu.memory_space<vmem_shared>> -> memref<64x128xf32, #tpu.memory_space<vmem_shared>>
      %dma_wait3A_310 = arith.constant 0 : i32
      %dma_wait3A_311 = arith.constant 0 : i32
      %dma_wait3A_312 = tpu.memref_slice %arg14[%dma_wait3A_310, %dma_wait3A_311] : memref<64x128xf32, #tpu.memory_space<vmem>> -> memref<64x128xf32, #tpu.memory_space<vmem>>
      %dma_wait3A_313 = arith.constant 0 : i32
      %dma_wait3A_314 = tpu.memref_slice %arg15[%add3A_288, %dma_wait3A_313] : memref<10016x128xf32, #tpu.memory_space<vmem_shared>> -> memref<64x128xf32, #tpu.memory_space<vmem_shared>>
      tpu.wait_dma2 semaphore(%run_scoped3A : memref<!tpu.dma_semaphore, #tpu.memory_space<semaphore_mem>>) src(%dma_wait3A_314 : memref<64x128xf32, #tpu.memory_space<vmem_shared>>) dst(%dma_wait3A_312 : memref<64x128xf32, #tpu.memory_space<vmem>>)
      tpu.yield
    }) : () -> ()
    %add3A_289 = arith.constant 512 : i32
    %add3A_290 = arith.addi %mul3A_254, %add3A_289 : i32
    "tpu.region"() ({
      %run_scoped3A = tpu.sem_alloc : memref<!tpu.dma_semaphore, #tpu.memory_space<semaphore_mem>>
      %dma_start3A_295 = arith.constant 0 : i32
      %dma_start3A_296 = arith.constant 0 : i32
      %dma_start3A_297 = tpu.memref_slice %arg14[%dma_start3A_295, %dma_start3A_296] : memref<64x128xf32, #tpu.memory_space<vmem>> -> memref<64x128xf32, #tpu.memory_space<vmem>>
      %dma_start3A_298 = arith.constant 0 : i32
      %dma_start3A_299 = arith.constant 0 : i32
      %dma_start3A_300 = tpu.memref_slice %arg7[%arg0, %dma_start3A_298, %dma_start3A_299] : memref<2x10000x128xf32, #tpu.memory_space<hbm>> -> memref<1x10000x128xf32, #tpu.memory_space<hbm>>
      %dma_start3A_301 = tpu.memref_squeeze %dma_start3A_300 : memref<1x10000x128xf32, #tpu.memory_space<hbm>> -> memref<10000x128xf32, #tpu.memory_space<hbm>>
      %dma_start3A_302 = arith.constant 0 : i32
      %dma_start3A_303 = tpu.memref_slice %dma_start3A_301[%add3A_290, %dma_start3A_302] : memref<10000x128xf32, #tpu.memory_space<hbm>> -> memref<64x128xf32, #tpu.memory_space<hbm>>
      %dma_start3A_304 = arith.constant 0 : i32
      %dma_start3A_305 = arith.constant 0 : i32
      %dma_start3A_306 = tpu.memref_slice %arg7[%arg0, %dma_start3A_304, %dma_start3A_305] : memref<2x10000x128xf32, #tpu.memory_space<hbm>> -> memref<1x10000x128xf32, #tpu.memory_space<hbm>>
      %dma_start3A_307 = tpu.memref_squeeze %dma_start3A_306 : memref<1x10000x128xf32, #tpu.memory_space<hbm>> -> memref<10000x128xf32, #tpu.memory_space<hbm>>
      %dma_start3A_308 = arith.constant 0 : i32
      %dma_start3A_309 = tpu.memref_slice %dma_start3A_307[%add3A_290, %dma_start3A_308] : memref<10000x128xf32, #tpu.memory_space<hbm>> -> memref<64x128xf32, #tpu.memory_space<hbm>>
      %dma_start3A_310 = arith.constant 0 : i32
      %dma_start3A_311 = arith.constant 0 : i32
      %dma_start3A_312 = tpu.memref_slice %arg14[%dma_start3A_310, %dma_start3A_311] : memref<64x128xf32, #tpu.memory_space<vmem>> -> memref<64x128xf32, #tpu.memory_space<vmem>>
      tpu.enqueue_dma source(%dma_start3A_312 : memref<64x128xf32, #tpu.memory_space<vmem>>) target(%dma_start3A_309 : memref<64x128xf32, #tpu.memory_space<hbm>>) target_semaphore(%run_scoped3A : memref<!tpu.dma_semaphore, #tpu.memory_space<semaphore_mem>>)
      %dma_wait3A_313 = arith.constant 0 : i32
      %dma_wait3A_314 = arith.constant 0 : i32
      %dma_wait3A_315 = tpu.memref_slice %arg14[%dma_wait3A_313, %dma_wait3A_314] : memref<64x128xf32, #tpu.memory_space<vmem>> -> memref<64x128xf32, #tpu.memory_space<vmem>>
      %dma_wait3A_316 = arith.constant 0 : i32
      %dma_wait3A_317 = arith.constant 0 : i32
      %dma_wait3A_318 = tpu.memref_slice %arg7[%arg0, %dma_wait3A_316, %dma_wait3A_317] : memref<2x10000x128xf32, #tpu.memory_space<hbm>> -> memref<1x10000x128xf32, #tpu.memory_space<hbm>>
      %dma_wait3A_319 = tpu.memref_squeeze %dma_wait3A_318 : memref<1x10000x128xf32, #tpu.memory_space<hbm>> -> memref<10000x128xf32, #tpu.memory_space<hbm>>
      %dma_wait3A_320 = arith.constant 0 : i32
      %dma_wait3A_321 = tpu.memref_slice %dma_wait3A_319[%add3A_290, %dma_wait3A_320] : memref<10000x128xf32, #tpu.memory_space<hbm>> -> memref<64x128xf32, #tpu.memory_space<hbm>>
      %dma_wait3A_322 = arith.constant 0 : i32
      %dma_wait3A_323 = arith.constant 0 : i32
      %dma_wait3A_324 = tpu.memref_slice %arg7[%arg0, %dma_wait3A_322, %dma_wait3A_323] : memref<2x10000x128xf32, #tpu.memory_space<hbm>> -> memref<1x10000x128xf32, #tpu.memory_space<hbm>>
      %dma_wait3A_325 = tpu.memref_squeeze %dma_wait3A_324 : memref<1x10000x128xf32, #tpu.memory_space<hbm>> -> memref<10000x128xf32, #tpu.memory_space<hbm>>
      %dma_wait3A_326 = arith.constant 0 : i32
      %dma_wait3A_327 = tpu.memref_slice %dma_wait3A_325[%add3A_290, %dma_wait3A_326] : memref<10000x128xf32, #tpu.memory_space<hbm>> -> memref<64x128xf32, #tpu.memory_space<hbm>>
      %dma_wait3A_328 = arith.constant 0 : i32
      %dma_wait3A_329 = arith.constant 0 : i32
      %dma_wait3A_330 = tpu.memref_slice %arg14[%dma_wait3A_328, %dma_wait3A_329] : memref<64x128xf32, #tpu.memory_space<vmem>> -> memref<64x128xf32, #tpu.memory_space<vmem>>
      tpu.wait_dma2 semaphore(%run_scoped3A : memref<!tpu.dma_semaphore, #tpu.memory_space<semaphore_mem>>) src(%dma_wait3A_330 : memref<64x128xf32, #tpu.memory_space<vmem>>) dst(%dma_wait3A_327 : memref<64x128xf32, #tpu.memory_space<hbm>>)
      tpu.yield
    }) : () -> ()
    %add3A_291 = arith.constant 576 : i32
    %add3A_292 = arith.addi %mul3A_254, %add3A_291 : i32
    "tpu.region"() ({
      %run_scoped3A = tpu.sem_alloc : memref<!tpu.dma_semaphore, #tpu.memory_space<semaphore_mem>>
      %dma_start3A_295 = arith.constant 0 : i32
      %dma_start3A_296 = arith.constant 0 : i32
      %dma_start3A_297 = tpu.memref_slice %arg14[%dma_start3A_295, %dma_start3A_296] : memref<64x128xf32, #tpu.memory_space<vmem>> -> memref<49x128xf32, #tpu.memory_space<vmem>>
      %dma_start3A_298 = arith.constant 0 : i32
      %dma_start3A_299 = tpu.memref_slice %arg15[%add3A_292, %dma_start3A_298] : memref<10016x128xf32, #tpu.memory_space<vmem_shared>> -> memref<49x128xf32, #tpu.memory_space<vmem_shared>>
      %dma_start3A_300 = arith.constant 0 : i32
      %dma_start3A_301 = arith.constant 0 : i32
      %dma_start3A_302 = tpu.memref_slice %arg14[%dma_start3A_300, %dma_start3A_301] : memref<64x128xf32, #tpu.memory_space<vmem>> -> memref<49x128xf32, #tpu.memory_space<vmem>>
      %dma_start3A_303 = arith.constant 0 : i32
      %dma_start3A_304 = tpu.memref_slice %arg15[%add3A_292, %dma_start3A_303] : memref<10016x128xf32, #tpu.memory_space<vmem_shared>> -> memref<49x128xf32, #tpu.memory_space<vmem_shared>>
      tpu.enqueue_dma source(%dma_start3A_304 : memref<49x128xf32, #tpu.memory_space<vmem_shared>>) target(%dma_start3A_302 : memref<49x128xf32, #tpu.memory_space<vmem>>) target_semaphore(%run_scoped3A : memref<!tpu.dma_semaphore, #tpu.memory_space<semaphore_mem>>)
      %dma_wait3A_305 = arith.constant 0 : i32
      %dma_wait3A_306 = arith.constant 0 : i32
      %dma_wait3A_307 = tpu.memref_slice %arg14[%dma_wait3A_305, %dma_wait3A_306] : memref<64x128xf32, #tpu.memory_space<vmem>> -> memref<49x128xf32, #tpu.memory_space<vmem>>
      %dma_wait3A_308 = arith.constant 0 : i32
      %dma_wait3A_309 = tpu.memref_slice %arg15[%add3A_292, %dma_wait3A_308] : memref<10016x128xf32, #tpu.memory_space<vmem_shared>> -> memref<49x128xf32, #tpu.memory_space<vmem_shared>>
      %dma_wait3A_310 = arith.constant 0 : i32
      %dma_wait3A_311 = arith.constant 0 : i32
      %dma_wait3A_312 = tpu.memref_slice %arg14[%dma_wait3A_310, %dma_wait3A_311] : memref<64x128xf32, #tpu.memory_space<vmem>> -> memref<49x128xf32, #tpu.memory_space<vmem>>
      %dma_wait3A_313 = arith.constant 0 : i32
      %dma_wait3A_314 = tpu.memref_slice %arg15[%add3A_292, %dma_wait3A_313] : memref<10016x128xf32, #tpu.memory_space<vmem_shared>> -> memref<49x128xf32, #tpu.memory_space<vmem_shared>>
      tpu.wait_dma2 semaphore(%run_scoped3A : memref<!tpu.dma_semaphore, #tpu.memory_space<semaphore_mem>>) src(%dma_wait3A_314 : memref<49x128xf32, #tpu.memory_space<vmem_shared>>) dst(%dma_wait3A_312 : memref<49x128xf32, #tpu.memory_space<vmem>>)
      tpu.yield
    }) : () -> ()
    %add3A_293 = arith.constant 576 : i32
    %add3A_294 = arith.addi %mul3A_254, %add3A_293 : i32
    "tpu.region"() ({
      %run_scoped3A = tpu.sem_alloc : memref<!tpu.dma_semaphore, #tpu.memory_space<semaphore_mem>>
      %dma_start3A_295 = arith.constant 0 : i32
      %dma_start3A_296 = arith.constant 0 : i32
      %dma_start3A_297 = tpu.memref_slice %arg14[%dma_start3A_295, %dma_start3A_296] : memref<64x128xf32, #tpu.memory_space<vmem>> -> memref<49x128xf32, #tpu.memory_space<vmem>>
      %dma_start3A_298 = arith.constant 0 : i32
      %dma_start3A_299 = arith.constant 0 : i32
      %dma_start3A_300 = tpu.memref_slice %arg7[%arg0, %dma_start3A_298, %dma_start3A_299] : memref<2x10000x128xf32, #tpu.memory_space<hbm>> -> memref<1x10000x128xf32, #tpu.memory_space<hbm>>
      %dma_start3A_301 = tpu.memref_squeeze %dma_start3A_300 : memref<1x10000x128xf32, #tpu.memory_space<hbm>> -> memref<10000x128xf32, #tpu.memory_space<hbm>>
      %dma_start3A_302 = arith.constant 0 : i32
      %dma_start3A_303 = tpu.memref_slice %dma_start3A_301[%add3A_294, %dma_start3A_302] : memref<10000x128xf32, #tpu.memory_space<hbm>> -> memref<49x128xf32, #tpu.memory_space<hbm>>
      %dma_start3A_304 = arith.constant 0 : i32
      %dma_start3A_305 = arith.constant 0 : i32
      %dma_start3A_306 = tpu.memref_slice %arg7[%arg0, %dma_start3A_304, %dma_start3A_305] : memref<2x10000x128xf32, #tpu.memory_space<hbm>> -> memref<1x10000x128xf32, #tpu.memory_space<hbm>>
      %dma_start3A_307 = tpu.memref_squeeze %dma_start3A_306 : memref<1x10000x128xf32, #tpu.memory_space<hbm>> -> memref<10000x128xf32, #tpu.memory_space<hbm>>
      %dma_start3A_308 = arith.constant 0 : i32
      %dma_start3A_309 = tpu.memref_slice %dma_start3A_307[%add3A_294, %dma_start3A_308] : memref<10000x128xf32, #tpu.memory_space<hbm>> -> memref<49x128xf32, #tpu.memory_space<hbm>>
      %dma_start3A_310 = arith.constant 0 : i32
      %dma_start3A_311 = arith.constant 0 : i32
      %dma_start3A_312 = tpu.memref_slice %arg14[%dma_start3A_310, %dma_start3A_311] : memref<64x128xf32, #tpu.memory_space<vmem>> -> memref<49x128xf32, #tpu.memory_space<vmem>>
      tpu.enqueue_dma source(%dma_start3A_312 : memref<49x128xf32, #tpu.memory_space<vmem>>) target(%dma_start3A_309 : memref<49x128xf32, #tpu.memory_space<hbm>>) target_semaphore(%run_scoped3A : memref<!tpu.dma_semaphore, #tpu.memory_space<semaphore_mem>>)
      %dma_wait3A_313 = arith.constant 0 : i32
      %dma_wait3A_314 = arith.constant 0 : i32
      %dma_wait3A_315 = tpu.memref_slice %arg14[%dma_wait3A_313, %dma_wait3A_314] : memref<64x128xf32, #tpu.memory_space<vmem>> -> memref<49x128xf32, #tpu.memory_space<vmem>>
      %dma_wait3A_316 = arith.constant 0 : i32
      %dma_wait3A_317 = arith.constant 0 : i32
      %dma_wait3A_318 = tpu.memref_slice %arg7[%arg0, %dma_wait3A_316, %dma_wait3A_317] : memref<2x10000x128xf32, #tpu.memory_space<hbm>> -> memref<1x10000x128xf32, #tpu.memory_space<hbm>>
      %dma_wait3A_319 = tpu.memref_squeeze %dma_wait3A_318 : memref<1x10000x128xf32, #tpu.memory_space<hbm>> -> memref<10000x128xf32, #tpu.memory_space<hbm>>
      %dma_wait3A_320 = arith.constant 0 : i32
      %dma_wait3A_321 = tpu.memref_slice %dma_wait3A_319[%add3A_294, %dma_wait3A_320] : memref<10000x128xf32, #tpu.memory_space<hbm>> -> memref<49x128xf32, #tpu.memory_space<hbm>>
      %dma_wait3A_322 = arith.constant 0 : i32
      %dma_wait3A_323 = arith.constant 0 : i32
      %dma_wait3A_324 = tpu.memref_slice %arg7[%arg0, %dma_wait3A_322, %dma_wait3A_323] : memref<2x10000x128xf32, #tpu.memory_space<hbm>> -> memref<1x10000x128xf32, #tpu.memory_space<hbm>>
      %dma_wait3A_325 = tpu.memref_squeeze %dma_wait3A_324 : memref<1x10000x128xf32, #tpu.memory_space<hbm>> -> memref<10000x128xf32, #tpu.memory_space<hbm>>
      %dma_wait3A_326 = arith.constant 0 : i32
      %dma_wait3A_327 = tpu.memref_slice %dma_wait3A_325[%add3A_294, %dma_wait3A_326] : memref<10000x128xf32, #tpu.memory_space<hbm>> -> memref<49x128xf32, #tpu.memory_space<hbm>>
      %dma_wait3A_328 = arith.constant 0 : i32
      %dma_wait3A_329 = arith.constant 0 : i32
      %dma_wait3A_330 = tpu.memref_slice %arg14[%dma_wait3A_328, %dma_wait3A_329] : memref<64x128xf32, #tpu.memory_space<vmem>> -> memref<49x128xf32, #tpu.memory_space<vmem>>
      tpu.wait_dma2 semaphore(%run_scoped3A : memref<!tpu.dma_semaphore, #tpu.memory_space<semaphore_mem>>) src(%dma_wait3A_330 : memref<49x128xf32, #tpu.memory_space<vmem>>) dst(%dma_wait3A_327 : memref<49x128xf32, #tpu.memory_space<hbm>>)
      tpu.yield
    }) : () -> ()
    return
  }
}

module attributes {stable_mosaic.version = 14 : i64} {
  func.func @_tc_dense_body(%arg0: i32, %arg1: memref<2000x128xf32, #tpu.memory_space<vmem>>, %arg2: memref<2000x128xf32, #tpu.memory_space<vmem>>, %arg3: memref<2000x1xf32, #tpu.memory_space<vmem>>, %arg4: memref<2000x128xf32, #tpu.memory_space<vmem>>, %arg5: memref<2000x1xf32, #tpu.memory_space<vmem>>, %arg6: memref<128x128xf32, #tpu.memory_space<vmem>>, %arg7: memref<128x128xf32, #tpu.memory_space<vmem>>, %arg8: memref<128x128xf32, #tpu.memory_space<vmem>>, %arg9: memref<128x128xf32, #tpu.memory_space<vmem>>, %arg10: memref<128x128xf32, #tpu.memory_space<vmem>>, %arg11: memref<1x128xf32, #tpu.memory_space<vmem>>, %arg12: memref<2000x256xf32, #tpu.memory_space<vmem>>, %arg13: memref<2000x128xf32, #tpu.memory_space<vmem>>) attributes {dimension_semantics = [#tpu.dimension_semantics<arbitrary>], iteration_bounds = array<i64: 5>, scalar_prefetch = 0 : i64, scratch_operands = 0 : i64, tpu.core_type = #tpu.core_type<tc>, window_params = [{transform_indices = @transform_0, window_bounds = array<i64: 2000, 128>}, {transform_indices = @transform_1, window_bounds = array<i64: 2000, 128>}, {transform_indices = @transform_2, window_bounds = array<i64: 2000, 1>}, {transform_indices = @transform_3, window_bounds = array<i64: 2000, 128>}, {transform_indices = @transform_4, window_bounds = array<i64: 2000, 1>}, {pipeline_mode = #tpu.pipeline_mode<synchronous>, transform_indices = @transform_5, window_bounds = array<i64: 128, 128>}, {pipeline_mode = #tpu.pipeline_mode<synchronous>, transform_indices = @transform_6, window_bounds = array<i64: 128, 128>}, {pipeline_mode = #tpu.pipeline_mode<synchronous>, transform_indices = @transform_7, window_bounds = array<i64: 128, 128>}, {pipeline_mode = #tpu.pipeline_mode<synchronous>, transform_indices = @transform_8, window_bounds = array<i64: 128, 128>}, {pipeline_mode = #tpu.pipeline_mode<synchronous>, transform_indices = @transform_9, window_bounds = array<i64: 128, 128>}, {pipeline_mode = #tpu.pipeline_mode<synchronous>, transform_indices = @transform_10, window_bounds = array<i64: 1, 128>}, {transform_indices = @transform_11, window_bounds = array<i64: 2000, 256>}, {transform_indices = @transform_12, window_bounds = array<i64: 2000, 128>}]} {
    %get3A = arith.constant 0 : index
    %get3A_0 = arith.constant 0 : index
    %get3A_1 = vector.load %arg1[%get3A, %get3A_0] : memref<2000x128xf32, #tpu.memory_space<vmem>>, vector<2000x128xf32>
    %get3A_2 = arith.constant 0 : index
    %get3A_3 = arith.constant 0 : index
    %get3A_4 = vector.load %arg7[%get3A_2, %get3A_3] : memref<128x128xf32, #tpu.memory_space<vmem>>, vector<128x128xf32>
    %dot_general3A = arith.constant dense<0.000000e+00> : vector<2000x128xf32>
    %dot_general3A_5 = tpu.matmul %get3A_1, %get3A_4, %dot_general3A {dimension_numbers = #tpu.dot_dimension_numbers<[1], [0], [0], [1], [0, 0, 1, 1], [], []>, transpose_lhs_hint = false} : vector<2000x128xf32>, vector<128x128xf32>, vector<2000x128xf32> -> vector<2000x128xf32>
    %swap3A = arith.constant 0 : index
    %swap3A_6 = arith.constant 0 : index
    %swap3A_7 = vector.load %arg12[%swap3A, %swap3A_6] : memref<2000x256xf32, #tpu.memory_space<vmem>>, vector<2000x128xf32>
    tpu.vector_store %arg12[%swap3A, %swap3A_6], %dot_general3A_5 {strides = array<i32>} : memref<2000x256xf32, #tpu.memory_space<vmem>>, vector<2000x128xf32>,
    %get3A_8 = arith.constant 0 : index
    %get3A_9 = arith.constant 0 : index
    %get3A_10 = vector.load %arg8[%get3A_8, %get3A_9] : memref<128x128xf32, #tpu.memory_space<vmem>>, vector<128x128xf32>
    %dot_general3A_11 = arith.constant dense<0.000000e+00> : vector<2000x128xf32>
    %dot_general3A_12 = tpu.matmul %get3A_1, %get3A_10, %dot_general3A_11 {dimension_numbers = #tpu.dot_dimension_numbers<[1], [0], [0], [1], [0, 0, 1, 1], [], []>, transpose_lhs_hint = false} : vector<2000x128xf32>, vector<128x128xf32>, vector<2000x128xf32> -> vector<2000x128xf32>
    %swap3A_13 = arith.constant 0 : index
    %swap3A_14 = arith.constant 128 : index
    %swap3A_15 = vector.load %arg12[%swap3A_13, %swap3A_14] : memref<2000x256xf32, #tpu.memory_space<vmem>>, vector<2000x128xf32>
    tpu.vector_store %arg12[%swap3A_13, %swap3A_14], %dot_general3A_12 {strides = array<i32>} : memref<2000x256xf32, #tpu.memory_space<vmem>>, vector<2000x128xf32>,
    %get3A_16 = arith.constant 0 : index
    %get3A_17 = arith.constant 0 : index
    %get3A_18 = vector.load %arg2[%get3A_16, %get3A_17] : memref<2000x128xf32, #tpu.memory_space<vmem>>, vector<2000x128xf32>
    %get3A_19 = arith.constant 0 : index
    %get3A_20 = arith.constant 0 : index
    %get3A_21 = vector.load %arg3[%get3A_19, %get3A_20] : memref<2000x1xf32, #tpu.memory_space<vmem>>, vector<2000x1xf32>
    %neg3A = arith.constant 0.000000e+00 : f32
    %neg3A_22 = vector.broadcast %neg3A : f32 to vector<2000x1xf32>
    %neg3A_23 = arith.subf %neg3A_22, %get3A_21 : vector<2000x1xf32>
    %mul3A = arith.constant 1.000000e-01 : f32
    %mul3A_24 = vector.broadcast %mul3A : f32 to vector<2000x1xf32>
    %mul3A_25 = arith.mulf %neg3A_23, %mul3A_24 : vector<2000x1xf32>
    %exp3A = math.exp %mul3A_25 : vector<2000x1xf32>
    %mul3A_26 = vector.broadcast %exp3A : vector<2000x1xf32> to vector<2000x128xf32>
    %mul3A_27 = arith.mulf %get3A_18, %mul3A_26 : vector<2000x128xf32>
    %get3A_28 = arith.constant 0 : index
    %get3A_29 = arith.constant 0 : index
    %get3A_30 = vector.load %arg4[%get3A_28, %get3A_29] : memref<2000x128xf32, #tpu.memory_space<vmem>>, vector<2000x128xf32>
    %get3A_31 = arith.constant 0 : index
    %get3A_32 = arith.constant 0 : index
    %get3A_33 = vector.load %arg5[%get3A_31, %get3A_32] : memref<2000x1xf32, #tpu.memory_space<vmem>>, vector<2000x1xf32>
    %neg3A_34 = arith.constant 0.000000e+00 : f32
    %neg3A_35 = vector.broadcast %neg3A_34 : f32 to vector<2000x1xf32>
    %neg3A_36 = arith.subf %neg3A_35, %get3A_33 : vector<2000x1xf32>
    %mul3A_37 = arith.constant 1.000000e-01 : f32
    %mul3A_38 = vector.broadcast %mul3A_37 : f32 to vector<2000x1xf32>
    %mul3A_39 = arith.mulf %neg3A_36, %mul3A_38 : vector<2000x1xf32>
    %exp3A_40 = math.exp %mul3A_39 : vector<2000x1xf32>
    %mul3A_41 = vector.broadcast %exp3A_40 : vector<2000x1xf32> to vector<2000x128xf32>
    %mul3A_42 = arith.mulf %get3A_30, %mul3A_41 : vector<2000x128xf32>
    %get3A_43 = arith.constant 0 : index
    %get3A_44 = arith.constant 0 : index
    %get3A_45 = vector.load %arg6[%get3A_43, %get3A_44] : memref<128x128xf32, #tpu.memory_space<vmem>>, vector<128x128xf32>
    %dot_general3A_46 = arith.constant dense<0.000000e+00> : vector<2000x128xf32>
    %dot_general3A_47 = tpu.matmul %get3A_1, %get3A_45, %dot_general3A_46 {dimension_numbers = #tpu.dot_dimension_numbers<[1], [0], [0], [1], [0, 0, 1, 1], [], []>, transpose_lhs_hint = false} : vector<2000x128xf32>, vector<128x128xf32>, vector<2000x128xf32> -> vector<2000x128xf32>
    %get3A_48 = arith.constant 0 : index
    %get3A_49 = arith.constant 0 : index
    %get3A_50 = vector.load %arg9[%get3A_48, %get3A_49] : memref<128x128xf32, #tpu.memory_space<vmem>>, vector<128x128xf32>
    %dot_general3A_51 = arith.constant dense<0.000000e+00> : vector<2000x128xf32>
    %dot_general3A_52 = tpu.matmul %mul3A_27, %get3A_50, %dot_general3A_51 {dimension_numbers = #tpu.dot_dimension_numbers<[1], [0], [0], [1], [0, 0, 1, 1], [], []>, transpose_lhs_hint = false} : vector<2000x128xf32>, vector<128x128xf32>, vector<2000x128xf32> -> vector<2000x128xf32>
    %add3A = arith.addf %dot_general3A_47, %dot_general3A_52 : vector<2000x128xf32>
    %get3A_53 = arith.constant 0 : index
    %get3A_54 = arith.constant 0 : index
    %get3A_55 = vector.load %arg10[%get3A_53, %get3A_54] : memref<128x128xf32, #tpu.memory_space<vmem>>, vector<128x128xf32>
    %dot_general3A_56 = arith.constant dense<0.000000e+00> : vector<2000x128xf32>
    %dot_general3A_57 = tpu.matmul %mul3A_42, %get3A_55, %dot_general3A_56 {dimension_numbers = #tpu.dot_dimension_numbers<[1], [0], [0], [1], [0, 0, 1, 1], [], []>, transpose_lhs_hint = false} : vector<2000x128xf32>, vector<128x128xf32>, vector<2000x128xf32> -> vector<2000x128xf32>
    %add3A_58 = arith.addf %add3A, %dot_general3A_57 : vector<2000x128xf32>
    %get3A_59 = arith.constant 0 : index
    %get3A_60 = arith.constant 0 : index
    %get3A_61 = vector.load %arg11[%get3A_59, %get3A_60] : memref<1x128xf32, #tpu.memory_space<vmem>>, vector<1x128xf32>
    %add3A_62 = vector.broadcast %get3A_61 : vector<1x128xf32> to vector<2000x128xf32>
    %add3A_63 = arith.addf %add3A_58, %add3A_62 : vector<2000x128xf32>
    %swap3A_64 = arith.constant 0 : index
    %swap3A_65 = arith.constant 0 : index
    %swap3A_66 = vector.load %arg13[%swap3A_64, %swap3A_65] : memref<2000x128xf32, #tpu.memory_space<vmem>>, vector<2000x128xf32>
    tpu.vector_store %arg13[%swap3A_64, %swap3A_65], %add3A_63 {strides = array<i32>} : memref<2000x128xf32, #tpu.memory_space<vmem>>, vector<2000x128xf32>,
    return
  }
  func.func @transform_0(%arg0: i32) -> (i32, i32) {
    %c0_i32 = arith.constant 0 : i32
    %c0_i32_0 = arith.constant 0 : i32
    return %arg0, %c0_i32 : i32, i32
  }
  func.func @transform_1(%arg0: i32) -> (i32, i32) {
    %c0_i32 = arith.constant 0 : i32
    %c0_i32_0 = arith.constant 0 : i32
    return %arg0, %c0_i32 : i32, i32
  }
  func.func @transform_2(%arg0: i32) -> (i32, i32) {
    %c0_i32 = arith.constant 0 : i32
    %c0_i32_0 = arith.constant 0 : i32
    return %arg0, %c0_i32 : i32, i32
  }
  func.func @transform_3(%arg0: i32) -> (i32, i32) {
    %c0_i32 = arith.constant 0 : i32
    %c0_i32_0 = arith.constant 0 : i32
    return %arg0, %c0_i32 : i32, i32
  }
  func.func @transform_4(%arg0: i32) -> (i32, i32) {
    %c0_i32 = arith.constant 0 : i32
    %c0_i32_0 = arith.constant 0 : i32
    return %arg0, %c0_i32 : i32, i32
  }
  func.func @transform_5(%arg0: i32) -> (i32, i32) {
    %c0_i32 = arith.constant 0 : i32
    %c0_i32_0 = arith.constant 0 : i32
    %c0_i32_1 = arith.constant 0 : i32
    return %c0_i32, %c0_i32_0 : i32, i32
  }
  func.func @transform_6(%arg0: i32) -> (i32, i32) {
    %c0_i32 = arith.constant 0 : i32
    %c0_i32_0 = arith.constant 0 : i32
    %c0_i32_1 = arith.constant 0 : i32
    return %c0_i32, %c0_i32_0 : i32, i32
  }
  func.func @transform_7(%arg0: i32) -> (i32, i32) {
    %c0_i32 = arith.constant 0 : i32
    %c0_i32_0 = arith.constant 0 : i32
    %c0_i32_1 = arith.constant 0 : i32
    return %c0_i32, %c0_i32_0 : i32, i32
  }
  func.func @transform_8(%arg0: i32) -> (i32, i32) {
    %c0_i32 = arith.constant 0 : i32
    %c0_i32_0 = arith.constant 0 : i32
    %c0_i32_1 = arith.constant 0 : i32
    return %c0_i32, %c0_i32_0 : i32, i32
  }
  func.func @transform_9(%arg0: i32) -> (i32, i32) {
    %c0_i32 = arith.constant 0 : i32
    %c0_i32_0 = arith.constant 0 : i32
    %c0_i32_1 = arith.constant 0 : i32
    return %c0_i32, %c0_i32_0 : i32, i32
  }
  func.func @transform_10(%arg0: i32) -> (i32, i32) {
    %c0_i32 = arith.constant 0 : i32
    %c0_i32_0 = arith.constant 0 : i32
    %c0_i32_1 = arith.constant 0 : i32
    return %c0_i32, %c0_i32_0 : i32, i32
  }
  func.func @transform_11(%arg0: i32) -> (i32, i32) {
    %c0_i32 = arith.constant 0 : i32
    %c0_i32_0 = arith.constant 0 : i32
    return %arg0, %c0_i32 : i32, i32
  }
  func.func @transform_12(%arg0: i32) -> (i32, i32) {
    %c0_i32 = arith.constant 0 : i32
    %c0_i32_0 = arith.constant 0 : i32
    return %arg0, %c0_i32 : i32, i32
  }
}

module attributes {stable_mosaic.version = 14 : i64} {
  func.func @_tc_final_body(%arg0: i32, %arg1: memref<2x2000x128xf32, #tpu.memory_space<vmem>>, %arg2: memref<2000x128xf32, #tpu.memory_space<vmem>>, %arg3: memref<2000x128xf32, #tpu.memory_space<vmem>>) attributes {dimension_semantics = [#tpu.dimension_semantics<arbitrary>], iteration_bounds = array<i64: 5>, scalar_prefetch = 0 : i64, scratch_operands = 0 : i64, tpu.core_type = #tpu.core_type<tc>, window_params = [{transform_indices = @transform_0, window_bounds = array<i64: 2, 2000, 128>}, {transform_indices = @transform_1, window_bounds = array<i64: 2000, 128>}, {transform_indices = @transform_2, window_bounds = array<i64: 2000, 128>}]} {
    %get3A = arith.constant 0 : index
    %get3A_0 = arith.constant 0 : index
    %get3A_1 = arith.constant 0 : index
    %get3A_2 = vector.load %arg1[%get3A, %get3A_0, %get3A_1] : memref<2x2000x128xf32, #tpu.memory_space<vmem>>, vector<1x2000x128xf32>
    %get3A_3 = vector.shape_cast %get3A_2 : vector<1x2000x128xf32> to vector<2000x128xf32>
    %get3A_4 = arith.constant 1 : index
    %get3A_5 = arith.constant 0 : index
    %get3A_6 = arith.constant 0 : index
    %get3A_7 = vector.load %arg1[%get3A_4, %get3A_5, %get3A_6] : memref<2x2000x128xf32, #tpu.memory_space<vmem>>, vector<1x2000x128xf32>
    %get3A_8 = vector.shape_cast %get3A_7 : vector<1x2000x128xf32> to vector<2000x128xf32>
    %add3A = arith.addf %get3A_3, %get3A_8 : vector<2000x128xf32>
    %get3A_9 = arith.constant 0 : index
    %get3A_10 = arith.constant 0 : index
    %get3A_11 = vector.load %arg2[%get3A_9, %get3A_10] : memref<2000x128xf32, #tpu.memory_space<vmem>>, vector<2000x128xf32>
    %add3A_12 = arith.addf %add3A, %get3A_11 : vector<2000x128xf32>
    %max3A = arith.constant 0.000000e+00 : f32
    %max3A_13 = vector.broadcast %max3A : f32 to vector<2000x128xf32>
    %max3A_14 = arith.maximumf %add3A_12, %max3A_13 : vector<2000x128xf32>
    %swap3A = arith.constant 0 : index
    %swap3A_15 = arith.constant 0 : index
    %swap3A_16 = vector.load %arg3[%swap3A, %swap3A_15] : memref<2000x128xf32, #tpu.memory_space<vmem>>, vector<2000x128xf32>
    tpu.vector_store %arg3[%swap3A, %swap3A_15], %max3A_14 {strides = array<i32>} : memref<2000x128xf32, #tpu.memory_space<vmem>>, vector<2000x128xf32>,
    return
  }
  func.func @transform_0(%arg0: i32) -> (i32, i32, i32) {
    %c0_i32 = arith.constant 0 : i32
    %c0_i32_0 = arith.constant 0 : i32
    %c0_i32_1 = arith.constant 0 : i32
    return %c0_i32, %arg0, %c0_i32_0 : i32, i32, i32
  }
  func.func @transform_1(%arg0: i32) -> (i32, i32) {
    %c0_i32 = arith.constant 0 : i32
    %c0_i32_0 = arith.constant 0 : i32
    return %arg0, %c0_i32 : i32, i32
  }
  func.func @transform_2(%arg0: i32) -> (i32, i32) {
    %c0_i32 = arith.constant 0 : i32
    %c0_i32_0 = arith.constant 0 : i32
    return %arg0, %c0_i32 : i32, i32
  }
}

</mosaic_0001>

<sc_bundles>
// kernel: kernel.5.cloned.1.call-start
scs
__scs_entry_jumppad:
0x0: {  	(pc) =	sbr.rel $0x88, $3  }
0x1: {  	(tag) =	ssettag $0x0;
	lr =	simm.s32 $0x1  }
0x2: {  	[smem:$0x3F94] =	sst lr;
	_ =	strace $0xD0000000  }
0x3: {  	_ = 	snop  }
0x4: {  	_ = 	snop  }
0x5: {  	_ = 	snop  }
0x6: {  	_ = 	snop  }
0x7: {  	_ = 	snop  }
__scs_overlays_trampoline_lowered:
0x8: {  	[smem:$0x3FA3] =	sst s0  }
0x9: {  	[smem:$0x3FA4] =	sst s1  }
0xa: {  	[smem:$0x3FA5] =	sst s2  }
0xb: {  	[smem:$0x3FA6] =	sst s3  }
0xc: {  	[smem:$0x3FA7] =	sst s4  }
0xd: {  	[smem:$0x3FA8] =	sst s5  }
0xe: {  	[smem:$0x3FA9] =	sst s6  }
0xf: {  	[smem:$0x3FAA] =	sst s7  }
0x10: {  	[smem:$0x3FAB] =	sst s8  }
0x11: {  	[smem:$0x3FAC] =	sst s9;
	s0 =	simm.s32 @!p0 $0x0  }
0x12: {  	s1 =	sld [smem:$0x3F92];
	s0 =	simm.s32 @p0 $0x1  }
0x13: {  	[smem:$0x3FAD] =	sst s0;
	s0 =	simm.s32 @!p1 $0x0  }
0x14: {  	s2 =	sld [smem:$0x3F91];
	s0 =	simm.s32 @p1 $0x1  }
0x15: {  	[smem:$0x3FAE] =	sst s0;
	s0 =	simm.s32 @!p2 $0x0  }
0x16: {  	s3 =	sld [smem:$0x3FDB];
	s0 =	simm.s32 @p2 $0x1  }
0x17: {  	s4 =	simm.s32 $0x1BF5;
	[smem:$0x3FB0] =	sst s0  }
0x18: {  	s0 =	sld [smem:$0x3F93];
	_ =	swait.ge [sflag:s4], $0x0  }
0x19: {  	s7 =	sld [smem:$0x3F94]  }
0x1a: {  	s8 =	sadd.s32 $0xFFFFE003, lr  }
0x1b: {  	s9 =	sadd.s32 $0xFFFFFEF7, lr;
	s5 =	simm.s32 $0xFFFFFFFF;
	p2 =	slt.u32 s8, $0xFFFFF086  }
0x1c: {  	p1 =	slt.u32 s9, $0xF7A;
	s5 =	simm.s32 @!p2 $0x0  }
0x1d: {  	s5 =	simm.s32 @p1 $0x1;
	p0 =	seq.s32 s7, s2  }
0x1e: {  	s7 =	smul.u32 @!p0 $0xF7A, s2;
	p2 =	seq.s32 @!p0 s5, $0x0  }
0x1f: {  	s9 =	smul.u32 $0xF7A, s1;
	s8 =	simm.s32 @!p0 $0x1BF5;
	p2 =	por !p2, p0  }
0x20: {  	[sflag:s8] =	ssyncset.s32 @!p0 $0xFFFFF086;
	s6 =	sadd.s32 @!p0 s3, s7;
	s7 =	simm.s32 @!p0 $0x108  }
0x21: {  	s3 =	sadd.s32 s3, s9;
	s6 =	sadd.s32 @!p0 $0x88, s6;
	s7 =	simm.s32 @p2 $0x1082  }
0x22: {  	[simem:s7], [sflag:s8] =	dma.local @!p0 [hbm:s6], $0xF7A  }
0x23: {  	s9 =	sor.u32 $0xD0000000, s2;
	s6 =	simm.s32 $0x108;
	_ =	swait.ge @!p0 [sflag:s8], $0x0  }
0x24: {  	s3 =	sadd.s32 $0x88, s3;
	s6 =	simm.s32 @!p1 $0x1082;
	[sflag:s4] =	ssyncset.s32 $0xFFFFF086  }
0x25: {  	[simem:s6], [sflag:s4] =	dma.local [hbm:s3], $0xF7A  }
0x26: {  	[smem:$0x3F94] =	sst s1;
	(tag) =	ssettag s2;
	_ =	strace s9  }
0x27: {  	s1 =	sld [smem:$0x3FA4]  }
0x28: {  	s2 =	sld [smem:$0x3FA5]  }
0x29: {  	s4 =	sld [smem:$0x3FA7]  }
0x2a: {  	p0 =	seq.s32 s5, $0x0;
	s5 =	sld [smem:$0x3FA8]  }
0x2b: {  	s6 =	sld [smem:$0x3FA9]  }
0x2c: {  	s7 =	sld [smem:$0x3FAA]  }
0x2d: {  	s3 =	simm.s32 $0x108;
	s8 =	sld [smem:$0x3FAB]  }
0x2e: {  	s3 =	simm.s32 @!p0 $0x1082;
	s9 =	sld [smem:$0x3FAC]  }
0x2f: {  	lr =	sadd.s32 s0, s3;
	s0 =	sld [smem:$0x3FA3]  }
0x30: {  	s3 =	sld [smem:$0x3FA6]  }
0x31: {  	[smem:$0x3FAF] =	sst s10  }
0x32: {  	s10 =	sld [smem:$0x3FAD];
	_ =	sdelay $0x3  }
0x33: {  	p0 =	seq.s32 s10, $0x1;
	s10 =	sld [smem:$0x3FAF];
	_ =	sdelay $0x3  }
0x34: {  	[smem:$0x3FAF] =	sst s10  }
0x35: {  	s10 =	sld [smem:$0x3FAE];
	_ =	sdelay $0x3  }
0x36: {  	p1 =	seq.s32 s10, $0x1;
	s10 =	sld [smem:$0x3FAF];
	_ =	sdelay $0x3  }
0x37: {  	[smem:$0x3FAF] =	sst s10  }
0x38: {  	s10 =	sld [smem:$0x3FB0]  }
0x39: {  	_ = 	snop;
	(pc) =	sbr.ind lr, $3  }
0x3a: {  	_ = 	snop  }
0x3b: {  	_ = 	snop  }
0x3c: {  	p2 =	seq.s32 s10, $0x1;
	s10 =	sld [smem:$0x3FAF]  }
0x3d: {  	_ =	shalt  }
0x3e: {  	_ =	shalt  }
0x3f: {  	_ =	shalt  }
0x40: {  	_ =	shalt  }
0x41: {  	_ =	shalt  }
0x42: {  	_ =	shalt  }
0x43: {  	_ =	shalt  }
0x44: {  	_ =	shalt  }
0x45: {  	_ =	shalt  }
0x46: {  	_ =	shalt  }
0x47: {  	_ =	shalt  }
0x48: {  	_ =	shalt  }
0x49: {  	_ =	shalt  }
0x4a: {  	_ =	shalt  }
0x4b: {  	_ =	shalt  }
0x4c: {  	_ =	shalt  }
0x4d: {  	_ =	shalt  }
0x4e: {  	_ =	shalt  }
0x4f: {  	_ =	shalt  }
0x50: {  	_ =	shalt  }
0x51: {  	_ =	shalt  }
0x52: {  	_ =	shalt  }
0x53: {  	_ =	shalt  }
0x54: {  	_ =	shalt  }
0x55: {  	_ =	shalt  }
0x56: {  	_ =	shalt  }
0x57: {  	_ =	shalt  }
0x58: {  	_ =	shalt  }
0x59: {  	_ =	shalt  }
0x5a: {  	_ =	shalt  }
0x5b: {  	_ =	shalt  }
0x5c: {  	_ =	shalt  }
0x5d: {  	_ =	shalt  }
0x5e: {  	_ =	shalt  }
0x5f: {  	_ =	shalt  }
0x60: {  	_ =	shalt  }
0x61: {  	_ =	shalt  }
0x62: {  	_ =	shalt  }
0x63: {  	_ =	shalt  }
0x64: {  	_ =	shalt  }
0x65: {  	_ =	shalt  }
0x66: {  	_ =	shalt  }
0x67: {  	_ =	shalt  }
0x68: {  	_ =	shalt  }
0x69: {  	_ =	shalt  }
0x6a: {  	_ =	shalt  }
0x6b: {  	_ =	shalt  }
0x6c: {  	_ =	shalt  }
0x6d: {  	_ =	shalt  }
0x6e: {  	_ =	shalt  }
0x6f: {  	_ =	shalt  }
0x70: {  	_ =	shalt  }
0x71: {  	_ =	shalt  }
0x72: {  	_ =	shalt  }
0x73: {  	_ =	shalt  }
0x74: {  	_ =	shalt  }
0x75: {  	_ =	shalt  }
0x76: {  	_ =	shalt  }
0x77: {  	_ =	shalt  }
0x78: {  	_ =	shalt  }
0x79: {  	_ =	shalt  }
0x7a: {  	_ =	shalt  }
0x7b: {  	_ =	shalt  }
0x7c: {  	_ =	shalt  }
0x7d: {  	_ =	shalt  }
0x7e: {  	_ =	shalt  }
0x7f: {  	_ =	shalt  }
0x80: {  	_ =	shalt  }
0x81: {  	_ =	shalt  }
0x82: {  	_ =	shalt  }
0x83: {  	_ =	shalt  }
0x84: {  	_ =	shalt  }
0x85: {  	_ =	shalt  }
0x86: {  	_ =	shalt  }
0x87: {  	_ =	shalt  }
.Lfunc_end0:
.L_simem_size_0:
called_computation_lowered:
.L_overlay_start_0:
0x88: {  	s2 =	sld [smem:$0x3FD9]  }
0x89: {  	s3 =	sld [smem:$0x3FFE];
	_ =	sdelay $0x1  }
0x8a: {  	s1 =	srdreg.scid  }
0x8b: {  	s0 =	sand.u32 $0x1, s1  }
0x8c: {  	s17 =	sshll.u32 s0, $0xA;
	s2 =	sadd.s32 s3, s2  }
0x8d: {  	s2 =	sadd.s32 s2, s17  }
0x8e: {  	[smem:$0x3FBB] =	sst s2  }
0x8f: {  	_ = 	snop  }
0x90: {  	s2 =	sld [smem:$0x3FD0];
	(tm) =	ssettm $0x1  }
0x91: {  	s18 =	sld [smem:$0x3FFB];
	_ =	sdelay $0x3  }
0x92: {  	_ =	strace s18  }
0x93: {  	s3 =	sld [smem:$0x3FFC];
	_ =	sdelay $0x3  }
0x94: {  	_ =	strace s3  }
0x95: {  	s3 =	sld [smem:$0x3FFD];
	_ =	sdelay $0x3  }
0x96: {  	_ =	strace s3  }
0x97: {  	_ =	strace $0x8FFFFFFF  }
0x98: {  	s19 =	sld [smem:$0x3FDB];
	_ =	sdelay $0x1  }
0x99: {  	s4 =	simm.s32 $_scs_section_size  }
0x9a: {  	s5 =	simm.s32 $_size__tile_overlayer_lowered;
	s6 =	simm.s32 $_tile_overlayer_lowered  }
0x9b: {  	s22 =	simm.s32 $0x1BFF;
	s21 =	sshll.u32 s6, $0x1;
	s3 =	sadd.s32 s4, s19  }
0x9c: {  	s7 =	simm.s32 $0x0;
	s20 =	sshll.u32 s5, $0x1;
	s5 =	sadd.s32 s21, s3  }
0x9d: {  	[timem:s7], [sflag:s22] =	dma.local [hbm:s5], s20  }
0x9e: {  	_ =	swait.ge [sflag:s22], s20  }
0x9f: {  	s4 =	ssub.s32 $0x0, s20;
	[sflag:s22] =	ssyncset.done $0x0  }
0xa0: {  	[sflag:s22] =	ssyncadd.s32 s4;
	_ =	sdelay $0x1  }
0xa1: {  	s23 =	simm.s32 $0x1B8B  }
0xa2: {  	_ =	swait.ge [sflag:s23], $0x1  }
0xa3: {  	[sflag:s23] =	ssyncset.done $0x0  }
0xa4: {  	s25 =	simm.s32 $0x1B8E;
	s24 =	sld [smem:$0x3FFE];
	[sflag:s23] =	ssyncadd.s32 $0xFFFFFFFF  }
0xa5: {  	s26 =	simm.s32 $execute0_lowered;
	[smem:$0x3FD2] =	sst s25  }
0xa6: {  	s5 =	sshll.u32 s26, $0x1;
	_ =	strace $0x80000046;
	[dreg:$0x1] =	wrdreg $0xFFFFFFFF  }
0xa7: {  	s28 =	simm.s32 $_size_execute0_lowered;
	s3 =	sadd.s32 s3, s5;
	[dreg:$0x0] =	wrdreg $0x0  }
0xa8: {  	s5 =	sshll.u32 s28, $0x1;
	[dreg:$0x2] =	wrdreg s3  }
0xa9: {  	[dreg:$0x3] =	wrdreg s5  }
0xaa: {  	[dreg:$0x4] =	wrdreg $0xC0  }
0xab: {  	_ =	task [dreg:s7], $0x5FFFF  }
0xac: {  	[dreg:$0x1] =	wrdreg $0xFFFFFFFF  }
0xad: {  	[dreg:$0x0] =	wrdreg $0x60  }
0xae: {  	[dreg:$0x2] =	wrdreg s24  }
0xaf: {  	[dreg:$0x3] =	wrdreg s2  }
0xb0: {  	[dreg:$0x4] =	wrdreg $0xA4800  }
0xb1: {  	[dreg:$0x5] =	wrdreg $0x9  }
0xb2: {  	_ =	task.clear_ibuf [dreg:s7], $0x6FFFF;
	_ =	strace $0x90000046  }
0xb3: {  	s29 =	simm.s32 $0x9;
	_ =	strace $0x80000048  }
0xb4: {  	_ =	swait.ge [sflag:s29], $0x1  }
0xb5: {  	[sflag:s29] =	ssyncadd.s32 $0xFFFFFFFF  }
0xb6: {  	_ =	strace $0x90000048  }
0xb7: {  	_ =	sfence  }
0xb8: {  	s30 =	sld [smem:$0x0];
	_ =	sdelay $0x2  }
0xb9: {  	s31 =	sshll.u32 s1, $0xD;
	s1 =	sshrl.u32 s1, $0x2  }
0xba: {  	s3 =	sand.u32 $0x4000, s31;
	s1 =	sadd.s32 s1, s30  }
0xbb: {  	s0 =	sor.u32 s3, s0;
	s1 =	sshll.u32 s1, $0x11  }
0xbc: {  	s0 =	sor.u32 s1, s0  }
0xbd: {  	s0 =	sadd.s32 $0x8F2B, s0  }
0xbe: {  	[sflag:s0] =	ssyncadd.remote.s32 $0x1  }
0xbf: {  	_ =	sfence.sel $0xFFFF  }
0xc0: {  	[dreg:$0x0] =	wrdreg $0xFFFFFFFF;
	(pc) =	sbr.abs _section_cstart, $3  }
0xc1: {  	[dreg:$0x1] =	wrdreg $0xFFFFFFFF  }
0xc2: {  	_ =	task.clear_ibuf [dreg:s7], $0x2FFFF;
	_ =	strace $0x9FFFFFFF  }
0xc3: {  	(tm) =	ssettm $0x7FFFFFFF  }
tec
execute0_lowered:
.L_overlay_start_1:
0x0: {  	(tag) =	ssettag $0x1  }
0x1: {  	s0 =	srdreg.scid;
	s25 =	stileid.u32  }
0x2: {  	s0 =	sand.u32 $0x1, s0;
	s1 =	sshll.u32 s25, $0x1;
	s8 =	smul.u32 $0x13880, s25  }
0x3: {  	s3 =	rddreg [dreg:$0x0];
	s2 =	sor.u32 s0, s1;
	s6 =	smul.u32 $0x27100, s0  }
0x4: {  	s5 =	rddreg [dreg:$0x1];
	s1 =	simm.s32 $0x0;
	s4 =	smul.u32 $0x4F8, s2  }
0x5: {  	s0 =	ssub.s32 $0x2, s0;
	s2 =	smul.u32 $0x9F0, s2;
	[smem:$0x7FF] =	sst s1  }
0x6: {  	s7 =	sshrl.u32 s0, $0x1;
	s9 =	sshrl.u32 s8, $0x3;
	s12 =	sadd.s32 $0x6000, s8  }
0x7: {  	s14 =	sadd.s32 $0x8000, s8;
	s16 =	sadd.s32 $0xA000, s8;
	s20 =	sadd.s32 $0xC000, s8  }
0x8: {  	s21 =	sadd.s32 $0xE000, s8;
	s22 =	sadd.s32 $0x10000, s8;
	s6 =	sadd.s32 s6, s3  }
0x9: {  	s0 =	ssub.s32 s0, s7;
	s7 =	sadd.s32 $0x4000, s8;
	s31 =	sadd.s32 $0x9DE00, s6  }
0xa: {  	s24 =	sadd.s32 $0x12000, s8;
	s11 =	sshrl.u32 s7, $0x3;
	s9 =	sadd.s32 s9, s31  }
0xb: {  	s13 =	sshrl.u32 s12, $0x3;
	s11 =	sadd.s32 s11, s31;
	[dreg:$0x4] =	wrdreg s9  }
0xc: {  	s15 =	sshrl.u32 s14, $0x3;
	s13 =	sadd.s32 s13, s31;
	[dreg:$0x6] =	wrdreg s11  }
0xd: {  	s17 =	sshrl.u32 s16, $0x3;
	s15 =	sadd.s32 s15, s31;
	[dreg:$0x7] =	wrdreg s13  }
0xe: {  	s18 =	sshrl.u32 s20, $0x3;
	s17 =	sadd.s32 s17, s31;
	[dreg:$0x8] =	wrdreg s15  }
0xf: {  	s19 =	sshrl.u32 s21, $0x3;
	s18 =	sadd.s32 s18, s31;
	[dreg:$0x9] =	wrdreg s17  }
0x10: {  	s23 =	sshrl.u32 s22, $0x3;
	s26 =	sadd.s32 s19, s31;
	[dreg:$0xa] =	wrdreg s18  }
0x11: {  	s29 =	sshrl.u32 s24, $0x3;
	s28 =	sadd.s32 s23, s31;
	[dreg:$0xb] =	wrdreg s26  }
0x12: {  	s2 =	sadd.s32 s5, s2;
	s6 =	sadd.s32 $0x2000, s8;
	[dreg:$0xc] =	wrdreg s28  }
0x13: {  	s10 =	sshrl.u32 s6, $0x3;
	s5 =	sadd.s32 s29, s31;
	s13 =	rddreg [dreg:$0x2]  }
0x14: {  	s4 =	sadd.s32 s4, s3;
	s10 =	sadd.s32 s10, s31;
	[dreg:$0xd] =	wrdreg s5  }
0x15: {  	s15 =	sadd.s32 $0x4FC00, s3;
	s31 =	sadd.s32 $0x1A00, s3;
	[dreg:$0x5] =	wrdreg s10  }
0x16: {  	s3 =	sadd.s32 $0x1C00, s3;
	_ =	strace $0x80000047;
	[dreg:$0xe] =	wrdreg s31  }
0x17: {  	s9 =	sadd.s32 s8, s13;
	[dreg:$0xf] =	wrdreg s3  }
0x18: {  	s10 =	sadd.s32 s6, s13;
	[dreg:$0x10] =	wrdreg s9  }
0x19: {  	s11 =	sadd.s32 s7, s13;
	[dreg:$0x11] =	wrdreg s10  }
0x1a: {  	s12 =	sadd.s32 s12, s13;
	[dreg:$0x12] =	wrdreg s11  }
0x1b: {  	s30 =	smul.u32 $0x4E400, s25;
	s17 =	sadd.s32 s14, s13;
	[dreg:$0x13] =	wrdreg s12  }
0x1c: {  	s0 =	smax.u32 s0, $0x1;
	s23 =	sadd.s32 s16, s13;
	[dreg:$0x14] =	wrdreg s17  }
0x1d: {  	s19 =	sadd.s32 $0x1E00, s4;
	s25 =	sadd.s32 s20, s13;
	[dreg:$0x15] =	wrdreg s23  }
0x1e: {  	s5 =	sshrl.u32 s30, $0x2;
	s26 =	sadd.s32 s21, s13;
	[dreg:$0x16] =	wrdreg s25  }
0x1f: {  	s18 =	sadd.s32 s5, s13;
	s28 =	sadd.s32 s22, s13;
	[dreg:$0x17] =	wrdreg s26  }
0x20: {  	s29 =	sadd.s32 s24, s13;
	s14 =	simm.s32 $0x340;
	[dreg:$0x18] =	wrdreg s28  }
0x21: {  	s16 =	simm.s32 $0x8480;
	s20 =	simm.s32 $0x1;
	[dreg:$0x19] =	wrdreg s29  }
0x22: {  	s21 =	simm.s32 $0x2;
	s22 =	simm.s32 $0x3;
	[dreg:$0x1a] =	wrdreg s0  }
0x23: {  	s30 =	sadd.s32 $0x2000, s18;
	s31 =	sadd.s32 $0x4000, s18;
	s3 =	sadd.s32 $0x6000, s18  }
0x24: {  	s4 =	sadd.s32 $0x8000, s18;
	s5 =	sadd.s32 $0xA000, s18;
	s6 =	sadd.s32 $0xC000, s18  }
0x25: {  	s7 =	sadd.s32 $0xE000, s18;
	s8 =	sadd.s32 $0x10000, s18;
	s10 =	sadd.s32 $0x12000, s18  }
0x26: {  	s11 =	simm.s32 $0x240;
	s12 =	simm.s32 $0x4;
	[dreg:$0x1b] =	wrdreg s30  }
0x27: {  	v0 =	vimm.f32 $0.0e+00;
	v1 =	vimm.s32 $0x2710;
	s17 =	simm.s32 $0x40;
	s23 =	simm.s32 $0x0;
	[dreg:$0x1c] =	wrdreg s31  }
.LBB2_1:
0x28: {  	s0 =	rddreg [dreg:$0xe]  }
0x29: {  	[tilespmem:s11], [sflag:$0x4] =	stream.linear.gather [hbm4b:s0+s1], $0x100, $0x38;
	[tilespmem:$0x1DD80] =	vst v63  }
0x2a: {  	_ =	swait.ge [sflag:s12], $0x100  }
0x2b: {  	[sflag:s12] =	ssyncset.done $0x0  }
0x2c: {  	s31 =	rddreg [dreg:$0xf];
	[sflag:s12] =	ssyncadd.s32 $0xFFFFFF00  }
0x2d: {  	[tilespmem:s14], [sflag:$0x4] =	stream.linear.gather [hbm4b:s31+s1], $0x100, $0x38;
	[tilespmem:$0x1DD80] =	vst v63  }
0x2e: {  	_ =	swait.ge [sflag:s12], $0x100  }
0x2f: {  	[sflag:s12] =	ssyncset.done $0x0  }
0x30: {  	s24 =	simm.s32 $0x0;
	s25 =	simm.s32 $0x200;
	[sflag:s12] =	ssyncadd.s32 $0xFFFFFF00  }
.LBB2_2:
0x31: {  	p0 =	sne.s32 s25, $0x7E00;
	[tilespmem:s24+$0x84F0] =	vst v0  }
0x32: {  	[tilespmem:s24+$0x8480] =	vst v0  }
0x33: {  	[tilespmem:s24+$0x8490] =	vst v0  }
.Ltmp0:
0x34: {  	[tilespmem:s24+$0x84A0] =	vst v0;
	(pc) =	sbr.rel @p0 .LBB2_2-.Ltmp0, $4  }
0x35: {  	[tilespmem:s24+$0x84B0] =	vst v0  }
0x36: {  	[tilespmem:s24+$0x84C0] =	vst v0  }
0x37: {  	[tilespmem:s24+$0x84D0] =	vst v0  }
0x38: {  	[tilespmem:s24+$0x84E0] =	vst v0;
	s24 =	sshra.s32 s25, $0x2;
	s25 =	sadd.s32 $0x200, s25  }
0x39: {  	[tilespmem:s24+$0x84F0] =	vst v0  }
0x3a: {  	[tilespmem:s24+$0x8480] =	vst v0  }
0x3b: {  	[tilespmem:s24+$0x8490] =	vst v0  }
0x3c: {  	[tilespmem:s24+$0x84A0] =	vst v0  }
0x3d: {  	[tilespmem:s24+$0x84B0] =	vst v0  }
0x3e: {  	[tilespmem:s24+$0x84C0] =	vst v0  }
0x3f: {  	[tilespmem:s24+$0x84D0] =	vst v0  }
0x40: {  	[tilespmem:s24+$0x84E0] =	vst v0  }
0x41: {  	[tilespmem:$0x440] =	vst v1  }
0x42: {  	[tilespmem:$0x450] =	vst v1  }
0x43: {  	[tilespmem:$0x460] =	vst v1  }
0x44: {  	[tilespmem:$0x470] =	vst v1  }
0x45: {  	[spmem:s18] =	stream.linear.scatter [tilespmem:s16], [sflag:$0x4], $0x2000, $0x38;
	[tilespmem:$0x1DD80] =	vst v63  }
0x46: {  	_ =	swait.ge [sflag:s12], $0x2000  }
0x47: {  	[sflag:s12] =	ssyncset.done $0x0  }
0x48: {  	s0 =	rddreg [dreg:$0x1b];
	[sflag:s12] =	ssyncadd.s32 $0xFFFFE000  }
0x49: {  	[spmem:s0] =	stream.linear.scatter [tilespmem:s16], [sflag:$0x4], $0x2000, $0x38;
	[tilespmem:$0x1DD80] =	vst v63  }
0x4a: {  	_ =	swait.ge [sflag:s12], $0x2000  }
0x4b: {  	[sflag:s12] =	ssyncset.done $0x0  }
0x4c: {  	s24 =	rddreg [dreg:$0x1c];
	[sflag:s12] =	ssyncadd.s32 $0xFFFFE000  }
0x4d: {  	[spmem:s24] =	stream.linear.scatter [tilespmem:s16], [sflag:$0x4], $0x2000, $0x38;
	[tilespmem:$0x1DD80] =	vst v63  }
0x4e: {  	_ =	swait.ge [sflag:s12], $0x2000  }
0x4f: {  	[sflag:s12] =	ssyncset.done $0x0  }
0x50: {  	[sflag:s12] =	ssyncadd.s32 $0xFFFFE000  }
0x51: {  	[spmem:s3] =	stream.linear.scatter [tilespmem:s16], [sflag:$0x4], $0x2000, $0x38;
	[tilespmem:$0x1DD80] =	vst v63  }
0x52: {  	_ =	swait.ge [sflag:s12], $0x2000  }
0x53: {  	[sflag:s12] =	ssyncset.done $0x0  }
0x54: {  	[sflag:s12] =	ssyncadd.s32 $0xFFFFE000  }
0x55: {  	[spmem:s4] =	stream.linear.scatter [tilespmem:s16], [sflag:$0x4], $0x2000, $0x38;
	[tilespmem:$0x1DD80] =	vst v63  }
0x56: {  	_ =	swait.ge [sflag:s12], $0x2000  }
0x57: {  	[sflag:s12] =	ssyncset.done $0x0  }
0x58: {  	[sflag:s12] =	ssyncadd.s32 $0xFFFFE000  }
0x59: {  	[spmem:s5] =	stream.linear.scatter [tilespmem:s16], [sflag:$0x4], $0x2000, $0x38;
	[tilespmem:$0x1DD80] =	vst v63  }
0x5a: {  	_ =	swait.ge [sflag:s12], $0x2000  }
0x5b: {  	[sflag:s12] =	ssyncset.done $0x0  }
0x5c: {  	[sflag:s12] =	ssyncadd.s32 $0xFFFFE000  }
0x5d: {  	[spmem:s6] =	stream.linear.scatter [tilespmem:s16], [sflag:$0x4], $0x2000, $0x38;
	[tilespmem:$0x1DD80] =	vst v63  }
0x5e: {  	_ =	swait.ge [sflag:s12], $0x2000  }
0x5f: {  	[sflag:s12] =	ssyncset.done $0x0  }
0x60: {  	[sflag:s12] =	ssyncadd.s32 $0xFFFFE000  }
0x61: {  	[spmem:s7] =	stream.linear.scatter [tilespmem:s16], [sflag:$0x4], $0x2000, $0x38;
	[tilespmem:$0x1DD80] =	vst v63  }
0x62: {  	_ =	swait.ge [sflag:s12], $0x2000  }
0x63: {  	[sflag:s12] =	ssyncset.done $0x0  }
0x64: {  	[sflag:s12] =	ssyncadd.s32 $0xFFFFE000  }
0x65: {  	[spmem:s8] =	stream.linear.scatter [tilespmem:s16], [sflag:$0x4], $0x2000, $0x38;
	[tilespmem:$0x1DD80] =	vst v63  }
0x66: {  	_ =	swait.ge [sflag:s12], $0x2000  }
0x67: {  	[sflag:s12] =	ssyncset.done $0x0  }
0x68: {  	[sflag:s12] =	ssyncadd.s32 $0xFFFFE000  }
0x69: {  	[spmem:s10] =	stream.linear.scatter [tilespmem:s16], [sflag:$0x4], $0x1900, $0x38;
	[tilespmem:$0x1DD80] =	vst v63  }
0x6a: {  	_ =	swait.ge [sflag:s12], $0x1900  }
0x6b: {  	[sflag:s12] =	ssyncset.done $0x0  }
0x6c: {  	[sflag:s12] =	ssyncadd.s32 $0xFFFFE700  }
0x6d: {  	s25 =	simm.s32 $0x440;
	[bflag:$0x0] =	sbarrier.arrive $0xFFFF  }
0x6e: {  	[spmem:s13] =	stream.indirect.scatter.add.f32 [tilespmem:s16], [sflag:$0x3], $0x80, s25, s17, $0xb8;
	[tilespmem:$0x1DD80] =	vst v63  }
0x6f: {  	s24 =	simm.s32 $0x0  }
0x70: {  	[tilespmem:s24], [sflag:$0x1] =	stream.linear.gather [hbm4b:s2+s24], $0x80, $0x38;
	[tilespmem:$0x1DD80] =	vst v63  }
0x71: {  	s26 =	simm.s32 $0x180  }
0x72: {  	[tilespmem:s26], [sflag:$0x1] =	stream.linear.gather [hbm4b:s19+s24], $0x40, $0x38;
	[tilespmem:$0x1DD80] =	vst v63  }
0x73: {  	s28 =	simm.s32 $0x80;
	s25 =	sadd.s32 $0x10, s2  }
0x74: {  	[tilespmem:s28], [sflag:$0x1] =	stream.linear.gather [hbm4b:s25+s24], $0x80, $0x38;
	[tilespmem:$0x1DD80] =	vst v63  }
0x75: {  	s29 =	sadd.s32 $0x8, s19;
	s30 =	simm.s32 $0x1C0  }
0x76: {  	[tilespmem:s30], [sflag:$0x1] =	stream.linear.gather [hbm4b:s29+s24], $0x40, $0x38;
	[tilespmem:$0x1DD80] =	vst v63  }
0x77: {  	_ =	swait.ge [sflag:s20], $0x80  }
0x78: {  	[sflag:s20] =	ssyncset.done $0x0  }
0x79: {  	[sflag:s20] =	ssyncadd.s32 $0xFFFFFF80  }
0x7a: {  	_ =	swait.ge [sflag:s20], $0x40  }
0x7b: {  	[sflag:s20] =	ssyncset.done $0x0  }
0x7c: {  	s31 =	simm.s32 $0x480;
	s25 =	simm.s32 $0x0;
	[sflag:s20] =	ssyncadd.s32 $0xFFFFFFC0  }
0x7d: {  	[tilespmem:s31], [sflag:$0x2] =	stream.indirect.gather [hbm4b:s15+s17], $0x100, s24, s17, $0xb8;
	[tilespmem:$0x1DD80] =	vst v63  }
.LBB2_4:
0x7e: {  	s26 =	smov.u32 s25;
	s25 =	sadd.s32 $0x1, s25  }
0x7f: {  	s28 =	sand.u32 $0xFF, s25  }
0x80: {  	s28 =	smul.u32 $0xAB, s28  }
0x81: {  	_ =	swait.ge [sflag:s20], $0x80  }
0x82: {  	[sflag:s20] =	ssyncset.done $0x0;
	s29 =	sadd.s32 $0x2, s26;
	s28 =	sshrl.u32 s28, $0x9  }
0x83: {  	s31 =	sshll.u32 s25, $0xE;
	s30 =	sand.u32 $0xFF, s29;
	s28 =	smul.u32 $0x3, s28  }
0x84: {  	[sflag:s20] =	ssyncadd.s32 $0xFFFFFF80;
	s31 =	sand.u32 $0x4000, s31;
	s30 =	smul.u32 $0xAB, s30  }
0x85: {  	_ =	swait.ge [sflag:s20], $0x40;
	s31 =	sor.u32 $0x480, s31;
	s28 =	ssub.s32 s25, s28  }
0x86: {  	[sflag:s20] =	ssyncset.done $0x0;
	s30 =	sshrl.u32 s30, $0x9;
	s28 =	sand.u32 $0xFF, s28  }
0x87: {  	[sflag:s20] =	ssyncadd.s32 $0xFFFFFFC0;
	s30 =	smul.u32 $0x3, s30;
	s28 =	sshll.u32 s28, $0x7  }
0x88: {  	[tilespmem:s31], [sflag:$0x2] =	stream.indirect.gather [hbm4b:s15+s17], $0x100, s28, s17, $0xb8;
	[tilespmem:$0x1DD80] =	vst v63  }
0x89: {  	s28 =	ssub.s32 s29, s30  }
0x8a: {  	s30 =	sshll.u32 s29, $0x4;
	s28 =	sand.u32 $0xFF, s28  }
0x8b: {  	s0 =	smul.u32 $0xAB, s26;
	s30 =	sadd.s32 s2, s30;
	s9 =	sshll.u32 s28, $0x7  }
0x8c: {  	[tilespmem:s9], [sflag:$0x1] =	stream.linear.gather [hbm4b:s30+s24], $0x80, $0x38;
	[tilespmem:$0x1DD80] =	vst v63  }
0x8d: {  	s30 =	sshrl.u32 s0, $0x9  }
0x8e: {  	s29 =	sshll.u32 s29, $0x3;
	s28 =	sshll.u32 s28, $0x6;
	s9 =	sand.u32 $0x7F, s30  }
0x8f: {  	s29 =	sadd.s32 s19, s29;
	s28 =	sadd.s32 $0x180, s28;
	s9 =	smul.u32 $0x3, s9  }
0x90: {  	[tilespmem:s28], [sflag:$0x1] =	stream.linear.gather [hbm4b:s29+s24], $0x40, $0x38;
	[tilespmem:$0x1DD80] =	vst v63  }
0x91: {  	s9 =	ssub.s32 s26, s9  }
0x92: {  	s28 =	sshll.u32 s26, $0xE;
	_ =	swait.ge [sflag:s21], $0x4000;
	s26 =	sand.u32 $0xFF, s9  }
0x93: {  	s31 =	sand.u32 $0x4000, s28;
	[sflag:s21] =	ssyncset.done $0x0;
	s28 =	sshll.u32 s26, $0x7  }
0x94: {  	[sflag:s21] =	ssyncadd.s32 $0xFFFFC000;
	s9 =	sor.u32 $0x480, s31;
	v2 =	vmov s28  }
0x95: {  	_ =	swait.ge [sflag:s22], $0x2000;
	v3 =	vmov s9  }
0x96: {  	[sflag:s22] =	ssyncset.done $0x0  }
0x97: {  	s28 =	simm.s32 $0x0;
	[sflag:s22] =	ssyncadd.s32 $0xFFFFE000  }
.LBB2_5:
0x98: {  	s29 =	sshll.u32 s28, $0x4;
	s9 =	sshll.u32 s28, $0xC  }
0x99: {  	v5 =	vld.idx.msk [tilespmem:v2+s29+$0x40 ss:$0x1], $0xffff;
	s9 =	sand.u32 $0x3FFFF000, s9  }
0x9a: {  	v6 =	vld.idx.msk [tilespmem:v3+s9+$0x0 ss:$0x1], $0xffff  }
0x9b: {  	v7 =	vld.idx.msk [tilespmem:v3+s9+$0x80 ss:$0x1], $0xffff  }
0x9c: {  	v10 =	vld.idx.msk [tilespmem:v3+s9+$0x10 ss:$0x1], $0xffff  }
0x9d: {  	v11 =	vld.idx.msk [tilespmem:v3+s9+$0x90 ss:$0x1], $0xffff  }
0x9e: {  	v14 =	vld.idx.msk [tilespmem:v3+s9+$0x20 ss:$0x1], $0xffff  }
0x9f: {  	v15 =	vld.idx.msk [tilespmem:v3+s9+$0xA0 ss:$0x1], $0xffff  }
0xa0: {  	v18 =	vld.idx.msk [tilespmem:v3+s9+$0x30 ss:$0x1], $0xffff  }
0xa1: {  	v19 =	vld.idx.msk [tilespmem:v3+s9+$0xB0 ss:$0x1], $0xffff  }
0xa2: {  	v22 =	vld.idx.msk [tilespmem:v3+s9+$0x40 ss:$0x1], $0xffff  }
0xa3: {  	v23 =	vld.idx.msk [tilespmem:v3+s9+$0xC0 ss:$0x1], $0xffff  }
0xa4: {  	v26 =	vld.idx.msk [tilespmem:v3+s9+$0x50 ss:$0x1], $0xffff  }
0xa5: {  	v27 =	vld.idx.msk [tilespmem:v3+s9+$0xD0 ss:$0x1], $0xffff  }
0xa6: {  	v30 =	vld.idx.msk [tilespmem:v3+s9+$0x60 ss:$0x1], $0xffff  }
0xa7: {  	s30 =	sor.u32 $0x1, s29;
	v31 =	vld.idx.msk [tilespmem:v3+s9+$0xE0 ss:$0x1], $0xffff  }
0xa8: {  	s31 =	sshll.u32 s30, $0x8;
	v38 =	vld.idx.msk [tilespmem:v3+s9+$0x70 ss:$0x1], $0xffff  }
0xa9: {  	v39 =	vld.idx.msk [tilespmem:v3+s9+$0xF0 ss:$0x1], $0xffff;
	s31 =	sand.u32 $0x3FFFF100, s31  }
0xaa: {  	v8 =	vld.idx.msk [tilespmem:v3+s31+$0x0 ss:$0x1], $0xffff  }
0xab: {  	v9 =	vld.idx.msk [tilespmem:v3+s31+$0x80 ss:$0x1], $0xffff  }
0xac: {  	v12 =	vld.idx.msk [tilespmem:v3+s31+$0x10 ss:$0x1], $0xffff  }
0xad: {  	v13 =	vld.idx.msk [tilespmem:v3+s31+$0x90 ss:$0x1], $0xffff  }
0xae: {  	v16 =	vld.idx.msk [tilespmem:v3+s31+$0x20 ss:$0x1], $0xffff  }
0xaf: {  	v17 =	vld.idx.msk [tilespmem:v3+s31+$0xA0 ss:$0x1], $0xffff  }
0xb0: {  	v4 =	vld.idx.msk [tilespmem:v5+s11+$0x0], $0xffff  }
0xb1: {  	v5 =	vld.idx.msk [tilespmem:v5+s14+$0x0], $0xffff  }
0xb2: {  	v20 =	vld.idx.msk [tilespmem:v3+s31+$0x30 ss:$0x1], $0xffff  }
0xb3: {  	v21 =	vld.idx.msk [tilespmem:v3+s31+$0xB0 ss:$0x1], $0xffff  }
0xb4: {  	v24 =	vld.idx.msk [tilespmem:v3+s31+$0x40 ss:$0x1], $0xffff  }
0xb5: {  	v25 =	vld.idx.msk [tilespmem:v3+s31+$0xC0 ss:$0x1], $0xffff  }
0xb6: {  	v28 =	vld.idx.msk [tilespmem:v3+s31+$0x50 ss:$0x1], $0xffff;
	v32 =	vbroadcast v4, $0x0;
	v33 =	vbroadcast v5, $0x0  }
0xb7: {  	v29 =	vld.idx.msk [tilespmem:v3+s31+$0xD0 ss:$0x1], $0xffff;
	v35 =	vbroadcast v4, $0x1;
	v36 =	vbroadcast v5, $0x1  }
0xb8: {  	v34 =	vld.idx.msk [tilespmem:v3+s31+$0x60 ss:$0x1], $0xffff;
	v6 =	vmul.f32 v6, v32;
	v7 =	vmul.f32 v7, v33  }
0xb9: {  	v37 =	vld.idx.msk [tilespmem:v3+s31+$0xE0 ss:$0x1], $0xffff;
	v8 =	vmul.f32 v8, v35;
	v9 =	vmul.f32 v9, v36  }
0xba: {  	s0 =	sshll.u32 s28, $0xB;
	v50 =	vld.idx.msk [tilespmem:v3+s31+$0x70 ss:$0x1], $0xffff;
	v48 =	vmul.f32 v10, v32;
	v49 =	vmul.f32 v11, v33;
	v6 =	vadd.f32 v7, v6  }
0xbb: {  	s9 =	sand.u32 $0x3FFFF800, s0;
	s30 =	sshll.u32 s30, $0x7;
	v53 =	vld.idx.msk [tilespmem:v3+s31+$0xF0 ss:$0x1], $0xffff;
	v51 =	vmul.f32 v12, v35;
	v52 =	vmul.f32 v13, v36;
	v8 =	vadd.f32 v9, v8  }
0xbc: {  	s30 =	sand.u32 $0x3FFFF880, s30;
	v54 =	vmul.f32 v14, v32;
	v55 =	vmul.f32 v15, v33;
	v7 =	vadd.f32 v49, v48;
	[tilespmem:s9+$0x8480] =	vst v6  }
0xbd: {  	v57 =	vmul.f32 v16, v35;
	v58 =	vmul.f32 v17, v36;
	v56 =	vadd.f32 v52, v51;
	[tilespmem:s30+$0x8480] =	vst v8  }
0xbe: {  	v60 =	vmul.f32 v18, v32;
	v61 =	vmul.f32 v19, v33;
	v59 =	vadd.f32 v55, v54;
	[tilespmem:s9+$0x8490] =	vst v7  }
0xbf: {  	v63 =	vmul.f32 v20, v35;
	v16 =	vmul.f32 v21, v36;
	v62 =	vadd.f32 v58, v57;
	[tilespmem:s30+$0x8490] =	vst v56  }
0xc0: {  	v18 =	vmul.f32 v22, v32;
	v19 =	vmul.f32 v23, v33;
	v17 =	vadd.f32 v61, v60;
	[tilespmem:s9+$0x84A0] =	vst v59  }
0xc1: {  	v21 =	vmul.f32 v24, v35;
	v22 =	vmul.f32 v25, v36;
	v20 =	vadd.f32 v16, v63;
	[tilespmem:s30+$0x84A0] =	vst v62  }
0xc2: {  	v24 =	vmul.f32 v26, v32;
	v25 =	vmul.f32 v27, v33;
	v23 =	vadd.f32 v19, v18;
	[tilespmem:s9+$0x84B0] =	vst v17  }
0xc3: {  	v27 =	vmul.f32 v28, v35;
	v28 =	vmul.f32 v29, v36;
	v26 =	vadd.f32 v22, v21;
	[tilespmem:s30+$0x84B0] =	vst v20  }
0xc4: {  	v30 =	vmul.f32 v30, v32;
	v40 =	vmul.f32 v31, v33;
	v29 =	vadd.f32 v25, v24;
	[tilespmem:s9+$0x84C0] =	vst v23  }
0xc5: {  	v42 =	vmul.f32 v34, v35;
	v43 =	vmul.f32 v37, v36;
	v41 =	vadd.f32 v28, v27;
	[tilespmem:s30+$0x84C0] =	vst v26  }
0xc6: {  	v45 =	vmul.f32 v38, v32;
	v46 =	vmul.f32 v39, v33;
	v44 =	vadd.f32 v40, v30;
	[tilespmem:s9+$0x84D0] =	vst v29  }
0xc7: {  	v47 =	vadd.f32 v43, v42;
	v48 =	vmul.f32 v50, v35;
	v49 =	vmul.f32 v53, v36;
	[tilespmem:s30+$0x84D0] =	vst v41  }
0xc8: {  	v50 =	vadd.f32 v46, v45;
	[tilespmem:s9+$0x84E0] =	vst v44  }
0xc9: {  	s31 =	sor.u32 $0x2, s29;
	v51 =	vadd.f32 v49, v48;
	[tilespmem:s30+$0x84E0] =	vst v47  }
0xca: {  	s0 =	sshll.u32 s31, $0x8;
	[tilespmem:s9+$0x84F0] =	vst v50  }
0xcb: {  	s9 =	sand.u32 $0x3FFFF200, s0;
	[tilespmem:s30+$0x84F0] =	vst v51  }
0xcc: {  	v6 =	vld.idx.msk [tilespmem:v3+s9+$0x0 ss:$0x1], $0xffff  }
0xcd: {  	v7 =	vld.idx.msk [tilespmem:v3+s9+$0x80 ss:$0x1], $0xffff  }
0xce: {  	v53 =	vld.idx.msk [tilespmem:v3+s9+$0x10 ss:$0x1], $0xffff  }
0xcf: {  	v54 =	vld.idx.msk [tilespmem:v3+s9+$0x90 ss:$0x1], $0xffff  }
0xd0: {  	v57 =	vld.idx.msk [tilespmem:v3+s9+$0x20 ss:$0x1], $0xffff  }
0xd1: {  	v58 =	vld.idx.msk [tilespmem:v3+s9+$0xA0 ss:$0x1], $0xffff  }
0xd2: {  	v61 =	vld.idx.msk [tilespmem:v3+s9+$0x30 ss:$0x1], $0xffff  }
0xd3: {  	v62 =	vld.idx.msk [tilespmem:v3+s9+$0xB0 ss:$0x1], $0xffff  }
0xd4: {  	v22 =	vld.idx.msk [tilespmem:v3+s9+$0x40 ss:$0x1], $0xffff  }
0xd5: {  	v23 =	vld.idx.msk [tilespmem:v3+s9+$0xC0 ss:$0x1], $0xffff  }
0xd6: {  	v26 =	vld.idx.msk [tilespmem:v3+s9+$0x50 ss:$0x1], $0xffff  }
0xd7: {  	v27 =	vld.idx.msk [tilespmem:v3+s9+$0xD0 ss:$0x1], $0xffff  }
0xd8: {  	v42 =	vld.idx.msk [tilespmem:v3+s9+$0x60 ss:$0x1], $0xffff  }
0xd9: {  	s30 =	sor.u32 $0x3, s29;
	v43 =	vld.idx.msk [tilespmem:v3+s9+$0xE0 ss:$0x1], $0xffff  }
0xda: {  	s0 =	sshll.u32 s30, $0x8;
	v46 =	vld.idx.msk [tilespmem:v3+s9+$0x70 ss:$0x1], $0xffff  }
0xdb: {  	v47 =	vld.idx.msk [tilespmem:v3+s9+$0xF0 ss:$0x1], $0xffff;
	s0 =	sand.u32 $0x3FFFF300, s0  }
0xdc: {  	v8 =	vld.idx.msk [tilespmem:v3+s0+$0x0 ss:$0x1], $0xffff  }
0xdd: {  	v52 =	vld.idx.msk [tilespmem:v3+s0+$0x80 ss:$0x1], $0xffff  }
0xde: {  	v55 =	vld.idx.msk [tilespmem:v3+s0+$0x10 ss:$0x1], $0xffff  }
0xdf: {  	v56 =	vld.idx.msk [tilespmem:v3+s0+$0x90 ss:$0x1], $0xffff  }
0xe0: {  	v59 =	vld.idx.msk [tilespmem:v3+s0+$0x20 ss:$0x1], $0xffff  }
0xe1: {  	v60 =	vld.idx.msk [tilespmem:v3+s0+$0xA0 ss:$0x1], $0xffff  }
0xe2: {  	v63 =	vld.idx.msk [tilespmem:v3+s0+$0x30 ss:$0x1], $0xffff  }
0xe3: {  	v21 =	vld.idx.msk [tilespmem:v3+s0+$0xB0 ss:$0x1], $0xffff  }
0xe4: {  	v24 =	vld.idx.msk [tilespmem:v3+s0+$0x40 ss:$0x1], $0xffff  }
0xe5: {  	v25 =	vld.idx.msk [tilespmem:v3+s0+$0xC0 ss:$0x1], $0xffff  }
0xe6: {  	v32 =	vbroadcast v4, $0x2;
	v33 =	vbroadcast v5, $0x2;
	v28 =	vld.idx.msk [tilespmem:v3+s0+$0x50 ss:$0x1], $0xffff  }
0xe7: {  	v35 =	vbroadcast v4, $0x3;
	v36 =	vbroadcast v5, $0x3;
	v29 =	vld.idx.msk [tilespmem:v3+s0+$0xD0 ss:$0x1], $0xffff  }
0xe8: {  	v44 =	vld.idx.msk [tilespmem:v3+s0+$0x60 ss:$0x1], $0xffff;
	v6 =	vmul.f32 v6, v32;
	v7 =	vmul.f32 v7, v33  }
0xe9: {  	v45 =	vld.idx.msk [tilespmem:v3+s0+$0xE0 ss:$0x1], $0xffff;
	v8 =	vmul.f32 v8, v35;
	v9 =	vmul.f32 v52, v36  }
0xea: {  	s31 =	sshll.u32 s31, $0x7;
	v50 =	vld.idx.msk [tilespmem:v3+s0+$0x70 ss:$0x1], $0xffff;
	v48 =	vmul.f32 v53, v32;
	v49 =	vmul.f32 v54, v33;
	v6 =	vadd.f32 v7, v6  }
0xeb: {  	s31 =	sand.u32 $0x3FFFF900, s31;
	s30 =	sshll.u32 s30, $0x7;
	v53 =	vld.idx.msk [tilespmem:v3+s0+$0xF0 ss:$0x1], $0xffff;
	v51 =	vmul.f32 v55, v35;
	v52 =	vmul.f32 v56, v36;
	v8 =	vadd.f32 v9, v8  }
0xec: {  	s9 =	sand.u32 $0x3FFFF980, s30;
	v54 =	vmul.f32 v57, v32;
	v7 =	vadd.f32 v49, v48;
	v55 =	vmul.f32 v58, v33;
	[tilespmem:s31+$0x8480] =	vst v6  }
0xed: {  	v57 =	vmul.f32 v59, v35;
	v58 =	vmul.f32 v60, v36;
	v56 =	vadd.f32 v52, v51;
	[tilespmem:s9+$0x8480] =	vst v8  }
0xee: {  	v60 =	vmul.f32 v61, v32;
	v61 =	vmul.f32 v62, v33;
	v59 =	vadd.f32 v55, v54;
	[tilespmem:s31+$0x8490] =	vst v7  }
0xef: {  	v63 =	vmul.f32 v63, v35;
	v16 =	vmul.f32 v21, v36;
	v62 =	vadd.f32 v58, v57;
	[tilespmem:s9+$0x8490] =	vst v56  }
0xf0: {  	v18 =	vmul.f32 v22, v32;
	v19 =	vmul.f32 v23, v33;
	v17 =	vadd.f32 v61, v60;
	[tilespmem:s31+$0x84A0] =	vst v59  }
0xf1: {  	v21 =	vmul.f32 v24, v35;
	v22 =	vmul.f32 v25, v36;
	v20 =	vadd.f32 v16, v63;
	[tilespmem:s9+$0x84A0] =	vst v62  }
0xf2: {  	v23 =	vadd.f32 v19, v18;
	v24 =	vmul.f32 v26, v32;
	v25 =	vmul.f32 v27, v33;
	[tilespmem:s31+$0x84B0] =	vst v17  }
0xf3: {  	v27 =	vmul.f32 v28, v35;
	v28 =	vmul.f32 v29, v36;
	v26 =	vadd.f32 v22, v21;
	[tilespmem:s9+$0x84B0] =	vst v20  }
0xf4: {  	v30 =	vmul.f32 v42, v32;
	v40 =	vmul.f32 v43, v33;
	v29 =	vadd.f32 v25, v24;
	[tilespmem:s31+$0x84C0] =	vst v23  }
0xf5: {  	v42 =	vmul.f32 v44, v35;
	v43 =	vmul.f32 v45, v36;
	v41 =	vadd.f32 v28, v27;
	[tilespmem:s9+$0x84C0] =	vst v26  }
0xf6: {  	v44 =	vadd.f32 v40, v30;
	v45 =	vmul.f32 v46, v32;
	v46 =	vmul.f32 v47, v33;
	[tilespmem:s31+$0x84D0] =	vst v29  }
0xf7: {  	v48 =	vmul.f32 v50, v35;
	v47 =	vadd.f32 v43, v42;
	v49 =	vmul.f32 v53, v36;
	[tilespmem:s9+$0x84D0] =	vst v41  }
0xf8: {  	v50 =	vadd.f32 v46, v45;
	[tilespmem:s31+$0x84E0] =	vst v44  }
0xf9: {  	s30 =	sor.u32 $0x4, s29;
	v51 =	vadd.f32 v49, v48;
	[tilespmem:s9+$0x84E0] =	vst v47  }
0xfa: {  	[tilespmem:s31+$0x84F0] =	vst v50;
	s31 =	sshll.u32 s30, $0x8  }
0xfb: {  	[tilespmem:s9+$0x84F0] =	vst v51;
	s0 =	sand.u32 $0x3FFFF400, s31  }
0xfc: {  	v6 =	vld.idx.msk [tilespmem:v3+s0+$0x0 ss:$0x1], $0xffff  }
0xfd: {  	v7 =	vld.idx.msk [tilespmem:v3+s0+$0x80 ss:$0x1], $0xffff  }
0xfe: {  	v53 =	vld.idx.msk [tilespmem:v3+s0+$0x10 ss:$0x1], $0xffff  }
0xff: {  	v54 =	vld.idx.msk [tilespmem:v3+s0+$0x90 ss:$0x1], $0xffff  }
0x100: {  	v57 =	vld.idx.msk [tilespmem:v3+s0+$0x20 ss:$0x1], $0xffff  }
0x101: {  	v58 =	vld.idx.msk [tilespmem:v3+s0+$0xA0 ss:$0x1], $0xffff  }
0x102: {  	v61 =	vld.idx.msk [tilespmem:v3+s0+$0x30 ss:$0x1], $0xffff  }
0x103: {  	v62 =	vld.idx.msk [tilespmem:v3+s0+$0xB0 ss:$0x1], $0xffff  }
0x104: {  	v22 =	vld.idx.msk [tilespmem:v3+s0+$0x40 ss:$0x1], $0xffff  }
0x105: {  	v23 =	vld.idx.msk [tilespmem:v3+s0+$0xC0 ss:$0x1], $0xffff  }
0x106: {  	v26 =	vld.idx.msk [tilespmem:v3+s0+$0x50 ss:$0x1], $0xffff  }
0x107: {  	v27 =	vld.idx.msk [tilespmem:v3+s0+$0xD0 ss:$0x1], $0xffff  }
0x108: {  	v42 =	vld.idx.msk [tilespmem:v3+s0+$0x60 ss:$0x1], $0xffff  }
0x109: {  	s9 =	sor.u32 $0x5, s29;
	v43 =	vld.idx.msk [tilespmem:v3+s0+$0xE0 ss:$0x1], $0xffff  }
0x10a: {  	s31 =	sshll.u32 s9, $0x8;
	v46 =	vld.idx.msk [tilespmem:v3+s0+$0x70 ss:$0x1], $0xffff  }
0x10b: {  	v47 =	vld.idx.msk [tilespmem:v3+s0+$0xF0 ss:$0x1], $0xffff;
	s31 =	sand.u32 $0x3FFFF500, s31  }
0x10c: {  	v8 =	vld.idx.msk [tilespmem:v3+s31+$0x0 ss:$0x1], $0xffff  }
0x10d: {  	v52 =	vld.idx.msk [tilespmem:v3+s31+$0x80 ss:$0x1], $0xffff  }
0x10e: {  	v55 =	vld.idx.msk [tilespmem:v3+s31+$0x10 ss:$0x1], $0xffff  }
0x10f: {  	v56 =	vld.idx.msk [tilespmem:v3+s31+$0x90 ss:$0x1], $0xffff  }
0x110: {  	v59 =	vld.idx.msk [tilespmem:v3+s31+$0x20 ss:$0x1], $0xffff  }
0x111: {  	v60 =	vld.idx.msk [tilespmem:v3+s31+$0xA0 ss:$0x1], $0xffff  }
0x112: {  	v63 =	vld.idx.msk [tilespmem:v3+s31+$0x30 ss:$0x1], $0xffff  }
0x113: {  	v21 =	vld.idx.msk [tilespmem:v3+s31+$0xB0 ss:$0x1], $0xffff  }
0x114: {  	v24 =	vld.idx.msk [tilespmem:v3+s31+$0x40 ss:$0x1], $0xffff  }
0x115: {  	v25 =	vld.idx.msk [tilespmem:v3+s31+$0xC0 ss:$0x1], $0xffff  }
0x116: {  	v32 =	vbroadcast v4, $0x4;
	v33 =	vbroadcast v5, $0x4;
	v28 =	vld.idx.msk [tilespmem:v3+s31+$0x50 ss:$0x1], $0xffff  }
0x117: {  	v35 =	vbroadcast v4, $0x5;
	v36 =	vbroadcast v5, $0x5;
	v29 =	vld.idx.msk [tilespmem:v3+s31+$0xD0 ss:$0x1], $0xffff  }
0x118: {  	v44 =	vld.idx.msk [tilespmem:v3+s31+$0x60 ss:$0x1], $0xffff;
	v6 =	vmul.f32 v6, v32;
	v7 =	vmul.f32 v7, v33  }
0x119: {  	v45 =	vld.idx.msk [tilespmem:v3+s31+$0xE0 ss:$0x1], $0xffff;
	v8 =	vmul.f32 v8, v35;
	v9 =	vmul.f32 v52, v36  }
0x11a: {  	s30 =	sshll.u32 s30, $0x7;
	v50 =	vld.idx.msk [tilespmem:v3+s31+$0x70 ss:$0x1], $0xffff;
	v48 =	vmul.f32 v53, v32;
	v49 =	vmul.f32 v54, v33;
	v6 =	vadd.f32 v7, v6  }
0x11b: {  	s0 =	sand.u32 $0x3FFFFA00, s30;
	s9 =	sshll.u32 s9, $0x7;
	v53 =	vld.idx.msk [tilespmem:v3+s31+$0xF0 ss:$0x1], $0xffff;
	v51 =	vmul.f32 v55, v35;
	v52 =	vmul.f32 v56, v36;
	v8 =	vadd.f32 v9, v8  }
0x11c: {  	s9 =	sand.u32 $0x3FFFFA80, s9;
	v54 =	vmul.f32 v57, v32;
	v7 =	vadd.f32 v49, v48;
	v55 =	vmul.f32 v58, v33;
	[tilespmem:s0+$0x8480] =	vst v6  }
0x11d: {  	v57 =	vmul.f32 v59, v35;
	v58 =	vmul.f32 v60, v36;
	v56 =	vadd.f32 v52, v51;
	[tilespmem:s9+$0x8480] =	vst v8  }
0x11e: {  	v60 =	vmul.f32 v61, v32;
	v61 =	vmul.f32 v62, v33;
	v59 =	vadd.f32 v55, v54;
	[tilespmem:s0+$0x8490] =	vst v7  }
0x11f: {  	v63 =	vmul.f32 v63, v35;
	v16 =	vmul.f32 v21, v36;
	v62 =	vadd.f32 v58, v57;
	[tilespmem:s9+$0x8490] =	vst v56  }
0x120: {  	v18 =	vmul.f32 v22, v32;
	v19 =	vmul.f32 v23, v33;
	v17 =	vadd.f32 v61, v60;
	[tilespmem:s0+$0x84A0] =	vst v59  }
0x121: {  	v21 =	vmul.f32 v24, v35;
	v22 =	vmul.f32 v25, v36;
	v20 =	vadd.f32 v16, v63;
	[tilespmem:s9+$0x84A0] =	vst v62  }
0x122: {  	v23 =	vadd.f32 v19, v18;
	v24 =	vmul.f32 v26, v32;
	v25 =	vmul.f32 v27, v33;
	[tilespmem:s0+$0x84B0] =	vst v17  }
0x123: {  	v27 =	vmul.f32 v28, v35;
	v28 =	vmul.f32 v29, v36;
	v26 =	vadd.f32 v22, v21;
	[tilespmem:s9+$0x84B0] =	vst v20  }
0x124: {  	v30 =	vmul.f32 v42, v32;
	v40 =	vmul.f32 v43, v33;
	v29 =	vadd.f32 v25, v24;
	[tilespmem:s0+$0x84C0] =	vst v23  }
0x125: {  	v42 =	vmul.f32 v44, v35;
	v43 =	vmul.f32 v45, v36;
	v41 =	vadd.f32 v28, v27;
	[tilespmem:s9+$0x84C0] =	vst v26  }
0x126: {  	v44 =	vadd.f32 v40, v30;
	v45 =	vmul.f32 v46, v32;
	v46 =	vmul.f32 v47, v33;
	[tilespmem:s0+$0x84D0] =	vst v29  }
0x127: {  	v48 =	vmul.f32 v50, v35;
	v47 =	vadd.f32 v43, v42;
	v49 =	vmul.f32 v53, v36;
	[tilespmem:s9+$0x84D0] =	vst v41  }
0x128: {  	v50 =	vadd.f32 v46, v45;
	[tilespmem:s0+$0x84E0] =	vst v44  }
0x129: {  	s30 =	sor.u32 $0x6, s29;
	v51 =	vadd.f32 v49, v48;
	[tilespmem:s9+$0x84E0] =	vst v47  }
0x12a: {  	s31 =	sshll.u32 s30, $0x8;
	[tilespmem:s0+$0x84F0] =	vst v50  }
0x12b: {  	s0 =	sand.u32 $0x3FFFF600, s31;
	[tilespmem:s9+$0x84F0] =	vst v51  }
0x12c: {  	v6 =	vld.idx.msk [tilespmem:v3+s0+$0x0 ss:$0x1], $0xffff  }
0x12d: {  	v7 =	vld.idx.msk [tilespmem:v3+s0+$0x80 ss:$0x1], $0xffff  }
0x12e: {  	v53 =	vld.idx.msk [tilespmem:v3+s0+$0x10 ss:$0x1], $0xffff  }
0x12f: {  	v54 =	vld.idx.msk [tilespmem:v3+s0+$0x90 ss:$0x1], $0xffff  }
0x130: {  	v57 =	vld.idx.msk [tilespmem:v3+s0+$0x20 ss:$0x1], $0xffff  }
0x131: {  	v58 =	vld.idx.msk [tilespmem:v3+s0+$0xA0 ss:$0x1], $0xffff  }
0x132: {  	v61 =	vld.idx.msk [tilespmem:v3+s0+$0x30 ss:$0x1], $0xffff  }
0x133: {  	v62 =	vld.idx.msk [tilespmem:v3+s0+$0xB0 ss:$0x1], $0xffff  }
0x134: {  	v22 =	vld.idx.msk [tilespmem:v3+s0+$0x40 ss:$0x1], $0xffff  }
0x135: {  	v23 =	vld.idx.msk [tilespmem:v3+s0+$0xC0 ss:$0x1], $0xffff  }
0x136: {  	v26 =	vld.idx.msk [tilespmem:v3+s0+$0x50 ss:$0x1], $0xffff  }
0x137: {  	v27 =	vld.idx.msk [tilespmem:v3+s0+$0xD0 ss:$0x1], $0xffff  }
0x138: {  	v42 =	vld.idx.msk [tilespmem:v3+s0+$0x60 ss:$0x1], $0xffff  }
0x139: {  	s9 =	sor.u32 $0x7, s29;
	v43 =	vld.idx.msk [tilespmem:v3+s0+$0xE0 ss:$0x1], $0xffff  }
0x13a: {  	s31 =	sshll.u32 s9, $0x8;
	v46 =	vld.idx.msk [tilespmem:v3+s0+$0x70 ss:$0x1], $0xffff  }
0x13b: {  	v47 =	vld.idx.msk [tilespmem:v3+s0+$0xF0 ss:$0x1], $0xffff;
	s31 =	sand.u32 $0x3FFFF700, s31  }
0x13c: {  	v8 =	vld.idx.msk [tilespmem:v3+s31+$0x0 ss:$0x1], $0xffff  }
0x13d: {  	v52 =	vld.idx.msk [tilespmem:v3+s31+$0x80 ss:$0x1], $0xffff  }
0x13e: {  	v55 =	vld.idx.msk [tilespmem:v3+s31+$0x10 ss:$0x1], $0xffff  }
0x13f: {  	v56 =	vld.idx.msk [tilespmem:v3+s31+$0x90 ss:$0x1], $0xffff  }
0x140: {  	v59 =	vld.idx.msk [tilespmem:v3+s31+$0x20 ss:$0x1], $0xffff  }
0x141: {  	v60 =	vld.idx.msk [tilespmem:v3+s31+$0xA0 ss:$0x1], $0xffff  }
0x142: {  	v63 =	vld.idx.msk [tilespmem:v3+s31+$0x30 ss:$0x1], $0xffff  }
0x143: {  	v21 =	vld.idx.msk [tilespmem:v3+s31+$0xB0 ss:$0x1], $0xffff  }
0x144: {  	v24 =	vld.idx.msk [tilespmem:v3+s31+$0x40 ss:$0x1], $0xffff  }
0x145: {  	v25 =	vld.idx.msk [tilespmem:v3+s31+$0xC0 ss:$0x1], $0xffff  }
0x146: {  	v32 =	vbroadcast v4, $0x6;
	v33 =	vbroadcast v5, $0x6;
	v28 =	vld.idx.msk [tilespmem:v3+s31+$0x50 ss:$0x1], $0xffff  }
0x147: {  	v35 =	vbroadcast v4, $0x7;
	v36 =	vbroadcast v5, $0x7;
	v29 =	vld.idx.msk [tilespmem:v3+s31+$0xD0 ss:$0x1], $0xffff  }
0x148: {  	v44 =	vld.idx.msk [tilespmem:v3+s31+$0x60 ss:$0x1], $0xffff;
	v6 =	vmul.f32 v6, v32;
	v7 =	vmul.f32 v7, v33  }
0x149: {  	v45 =	vld.idx.msk [tilespmem:v3+s31+$0xE0 ss:$0x1], $0xffff;
	v8 =	vmul.f32 v8, v35;
	v9 =	vmul.f32 v52, v36  }
0x14a: {  	s30 =	sshll.u32 s30, $0x7;
	v50 =	vld.idx.msk [tilespmem:v3+s31+$0x70 ss:$0x1], $0xffff;
	v48 =	vmul.f32 v53, v32;
	v49 =	vmul.f32 v54, v33;
	v6 =	vadd.f32 v7, v6  }
0x14b: {  	s0 =	sand.u32 $0x3FFFFB00, s30;
	s9 =	sshll.u32 s9, $0x7;
	v53 =	vld.idx.msk [tilespmem:v3+s31+$0xF0 ss:$0x1], $0xffff;
	v51 =	vmul.f32 v55, v35;
	v52 =	vmul.f32 v56, v36;
	v8 =	vadd.f32 v9, v8  }
0x14c: {  	s9 =	sand.u32 $0x3FFFFB80, s9;
	v54 =	vmul.f32 v57, v32;
	v7 =	vadd.f32 v49, v48;
	v55 =	vmul.f32 v58, v33;
	[tilespmem:s0+$0x8480] =	vst v6  }
0x14d: {  	v57 =	vmul.f32 v59, v35;
	v58 =	vmul.f32 v60, v36;
	v56 =	vadd.f32 v52, v51;
	[tilespmem:s9+$0x8480] =	vst v8  }
0x14e: {  	v60 =	vmul.f32 v61, v32;
	v61 =	vmul.f32 v62, v33;
	v59 =	vadd.f32 v55, v54;
	[tilespmem:s0+$0x8490] =	vst v7  }
0x14f: {  	v63 =	vmul.f32 v63, v35;
	v16 =	vmul.f32 v21, v36;
	v62 =	vadd.f32 v58, v57;
	[tilespmem:s9+$0x8490] =	vst v56  }
0x150: {  	v18 =	vmul.f32 v22, v32;
	v19 =	vmul.f32 v23, v33;
	v17 =	vadd.f32 v61, v60;
	[tilespmem:s0+$0x84A0] =	vst v59  }
0x151: {  	v21 =	vmul.f32 v24, v35;
	v22 =	vmul.f32 v25, v36;
	v20 =	vadd.f32 v16, v63;
	[tilespmem:s9+$0x84A0] =	vst v62  }
0x152: {  	v23 =	vadd.f32 v19, v18;
	v24 =	vmul.f32 v26, v32;
	v25 =	vmul.f32 v27, v33;
	[tilespmem:s0+$0x84B0] =	vst v17  }
0x153: {  	v27 =	vmul.f32 v28, v35;
	v28 =	vmul.f32 v29, v36;
	v26 =	vadd.f32 v22, v21;
	[tilespmem:s9+$0x84B0] =	vst v20  }
0x154: {  	v30 =	vmul.f32 v42, v32;
	v40 =	vmul.f32 v43, v33;
	v29 =	vadd.f32 v25, v24;
	[tilespmem:s0+$0x84C0] =	vst v23  }
0x155: {  	v42 =	vmul.f32 v44, v35;
	v43 =	vmul.f32 v45, v36;
	v41 =	vadd.f32 v28, v27;
	[tilespmem:s9+$0x84C0] =	vst v26  }
0x156: {  	v44 =	vadd.f32 v40, v30;
	v45 =	vmul.f32 v46, v32;
	v46 =	vmul.f32 v47, v33;
	[tilespmem:s0+$0x84D0] =	vst v29  }
0x157: {  	v48 =	vmul.f32 v50, v35;
	v47 =	vadd.f32 v43, v42;
	v49 =	vmul.f32 v53, v36;
	[tilespmem:s9+$0x84D0] =	vst v41  }
0x158: {  	v50 =	vadd.f32 v46, v45;
	[tilespmem:s0+$0x84E0] =	vst v44  }
0x159: {  	s30 =	sor.u32 $0x8, s29;
	v51 =	vadd.f32 v49, v48;
	[tilespmem:s9+$0x84E0] =	vst v47  }
0x15a: {  	s31 =	sshll.u32 s30, $0x8;
	[tilespmem:s0+$0x84F0] =	vst v50  }
0x15b: {  	s0 =	sand.u32 $0x3FFFF800, s31;
	[tilespmem:s9+$0x84F0] =	vst v51  }
0x15c: {  	v6 =	vld.idx.msk [tilespmem:v3+s0+$0x0 ss:$0x1], $0xffff  }
0x15d: {  	v7 =	vld.idx.msk [tilespmem:v3+s0+$0x80 ss:$0x1], $0xffff  }
0x15e: {  	v53 =	vld.idx.msk [tilespmem:v3+s0+$0x10 ss:$0x1], $0xffff  }
0x15f: {  	v54 =	vld.idx.msk [tilespmem:v3+s0+$0x90 ss:$0x1], $0xffff  }
0x160: {  	v57 =	vld.idx.msk [tilespmem:v3+s0+$0x20 ss:$0x1], $0xffff  }
0x161: {  	v58 =	vld.idx.msk [tilespmem:v3+s0+$0xA0 ss:$0x1], $0xffff  }
0x162: {  	v61 =	vld.idx.msk [tilespmem:v3+s0+$0x30 ss:$0x1], $0xffff  }
0x163: {  	v62 =	vld.idx.msk [tilespmem:v3+s0+$0xB0 ss:$0x1], $0xffff  }
0x164: {  	v22 =	vld.idx.msk [tilespmem:v3+s0+$0x40 ss:$0x1], $0xffff  }
0x165: {  	v23 =	vld.idx.msk [tilespmem:v3+s0+$0xC0 ss:$0x1], $0xffff  }
0x166: {  	v26 =	vld.idx.msk [tilespmem:v3+s0+$0x50 ss:$0x1], $0xffff  }
0x167: {  	v27 =	vld.idx.msk [tilespmem:v3+s0+$0xD0 ss:$0x1], $0xffff  }
0x168: {  	v42 =	vld.idx.msk [tilespmem:v3+s0+$0x60 ss:$0x1], $0xffff  }
0x169: {  	s9 =	sor.u32 $0x9, s29;
	v43 =	vld.idx.msk [tilespmem:v3+s0+$0xE0 ss:$0x1], $0xffff  }
0x16a: {  	s31 =	sshll.u32 s9, $0x8;
	v46 =	vld.idx.msk [tilespmem:v3+s0+$0x70 ss:$0x1], $0xffff  }
0x16b: {  	v47 =	vld.idx.msk [tilespmem:v3+s0+$0xF0 ss:$0x1], $0xffff;
	s31 =	sand.u32 $0x3FFFF900, s31  }
0x16c: {  	v8 =	vld.idx.msk [tilespmem:v3+s31+$0x0 ss:$0x1], $0xffff  }
0x16d: {  	v52 =	vld.idx.msk [tilespmem:v3+s31+$0x80 ss:$0x1], $0xffff  }
0x16e: {  	v55 =	vld.idx.msk [tilespmem:v3+s31+$0x10 ss:$0x1], $0xffff  }
0x16f: {  	v56 =	vld.idx.msk [tilespmem:v3+s31+$0x90 ss:$0x1], $0xffff  }
0x170: {  	v59 =	vld.idx.msk [tilespmem:v3+s31+$0x20 ss:$0x1], $0xffff  }
0x171: {  	v60 =	vld.idx.msk [tilespmem:v3+s31+$0xA0 ss:$0x1], $0xffff  }
0x172: {  	v63 =	vld.idx.msk [tilespmem:v3+s31+$0x30 ss:$0x1], $0xffff  }
0x173: {  	v21 =	vld.idx.msk [tilespmem:v3+s31+$0xB0 ss:$0x1], $0xffff  }
0x174: {  	v24 =	vld.idx.msk [tilespmem:v3+s31+$0x40 ss:$0x1], $0xffff  }
0x175: {  	v25 =	vld.idx.msk [tilespmem:v3+s31+$0xC0 ss:$0x1], $0xffff  }
0x176: {  	v32 =	vbroadcast v4, $0x8;
	v33 =	vbroadcast v5, $0x8;
	v28 =	vld.idx.msk [tilespmem:v3+s31+$0x50 ss:$0x1], $0xffff  }
0x177: {  	v35 =	vbroadcast v4, $0x9;
	v36 =	vbroadcast v5, $0x9;
	v29 =	vld.idx.msk [tilespmem:v3+s31+$0xD0 ss:$0x1], $0xffff  }
0x178: {  	v44 =	vld.idx.msk [tilespmem:v3+s31+$0x60 ss:$0x1], $0xffff;
	v6 =	vmul.f32 v6, v32;
	v7 =	vmul.f32 v7, v33  }
0x179: {  	v45 =	vld.idx.msk [tilespmem:v3+s31+$0xE0 ss:$0x1], $0xffff;
	v8 =	vmul.f32 v8, v35;
	v9 =	vmul.f32 v52, v36  }
0x17a: {  	s30 =	sshll.u32 s30, $0x7;
	v50 =	vld.idx.msk [tilespmem:v3+s31+$0x70 ss:$0x1], $0xffff;
	v48 =	vmul.f32 v53, v32;
	v49 =	vmul.f32 v54, v33;
	v6 =	vadd.f32 v7, v6  }
0x17b: {  	s0 =	sand.u32 $0x3FFFFC00, s30;
	s9 =	sshll.u32 s9, $0x7;
	v53 =	vld.idx.msk [tilespmem:v3+s31+$0xF0 ss:$0x1], $0xffff;
	v51 =	vmul.f32 v55, v35;
	v52 =	vmul.f32 v56, v36;
	v8 =	vadd.f32 v9, v8  }
0x17c: {  	s9 =	sand.u32 $0x3FFFFC80, s9;
	v54 =	vmul.f32 v57, v32;
	v7 =	vadd.f32 v49, v48;
	v55 =	vmul.f32 v58, v33;
	[tilespmem:s0+$0x8480] =	vst v6  }
0x17d: {  	v57 =	vmul.f32 v59, v35;
	v58 =	vmul.f32 v60, v36;
	v56 =	vadd.f32 v52, v51;
	[tilespmem:s9+$0x8480] =	vst v8  }
0x17e: {  	v60 =	vmul.f32 v61, v32;
	v61 =	vmul.f32 v62, v33;
	v59 =	vadd.f32 v55, v54;
	[tilespmem:s0+$0x8490] =	vst v7  }
0x17f: {  	v63 =	vmul.f32 v63, v35;
	v16 =	vmul.f32 v21, v36;
	v62 =	vadd.f32 v58, v57;
	[tilespmem:s9+$0x8490] =	vst v56  }
0x180: {  	v18 =	vmul.f32 v22, v32;
	v19 =	vmul.f32 v23, v33;
	v17 =	vadd.f32 v61, v60;
	[tilespmem:s0+$0x84A0] =	vst v59  }
0x181: {  	v21 =	vmul.f32 v24, v35;
	v22 =	vmul.f32 v25, v36;
	v20 =	vadd.f32 v16, v63;
	[tilespmem:s9+$0x84A0] =	vst v62  }
0x182: {  	v23 =	vadd.f32 v19, v18;
	v24 =	vmul.f32 v26, v32;
	v25 =	vmul.f32 v27, v33;
	[tilespmem:s0+$0x84B0] =	vst v17  }
0x183: {  	v27 =	vmul.f32 v28, v35;
	v28 =	vmul.f32 v29, v36;
	v26 =	vadd.f32 v22, v21;
	[tilespmem:s9+$0x84B0] =	vst v20  }
0x184: {  	v40 =	vmul.f32 v42, v32;
	v41 =	vmul.f32 v43, v33;
	v29 =	vadd.f32 v25, v24;
	[tilespmem:s0+$0x84C0] =	vst v23  }
0x185: {  	v43 =	vmul.f32 v44, v35;
	v44 =	vmul.f32 v45, v36;
	v42 =	vadd.f32 v28, v27;
	[tilespmem:s9+$0x84C0] =	vst v26  }
0x186: {  	v46 =	vmul.f32 v46, v32;
	v47 =	vmul.f32 v47, v33;
	v45 =	vadd.f32 v41, v40;
	[tilespmem:s0+$0x84D0] =	vst v29  }
0x187: {  	v49 =	vmul.f32 v50, v35;
	v48 =	vadd.f32 v44, v43;
	v50 =	vmul.f32 v53, v36;
	[tilespmem:s9+$0x84D0] =	vst v42  }
0x188: {  	v51 =	vadd.f32 v47, v46;
	[tilespmem:s0+$0x84E0] =	vst v45  }
0x189: {  	s30 =	sor.u32 $0xA, s29;
	v52 =	vadd.f32 v50, v49;
	[tilespmem:s9+$0x84E0] =	vst v48  }
0x18a: {  	s31 =	sshll.u32 s30, $0x8;
	[tilespmem:s0+$0x84F0] =	vst v51  }
0x18b: {  	s0 =	sand.u32 $0x3FFFFA00, s31;
	[tilespmem:s9+$0x84F0] =	vst v52  }
0x18c: {  	v6 =	vld.idx.msk [tilespmem:v3+s0+$0x0 ss:$0x1], $0xffff  }
0x18d: {  	v7 =	vld.idx.msk [tilespmem:v3+s0+$0x80 ss:$0x1], $0xffff  }
0x18e: {  	v54 =	vld.idx.msk [tilespmem:v3+s0+$0x10 ss:$0x1], $0xffff  }
0x18f: {  	v55 =	vld.idx.msk [tilespmem:v3+s0+$0x90 ss:$0x1], $0xffff  }
0x190: {  	v58 =	vld.idx.msk [tilespmem:v3+s0+$0x20 ss:$0x1], $0xffff  }
0x191: {  	v59 =	vld.idx.msk [tilespmem:v3+s0+$0xA0 ss:$0x1], $0xffff  }
0x192: {  	v62 =	vld.idx.msk [tilespmem:v3+s0+$0x30 ss:$0x1], $0xffff  }
0x193: {  	v63 =	vld.idx.msk [tilespmem:v3+s0+$0xB0 ss:$0x1], $0xffff  }
0x194: {  	v22 =	vld.idx.msk [tilespmem:v3+s0+$0x40 ss:$0x1], $0xffff  }
0x195: {  	v23 =	vld.idx.msk [tilespmem:v3+s0+$0xC0 ss:$0x1], $0xffff  }
0x196: {  	v26 =	vld.idx.msk [tilespmem:v3+s0+$0x50 ss:$0x1], $0xffff  }
0x197: {  	v27 =	vld.idx.msk [tilespmem:v3+s0+$0xD0 ss:$0x1], $0xffff  }
0x198: {  	v44 =	vld.idx.msk [tilespmem:v3+s0+$0x60 ss:$0x1], $0xffff  }
0x199: {  	s9 =	sor.u32 $0xB, s29;
	v45 =	vld.idx.msk [tilespmem:v3+s0+$0xE0 ss:$0x1], $0xffff  }
0x19a: {  	s31 =	sshll.u32 s9, $0x8;
	v48 =	vld.idx.msk [tilespmem:v3+s0+$0x70 ss:$0x1], $0xffff  }
0x19b: {  	v39 =	vld.idx.msk [tilespmem:v3+s0+$0xF0 ss:$0x1], $0xffff;
	s31 =	sand.u32 $0x3FFFFB00, s31  }
0x19c: {  	v8 =	vld.idx.msk [tilespmem:v3+s31+$0x0 ss:$0x1], $0xffff  }
0x19d: {  	v53 =	vld.idx.msk [tilespmem:v3+s31+$0x80 ss:$0x1], $0xffff  }
0x19e: {  	v56 =	vld.idx.msk [tilespmem:v3+s31+$0x10 ss:$0x1], $0xffff  }
0x19f: {  	v57 =	vld.idx.msk [tilespmem:v3+s31+$0x90 ss:$0x1], $0xffff  }
0x1a0: {  	v60 =	vld.idx.msk [tilespmem:v3+s31+$0x20 ss:$0x1], $0xffff  }
0x1a1: {  	v61 =	vld.idx.msk [tilespmem:v3+s31+$0xA0 ss:$0x1], $0xffff  }
0x1a2: {  	v20 =	vld.idx.msk [tilespmem:v3+s31+$0x30 ss:$0x1], $0xffff  }
0x1a3: {  	v21 =	vld.idx.msk [tilespmem:v3+s31+$0xB0 ss:$0x1], $0xffff  }
0x1a4: {  	v24 =	vld.idx.msk [tilespmem:v3+s31+$0x40 ss:$0x1], $0xffff  }
0x1a5: {  	v25 =	vld.idx.msk [tilespmem:v3+s31+$0xC0 ss:$0x1], $0xffff  }
0x1a6: {  	v32 =	vbroadcast v4, $0xA;
	v33 =	vbroadcast v5, $0xA;
	v42 =	vld.idx.msk [tilespmem:v3+s31+$0x50 ss:$0x1], $0xffff  }
0x1a7: {  	v35 =	vbroadcast v4, $0xB;
	v36 =	vbroadcast v5, $0xB;
	v43 =	vld.idx.msk [tilespmem:v3+s31+$0xD0 ss:$0x1], $0xffff  }
0x1a8: {  	v46 =	vld.idx.msk [tilespmem:v3+s31+$0x60 ss:$0x1], $0xffff;
	v6 =	vmul.f32 v6, v32;
	v7 =	vmul.f32 v7, v33  }
0x1a9: {  	v47 =	vld.idx.msk [tilespmem:v3+s31+$0xE0 ss:$0x1], $0xffff;
	v8 =	vmul.f32 v8, v35;
	v9 =	vmul.f32 v53, v36  }
0x1aa: {  	s30 =	sshll.u32 s30, $0x7;
	v51 =	vld.idx.msk [tilespmem:v3+s31+$0x70 ss:$0x1], $0xffff;
	v49 =	vmul.f32 v54, v32;
	v50 =	vmul.f32 v55, v33;
	v6 =	vadd.f32 v7, v6  }
0x1ab: {  	s0 =	sand.u32 $0x3FFFFD00, s30;
	s9 =	sshll.u32 s9, $0x7;
	v54 =	vld.idx.msk [tilespmem:v3+s31+$0xF0 ss:$0x1], $0xffff;
	v52 =	vmul.f32 v56, v35;
	v53 =	vmul.f32 v57, v36;
	v8 =	vadd.f32 v9, v8  }
0x1ac: {  	s9 =	sand.u32 $0x3FFFFD80, s9;
	v55 =	vmul.f32 v58, v32;
	v7 =	vadd.f32 v50, v49;
	v56 =	vmul.f32 v59, v33;
	[tilespmem:s0+$0x8480] =	vst v6  }
0x1ad: {  	v58 =	vmul.f32 v60, v35;
	v59 =	vmul.f32 v61, v36;
	v57 =	vadd.f32 v53, v52;
	[tilespmem:s9+$0x8480] =	vst v8  }
0x1ae: {  	v61 =	vmul.f32 v62, v32;
	v62 =	vmul.f32 v63, v33;
	v60 =	vadd.f32 v56, v55;
	[tilespmem:s0+$0x8490] =	vst v7  }
0x1af: {  	v16 =	vmul.f32 v20, v35;
	v17 =	vmul.f32 v21, v36;
	v63 =	vadd.f32 v59, v58;
	[tilespmem:s9+$0x8490] =	vst v57  }
0x1b0: {  	v19 =	vmul.f32 v22, v32;
	v20 =	vmul.f32 v23, v33;
	v18 =	vadd.f32 v62, v61;
	[tilespmem:s0+$0x84A0] =	vst v60  }
0x1b1: {  	v22 =	vmul.f32 v24, v35;
	v23 =	vmul.f32 v25, v36;
	v21 =	vadd.f32 v17, v16;
	[tilespmem:s9+$0x84A0] =	vst v63  }
0x1b2: {  	v25 =	vmul.f32 v26, v32;
	v26 =	vmul.f32 v27, v33;
	v24 =	vadd.f32 v20, v19;
	[tilespmem:s0+$0x84B0] =	vst v18  }
0x1b3: {  	v28 =	vmul.f32 v42, v35;
	v40 =	vmul.f32 v43, v36;
	v27 =	vadd.f32 v23, v22;
	[tilespmem:s9+$0x84B0] =	vst v21  }
0x1b4: {  	v42 =	vmul.f32 v44, v32;
	v43 =	vmul.f32 v45, v33;
	v41 =	vadd.f32 v26, v25;
	[tilespmem:s0+$0x84C0] =	vst v24  }
0x1b5: {  	v45 =	vmul.f32 v46, v35;
	v46 =	vmul.f32 v47, v36;
	v44 =	vadd.f32 v40, v28;
	[tilespmem:s9+$0x84C0] =	vst v27  }
0x1b6: {  	v48 =	vmul.f32 v48, v32;
	v49 =	vmul.f32 v39, v33;
	v47 =	vadd.f32 v43, v42;
	[tilespmem:s0+$0x84D0] =	vst v41  }
0x1b7: {  	v51 =	vmul.f32 v51, v35;
	v50 =	vadd.f32 v46, v45;
	v52 =	vmul.f32 v54, v36;
	[tilespmem:s9+$0x84D0] =	vst v44  }
0x1b8: {  	v53 =	vadd.f32 v49, v48;
	[tilespmem:s0+$0x84E0] =	vst v47  }
0x1b9: {  	s30 =	sor.u32 $0xC, s29;
	v54 =	vadd.f32 v52, v51;
	[tilespmem:s9+$0x84E0] =	vst v50  }
0x1ba: {  	s31 =	sshll.u32 s30, $0x8;
	[tilespmem:s0+$0x84F0] =	vst v53  }
0x1bb: {  	s0 =	sand.u32 $0x3FFFFC00, s31;
	[tilespmem:s9+$0x84F0] =	vst v54  }
0x1bc: {  	v6 =	vld.idx.msk [tilespmem:v3+s0+$0x0 ss:$0x1], $0xffff  }
0x1bd: {  	v7 =	vld.idx.msk [tilespmem:v3+s0+$0x80 ss:$0x1], $0xffff  }
0x1be: {  	v56 =	vld.idx.msk [tilespmem:v3+s0+$0x10 ss:$0x1], $0xffff  }
0x1bf: {  	v57 =	vld.idx.msk [tilespmem:v3+s0+$0x90 ss:$0x1], $0xffff  }
0x1c0: {  	v60 =	vld.idx.msk [tilespmem:v3+s0+$0x20 ss:$0x1], $0xffff  }
0x1c1: {  	v61 =	vld.idx.msk [tilespmem:v3+s0+$0xA0 ss:$0x1], $0xffff  }
0x1c2: {  	v18 =	vld.idx.msk [tilespmem:v3+s0+$0x30 ss:$0x1], $0xffff  }
0x1c3: {  	v19 =	vld.idx.msk [tilespmem:v3+s0+$0xB0 ss:$0x1], $0xffff  }
0x1c4: {  	v22 =	vld.idx.msk [tilespmem:v3+s0+$0x40 ss:$0x1], $0xffff  }
0x1c5: {  	v42 =	vld.idx.msk [tilespmem:v3+s0+$0xC0 ss:$0x1], $0xffff  }
0x1c6: {  	v45 =	vld.idx.msk [tilespmem:v3+s0+$0x50 ss:$0x1], $0xffff  }
0x1c7: {  	v46 =	vld.idx.msk [tilespmem:v3+s0+$0xD0 ss:$0x1], $0xffff  }
0x1c8: {  	v49 =	vld.idx.msk [tilespmem:v3+s0+$0x60 ss:$0x1], $0xffff  }
0x1c9: {  	s9 =	sor.u32 $0xD, s29;
	v50 =	vld.idx.msk [tilespmem:v3+s0+$0xE0 ss:$0x1], $0xffff  }
0x1ca: {  	s31 =	sshll.u32 s9, $0x8;
	v53 =	vld.idx.msk [tilespmem:v3+s0+$0x70 ss:$0x1], $0xffff  }
0x1cb: {  	v39 =	vld.idx.msk [tilespmem:v3+s0+$0xF0 ss:$0x1], $0xffff;
	s31 =	sand.u32 $0x3FFFFD00, s31  }
0x1cc: {  	v8 =	vld.idx.msk [tilespmem:v3+s31+$0x0 ss:$0x1], $0xffff  }
0x1cd: {  	v55 =	vld.idx.msk [tilespmem:v3+s31+$0x80 ss:$0x1], $0xffff  }
0x1ce: {  	v58 =	vld.idx.msk [tilespmem:v3+s31+$0x10 ss:$0x1], $0xffff  }
0x1cf: {  	v59 =	vld.idx.msk [tilespmem:v3+s31+$0x90 ss:$0x1], $0xffff  }
0x1d0: {  	v62 =	vld.idx.msk [tilespmem:v3+s31+$0x20 ss:$0x1], $0xffff  }
0x1d1: {  	v63 =	vld.idx.msk [tilespmem:v3+s31+$0xA0 ss:$0x1], $0xffff  }
0x1d2: {  	v20 =	vld.idx.msk [tilespmem:v3+s31+$0x30 ss:$0x1], $0xffff  }
0x1d3: {  	v21 =	vld.idx.msk [tilespmem:v3+s31+$0xB0 ss:$0x1], $0xffff  }
0x1d4: {  	v32 =	vbroadcast v4, $0xC;
	v43 =	vld.idx.msk [tilespmem:v3+s31+$0x40 ss:$0x1], $0xffff  }
0x1d5: {  	v33 =	vbroadcast v5, $0xC;
	v35 =	vbroadcast v4, $0xD;
	v44 =	vld.idx.msk [tilespmem:v3+s31+$0xC0 ss:$0x1], $0xffff  }
0x1d6: {  	v36 =	vbroadcast v5, $0xD;
	v47 =	vld.idx.msk [tilespmem:v3+s31+$0x50 ss:$0x1], $0xffff;
	v6 =	vmul.f32 v6, v32  }
0x1d7: {  	v48 =	vld.idx.msk [tilespmem:v3+s31+$0xD0 ss:$0x1], $0xffff;
	v7 =	vmul.f32 v7, v33;
	v54 =	vmul.f32 v56, v32  }
0x1d8: {  	v51 =	vld.idx.msk [tilespmem:v3+s31+$0x60 ss:$0x1], $0xffff;
	v8 =	vmul.f32 v8, v35;
	v9 =	vmul.f32 v55, v36  }
0x1d9: {  	s30 =	sshll.u32 s30, $0x7;
	v52 =	vld.idx.msk [tilespmem:v3+s31+$0xE0 ss:$0x1], $0xffff;
	v60 =	vmul.f32 v60, v32;
	v6 =	vadd.f32 v7, v6;
	v55 =	vmul.f32 v57, v33  }
0x1da: {  	s0 =	sand.u32 $0x3FFFFE00, s30;
	s9 =	sshll.u32 s9, $0x7;
	v56 =	vld.idx.msk [tilespmem:v3+s31+$0x70 ss:$0x1], $0xffff;
	v57 =	vmul.f32 v58, v35;
	v58 =	vmul.f32 v59, v36;
	v8 =	vadd.f32 v9, v8  }
0x1db: {  	s9 =	sand.u32 $0x3FFFFE80, s9;
	v61 =	vmul.f32 v61, v33;
	v59 =	vld.idx.msk [tilespmem:v3+s31+$0xF0 ss:$0x1], $0xffff;
	v7 =	vadd.f32 v55, v54;
	[tilespmem:s0+$0x8480] =	vst v6  }
0x1dc: {  	v62 =	vmul.f32 v62, v35;
	v63 =	vmul.f32 v63, v36;
	v9 =	vadd.f32 v58, v57;
	[tilespmem:s9+$0x8480] =	vst v8  }
0x1dd: {  	v16 =	vmul.f32 v18, v32;
	v17 =	vmul.f32 v19, v33;
	v6 =	vadd.f32 v61, v60;
	[tilespmem:s0+$0x8490] =	vst v7  }
0x1de: {  	v19 =	vmul.f32 v20, v35;
	v20 =	vmul.f32 v21, v36;
	v18 =	vadd.f32 v63, v62;
	[tilespmem:s9+$0x8490] =	vst v9  }
0x1df: {  	v21 =	vmul.f32 v22, v32;
	v22 =	vmul.f32 v42, v33;
	v8 =	vadd.f32 v17, v16;
	[tilespmem:s0+$0x84A0] =	vst v6  }
0x1e0: {  	v24 =	vmul.f32 v43, v35;
	v25 =	vmul.f32 v44, v36;
	v23 =	vadd.f32 v20, v19;
	[tilespmem:s9+$0x84A0] =	vst v18  }
0x1e1: {  	v41 =	vmul.f32 v45, v32;
	v42 =	vmul.f32 v46, v33;
	v40 =	vadd.f32 v22, v21;
	[tilespmem:s0+$0x84B0] =	vst v8  }
0x1e2: {  	v44 =	vmul.f32 v47, v35;
	v45 =	vmul.f32 v48, v36;
	v43 =	vadd.f32 v25, v24;
	[tilespmem:s9+$0x84B0] =	vst v23  }
0x1e3: {  	v47 =	vmul.f32 v49, v32;
	v48 =	vmul.f32 v50, v33;
	v46 =	vadd.f32 v42, v41;
	[tilespmem:s0+$0x84C0] =	vst v40  }
0x1e4: {  	v50 =	vmul.f32 v51, v35;
	v51 =	vmul.f32 v52, v36;
	v49 =	vadd.f32 v45, v44;
	[tilespmem:s9+$0x84C0] =	vst v43  }
0x1e5: {  	v53 =	vmul.f32 v53, v32;
	v52 =	vadd.f32 v48, v47;
	v54 =	vmul.f32 v39, v33;
	[tilespmem:s0+$0x84D0] =	vst v46  }
0x1e6: {  	v55 =	vadd.f32 v51, v50;
	v11 =	vmul.f32 v56, v35;
	v56 =	vmul.f32 v59, v36;
	[tilespmem:s9+$0x84D0] =	vst v49  }
0x1e7: {  	v57 =	vadd.f32 v54, v53;
	[tilespmem:s0+$0x84E0] =	vst v52  }
0x1e8: {  	s29 =	sor.u32 $0xE, s29;
	v58 =	vadd.f32 v56, v11;
	[tilespmem:s9+$0x84E0] =	vst v55  }
0x1e9: {  	s30 =	sshll.u32 s29, $0x8;
	[tilespmem:s0+$0x84F0] =	vst v57  }
0x1ea: {  	s0 =	sand.u32 $0x3FFFFE00, s30;
	[tilespmem:s9+$0x84F0] =	vst v58  }
0x1eb: {  	v6 =	vld.idx.msk [tilespmem:v3+s0+$0x0 ss:$0x1], $0xffff  }
0x1ec: {  	v7 =	vld.idx.msk [tilespmem:v3+s0+$0x80 ss:$0x1], $0xffff  }
0x1ed: {  	v60 =	vld.idx.msk [tilespmem:v3+s0+$0x10 ss:$0x1], $0xffff  }
0x1ee: {  	v61 =	vld.idx.msk [tilespmem:v3+s0+$0x90 ss:$0x1], $0xffff  }
0x1ef: {  	v40 =	vld.idx.msk [tilespmem:v3+s0+$0x20 ss:$0x1], $0xffff  }
0x1f0: {  	v41 =	vld.idx.msk [tilespmem:v3+s0+$0xA0 ss:$0x1], $0xffff  }
0x1f1: {  	v44 =	vld.idx.msk [tilespmem:v3+s0+$0x30 ss:$0x1], $0xffff  }
0x1f2: {  	v45 =	vld.idx.msk [tilespmem:v3+s0+$0xB0 ss:$0x1], $0xffff  }
0x1f3: {  	v48 =	vld.idx.msk [tilespmem:v3+s0+$0x40 ss:$0x1], $0xffff  }
0x1f4: {  	v49 =	vld.idx.msk [tilespmem:v3+s0+$0xC0 ss:$0x1], $0xffff  }
0x1f5: {  	v52 =	vld.idx.msk [tilespmem:v3+s0+$0x50 ss:$0x1], $0xffff  }
0x1f6: {  	v53 =	vld.idx.msk [tilespmem:v3+s0+$0xD0 ss:$0x1], $0xffff  }
0x1f7: {  	v56 =	vld.idx.msk [tilespmem:v3+s0+$0x60 ss:$0x1], $0xffff  }
0x1f8: {  	s9 =	sshllo.u32 s28, $0x4;
	v57 =	vld.idx.msk [tilespmem:v3+s0+$0xE0 ss:$0x1], $0xffff  }
0x1f9: {  	s31 =	sshll.u32 s9, $0x8;
	v36 =	vld.idx.msk [tilespmem:v3+s0+$0x70 ss:$0x1], $0xffff  }
0x1fa: {  	v37 =	vld.idx.msk [tilespmem:v3+s0+$0xF0 ss:$0x1], $0xffff;
	s30 =	sand.u32 $0x3FFFFF00, s31  }
0x1fb: {  	v8 =	vld.idx.msk [tilespmem:v3+s30+$0x0 ss:$0x1], $0xffff  }
0x1fc: {  	v59 =	vld.idx.msk [tilespmem:v3+s30+$0x80 ss:$0x1], $0xffff  }
0x1fd: {  	v62 =	vld.idx.msk [tilespmem:v3+s30+$0x10 ss:$0x1], $0xffff  }
0x1fe: {  	v63 =	vld.idx.msk [tilespmem:v3+s30+$0x90 ss:$0x1], $0xffff  }
0x1ff: {  	v42 =	vld.idx.msk [tilespmem:v3+s30+$0x20 ss:$0x1], $0xffff  }
0x200: {  	v43 =	vld.idx.msk [tilespmem:v3+s30+$0xA0 ss:$0x1], $0xffff  }
0x201: {  	v46 =	vld.idx.msk [tilespmem:v3+s30+$0x30 ss:$0x1], $0xffff  }
0x202: {  	v47 =	vld.idx.msk [tilespmem:v3+s30+$0xB0 ss:$0x1], $0xffff  }
0x203: {  	v50 =	vld.idx.msk [tilespmem:v3+s30+$0x40 ss:$0x1], $0xffff  }
0x204: {  	v51 =	vld.idx.msk [tilespmem:v3+s30+$0xC0 ss:$0x1], $0xffff  }
0x205: {  	v32 =	vbroadcast v4, $0xE;
	v33 =	vbroadcast v5, $0xE;
	v54 =	vld.idx.msk [tilespmem:v3+s30+$0x50 ss:$0x1], $0xffff  }
0x206: {  	v4 =	vbroadcast v4, $0xF;
	v5 =	vbroadcast v5, $0xF;
	v55 =	vld.idx.msk [tilespmem:v3+s30+$0xD0 ss:$0x1], $0xffff  }
0x207: {  	v58 =	vld.idx.msk [tilespmem:v3+s30+$0x60 ss:$0x1], $0xffff;
	v6 =	vmul.f32 v6, v32;
	v7 =	vmul.f32 v7, v33  }
0x208: {  	v35 =	vld.idx.msk [tilespmem:v3+s30+$0xE0 ss:$0x1], $0xffff;
	v8 =	vmul.f32 v8, v4;
	v9 =	vmul.f32 v59, v5  }
0x209: {  	s31 =	sshll.u32 s29, $0x7;
	v11 =	vld.idx.msk [tilespmem:v3+s30+$0x70 ss:$0x1], $0xffff;
	v6 =	vadd.f32 v7, v6;
	v59 =	vmul.f32 v60, v32;
	v60 =	vmul.f32 v61, v33  }
0x20a: {  	s9 =	sshll.u32 s9, $0x7;
	v13 =	vld.idx.msk [tilespmem:v3+s30+$0xF0 ss:$0x1], $0xffff;
	s0 =	sand.u32 $0x3FFFFF00, s31;
	v61 =	vmul.f32 v62, v4;
	v62 =	vmul.f32 v63, v5;
	v8 =	vadd.f32 v9, v8  }
0x20b: {  	s9 =	sand.u32 $0x3FFFFF80, s9;
	v38 =	vmul.f32 v41, v33;
	v63 =	vmul.f32 v40, v32;
	v7 =	vadd.f32 v60, v59;
	[tilespmem:s0+$0x8480] =	vst v6  }
0x20c: {  	v39 =	vmul.f32 v42, v4;
	v40 =	vmul.f32 v43, v5;
	v9 =	vadd.f32 v62, v61;
	[tilespmem:s9+$0x8480] =	vst v8  }
0x20d: {  	v41 =	vmul.f32 v44, v32;
	v42 =	vmul.f32 v45, v33;
	v6 =	vadd.f32 v38, v63;
	[tilespmem:s0+$0x8490] =	vst v7  }
0x20e: {  	v43 =	vmul.f32 v46, v4;
	v44 =	vmul.f32 v47, v5;
	v8 =	vadd.f32 v40, v39;
	[tilespmem:s9+$0x8490] =	vst v9  }
0x20f: {  	v45 =	vmul.f32 v48, v32;
	v46 =	vmul.f32 v49, v33;
	v7 =	vadd.f32 v42, v41;
	[tilespmem:s0+$0x84A0] =	vst v6  }
0x210: {  	v47 =	vmul.f32 v50, v4;
	v48 =	vmul.f32 v51, v5;
	v9 =	vadd.f32 v44, v43;
	[tilespmem:s9+$0x84A0] =	vst v8  }
0x211: {  	v49 =	vmul.f32 v52, v32;
	v50 =	vmul.f32 v53, v33;
	v6 =	vadd.f32 v46, v45;
	[tilespmem:s0+$0x84B0] =	vst v7  }
0x212: {  	v52 =	vmul.f32 v54, v4;
	v53 =	vmul.f32 v55, v5;
	v51 =	vadd.f32 v48, v47;
	[tilespmem:s9+$0x84B0] =	vst v9  }
0x213: {  	v55 =	vmul.f32 v56, v32;
	v56 =	vmul.f32 v57, v33;
	v54 =	vadd.f32 v50, v49;
	[tilespmem:s0+$0x84C0] =	vst v6  }
0x214: {  	v58 =	vmul.f32 v58, v4;
	v57 =	vadd.f32 v53, v52;
	v59 =	vmul.f32 v35, v5;
	[tilespmem:s9+$0x84C0] =	vst v51  }
0x215: {  	p0 =	sne.s32 s28, $0x3;
	v60 =	vadd.f32 v56, v55;
	v61 =	vmul.f32 v36, v32;
	v62 =	vmul.f32 v37, v33;
	[tilespmem:s0+$0x84D0] =	vst v54  }
.Ltmp1:
0x216: {  	v4 =	vmul.f32 v11, v4;
	v5 =	vmul.f32 v13, v5;
	v8 =	vadd.f32 v59, v58;
	[tilespmem:s9+$0x84D0] =	vst v57;
	(pc) =	sbr.rel @p0 .LBB2_5-.Ltmp1, $4  }
0x217: {  	v63 =	vadd.f32 v62, v61;
	[tilespmem:s0+$0x84E0] =	vst v60  }
0x218: {  	v4 =	vadd.f32 v5, v4;
	[tilespmem:s9+$0x84E0] =	vst v8  }
0x219: {  	[tilespmem:s0+$0x84F0] =	vst v63  }
0x21a: {  	s28 =	sadd.s32 $0x1, s28;
	[tilespmem:s9+$0x84F0] =	vst v4  }
0x21b: {  	p0 =	sne.s32 s25, $0x9D  }
.Ltmp2:
0x21c: {  	_ = 	snop;
	(pc) =	sbr.rel @p0 .LBB2_4-.Ltmp2, $4  }
0x21d: {  	_ = 	snop  }
0x21e: {  	s0 =	sshll.u32 s26, $0x6  }
0x21f: {  	s0 =	sadd.s32 $0x180, s0  }
0x220: {  	[spmem:s13] =	stream.indirect.scatter.add.f32 [tilespmem:s16], [sflag:$0x3], $0x80, s0, s17, $0xb8;
	[tilespmem:$0x1DD80] =	vst v63  }
0x221: {  	_ =	swait.ge [sflag:s22], $0x2000  }
0x222: {  	[sflag:s22] =	ssyncset.done $0x0  }
0x223: {  	[sflag:s22] =	ssyncadd.s32 $0xFFFFE000  }
0x224: {  	_ =	swait.ge [sflag:s21], $0x4000  }
0x225: {  	[sflag:s21] =	ssyncset.done $0x0  }
0x226: {  	[sflag:s21] =	ssyncadd.s32 $0xFFFFC000  }
0x227: {  	_ =	swait.ge [sflag:s20], $0x80  }
0x228: {  	[sflag:s20] =	ssyncset.done $0x0  }
0x229: {  	[sflag:s20] =	ssyncadd.s32 $0xFFFFFF80  }
0x22a: {  	_ =	swait.ge [sflag:s20], $0x40  }
0x22b: {  	[sflag:s20] =	ssyncset.done $0x0  }
0x22c: {  	[sflag:s20] =	ssyncadd.s32 $0xFFFFFFC0  }
0x22d: {  	[bflag:$0x0] =	sbarrier.arrive $0xFFFF  }
0x22e: {  	s0 =	rddreg [dreg:$0x10]  }
0x22f: {  	[tilespmem:s16], [sflag:$0x4] =	stream.linear.gather [spmem:s0], $0x2000, $0x38;
	[tilespmem:$0x1DD80] =	vst v63  }
0x230: {  	_ =	swait.ge [sflag:s12], $0x2000  }
0x231: {  	[sflag:s12] =	ssyncset.done $0x0  }
0x232: {  	s28 =	rddreg [dreg:$0x4];
	[sflag:s12] =	ssyncadd.s32 $0xFFFFE000  }
0x233: {  	[hbm4b:s28+s1] =	stream.linear.scatter [tilespmem:s16], [sflag:$0x4], $0x2000, $0x38;
	[tilespmem:$0x1DD80] =	vst v63  }
0x234: {  	_ =	swait.ge [sflag:s12], $0x2000  }
0x235: {  	[sflag:s12] =	ssyncset.done $0x0  }
0x236: {  	s29 =	rddreg [dreg:$0x11];
	[sflag:s12] =	ssyncadd.s32 $0xFFFFE000  }
0x237: {  	[tilespmem:s16], [sflag:$0x4] =	stream.linear.gather [spmem:s29], $0x2000, $0x38;
	[tilespmem:$0x1DD80] =	vst v63  }
0x238: {  	_ =	swait.ge [sflag:s12], $0x2000  }
0x239: {  	[sflag:s12] =	ssyncset.done $0x0  }
0x23a: {  	s30 =	rddreg [dreg:$0x5];
	[sflag:s12] =	ssyncadd.s32 $0xFFFFE000  }
0x23b: {  	[hbm4b:s30+s1] =	stream.linear.scatter [tilespmem:s16], [sflag:$0x4], $0x2000, $0x38;
	[tilespmem:$0x1DD80] =	vst v63  }
0x23c: {  	_ =	swait.ge [sflag:s12], $0x2000  }
0x23d: {  	[sflag:s12] =	ssyncset.done $0x0  }
0x23e: {  	s31 =	rddreg [dreg:$0x12];
	[sflag:s12] =	ssyncadd.s32 $0xFFFFE000  }
0x23f: {  	[tilespmem:s16], [sflag:$0x4] =	stream.linear.gather [spmem:s31], $0x2000, $0x38;
	[tilespmem:$0x1DD80] =	vst v63  }
0x240: {  	_ =	swait.ge [sflag:s12], $0x2000  }
0x241: {  	[sflag:s12] =	ssyncset.done $0x0  }
0x242: {  	s9 =	rddreg [dreg:$0x6];
	[sflag:s12] =	ssyncadd.s32 $0xFFFFE000  }
0x243: {  	[hbm4b:s9+s1] =	stream.linear.scatter [tilespmem:s16], [sflag:$0x4], $0x2000, $0x38;
	[tilespmem:$0x1DD80] =	vst v63  }
0x244: {  	_ =	swait.ge [sflag:s12], $0x2000  }
0x245: {  	[sflag:s12] =	ssyncset.done $0x0  }
0x246: {  	s24 =	rddreg [dreg:$0x13];
	[sflag:s12] =	ssyncadd.s32 $0xFFFFE000  }
0x247: {  	[tilespmem:s16], [sflag:$0x4] =	stream.linear.gather [spmem:s24], $0x2000, $0x38;
	[tilespmem:$0x1DD80] =	vst v63  }
0x248: {  	_ =	swait.ge [sflag:s12], $0x2000  }
0x249: {  	[sflag:s12] =	ssyncset.done $0x0  }
0x24a: {  	s25 =	rddreg [dreg:$0x7];
	[sflag:s12] =	ssyncadd.s32 $0xFFFFE000  }
0x24b: {  	[hbm4b:s25+s1] =	stream.linear.scatter [tilespmem:s16], [sflag:$0x4], $0x2000, $0x38;
	[tilespmem:$0x1DD80] =	vst v63  }
0x24c: {  	_ =	swait.ge [sflag:s12], $0x2000  }
0x24d: {  	[sflag:s12] =	ssyncset.done $0x0  }
0x24e: {  	s26 =	rddreg [dreg:$0x14];
	[sflag:s12] =	ssyncadd.s32 $0xFFFFE000  }
0x24f: {  	[tilespmem:s16], [sflag:$0x4] =	stream.linear.gather [spmem:s26], $0x2000, $0x38;
	[tilespmem:$0x1DD80] =	vst v63  }
0x250: {  	_ =	swait.ge [sflag:s12], $0x2000  }
0x251: {  	[sflag:s12] =	ssyncset.done $0x0  }
0x252: {  	s28 =	rddreg [dreg:$0x8];
	[sflag:s12] =	ssyncadd.s32 $0xFFFFE000  }
0x253: {  	[hbm4b:s28+s1] =	stream.linear.scatter [tilespmem:s16], [sflag:$0x4], $0x2000, $0x38;
	[tilespmem:$0x1DD80] =	vst v63  }
0x254: {  	_ =	swait.ge [sflag:s12], $0x2000  }
0x255: {  	[sflag:s12] =	ssyncset.done $0x0  }
0x256: {  	s29 =	rddreg [dreg:$0x15];
	[sflag:s12] =	ssyncadd.s32 $0xFFFFE000  }
0x257: {  	[tilespmem:s16], [sflag:$0x4] =	stream.linear.gather [spmem:s29], $0x2000, $0x38;
	[tilespmem:$0x1DD80] =	vst v63  }
0x258: {  	_ =	swait.ge [sflag:s12], $0x2000  }
0x259: {  	[sflag:s12] =	ssyncset.done $0x0  }
0x25a: {  	s30 =	rddreg [dreg:$0x9];
	[sflag:s12] =	ssyncadd.s32 $0xFFFFE000  }
0x25b: {  	[hbm4b:s30+s1] =	stream.linear.scatter [tilespmem:s16], [sflag:$0x4], $0x2000, $0x38;
	[tilespmem:$0x1DD80] =	vst v63  }
0x25c: {  	_ =	swait.ge [sflag:s12], $0x2000  }
0x25d: {  	[sflag:s12] =	ssyncset.done $0x0  }
0x25e: {  	s31 =	rddreg [dreg:$0x16];
	[sflag:s12] =	ssyncadd.s32 $0xFFFFE000  }
0x25f: {  	[tilespmem:s16], [sflag:$0x4] =	stream.linear.gather [spmem:s31], $0x2000, $0x38;
	[tilespmem:$0x1DD80] =	vst v63  }
0x260: {  	_ =	swait.ge [sflag:s12], $0x2000  }
0x261: {  	[sflag:s12] =	ssyncset.done $0x0  }
0x262: {  	s9 =	rddreg [dreg:$0xa];
	[sflag:s12] =	ssyncadd.s32 $0xFFFFE000  }
0x263: {  	[hbm4b:s9+s1] =	stream.linear.scatter [tilespmem:s16], [sflag:$0x4], $0x2000, $0x38;
	[tilespmem:$0x1DD80] =	vst v63  }
0x264: {  	_ =	swait.ge [sflag:s12], $0x2000  }
0x265: {  	[sflag:s12] =	ssyncset.done $0x0  }
0x266: {  	s24 =	rddreg [dreg:$0x17];
	[sflag:s12] =	ssyncadd.s32 $0xFFFFE000  }
0x267: {  	[tilespmem:s16], [sflag:$0x4] =	stream.linear.gather [spmem:s24], $0x2000, $0x38;
	[tilespmem:$0x1DD80] =	vst v63  }
0x268: {  	_ =	swait.ge [sflag:s12], $0x2000  }
0x269: {  	[sflag:s12] =	ssyncset.done $0x0  }
0x26a: {  	s25 =	rddreg [dreg:$0xb];
	[sflag:s12] =	ssyncadd.s32 $0xFFFFE000  }
0x26b: {  	[hbm4b:s25+s1] =	stream.linear.scatter [tilespmem:s16], [sflag:$0x4], $0x2000, $0x38;
	[tilespmem:$0x1DD80] =	vst v63  }
0x26c: {  	_ =	swait.ge [sflag:s12], $0x2000  }
0x26d: {  	[sflag:s12] =	ssyncset.done $0x0  }
0x26e: {  	s26 =	rddreg [dreg:$0x18];
	[sflag:s12] =	ssyncadd.s32 $0xFFFFE000  }
0x26f: {  	[tilespmem:s16], [sflag:$0x4] =	stream.linear.gather [spmem:s26], $0x2000, $0x38;
	[tilespmem:$0x1DD80] =	vst v63  }
0x270: {  	_ =	swait.ge [sflag:s12], $0x2000  }
0x271: {  	[sflag:s12] =	ssyncset.done $0x0  }
0x272: {  	s28 =	rddreg [dreg:$0xc];
	[sflag:s12] =	ssyncadd.s32 $0xFFFFE000  }
0x273: {  	[hbm4b:s28+s1] =	stream.linear.scatter [tilespmem:s16], [sflag:$0x4], $0x2000, $0x38;
	[tilespmem:$0x1DD80] =	vst v63  }
0x274: {  	_ =	swait.ge [sflag:s12], $0x2000  }
0x275: {  	[sflag:s12] =	ssyncset.done $0x0  }
0x276: {  	s29 =	rddreg [dreg:$0x19];
	[sflag:s12] =	ssyncadd.s32 $0xFFFFE000  }
0x277: {  	[tilespmem:s16], [sflag:$0x4] =	stream.linear.gather [spmem:s29], $0x1880, $0x38;
	[tilespmem:$0x1DD80] =	vst v63  }
0x278: {  	_ =	swait.ge [sflag:s12], $0x1880  }
0x279: {  	[sflag:s12] =	ssyncset.done $0x0  }
0x27a: {  	s30 =	rddreg [dreg:$0xd];
	[sflag:s12] =	ssyncadd.s32 $0xFFFFE780  }
0x27b: {  	[hbm4b:s30+s1] =	stream.linear.scatter [tilespmem:s16], [sflag:$0x4], $0x1880, $0x38;
	[tilespmem:$0x1DD80] =	vst v63  }
0x27c: {  	_ =	swait.ge [sflag:s12], $0x1880  }
0x27d: {  	s23 =	sadd.s32 $0x1, s23;
	s31 =	rddreg [dreg:$0x1a]  }
0x27e: {  	p0 =	sne.s32 s23, s31  }
.Ltmp3:
0x27f: {  	_ = 	snop;
	(pc) =	sbr.rel @p0 .LBB2_1-.Ltmp3, $3  }
0x280: {  	_ =	sdelay $0x1  }
0x281: {  	[sflag:s12] =	ssyncset.done $0x0  }
0x282: {  	[sflag:s12] =	ssyncadd.s32 $0xFFFFE780  }
0x283: {  	_ =	sfence.sel $0x180000  }
0x284: {  	[bflag:$0x0] =	sbarrier.arrive $0xFFFF  }
0x285: {  	_ =	strace $0x90000047  }
0x286: {  	s0 =	stileid.u32;
	[bflag:$0x2] =	sbarrier.arrive $0xFFFF  }
0x287: {  	p0 =	sne.s32 s0, $0x0;
	s0 =	rddreg [dreg:$0x3]  }
0x288: {  	s0 =	sadd.s32 @!p0 $0x100000, s0  }
0x289: {  	[sflag:s0] =	ssyncadd.tile.s32 @!p0 $0x1;
	_ =	shalt  }
.Lfunc_end2:
_tile_overlayer_lowered:
.L_overlay_start_2:
0x28a: {  	(tag) =	ssettag $0x2  }
0x28b: {  	s0 =	rddreg [dreg:$0x0];
	s2 =	stileid.u32  }
0x28c: {  	s1 =	rddreg [dreg:$0x1];
	p0 =	sne.s32 s2, $0x0  }
0x28d: {  	s3 =	rddreg [dreg:$0x2];
	[bflag:$0x3] =	sbarrier.arrive $0xFFFF;
	s2 =	simm.s32 @!p0 $0x1C04  }
0x28e: {  	[timem:s3], [sflag:s2] =	dma.local @!p0 [hbm:s0], s1  }
0x28f: {  	s0 =	simm.s32 @!p0 $0x4  }
0x290: {  	_ =	swait.ge @!p0 [sflag:s0], s1  }
0x291: {  	s1 =	ssub.s32 @!p0 $0x0, s1;
	[sflag:s0] =	ssyncset.done @!p0 $0x0  }
0x292: {  	[sflag:s0] =	ssyncadd.s32 @!p0 s1  }
0x293: {  	[bflag:$0x3] =	sbarrier.arrive $0xFFFF  }
0x294: {  	_ =	shalt  }

</sc_bundles>
